<compile_context>
chip_gen: v7x
topology: tpu7x:2x2x1
jax: 0.10.2.dev20260603
libtpu: 0.0.44.dev20260713+nightly
codegen_flags: <defaults>
</compile_context>

<pallas_src>
import functools

import jax
import jax.numpy as jnp
from jax import lax
from jax.experimental import pallas as pl
from jax.experimental.pallas import tpu as pltpu
from jax.experimental.pallas import tpu_sc as plsc

EMB = 64
GROUP = 5
LN_EPS = 1e-12

NC, NS = 2, 16
NW = NC * NS
CH = 128
SUB = 8
SUBROWS = CH // SUB
NSLOT = 5
GAHEAD = 3


def _sc_gather(table, idx3):
    nchunk = idx3.shape[1]
    total = NW * nchunk * CH

    @functools.partial(
        pl.kernel,
        out_type=jax.ShapeDtypeStruct((total, EMB), jnp.float32),
        mesh=plsc.VectorSubcoreMesh(core_axis_name="c", subcore_axis_name="s"),
        scratch_types=(
            [pltpu.VMEM((nchunk, CH), jnp.int32),
             pltpu.VMEM((NSLOT, CH, EMB), jnp.float32)]
            + [pltpu.SemaphoreType.DMA] * (2 * NSLOT)
        ),
        compiler_params=pltpu.CompilerParams(use_tc_tiling_on_sc=False),
    )
    def k(table_hbm, idx_hbm, out_hbm, idx_v, rows_v, *sems):
        gsem = sems[:NSLOT]
        wsem = sems[NSLOT:]
        wid = lax.axis_index("s") * NC + lax.axis_index("c")
        base = wid * (nchunk * CH)
        pltpu.sync_copy(idx_hbm.at[wid], idx_v)

        def issue_gathers(j, slot):
            for k_ in range(SUB):
                sl = pl.ds(k_ * SUBROWS, SUBROWS)
                pltpu.async_copy(table_hbm.at[idx_v.at[j, sl]],
                                 rows_v.at[slot, sl], gsem[slot])

        def wait_gathers(slot):
            for k_ in range(SUB):
                sl = pl.ds(k_ * SUBROWS, SUBROWS)
                pltpu.make_async_copy(table_hbm.at[idx_v.at[0, sl]],
                                      rows_v.at[slot, sl], gsem[slot]).wait()

        def wait_write(slot):
            pltpu.make_async_copy(rows_v.at[slot],
                                  out_hbm.at[pl.ds(0, CH)],
                                  wsem[slot]).wait()

        for c in range(GAHEAD):
            issue_gathers(c, c)

        @pl.loop(0, nchunk, step=NSLOT)
        def _(g):
            for bb in range(NSLOT):
                j = g + bb
                bn = (bb + GAHEAD) % NSLOT
                wait_gathers(bb)
                pltpu.async_copy(rows_v.at[bb],
                                 out_hbm.at[pl.ds(base + j * CH, CH)],
                                 wsem[bb])

                @pl.when(j + GAHEAD < nchunk)
                def _():
                    @pl.when(j >= NSLOT - GAHEAD)
                    def _():
                        wait_write(bn)
                    issue_gathers(j + GAHEAD, bn)

        for b in range(NSLOT):
            wait_write(b)

    return k(table, idx3)


SPLIT = 499968


def _tc_body(ids_ref, lab_ref, w0_ref, w1_ref, a_ref, an_ref, l_ref, s_ref,
             b_ref, out_ref):
    bblk, s_len = ids_ref.shape
    ids = ids_ref[...]
    w0 = w0_ref[...].reshape(bblk, s_len, EMB)
    w1 = w1_ref[...].reshape(bblk, s_len, EMB)
    w = jnp.where(ids[:, :, None] < SPLIT, w0, w1)
    counts = jnp.sum((ids != 0).astype(jnp.int32), axis=1, keepdims=True)
    an_idx = counts // GROUP
    an_oh = (an_idx == lax.broadcasted_iota(jnp.int32, (bblk, 50), 1)
             ).astype(jnp.float32)
    lab_oh = (lab_ref[...] == lax.broadcasted_iota(jnp.int32, (bblk, 32), 1)
              ).astype(jnp.float32)
    c_vec = (jnp.dot(an_oh, an_ref[...], preferred_element_type=jnp.float32)
             + jnp.dot(lab_oh, l_ref[...], preferred_element_type=jnp.float32))
    s_oh = (lax.broadcasted_iota(jnp.int32, (s_len, 50), 0) // GROUP
            == lax.broadcasted_iota(jnp.int32, (s_len, 50), 1)
            ).astype(jnp.float32)
    a_vec = jnp.dot(s_oh, a_ref[...], preferred_element_type=jnp.float32)
    x = w + a_vec[None, :, :] + c_vec[:, None, :]
    mean = jnp.mean(x, axis=-1, keepdims=True)
    xc = x - mean
    var = jnp.mean(xc * xc, axis=-1, keepdims=True)
    y = xc * lax.rsqrt(var + LN_EPS)
    out_ref[...] = y * s_ref[...] + b_ref[...]


def _tc_fuse(rows0, rows1, input_ids, labels, asset_emb, asset_num_emb,
             label_emb, ln_scale, ln_bias):
    batch, s_len = input_ids.shape
    bblk = 32
    grid = (batch // bblk,)
    return pl.pallas_call(
        _tc_body,
        grid=grid,
        in_specs=[
            pl.BlockSpec((bblk, s_len), lambda i: (i, 0)),
            pl.BlockSpec((bblk, 1), lambda i: (i, 0)),
            pl.BlockSpec((bblk * s_len, EMB), lambda i: (i, 0)),
            pl.BlockSpec((bblk * s_len, EMB), lambda i: (i, 0)),
            pl.BlockSpec(asset_emb.shape, lambda i: (0, 0)),
            pl.BlockSpec(asset_num_emb.shape, lambda i: (0, 0)),
            pl.BlockSpec(label_emb.shape, lambda i: (0, 0)),
            pl.BlockSpec((1, EMB), lambda i: (0, 0)),
            pl.BlockSpec((1, EMB), lambda i: (0, 0)),
        ],
        out_specs=pl.BlockSpec((bblk, s_len, EMB), lambda i: (i, 0, 0)),
        out_shape=jax.ShapeDtypeStruct((batch, s_len, EMB), jnp.float32),
    )(input_ids, labels, rows0, rows1, asset_emb, asset_num_emb, label_emb,
      ln_scale.reshape(1, EMB), ln_bias.reshape(1, EMB))


def kernel(input_ids, labels, word_emb, asset_emb, asset_num_emb, label_emb,
           ln_scale, ln_bias, deterministic=True):
    batch, s_len = input_ids.shape
    total = batch * s_len
    nchunk = total // (NW * CH)
    flat = input_ids.reshape(-1)
    in0 = flat < SPLIT
    idx0 = jnp.where(in0, flat, jnp.minimum(flat - SPLIT, SPLIT - 1))
    idx1 = jnp.where(in0, flat, flat - SPLIT)
    part0 = word_emb[:SPLIT]
    part1 = word_emb[SPLIT:]
    rows0 = _sc_gather(part0, idx0.reshape(NW, nchunk, CH))
    rows1 = _sc_gather(part1, idx1.reshape(NW, nchunk, CH))
    return _tc_fuse(rows0, rows1, input_ids, labels, asset_emb,
                    asset_num_emb, label_emb, ln_scale, ln_bias)

# --- scband reference (transcript-rebuilt; emitter-appended) ---
"""Pipeline reference for scband-layout-embed-24223615550005 (READ-ONLY COPY).

The authoritative reference and input builder live on the scoring server;
editing this copy changes nothing except your own understanding.
"""

import jax, jax.numpy as jnp
import numpy as np

VOCAB = 1000000
EMB = 64
B = 1024
S = 200
LAYOUT_DIM = 2
GROUP = LAYOUT_DIM * 2 + 1  # 5
LN_EPS = 1e-12


def setup_inputs(seed: int = 0) -> dict:
    key = jax.random.key(seed)
    k1, k2, k3, k4, k5, k6 = jax.random.split(key, 6)
    input_ids = jax.random.randint(k1, (B, S), 0, VOCAB, dtype=jnp.int32)
    labels = jax.random.randint(k2, (B, 1), 0, 32, dtype=jnp.int32)
    word_emb = jax.random.normal(k3, (VOCAB, EMB), dtype=jnp.float32) * 0.02
    asset_emb = jax.random.normal(k4, (50, EMB), dtype=jnp.float32) * 0.02
    asset_num_emb = jax.random.normal(k5, (50, EMB), dtype=jnp.float32) * 0.02
    label_emb = jax.random.normal(k6, (32, EMB), dtype=jnp.float32) * 0.02
    ln_scale = jnp.ones((EMB,), dtype=jnp.float32)
    ln_bias = jnp.zeros((EMB,), dtype=jnp.float32)
    return {
        'input_ids': input_ids,
        'labels': labels,
        'word_emb': word_emb,
        'asset_emb': asset_emb,
        'asset_num_emb': asset_num_emb,
        'label_emb': label_emb,
        'ln_scale': ln_scale,
        'ln_bias': ln_bias,
        'deterministic': True,
    }


def reference(input_ids, labels, word_emb, asset_emb, asset_num_emb, label_emb, ln_scale, ln_bias, deterministic=True):
    seq_length = input_ids.shape[-1]
    position_ids = jnp.arange(seq_length)[None, :]
    asset_ids = position_ids // GROUP                                  # [1, S]
    asset_num = jnp.expand_dims(jnp.sum(input_ids != 0, axis=1) // GROUP, 1)  # [B, 1]
    word_embeddings = jnp.take(word_emb, input_ids, axis=0)            # [B, S, E]
    asset_embeddings = jnp.take(asset_emb, asset_ids, axis=0)          # [1, S, E]
    asset_num_embeddings = jnp.take(asset_num_emb, asset_num, axis=0)  # [B, 1, E]
    x = word_embeddings + asset_embeddings + asset_num_embeddings
    # use_vertical=True and labels provided
    lab = labels.astype(jnp.int32)
    label_embeddings = jnp.take(label_emb, lab, axis=0)                # [B, 1, E]
    x = x + label_embeddings
    # LayerNorm with TF epsilon, dropout is identity (deterministic=True), hidden_size=None
    mean = jnp.mean(x, axis=-1, keepdims=True)
    var = jnp.mean(jnp.square(x - mean), axis=-1, keepdims=True)
    x = (x - mean) / jnp.sqrt(var + LN_EPS)
    x = x * ln_scale + ln_bias
    return x

if __name__ == "__main__":
    import jax
    _d = setup_inputs()
    print(jax.jit(kernel)(*tuple(_d.values())))

</pallas_src>

<mosaic_0001>
#map = affine_map<(d0, d1) -> (0, 0)>
#map1 = affine_map<(d0, d1) -> (0, 0, 0)>
module attributes {stable_mosaic.version = 14 : i64} {
  func.func @k(%arg0: i32, %arg1: i32, %arg2: memref<499968x64xf32, #tpu.memory_space<hbm>>, %arg3: memref<32x50x128xi32, #tpu.memory_space<hbm>>, %arg4: memref<204800x64xf32, #tpu.memory_space<hbm>>, %arg5: memref<50x128xi32, #tpu.memory_space<vmem>>, %arg6: memref<5x128x64xf32, #tpu.memory_space<vmem>>, %arg7: memref<!tpu.dma_semaphore, #tpu.memory_space<semaphore_mem>>, %arg8: memref<!tpu.dma_semaphore, #tpu.memory_space<semaphore_mem>>, %arg9: memref<!tpu.dma_semaphore, #tpu.memory_space<semaphore_mem>>, %arg10: memref<!tpu.dma_semaphore, #tpu.memory_space<semaphore_mem>>, %arg11: memref<!tpu.dma_semaphore, #tpu.memory_space<semaphore_mem>>, %arg12: memref<!tpu.dma_semaphore, #tpu.memory_space<semaphore_mem>>, %arg13: memref<!tpu.dma_semaphore, #tpu.memory_space<semaphore_mem>>, %arg14: memref<!tpu.dma_semaphore, #tpu.memory_space<semaphore_mem>>, %arg15: memref<!tpu.dma_semaphore, #tpu.memory_space<semaphore_mem>>, %arg16: memref<!tpu.dma_semaphore, #tpu.memory_space<semaphore_mem>>) attributes {dimension_semantics = [#tpu.dimension_semantics<core_parallel>, #tpu.dimension_semantics<subcore_parallel>], iteration_bounds = array<i64: 2, 16>, scalar_prefetch = 0 : i64, scratch_operands = 12 : i64, tpu.core_type = #tpu.core_type<sc_vector_subcore>, window_params = [{transform_indices = #map}, {transform_indices = #map1}, {transform_indices = #map}]} {
    %mul3A = arith.constant 2 : i32
    %mul3A_0 = arith.muli %arg1, %mul3A : i32
    %add3A = arith.addi %mul3A_0, %arg0 : i32
    %mul3A_1 = arith.constant 6400 : i32
    %mul3A_2 = arith.muli %add3A, %mul3A_1 : i32
    "tpu.region"() ({
      %run_scoped3A = tpu.sem_alloc : memref<!tpu.dma_semaphore, #tpu.memory_space<semaphore_mem>>
      %dma_start3A_368 = arith.constant 0 : i32
      %dma_start3A_369 = arith.constant 0 : i32
      %dma_start3A_370 = tpu.memref_slice %arg3[%add3A, %dma_start3A_368, %dma_start3A_369] : memref<32x50x128xi32, #tpu.memory_space<hbm>> -> memref<1x50x128xi32, #tpu.memory_space<hbm>>
      %dma_start3A_371 = tpu.memref_squeeze %dma_start3A_370 : memref<1x50x128xi32, #tpu.memory_space<hbm>> -> memref<50x128xi32, #tpu.memory_space<hbm>>
      %dma_start3A_372 = arith.constant 0 : i32
      %dma_start3A_373 = arith.constant 0 : i32
      %dma_start3A_374 = tpu.memref_slice %arg3[%add3A, %dma_start3A_372, %dma_start3A_373] : memref<32x50x128xi32, #tpu.memory_space<hbm>> -> memref<1x50x128xi32, #tpu.memory_space<hbm>>
      %dma_start3A_375 = tpu.memref_squeeze %dma_start3A_374 : memref<1x50x128xi32, #tpu.memory_space<hbm>> -> memref<50x128xi32, #tpu.memory_space<hbm>>
      tpu.enqueue_dma source(%dma_start3A_375 : memref<50x128xi32, #tpu.memory_space<hbm>>) target(%arg5 : memref<50x128xi32, #tpu.memory_space<vmem>>) target_semaphore(%run_scoped3A : memref<!tpu.dma_semaphore, #tpu.memory_space<semaphore_mem>>)
      %dma_wait3A_376 = arith.constant 0 : i32
      %dma_wait3A_377 = arith.constant 0 : i32
      %dma_wait3A_378 = tpu.memref_slice %arg3[%add3A, %dma_wait3A_376, %dma_wait3A_377] : memref<32x50x128xi32, #tpu.memory_space<hbm>> -> memref<1x50x128xi32, #tpu.memory_space<hbm>>
      %dma_wait3A_379 = tpu.memref_squeeze %dma_wait3A_378 : memref<1x50x128xi32, #tpu.memory_space<hbm>> -> memref<50x128xi32, #tpu.memory_space<hbm>>
      %dma_wait3A_380 = arith.constant 0 : i32
      %dma_wait3A_381 = arith.constant 0 : i32
      %dma_wait3A_382 = tpu.memref_slice %arg3[%add3A, %dma_wait3A_380, %dma_wait3A_381] : memref<32x50x128xi32, #tpu.memory_space<hbm>> -> memref<1x50x128xi32, #tpu.memory_space<hbm>>
      %dma_wait3A_383 = tpu.memref_squeeze %dma_wait3A_382 : memref<1x50x128xi32, #tpu.memory_space<hbm>> -> memref<50x128xi32, #tpu.memory_space<hbm>>
      tpu.wait_dma2 semaphore(%run_scoped3A : memref<!tpu.dma_semaphore, #tpu.memory_space<semaphore_mem>>) src(%dma_wait3A_383 : memref<50x128xi32, #tpu.memory_space<hbm>>) dst(%arg5 : memref<50x128xi32, #tpu.memory_space<vmem>>)
      tpu.yield
    }) : () -> ()
    %dma_start3A = arith.constant 0 : i32
    %dma_start3A_3 = arith.constant 0 : i32
    %dma_start3A_4 = arith.constant 0 : i32
    %dma_start3A_5 = arith.constant 0 : i32
    %dma_start3A_6 = tpu.memref_slice %arg6[%dma_start3A_3, %dma_start3A_4, %dma_start3A_5] : memref<5x128x64xf32, #tpu.memory_space<vmem>> -> memref<1x16x64xf32, #tpu.memory_space<vmem>>
    %dma_start3A_7 = tpu.memref_squeeze %dma_start3A_6 : memref<1x16x64xf32, #tpu.memory_space<vmem>> -> memref<16x64xf32, #tpu.memory_space<vmem>>
    %dma_start3A_8 = arith.constant 0 : i32
    %dma_start3A_9 = tpu.memref_slice %arg5[%dma_start3A, %dma_start3A_8] : memref<50x128xi32, #tpu.memory_space<vmem>> -> memref<1x16xi32, #tpu.memory_space<vmem>>
    %dma_start3A_10 = tpu.memref_squeeze %dma_start3A_9 : memref<1x16xi32, #tpu.memory_space<vmem>> -> memref<16xi32, #tpu.memory_space<vmem>>
    %dma_start3A_11 = arith.constant 0 : i32
    %dma_start3A_12 = arith.constant 0 : i32
    %dma_start3A_13 = tpu.memref_slice %arg2[%dma_start3A_11, %dma_start3A_12] : memref<499968x64xf32, #tpu.memory_space<hbm>> -> memref<499968x64xf32, #tpu.memory_space<hbm>>
    tpu.enqueue_indirect_dma source(%dma_start3A_13 : memref<499968x64xf32, #tpu.memory_space<hbm>>) target(%dma_start3A_7 : memref<16x64xf32, #tpu.memory_space<vmem>>) offsets(%dma_start3A_10 : memref<16xi32, #tpu.memory_space<vmem>>) semaphore(%arg7 : memref<!tpu.dma_semaphore, #tpu.memory_space<semaphore_mem>>)
    %dma_start3A_14 = arith.constant 0 : i32
    %dma_start3A_15 = arith.constant 0 : i32
    %dma_start3A_16 = arith.constant 16 : i32
    %dma_start3A_17 = arith.constant 0 : i32
    %dma_start3A_18 = tpu.memref_slice %arg6[%dma_start3A_15, %dma_start3A_16, %dma_start3A_17] : memref<5x128x64xf32, #tpu.memory_space<vmem>> -> memref<1x16x64xf32, #tpu.memory_space<vmem>>
    %dma_start3A_19 = tpu.memref_squeeze %dma_start3A_18 : memref<1x16x64xf32, #tpu.memory_space<vmem>> -> memref<16x64xf32, #tpu.memory_space<vmem>>
    %dma_start3A_20 = arith.constant 16 : i32
    %dma_start3A_21 = tpu.memref_slice %arg5[%dma_start3A_14, %dma_start3A_20] : memref<50x128xi32, #tpu.memory_space<vmem>> -> memref<1x16xi32, #tpu.memory_space<vmem>>
    %dma_start3A_22 = tpu.memref_squeeze %dma_start3A_21 : memref<1x16xi32, #tpu.memory_space<vmem>> -> memref<16xi32, #tpu.memory_space<vmem>>
    %dma_start3A_23 = arith.constant 0 : i32
    %dma_start3A_24 = arith.constant 0 : i32
    %dma_start3A_25 = tpu.memref_slice %arg2[%dma_start3A_23, %dma_start3A_24] : memref<499968x64xf32, #tpu.memory_space<hbm>> -> memref<499968x64xf32, #tpu.memory_space<hbm>>
    tpu.enqueue_indirect_dma source(%dma_start3A_25 : memref<499968x64xf32, #tpu.memory_space<hbm>>) target(%dma_start3A_19 : memref<16x64xf32, #tpu.memory_space<vmem>>) offsets(%dma_start3A_22 : memref<16xi32, #tpu.memory_space<vmem>>) semaphore(%arg7 : memref<!tpu.dma_semaphore, #tpu.memory_space<semaphore_mem>>)
    %dma_start3A_26 = arith.constant 0 : i32
    %dma_start3A_27 = arith.constant 0 : i32
    %dma_start3A_28 = arith.constant 32 : i32
    %dma_start3A_29 = arith.constant 0 : i32
    %dma_start3A_30 = tpu.memref_slice %arg6[%dma_start3A_27, %dma_start3A_28, %dma_start3A_29] : memref<5x128x64xf32, #tpu.memory_space<vmem>> -> memref<1x16x64xf32, #tpu.memory_space<vmem>>
    %dma_start3A_31 = tpu.memref_squeeze %dma_start3A_30 : memref<1x16x64xf32, #tpu.memory_space<vmem>> -> memref<16x64xf32, #tpu.memory_space<vmem>>
    %dma_start3A_32 = arith.constant 32 : i32
    %dma_start3A_33 = tpu.memref_slice %arg5[%dma_start3A_26, %dma_start3A_32] : memref<50x128xi32, #tpu.memory_space<vmem>> -> memref<1x16xi32, #tpu.memory_space<vmem>>
    %dma_start3A_34 = tpu.memref_squeeze %dma_start3A_33 : memref<1x16xi32, #tpu.memory_space<vmem>> -> memref<16xi32, #tpu.memory_space<vmem>>
    %dma_start3A_35 = arith.constant 0 : i32
    %dma_start3A_36 = arith.constant 0 : i32
    %dma_start3A_37 = tpu.memref_slice %arg2[%dma_start3A_35, %dma_start3A_36] : memref<499968x64xf32, #tpu.memory_space<hbm>> -> memref<499968x64xf32, #tpu.memory_space<hbm>>
    tpu.enqueue_indirect_dma source(%dma_start3A_37 : memref<499968x64xf32, #tpu.memory_space<hbm>>) target(%dma_start3A_31 : memref<16x64xf32, #tpu.memory_space<vmem>>) offsets(%dma_start3A_34 : memref<16xi32, #tpu.memory_space<vmem>>) semaphore(%arg7 : memref<!tpu.dma_semaphore, #tpu.memory_space<semaphore_mem>>)
    %dma_start3A_38 = arith.constant 0 : i32
    %dma_start3A_39 = arith.constant 0 : i32
    %dma_start3A_40 = arith.constant 48 : i32
    %dma_start3A_41 = arith.constant 0 : i32
    %dma_start3A_42 = tpu.memref_slice %arg6[%dma_start3A_39, %dma_start3A_40, %dma_start3A_41] : memref<5x128x64xf32, #tpu.memory_space<vmem>> -> memref<1x16x64xf32, #tpu.memory_space<vmem>>
    %dma_start3A_43 = tpu.memref_squeeze %dma_start3A_42 : memref<1x16x64xf32, #tpu.memory_space<vmem>> -> memref<16x64xf32, #tpu.memory_space<vmem>>
    %dma_start3A_44 = arith.constant 48 : i32
    %dma_start3A_45 = tpu.memref_slice %arg5[%dma_start3A_38, %dma_start3A_44] : memref<50x128xi32, #tpu.memory_space<vmem>> -> memref<1x16xi32, #tpu.memory_space<vmem>>
    %dma_start3A_46 = tpu.memref_squeeze %dma_start3A_45 : memref<1x16xi32, #tpu.memory_space<vmem>> -> memref<16xi32, #tpu.memory_space<vmem>>
    %dma_start3A_47 = arith.constant 0 : i32
    %dma_start3A_48 = arith.constant 0 : i32
    %dma_start3A_49 = tpu.memref_slice %arg2[%dma_start3A_47, %dma_start3A_48] : memref<499968x64xf32, #tpu.memory_space<hbm>> -> memref<499968x64xf32, #tpu.memory_space<hbm>>
    tpu.enqueue_indirect_dma source(%dma_start3A_49 : memref<499968x64xf32, #tpu.memory_space<hbm>>) target(%dma_start3A_43 : memref<16x64xf32, #tpu.memory_space<vmem>>) offsets(%dma_start3A_46 : memref<16xi32, #tpu.memory_space<vmem>>) semaphore(%arg7 : memref<!tpu.dma_semaphore, #tpu.memory_space<semaphore_mem>>)
    %dma_start3A_50 = arith.constant 0 : i32
    %dma_start3A_51 = arith.constant 0 : i32
    %dma_start3A_52 = arith.constant 64 : i32
    %dma_start3A_53 = arith.constant 0 : i32
    %dma_start3A_54 = tpu.memref_slice %arg6[%dma_start3A_51, %dma_start3A_52, %dma_start3A_53] : memref<5x128x64xf32, #tpu.memory_space<vmem>> -> memref<1x16x64xf32, #tpu.memory_space<vmem>>
    %dma_start3A_55 = tpu.memref_squeeze %dma_start3A_54 : memref<1x16x64xf32, #tpu.memory_space<vmem>> -> memref<16x64xf32, #tpu.memory_space<vmem>>
    %dma_start3A_56 = arith.constant 64 : i32
    %dma_start3A_57 = tpu.memref_slice %arg5[%dma_start3A_50, %dma_start3A_56] : memref<50x128xi32, #tpu.memory_space<vmem>> -> memref<1x16xi32, #tpu.memory_space<vmem>>
    %dma_start3A_58 = tpu.memref_squeeze %dma_start3A_57 : memref<1x16xi32, #tpu.memory_space<vmem>> -> memref<16xi32, #tpu.memory_space<vmem>>
    %dma_start3A_59 = arith.constant 0 : i32
    %dma_start3A_60 = arith.constant 0 : i32
    %dma_start3A_61 = tpu.memref_slice %arg2[%dma_start3A_59, %dma_start3A_60] : memref<499968x64xf32, #tpu.memory_space<hbm>> -> memref<499968x64xf32, #tpu.memory_space<hbm>>
    tpu.enqueue_indirect_dma source(%dma_start3A_61 : memref<499968x64xf32, #tpu.memory_space<hbm>>) target(%dma_start3A_55 : memref<16x64xf32, #tpu.memory_space<vmem>>) offsets(%dma_start3A_58 : memref<16xi32, #tpu.memory_space<vmem>>) semaphore(%arg7 : memref<!tpu.dma_semaphore, #tpu.memory_space<semaphore_mem>>)
    %dma_start3A_62 = arith.constant 0 : i32
    %dma_start3A_63 = arith.constant 0 : i32
    %dma_start3A_64 = arith.constant 80 : i32
    %dma_start3A_65 = arith.constant 0 : i32
    %dma_start3A_66 = tpu.memref_slice %arg6[%dma_start3A_63, %dma_start3A_64, %dma_start3A_65] : memref<5x128x64xf32, #tpu.memory_space<vmem>> -> memref<1x16x64xf32, #tpu.memory_space<vmem>>
    %dma_start3A_67 = tpu.memref_squeeze %dma_start3A_66 : memref<1x16x64xf32, #tpu.memory_space<vmem>> -> memref<16x64xf32, #tpu.memory_space<vmem>>
    %dma_start3A_68 = arith.constant 80 : i32
    %dma_start3A_69 = tpu.memref_slice %arg5[%dma_start3A_62, %dma_start3A_68] : memref<50x128xi32, #tpu.memory_space<vmem>> -> memref<1x16xi32, #tpu.memory_space<vmem>>
    %dma_start3A_70 = tpu.memref_squeeze %dma_start3A_69 : memref<1x16xi32, #tpu.memory_space<vmem>> -> memref<16xi32, #tpu.memory_space<vmem>>
    %dma_start3A_71 = arith.constant 0 : i32
    %dma_start3A_72 = arith.constant 0 : i32
    %dma_start3A_73 = tpu.memref_slice %arg2[%dma_start3A_71, %dma_start3A_72] : memref<499968x64xf32, #tpu.memory_space<hbm>> -> memref<499968x64xf32, #tpu.memory_space<hbm>>
    tpu.enqueue_indirect_dma source(%dma_start3A_73 : memref<499968x64xf32, #tpu.memory_space<hbm>>) target(%dma_start3A_67 : memref<16x64xf32, #tpu.memory_space<vmem>>) offsets(%dma_start3A_70 : memref<16xi32, #tpu.memory_space<vmem>>) semaphore(%arg7 : memref<!tpu.dma_semaphore, #tpu.memory_space<semaphore_mem>>)
    %dma_start3A_74 = arith.constant 0 : i32
    %dma_start3A_75 = arith.constant 0 : i32
    %dma_start3A_76 = arith.constant 96 : i32
    %dma_start3A_77 = arith.constant 0 : i32
    %dma_start3A_78 = tpu.memref_slice %arg6[%dma_start3A_75, %dma_start3A_76, %dma_start3A_77] : memref<5x128x64xf32, #tpu.memory_space<vmem>> -> memref<1x16x64xf32, #tpu.memory_space<vmem>>
    %dma_start3A_79 = tpu.memref_squeeze %dma_start3A_78 : memref<1x16x64xf32, #tpu.memory_space<vmem>> -> memref<16x64xf32, #tpu.memory_space<vmem>>
    %dma_start3A_80 = arith.constant 96 : i32
    %dma_start3A_81 = tpu.memref_slice %arg5[%dma_start3A_74, %dma_start3A_80] : memref<50x128xi32, #tpu.memory_space<vmem>> -> memref<1x16xi32, #tpu.memory_space<vmem>>
    %dma_start3A_82 = tpu.memref_squeeze %dma_start3A_81 : memref<1x16xi32, #tpu.memory_space<vmem>> -> memref<16xi32, #tpu.memory_space<vmem>>
    %dma_start3A_83 = arith.constant 0 : i32
    %dma_start3A_84 = arith.constant 0 : i32
    %dma_start3A_85 = tpu.memref_slice %arg2[%dma_start3A_83, %dma_start3A_84] : memref<499968x64xf32, #tpu.memory_space<hbm>> -> memref<499968x64xf32, #tpu.memory_space<hbm>>
    tpu.enqueue_indirect_dma source(%dma_start3A_85 : memref<499968x64xf32, #tpu.memory_space<hbm>>) target(%dma_start3A_79 : memref<16x64xf32, #tpu.memory_space<vmem>>) offsets(%dma_start3A_82 : memref<16xi32, #tpu.memory_space<vmem>>) semaphore(%arg7 : memref<!tpu.dma_semaphore, #tpu.memory_space<semaphore_mem>>)
    %dma_start3A_86 = arith.constant 0 : i32
    %dma_start3A_87 = arith.constant 0 : i32
    %dma_start3A_88 = arith.constant 112 : i32
    %dma_start3A_89 = arith.constant 0 : i32
    %dma_start3A_90 = tpu.memref_slice %arg6[%dma_start3A_87, %dma_start3A_88, %dma_start3A_89] : memref<5x128x64xf32, #tpu.memory_space<vmem>> -> memref<1x16x64xf32, #tpu.memory_space<vmem>>
    %dma_start3A_91 = tpu.memref_squeeze %dma_start3A_90 : memref<1x16x64xf32, #tpu.memory_space<vmem>> -> memref<16x64xf32, #tpu.memory_space<vmem>>
    %dma_start3A_92 = arith.constant 112 : i32
    %dma_start3A_93 = tpu.memref_slice %arg5[%dma_start3A_86, %dma_start3A_92] : memref<50x128xi32, #tpu.memory_space<vmem>> -> memref<1x16xi32, #tpu.memory_space<vmem>>
    %dma_start3A_94 = tpu.memref_squeeze %dma_start3A_93 : memref<1x16xi32, #tpu.memory_space<vmem>> -> memref<16xi32, #tpu.memory_space<vmem>>
    %dma_start3A_95 = arith.constant 0 : i32
    %dma_start3A_96 = arith.constant 0 : i32
    %dma_start3A_97 = tpu.memref_slice %arg2[%dma_start3A_95, %dma_start3A_96] : memref<499968x64xf32, #tpu.memory_space<hbm>> -> memref<499968x64xf32, #tpu.memory_space<hbm>>
    tpu.enqueue_indirect_dma source(%dma_start3A_97 : memref<499968x64xf32, #tpu.memory_space<hbm>>) target(%dma_start3A_91 : memref<16x64xf32, #tpu.memory_space<vmem>>) offsets(%dma_start3A_94 : memref<16xi32, #tpu.memory_space<vmem>>) semaphore(%arg7 : memref<!tpu.dma_semaphore, #tpu.memory_space<semaphore_mem>>)
    %dma_start3A_98 = arith.constant 1 : i32
    %dma_start3A_99 = arith.constant 1 : i32
    %dma_start3A_100 = arith.constant 0 : i32
    %dma_start3A_101 = arith.constant 0 : i32
    %dma_start3A_102 = tpu.memref_slice %arg6[%dma_start3A_99, %dma_start3A_100, %dma_start3A_101] : memref<5x128x64xf32, #tpu.memory_space<vmem>> -> memref<1x16x64xf32, #tpu.memory_space<vmem>>
    %dma_start3A_103 = tpu.memref_squeeze %dma_start3A_102 : memref<1x16x64xf32, #tpu.memory_space<vmem>> -> memref<16x64xf32, #tpu.memory_space<vmem>>
    %dma_start3A_104 = arith.constant 0 : i32
    %dma_start3A_105 = tpu.memref_slice %arg5[%dma_start3A_98, %dma_start3A_104] : memref<50x128xi32, #tpu.memory_space<vmem>> -> memref<1x16xi32, #tpu.memory_space<vmem>>
    %dma_start3A_106 = tpu.memref_squeeze %dma_start3A_105 : memref<1x16xi32, #tpu.memory_space<vmem>> -> memref<16xi32, #tpu.memory_space<vmem>>
    %dma_start3A_107 = arith.constant 0 : i32
    %dma_start3A_108 = arith.constant 0 : i32
    %dma_start3A_109 = tpu.memref_slice %arg2[%dma_start3A_107, %dma_start3A_108] : memref<499968x64xf32, #tpu.memory_space<hbm>> -> memref<499968x64xf32, #tpu.memory_space<hbm>>
    tpu.enqueue_indirect_dma source(%dma_start3A_109 : memref<499968x64xf32, #tpu.memory_space<hbm>>) target(%dma_start3A_103 : memref<16x64xf32, #tpu.memory_space<vmem>>) offsets(%dma_start3A_106 : memref<16xi32, #tpu.memory_space<vmem>>) semaphore(%arg8 : memref<!tpu.dma_semaphore, #tpu.memory_space<semaphore_mem>>)
    %dma_start3A_110 = arith.constant 1 : i32
    %dma_start3A_111 = arith.constant 1 : i32
    %dma_start3A_112 = arith.constant 16 : i32
    %dma_start3A_113 = arith.constant 0 : i32
    %dma_start3A_114 = tpu.memref_slice %arg6[%dma_start3A_111, %dma_start3A_112, %dma_start3A_113] : memref<5x128x64xf32, #tpu.memory_space<vmem>> -> memref<1x16x64xf32, #tpu.memory_space<vmem>>
    %dma_start3A_115 = tpu.memref_squeeze %dma_start3A_114 : memref<1x16x64xf32, #tpu.memory_space<vmem>> -> memref<16x64xf32, #tpu.memory_space<vmem>>
    %dma_start3A_116 = arith.constant 16 : i32
    %dma_start3A_117 = tpu.memref_slice %arg5[%dma_start3A_110, %dma_start3A_116] : memref<50x128xi32, #tpu.memory_space<vmem>> -> memref<1x16xi32, #tpu.memory_space<vmem>>
    %dma_start3A_118 = tpu.memref_squeeze %dma_start3A_117 : memref<1x16xi32, #tpu.memory_space<vmem>> -> memref<16xi32, #tpu.memory_space<vmem>>
    %dma_start3A_119 = arith.constant 0 : i32
    %dma_start3A_120 = arith.constant 0 : i32
    %dma_start3A_121 = tpu.memref_slice %arg2[%dma_start3A_119, %dma_start3A_120] : memref<499968x64xf32, #tpu.memory_space<hbm>> -> memref<499968x64xf32, #tpu.memory_space<hbm>>
    tpu.enqueue_indirect_dma source(%dma_start3A_121 : memref<499968x64xf32, #tpu.memory_space<hbm>>) target(%dma_start3A_115 : memref<16x64xf32, #tpu.memory_space<vmem>>) offsets(%dma_start3A_118 : memref<16xi32, #tpu.memory_space<vmem>>) semaphore(%arg8 : memref<!tpu.dma_semaphore, #tpu.memory_space<semaphore_mem>>)
    %dma_start3A_122 = arith.constant 1 : i32
    %dma_start3A_123 = arith.constant 1 : i32
    %dma_start3A_124 = arith.constant 32 : i32
    %dma_start3A_125 = arith.constant 0 : i32
    %dma_start3A_126 = tpu.memref_slice %arg6[%dma_start3A_123, %dma_start3A_124, %dma_start3A_125] : memref<5x128x64xf32, #tpu.memory_space<vmem>> -> memref<1x16x64xf32, #tpu.memory_space<vmem>>
    %dma_start3A_127 = tpu.memref_squeeze %dma_start3A_126 : memref<1x16x64xf32, #tpu.memory_space<vmem>> -> memref<16x64xf32, #tpu.memory_space<vmem>>
    %dma_start3A_128 = arith.constant 32 : i32
    %dma_start3A_129 = tpu.memref_slice %arg5[%dma_start3A_122, %dma_start3A_128] : memref<50x128xi32, #tpu.memory_space<vmem>> -> memref<1x16xi32, #tpu.memory_space<vmem>>
    %dma_start3A_130 = tpu.memref_squeeze %dma_start3A_129 : memref<1x16xi32, #tpu.memory_space<vmem>> -> memref<16xi32, #tpu.memory_space<vmem>>
    %dma_start3A_131 = arith.constant 0 : i32
    %dma_start3A_132 = arith.constant 0 : i32
    %dma_start3A_133 = tpu.memref_slice %arg2[%dma_start3A_131, %dma_start3A_132] : memref<499968x64xf32, #tpu.memory_space<hbm>> -> memref<499968x64xf32, #tpu.memory_space<hbm>>
    tpu.enqueue_indirect_dma source(%dma_start3A_133 : memref<499968x64xf32, #tpu.memory_space<hbm>>) target(%dma_start3A_127 : memref<16x64xf32, #tpu.memory_space<vmem>>) offsets(%dma_start3A_130 : memref<16xi32, #tpu.memory_space<vmem>>) semaphore(%arg8 : memref<!tpu.dma_semaphore, #tpu.memory_space<semaphore_mem>>)
    %dma_start3A_134 = arith.constant 1 : i32
    %dma_start3A_135 = arith.constant 1 : i32
    %dma_start3A_136 = arith.constant 48 : i32
    %dma_start3A_137 = arith.constant 0 : i32
    %dma_start3A_138 = tpu.memref_slice %arg6[%dma_start3A_135, %dma_start3A_136, %dma_start3A_137] : memref<5x128x64xf32, #tpu.memory_space<vmem>> -> memref<1x16x64xf32, #tpu.memory_space<vmem>>
    %dma_start3A_139 = tpu.memref_squeeze %dma_start3A_138 : memref<1x16x64xf32, #tpu.memory_space<vmem>> -> memref<16x64xf32, #tpu.memory_space<vmem>>
    %dma_start3A_140 = arith.constant 48 : i32
    %dma_start3A_141 = tpu.memref_slice %arg5[%dma_start3A_134, %dma_start3A_140] : memref<50x128xi32, #tpu.memory_space<vmem>> -> memref<1x16xi32, #tpu.memory_space<vmem>>
    %dma_start3A_142 = tpu.memref_squeeze %dma_start3A_141 : memref<1x16xi32, #tpu.memory_space<vmem>> -> memref<16xi32, #tpu.memory_space<vmem>>
    %dma_start3A_143 = arith.constant 0 : i32
    %dma_start3A_144 = arith.constant 0 : i32
    %dma_start3A_145 = tpu.memref_slice %arg2[%dma_start3A_143, %dma_start3A_144] : memref<499968x64xf32, #tpu.memory_space<hbm>> -> memref<499968x64xf32, #tpu.memory_space<hbm>>
    tpu.enqueue_indirect_dma source(%dma_start3A_145 : memref<499968x64xf32, #tpu.memory_space<hbm>>) target(%dma_start3A_139 : memref<16x64xf32, #tpu.memory_space<vmem>>) offsets(%dma_start3A_142 : memref<16xi32, #tpu.memory_space<vmem>>) semaphore(%arg8 : memref<!tpu.dma_semaphore, #tpu.memory_space<semaphore_mem>>)
    %dma_start3A_146 = arith.constant 1 : i32
    %dma_start3A_147 = arith.constant 1 : i32
    %dma_start3A_148 = arith.constant 64 : i32
    %dma_start3A_149 = arith.constant 0 : i32
    %dma_start3A_150 = tpu.memref_slice %arg6[%dma_start3A_147, %dma_start3A_148, %dma_start3A_149] : memref<5x128x64xf32, #tpu.memory_space<vmem>> -> memref<1x16x64xf32, #tpu.memory_space<vmem>>
    %dma_start3A_151 = tpu.memref_squeeze %dma_start3A_150 : memref<1x16x64xf32, #tpu.memory_space<vmem>> -> memref<16x64xf32, #tpu.memory_space<vmem>>
    %dma_start3A_152 = arith.constant 64 : i32
    %dma_start3A_153 = tpu.memref_slice %arg5[%dma_start3A_146, %dma_start3A_152] : memref<50x128xi32, #tpu.memory_space<vmem>> -> memref<1x16xi32, #tpu.memory_space<vmem>>
    %dma_start3A_154 = tpu.memref_squeeze %dma_start3A_153 : memref<1x16xi32, #tpu.memory_space<vmem>> -> memref<16xi32, #tpu.memory_space<vmem>>
    %dma_start3A_155 = arith.constant 0 : i32
    %dma_start3A_156 = arith.constant 0 : i32
    %dma_start3A_157 = tpu.memref_slice %arg2[%dma_start3A_155, %dma_start3A_156] : memref<499968x64xf32, #tpu.memory_space<hbm>> -> memref<499968x64xf32, #tpu.memory_space<hbm>>
    tpu.enqueue_indirect_dma source(%dma_start3A_157 : memref<499968x64xf32, #tpu.memory_space<hbm>>) target(%dma_start3A_151 : memref<16x64xf32, #tpu.memory_space<vmem>>) offsets(%dma_start3A_154 : memref<16xi32, #tpu.memory_space<vmem>>) semaphore(%arg8 : memref<!tpu.dma_semaphore, #tpu.memory_space<semaphore_mem>>)
    %dma_start3A_158 = arith.constant 1 : i32
    %dma_start3A_159 = arith.constant 1 : i32
    %dma_start3A_160 = arith.constant 80 : i32
    %dma_start3A_161 = arith.constant 0 : i32
    %dma_start3A_162 = tpu.memref_slice %arg6[%dma_start3A_159, %dma_start3A_160, %dma_start3A_161] : memref<5x128x64xf32, #tpu.memory_space<vmem>> -> memref<1x16x64xf32, #tpu.memory_space<vmem>>
    %dma_start3A_163 = tpu.memref_squeeze %dma_start3A_162 : memref<1x16x64xf32, #tpu.memory_space<vmem>> -> memref<16x64xf32, #tpu.memory_space<vmem>>
    %dma_start3A_164 = arith.constant 80 : i32
    %dma_start3A_165 = tpu.memref_slice %arg5[%dma_start3A_158, %dma_start3A_164] : memref<50x128xi32, #tpu.memory_space<vmem>> -> memref<1x16xi32, #tpu.memory_space<vmem>>
    %dma_start3A_166 = tpu.memref_squeeze %dma_start3A_165 : memref<1x16xi32, #tpu.memory_space<vmem>> -> memref<16xi32, #tpu.memory_space<vmem>>
    %dma_start3A_167 = arith.constant 0 : i32
    %dma_start3A_168 = arith.constant 0 : i32
    %dma_start3A_169 = tpu.memref_slice %arg2[%dma_start3A_167, %dma_start3A_168] : memref<499968x64xf32, #tpu.memory_space<hbm>> -> memref<499968x64xf32, #tpu.memory_space<hbm>>
    tpu.enqueue_indirect_dma source(%dma_start3A_169 : memref<499968x64xf32, #tpu.memory_space<hbm>>) target(%dma_start3A_163 : memref<16x64xf32, #tpu.memory_space<vmem>>) offsets(%dma_start3A_166 : memref<16xi32, #tpu.memory_space<vmem>>) semaphore(%arg8 : memref<!tpu.dma_semaphore, #tpu.memory_space<semaphore_mem>>)
    %dma_start3A_170 = arith.constant 1 : i32
    %dma_start3A_171 = arith.constant 1 : i32
    %dma_start3A_172 = arith.constant 96 : i32
    %dma_start3A_173 = arith.constant 0 : i32
    %dma_start3A_174 = tpu.memref_slice %arg6[%dma_start3A_171, %dma_start3A_172, %dma_start3A_173] : memref<5x128x64xf32, #tpu.memory_space<vmem>> -> memref<1x16x64xf32, #tpu.memory_space<vmem>>
    %dma_start3A_175 = tpu.memref_squeeze %dma_start3A_174 : memref<1x16x64xf32, #tpu.memory_space<vmem>> -> memref<16x64xf32, #tpu.memory_space<vmem>>
    %dma_start3A_176 = arith.constant 96 : i32
    %dma_start3A_177 = tpu.memref_slice %arg5[%dma_start3A_170, %dma_start3A_176] : memref<50x128xi32, #tpu.memory_space<vmem>> -> memref<1x16xi32, #tpu.memory_space<vmem>>
    %dma_start3A_178 = tpu.memref_squeeze %dma_start3A_177 : memref<1x16xi32, #tpu.memory_space<vmem>> -> memref<16xi32, #tpu.memory_space<vmem>>
    %dma_start3A_179 = arith.constant 0 : i32
    %dma_start3A_180 = arith.constant 0 : i32
    %dma_start3A_181 = tpu.memref_slice %arg2[%dma_start3A_179, %dma_start3A_180] : memref<499968x64xf32, #tpu.memory_space<hbm>> -> memref<499968x64xf32, #tpu.memory_space<hbm>>
    tpu.enqueue_indirect_dma source(%dma_start3A_181 : memref<499968x64xf32, #tpu.memory_space<hbm>>) target(%dma_start3A_175 : memref<16x64xf32, #tpu.memory_space<vmem>>) offsets(%dma_start3A_178 : memref<16xi32, #tpu.memory_space<vmem>>) semaphore(%arg8 : memref<!tpu.dma_semaphore, #tpu.memory_space<semaphore_mem>>)
    %dma_start3A_182 = arith.constant 1 : i32
    %dma_start3A_183 = arith.constant 1 : i32
    %dma_start3A_184 = arith.constant 112 : i32
    %dma_start3A_185 = arith.constant 0 : i32
    %dma_start3A_186 = tpu.memref_slice %arg6[%dma_start3A_183, %dma_start3A_184, %dma_start3A_185] : memref<5x128x64xf32, #tpu.memory_space<vmem>> -> memref<1x16x64xf32, #tpu.memory_space<vmem>>
    %dma_start3A_187 = tpu.memref_squeeze %dma_start3A_186 : memref<1x16x64xf32, #tpu.memory_space<vmem>> -> memref<16x64xf32, #tpu.memory_space<vmem>>
    %dma_start3A_188 = arith.constant 112 : i32
    %dma_start3A_189 = tpu.memref_slice %arg5[%dma_start3A_182, %dma_start3A_188] : memref<50x128xi32, #tpu.memory_space<vmem>> -> memref<1x16xi32, #tpu.memory_space<vmem>>
    %dma_start3A_190 = tpu.memref_squeeze %dma_start3A_189 : memref<1x16xi32, #tpu.memory_space<vmem>> -> memref<16xi32, #tpu.memory_space<vmem>>
    %dma_start3A_191 = arith.constant 0 : i32
    %dma_start3A_192 = arith.constant 0 : i32
    %dma_start3A_193 = tpu.memref_slice %arg2[%dma_start3A_191, %dma_start3A_192] : memref<499968x64xf32, #tpu.memory_space<hbm>> -> memref<499968x64xf32, #tpu.memory_space<hbm>>
    tpu.enqueue_indirect_dma source(%dma_start3A_193 : memref<499968x64xf32, #tpu.memory_space<hbm>>) target(%dma_start3A_187 : memref<16x64xf32, #tpu.memory_space<vmem>>) offsets(%dma_start3A_190 : memref<16xi32, #tpu.memory_space<vmem>>) semaphore(%arg8 : memref<!tpu.dma_semaphore, #tpu.memory_space<semaphore_mem>>)
    %dma_start3A_194 = arith.constant 2 : i32
    %dma_start3A_195 = arith.constant 2 : i32
    %dma_start3A_196 = arith.constant 0 : i32
    %dma_start3A_197 = arith.constant 0 : i32
    %dma_start3A_198 = tpu.memref_slice %arg6[%dma_start3A_195, %dma_start3A_196, %dma_start3A_197] : memref<5x128x64xf32, #tpu.memory_space<vmem>> -> memref<1x16x64xf32, #tpu.memory_space<vmem>>
    %dma_start3A_199 = tpu.memref_squeeze %dma_start3A_198 : memref<1x16x64xf32, #tpu.memory_space<vmem>> -> memref<16x64xf32, #tpu.memory_space<vmem>>
    %dma_start3A_200 = arith.constant 0 : i32
    %dma_start3A_201 = tpu.memref_slice %arg5[%dma_start3A_194, %dma_start3A_200] : memref<50x128xi32, #tpu.memory_space<vmem>> -> memref<1x16xi32, #tpu.memory_space<vmem>>
    %dma_start3A_202 = tpu.memref_squeeze %dma_start3A_201 : memref<1x16xi32, #tpu.memory_space<vmem>> -> memref<16xi32, #tpu.memory_space<vmem>>
    %dma_start3A_203 = arith.constant 0 : i32
    %dma_start3A_204 = arith.constant 0 : i32
    %dma_start3A_205 = tpu.memref_slice %arg2[%dma_start3A_203, %dma_start3A_204] : memref<499968x64xf32, #tpu.memory_space<hbm>> -> memref<499968x64xf32, #tpu.memory_space<hbm>>
    tpu.enqueue_indirect_dma source(%dma_start3A_205 : memref<499968x64xf32, #tpu.memory_space<hbm>>) target(%dma_start3A_199 : memref<16x64xf32, #tpu.memory_space<vmem>>) offsets(%dma_start3A_202 : memref<16xi32, #tpu.memory_space<vmem>>) semaphore(%arg9 : memref<!tpu.dma_semaphore, #tpu.memory_space<semaphore_mem>>)
    %dma_start3A_206 = arith.constant 2 : i32
    %dma_start3A_207 = arith.constant 2 : i32
    %dma_start3A_208 = arith.constant 16 : i32
    %dma_start3A_209 = arith.constant 0 : i32
    %dma_start3A_210 = tpu.memref_slice %arg6[%dma_start3A_207, %dma_start3A_208, %dma_start3A_209] : memref<5x128x64xf32, #tpu.memory_space<vmem>> -> memref<1x16x64xf32, #tpu.memory_space<vmem>>
    %dma_start3A_211 = tpu.memref_squeeze %dma_start3A_210 : memref<1x16x64xf32, #tpu.memory_space<vmem>> -> memref<16x64xf32, #tpu.memory_space<vmem>>
    %dma_start3A_212 = arith.constant 16 : i32
    %dma_start3A_213 = tpu.memref_slice %arg5[%dma_start3A_206, %dma_start3A_212] : memref<50x128xi32, #tpu.memory_space<vmem>> -> memref<1x16xi32, #tpu.memory_space<vmem>>
    %dma_start3A_214 = tpu.memref_squeeze %dma_start3A_213 : memref<1x16xi32, #tpu.memory_space<vmem>> -> memref<16xi32, #tpu.memory_space<vmem>>
    %dma_start3A_215 = arith.constant 0 : i32
    %dma_start3A_216 = arith.constant 0 : i32
    %dma_start3A_217 = tpu.memref_slice %arg2[%dma_start3A_215, %dma_start3A_216] : memref<499968x64xf32, #tpu.memory_space<hbm>> -> memref<499968x64xf32, #tpu.memory_space<hbm>>
    tpu.enqueue_indirect_dma source(%dma_start3A_217 : memref<499968x64xf32, #tpu.memory_space<hbm>>) target(%dma_start3A_211 : memref<16x64xf32, #tpu.memory_space<vmem>>) offsets(%dma_start3A_214 : memref<16xi32, #tpu.memory_space<vmem>>) semaphore(%arg9 : memref<!tpu.dma_semaphore, #tpu.memory_space<semaphore_mem>>)
    %dma_start3A_218 = arith.constant 2 : i32
    %dma_start3A_219 = arith.constant 2 : i32
    %dma_start3A_220 = arith.constant 32 : i32
    %dma_start3A_221 = arith.constant 0 : i32
    %dma_start3A_222 = tpu.memref_slice %arg6[%dma_start3A_219, %dma_start3A_220, %dma_start3A_221] : memref<5x128x64xf32, #tpu.memory_space<vmem>> -> memref<1x16x64xf32, #tpu.memory_space<vmem>>
    %dma_start3A_223 = tpu.memref_squeeze %dma_start3A_222 : memref<1x16x64xf32, #tpu.memory_space<vmem>> -> memref<16x64xf32, #tpu.memory_space<vmem>>
    %dma_start3A_224 = arith.constant 32 : i32
    %dma_start3A_225 = tpu.memref_slice %arg5[%dma_start3A_218, %dma_start3A_224] : memref<50x128xi32, #tpu.memory_space<vmem>> -> memref<1x16xi32, #tpu.memory_space<vmem>>
    %dma_start3A_226 = tpu.memref_squeeze %dma_start3A_225 : memref<1x16xi32, #tpu.memory_space<vmem>> -> memref<16xi32, #tpu.memory_space<vmem>>
    %dma_start3A_227 = arith.constant 0 : i32
    %dma_start3A_228 = arith.constant 0 : i32
    %dma_start3A_229 = tpu.memref_slice %arg2[%dma_start3A_227, %dma_start3A_228] : memref<499968x64xf32, #tpu.memory_space<hbm>> -> memref<499968x64xf32, #tpu.memory_space<hbm>>
    tpu.enqueue_indirect_dma source(%dma_start3A_229 : memref<499968x64xf32, #tpu.memory_space<hbm>>) target(%dma_start3A_223 : memref<16x64xf32, #tpu.memory_space<vmem>>) offsets(%dma_start3A_226 : memref<16xi32, #tpu.memory_space<vmem>>) semaphore(%arg9 : memref<!tpu.dma_semaphore, #tpu.memory_space<semaphore_mem>>)
    %dma_start3A_230 = arith.constant 2 : i32
    %dma_start3A_231 = arith.constant 2 : i32
    %dma_start3A_232 = arith.constant 48 : i32
    %dma_start3A_233 = arith.constant 0 : i32
    %dma_start3A_234 = tpu.memref_slice %arg6[%dma_start3A_231, %dma_start3A_232, %dma_start3A_233] : memref<5x128x64xf32, #tpu.memory_space<vmem>> -> memref<1x16x64xf32, #tpu.memory_space<vmem>>
    %dma_start3A_235 = tpu.memref_squeeze %dma_start3A_234 : memref<1x16x64xf32, #tpu.memory_space<vmem>> -> memref<16x64xf32, #tpu.memory_space<vmem>>
    %dma_start3A_236 = arith.constant 48 : i32
    %dma_start3A_237 = tpu.memref_slice %arg5[%dma_start3A_230, %dma_start3A_236] : memref<50x128xi32, #tpu.memory_space<vmem>> -> memref<1x16xi32, #tpu.memory_space<vmem>>
    %dma_start3A_238 = tpu.memref_squeeze %dma_start3A_237 : memref<1x16xi32, #tpu.memory_space<vmem>> -> memref<16xi32, #tpu.memory_space<vmem>>
    %dma_start3A_239 = arith.constant 0 : i32
    %dma_start3A_240 = arith.constant 0 : i32
    %dma_start3A_241 = tpu.memref_slice %arg2[%dma_start3A_239, %dma_start3A_240] : memref<499968x64xf32, #tpu.memory_space<hbm>> -> memref<499968x64xf32, #tpu.memory_space<hbm>>
    tpu.enqueue_indirect_dma source(%dma_start3A_241 : memref<499968x64xf32, #tpu.memory_space<hbm>>) target(%dma_start3A_235 : memref<16x64xf32, #tpu.memory_space<vmem>>) offsets(%dma_start3A_238 : memref<16xi32, #tpu.memory_space<vmem>>) semaphore(%arg9 : memref<!tpu.dma_semaphore, #tpu.memory_space<semaphore_mem>>)
    %dma_start3A_242 = arith.constant 2 : i32
    %dma_start3A_243 = arith.constant 2 : i32
    %dma_start3A_244 = arith.constant 64 : i32
    %dma_start3A_245 = arith.constant 0 : i32
    %dma_start3A_246 = tpu.memref_slice %arg6[%dma_start3A_243, %dma_start3A_244, %dma_start3A_245] : memref<5x128x64xf32, #tpu.memory_space<vmem>> -> memref<1x16x64xf32, #tpu.memory_space<vmem>>
    %dma_start3A_247 = tpu.memref_squeeze %dma_start3A_246 : memref<1x16x64xf32, #tpu.memory_space<vmem>> -> memref<16x64xf32, #tpu.memory_space<vmem>>
    %dma_start3A_248 = arith.constant 64 : i32
    %dma_start3A_249 = tpu.memref_slice %arg5[%dma_start3A_242, %dma_start3A_248] : memref<50x128xi32, #tpu.memory_space<vmem>> -> memref<1x16xi32, #tpu.memory_space<vmem>>
    %dma_start3A_250 = tpu.memref_squeeze %dma_start3A_249 : memref<1x16xi32, #tpu.memory_space<vmem>> -> memref<16xi32, #tpu.memory_space<vmem>>
    %dma_start3A_251 = arith.constant 0 : i32
    %dma_start3A_252 = arith.constant 0 : i32
    %dma_start3A_253 = tpu.memref_slice %arg2[%dma_start3A_251, %dma_start3A_252] : memref<499968x64xf32, #tpu.memory_space<hbm>> -> memref<499968x64xf32, #tpu.memory_space<hbm>>
    tpu.enqueue_indirect_dma source(%dma_start3A_253 : memref<499968x64xf32, #tpu.memory_space<hbm>>) target(%dma_start3A_247 : memref<16x64xf32, #tpu.memory_space<vmem>>) offsets(%dma_start3A_250 : memref<16xi32, #tpu.memory_space<vmem>>) semaphore(%arg9 : memref<!tpu.dma_semaphore, #tpu.memory_space<semaphore_mem>>)
    %dma_start3A_254 = arith.constant 2 : i32
    %dma_start3A_255 = arith.constant 2 : i32
    %dma_start3A_256 = arith.constant 80 : i32
    %dma_start3A_257 = arith.constant 0 : i32
    %dma_start3A_258 = tpu.memref_slice %arg6[%dma_start3A_255, %dma_start3A_256, %dma_start3A_257] : memref<5x128x64xf32, #tpu.memory_space<vmem>> -> memref<1x16x64xf32, #tpu.memory_space<vmem>>
    %dma_start3A_259 = tpu.memref_squeeze %dma_start3A_258 : memref<1x16x64xf32, #tpu.memory_space<vmem>> -> memref<16x64xf32, #tpu.memory_space<vmem>>
    %dma_start3A_260 = arith.constant 80 : i32
    %dma_start3A_261 = tpu.memref_slice %arg5[%dma_start3A_254, %dma_start3A_260] : memref<50x128xi32, #tpu.memory_space<vmem>> -> memref<1x16xi32, #tpu.memory_space<vmem>>
    %dma_start3A_262 = tpu.memref_squeeze %dma_start3A_261 : memref<1x16xi32, #tpu.memory_space<vmem>> -> memref<16xi32, #tpu.memory_space<vmem>>
    %dma_start3A_263 = arith.constant 0 : i32
    %dma_start3A_264 = arith.constant 0 : i32
    %dma_start3A_265 = tpu.memref_slice %arg2[%dma_start3A_263, %dma_start3A_264] : memref<499968x64xf32, #tpu.memory_space<hbm>> -> memref<499968x64xf32, #tpu.memory_space<hbm>>
    tpu.enqueue_indirect_dma source(%dma_start3A_265 : memref<499968x64xf32, #tpu.memory_space<hbm>>) target(%dma_start3A_259 : memref<16x64xf32, #tpu.memory_space<vmem>>) offsets(%dma_start3A_262 : memref<16xi32, #tpu.memory_space<vmem>>) semaphore(%arg9 : memref<!tpu.dma_semaphore, #tpu.memory_space<semaphore_mem>>)
    %dma_start3A_266 = arith.constant 2 : i32
    %dma_start3A_267 = arith.constant 2 : i32
    %dma_start3A_268 = arith.constant 96 : i32
    %dma_start3A_269 = arith.constant 0 : i32
    %dma_start3A_270 = tpu.memref_slice %arg6[%dma_start3A_267, %dma_start3A_268, %dma_start3A_269] : memref<5x128x64xf32, #tpu.memory_space<vmem>> -> memref<1x16x64xf32, #tpu.memory_space<vmem>>
    %dma_start3A_271 = tpu.memref_squeeze %dma_start3A_270 : memref<1x16x64xf32, #tpu.memory_space<vmem>> -> memref<16x64xf32, #tpu.memory_space<vmem>>
    %dma_start3A_272 = arith.constant 96 : i32
    %dma_start3A_273 = tpu.memref_slice %arg5[%dma_start3A_266, %dma_start3A_272] : memref<50x128xi32, #tpu.memory_space<vmem>> -> memref<1x16xi32, #tpu.memory_space<vmem>>
    %dma_start3A_274 = tpu.memref_squeeze %dma_start3A_273 : memref<1x16xi32, #tpu.memory_space<vmem>> -> memref<16xi32, #tpu.memory_space<vmem>>
    %dma_start3A_275 = arith.constant 0 : i32
    %dma_start3A_276 = arith.constant 0 : i32
    %dma_start3A_277 = tpu.memref_slice %arg2[%dma_start3A_275, %dma_start3A_276] : memref<499968x64xf32, #tpu.memory_space<hbm>> -> memref<499968x64xf32, #tpu.memory_space<hbm>>
    tpu.enqueue_indirect_dma source(%dma_start3A_277 : memref<499968x64xf32, #tpu.memory_space<hbm>>) target(%dma_start3A_271 : memref<16x64xf32, #tpu.memory_space<vmem>>) offsets(%dma_start3A_274 : memref<16xi32, #tpu.memory_space<vmem>>) semaphore(%arg9 : memref<!tpu.dma_semaphore, #tpu.memory_space<semaphore_mem>>)
    %dma_start3A_278 = arith.constant 2 : i32
    %dma_start3A_279 = arith.constant 2 : i32
    %dma_start3A_280 = arith.constant 112 : i32
    %dma_start3A_281 = arith.constant 0 : i32
    %dma_start3A_282 = tpu.memref_slice %arg6[%dma_start3A_279, %dma_start3A_280, %dma_start3A_281] : memref<5x128x64xf32, #tpu.memory_space<vmem>> -> memref<1x16x64xf32, #tpu.memory_space<vmem>>
    %dma_start3A_283 = tpu.memref_squeeze %dma_start3A_282 : memref<1x16x64xf32, #tpu.memory_space<vmem>> -> memref<16x64xf32, #tpu.memory_space<vmem>>
    %dma_start3A_284 = arith.constant 112 : i32
    %dma_start3A_285 = tpu.memref_slice %arg5[%dma_start3A_278, %dma_start3A_284] : memref<50x128xi32, #tpu.memory_space<vmem>> -> memref<1x16xi32, #tpu.memory_space<vmem>>
    %dma_start3A_286 = tpu.memref_squeeze %dma_start3A_285 : memref<1x16xi32, #tpu.memory_space<vmem>> -> memref<16xi32, #tpu.memory_space<vmem>>
    %dma_start3A_287 = arith.constant 0 : i32
    %dma_start3A_288 = arith.constant 0 : i32
    %dma_start3A_289 = tpu.memref_slice %arg2[%dma_start3A_287, %dma_start3A_288] : memref<499968x64xf32, #tpu.memory_space<hbm>> -> memref<499968x64xf32, #tpu.memory_space<hbm>>
    tpu.enqueue_indirect_dma source(%dma_start3A_289 : memref<499968x64xf32, #tpu.memory_space<hbm>>) target(%dma_start3A_283 : memref<16x64xf32, #tpu.memory_space<vmem>>) offsets(%dma_start3A_286 : memref<16xi32, #tpu.memory_space<vmem>>) semaphore(%arg9 : memref<!tpu.dma_semaphore, #tpu.memory_space<semaphore_mem>>)
    %scan3A = arith.constant 0 : i32
    %scan3A_290 = arith.constant 10 : i32
    %scan3A_291 = arith.addi %scan3A, %scan3A_290 : i32
    %scan3A_292 = arith.constant 1 : i32
    scf.for %scan3A_368 = %scan3A to %scan3A_291 step %scan3A_292  : i32 {
      %mul3A_369 = arith.constant 5 : i32
      %mul3A_370 = arith.muli %scan3A_368, %mul3A_369 : i32
      %add3A_371 = arith.constant 0 : i32
      %add3A_372 = arith.addi %add3A_371, %mul3A_370 : i32
      %add3A_373 = arith.constant 0 : i32
      %add3A_374 = arith.addi %add3A_372, %add3A_373 : i32
      %dma_wait3A_375 = arith.constant 0 : i32
      %dma_wait3A_376 = arith.constant 0 : i32
      %dma_wait3A_377 = arith.constant 0 : i32
      %dma_wait3A_378 = arith.constant 0 : i32
      %dma_wait3A_379 = tpu.memref_slice %arg6[%dma_wait3A_376, %dma_wait3A_377, %dma_wait3A_378] : memref<5x128x64xf32, #tpu.memory_space<vmem>> -> memref<1x16x64xf32, #tpu.memory_space<vmem>>
      %dma_wait3A_380 = tpu.memref_squeeze %dma_wait3A_379 : memref<1x16x64xf32, #tpu.memory_space<vmem>> -> memref<16x64xf32, #tpu.memory_space<vmem>>
      %dma_wait3A_381 = arith.constant 0 : i32
      %dma_wait3A_382 = tpu.memref_slice %arg5[%dma_wait3A_375, %dma_wait3A_381] : memref<50x128xi32, #tpu.memory_space<vmem>> -> memref<1x16xi32, #tpu.memory_space<vmem>>
      %dma_wait3A_383 = tpu.memref_squeeze %dma_wait3A_382 : memref<1x16xi32, #tpu.memory_space<vmem>> -> memref<16xi32, #tpu.memory_space<vmem>>
      %dma_wait3A_384 = arith.constant 0 : i32
      %dma_wait3A_385 = arith.constant 0 : i32
      %dma_wait3A_386 = tpu.memref_slice %arg2[%dma_wait3A_384, %dma_wait3A_385] : memref<499968x64xf32, #tpu.memory_space<hbm>> -> memref<499968x64xf32, #tpu.memory_space<hbm>>
      tpu.wait_indirect_dma semaphore(%arg7 : memref<!tpu.dma_semaphore, #tpu.memory_space<semaphore_mem>>) src(%dma_wait3A_386 : memref<499968x64xf32, #tpu.memory_space<hbm>>) dst(%dma_wait3A_380 : memref<16x64xf32, #tpu.memory_space<vmem>>)
      %dma_wait3A_387 = arith.constant 0 : i32
      %dma_wait3A_388 = arith.constant 0 : i32
      %dma_wait3A_389 = arith.constant 16 : i32
      %dma_wait3A_390 = arith.constant 0 : i32
      %dma_wait3A_391 = tpu.memref_slice %arg6[%dma_wait3A_388, %dma_wait3A_389, %dma_wait3A_390] : memref<5x128x64xf32, #tpu.memory_space<vmem>> -> memref<1x16x64xf32, #tpu.memory_space<vmem>>
      %dma_wait3A_392 = tpu.memref_squeeze %dma_wait3A_391 : memref<1x16x64xf32, #tpu.memory_space<vmem>> -> memref<16x64xf32, #tpu.memory_space<vmem>>
      %dma_wait3A_393 = arith.constant 16 : i32
      %dma_wait3A_394 = tpu.memref_slice %arg5[%dma_wait3A_387, %dma_wait3A_393] : memref<50x128xi32, #tpu.memory_space<vmem>> -> memref<1x16xi32, #tpu.memory_space<vmem>>
      %dma_wait3A_395 = tpu.memref_squeeze %dma_wait3A_394 : memref<1x16xi32, #tpu.memory_space<vmem>> -> memref<16xi32, #tpu.memory_space<vmem>>
      %dma_wait3A_396 = arith.constant 0 : i32
      %dma_wait3A_397 = arith.constant 0 : i32
      %dma_wait3A_398 = tpu.memref_slice %arg2[%dma_wait3A_396, %dma_wait3A_397] : memref<499968x64xf32, #tpu.memory_space<hbm>> -> memref<499968x64xf32, #tpu.memory_space<hbm>>
      tpu.wait_indirect_dma semaphore(%arg7 : memref<!tpu.dma_semaphore, #tpu.memory_space<semaphore_mem>>) src(%dma_wait3A_398 : memref<499968x64xf32, #tpu.memory_space<hbm>>) dst(%dma_wait3A_392 : memref<16x64xf32, #tpu.memory_space<vmem>>)
      %dma_wait3A_399 = arith.constant 0 : i32
      %dma_wait3A_400 = arith.constant 0 : i32
      %dma_wait3A_401 = arith.constant 32 : i32
      %dma_wait3A_402 = arith.constant 0 : i32
      %dma_wait3A_403 = tpu.memref_slice %arg6[%dma_wait3A_400, %dma_wait3A_401, %dma_wait3A_402] : memref<5x128x64xf32, #tpu.memory_space<vmem>> -> memref<1x16x64xf32, #tpu.memory_space<vmem>>
      %dma_wait3A_404 = tpu.memref_squeeze %dma_wait3A_403 : memref<1x16x64xf32, #tpu.memory_space<vmem>> -> memref<16x64xf32, #tpu.memory_space<vmem>>
      %dma_wait3A_405 = arith.constant 32 : i32
      %dma_wait3A_406 = tpu.memref_slice %arg5[%dma_wait3A_399, %dma_wait3A_405] : memref<50x128xi32, #tpu.memory_space<vmem>> -> memref<1x16xi32, #tpu.memory_space<vmem>>
      %dma_wait3A_407 = tpu.memref_squeeze %dma_wait3A_406 : memref<1x16xi32, #tpu.memory_space<vmem>> -> memref<16xi32, #tpu.memory_space<vmem>>
      %dma_wait3A_408 = arith.constant 0 : i32
      %dma_wait3A_409 = arith.constant 0 : i32
      %dma_wait3A_410 = tpu.memref_slice %arg2[%dma_wait3A_408, %dma_wait3A_409] : memref<499968x64xf32, #tpu.memory_space<hbm>> -> memref<499968x64xf32, #tpu.memory_space<hbm>>
      tpu.wait_indirect_dma semaphore(%arg7 : memref<!tpu.dma_semaphore, #tpu.memory_space<semaphore_mem>>) src(%dma_wait3A_410 : memref<499968x64xf32, #tpu.memory_space<hbm>>) dst(%dma_wait3A_404 : memref<16x64xf32, #tpu.memory_space<vmem>>)
      %dma_wait3A_411 = arith.constant 0 : i32
      %dma_wait3A_412 = arith.constant 0 : i32
      %dma_wait3A_413 = arith.constant 48 : i32
      %dma_wait3A_414 = arith.constant 0 : i32
      %dma_wait3A_415 = tpu.memref_slice %arg6[%dma_wait3A_412, %dma_wait3A_413, %dma_wait3A_414] : memref<5x128x64xf32, #tpu.memory_space<vmem>> -> memref<1x16x64xf32, #tpu.memory_space<vmem>>
      %dma_wait3A_416 = tpu.memref_squeeze %dma_wait3A_415 : memref<1x16x64xf32, #tpu.memory_space<vmem>> -> memref<16x64xf32, #tpu.memory_space<vmem>>
      %dma_wait3A_417 = arith.constant 48 : i32
      %dma_wait3A_418 = tpu.memref_slice %arg5[%dma_wait3A_411, %dma_wait3A_417] : memref<50x128xi32, #tpu.memory_space<vmem>> -> memref<1x16xi32, #tpu.memory_space<vmem>>
      %dma_wait3A_419 = tpu.memref_squeeze %dma_wait3A_418 : memref<1x16xi32, #tpu.memory_space<vmem>> -> memref<16xi32, #tpu.memory_space<vmem>>
      %dma_wait3A_420 = arith.constant 0 : i32
      %dma_wait3A_421 = arith.constant 0 : i32
      %dma_wait3A_422 = tpu.memref_slice %arg2[%dma_wait3A_420, %dma_wait3A_421] : memref<499968x64xf32, #tpu.memory_space<hbm>> -> memref<499968x64xf32, #tpu.memory_space<hbm>>
      tpu.wait_indirect_dma semaphore(%arg7 : memref<!tpu.dma_semaphore, #tpu.memory_space<semaphore_mem>>) src(%dma_wait3A_422 : memref<499968x64xf32, #tpu.memory_space<hbm>>) dst(%dma_wait3A_416 : memref<16x64xf32, #tpu.memory_space<vmem>>)
      %dma_wait3A_423 = arith.constant 0 : i32
      %dma_wait3A_424 = arith.constant 0 : i32
      %dma_wait3A_425 = arith.constant 64 : i32
      %dma_wait3A_426 = arith.constant 0 : i32
      %dma_wait3A_427 = tpu.memref_slice %arg6[%dma_wait3A_424, %dma_wait3A_425, %dma_wait3A_426] : memref<5x128x64xf32, #tpu.memory_space<vmem>> -> memref<1x16x64xf32, #tpu.memory_space<vmem>>
      %dma_wait3A_428 = tpu.memref_squeeze %dma_wait3A_427 : memref<1x16x64xf32, #tpu.memory_space<vmem>> -> memref<16x64xf32, #tpu.memory_space<vmem>>
      %dma_wait3A_429 = arith.constant 64 : i32
      %dma_wait3A_430 = tpu.memref_slice %arg5[%dma_wait3A_423, %dma_wait3A_429] : memref<50x128xi32, #tpu.memory_space<vmem>> -> memref<1x16xi32, #tpu.memory_space<vmem>>
      %dma_wait3A_431 = tpu.memref_squeeze %dma_wait3A_430 : memref<1x16xi32, #tpu.memory_space<vmem>> -> memref<16xi32, #tpu.memory_space<vmem>>
      %dma_wait3A_432 = arith.constant 0 : i32
      %dma_wait3A_433 = arith.constant 0 : i32
      %dma_wait3A_434 = tpu.memref_slice %arg2[%dma_wait3A_432, %dma_wait3A_433] : memref<499968x64xf32, #tpu.memory_space<hbm>> -> memref<499968x64xf32, #tpu.memory_space<hbm>>
      tpu.wait_indirect_dma semaphore(%arg7 : memref<!tpu.dma_semaphore, #tpu.memory_space<semaphore_mem>>) src(%dma_wait3A_434 : memref<499968x64xf32, #tpu.memory_space<hbm>>) dst(%dma_wait3A_428 : memref<16x64xf32, #tpu.memory_space<vmem>>)
      %dma_wait3A_435 = arith.constant 0 : i32
      %dma_wait3A_436 = arith.constant 0 : i32
      %dma_wait3A_437 = arith.constant 80 : i32
      %dma_wait3A_438 = arith.constant 0 : i32
      %dma_wait3A_439 = tpu.memref_slice %arg6[%dma_wait3A_436, %dma_wait3A_437, %dma_wait3A_438] : memref<5x128x64xf32, #tpu.memory_space<vmem>> -> memref<1x16x64xf32, #tpu.memory_space<vmem>>
      %dma_wait3A_440 = tpu.memref_squeeze %dma_wait3A_439 : memref<1x16x64xf32, #tpu.memory_space<vmem>> -> memref<16x64xf32, #tpu.memory_space<vmem>>
      %dma_wait3A_441 = arith.constant 80 : i32
      %dma_wait3A_442 = tpu.memref_slice %arg5[%dma_wait3A_435, %dma_wait3A_441] : memref<50x128xi32, #tpu.memory_space<vmem>> -> memref<1x16xi32, #tpu.memory_space<vmem>>
      %dma_wait3A_443 = tpu.memref_squeeze %dma_wait3A_442 : memref<1x16xi32, #tpu.memory_space<vmem>> -> memref<16xi32, #tpu.memory_space<vmem>>
      %dma_wait3A_444 = arith.constant 0 : i32
      %dma_wait3A_445 = arith.constant 0 : i32
      %dma_wait3A_446 = tpu.memref_slice %arg2[%dma_wait3A_444, %dma_wait3A_445] : memref<499968x64xf32, #tpu.memory_space<hbm>> -> memref<499968x64xf32, #tpu.memory_space<hbm>>
      tpu.wait_indirect_dma semaphore(%arg7 : memref<!tpu.dma_semaphore, #tpu.memory_space<semaphore_mem>>) src(%dma_wait3A_446 : memref<499968x64xf32, #tpu.memory_space<hbm>>) dst(%dma_wait3A_440 : memref<16x64xf32, #tpu.memory_space<vmem>>)
      %dma_wait3A_447 = arith.constant 0 : i32
      %dma_wait3A_448 = arith.constant 0 : i32
      %dma_wait3A_449 = arith.constant 96 : i32
      %dma_wait3A_450 = arith.constant 0 : i32
      %dma_wait3A_451 = tpu.memref_slice %arg6[%dma_wait3A_448, %dma_wait3A_449, %dma_wait3A_450] : memref<5x128x64xf32, #tpu.memory_space<vmem>> -> memref<1x16x64xf32, #tpu.memory_space<vmem>>
      %dma_wait3A_452 = tpu.memref_squeeze %dma_wait3A_451 : memref<1x16x64xf32, #tpu.memory_space<vmem>> -> memref<16x64xf32, #tpu.memory_space<vmem>>
      %dma_wait3A_453 = arith.constant 96 : i32
      %dma_wait3A_454 = tpu.memref_slice %arg5[%dma_wait3A_447, %dma_wait3A_453] : memref<50x128xi32, #tpu.memory_space<vmem>> -> memref<1x16xi32, #tpu.memory_space<vmem>>
      %dma_wait3A_455 = tpu.memref_squeeze %dma_wait3A_454 : memref<1x16xi32, #tpu.memory_space<vmem>> -> memref<16xi32, #tpu.memory_space<vmem>>
      %dma_wait3A_456 = arith.constant 0 : i32
      %dma_wait3A_457 = arith.constant 0 : i32
      %dma_wait3A_458 = tpu.memref_slice %arg2[%dma_wait3A_456, %dma_wait3A_457] : memref<499968x64xf32, #tpu.memory_space<hbm>> -> memref<499968x64xf32, #tpu.memory_space<hbm>>
      tpu.wait_indirect_dma semaphore(%arg7 : memref<!tpu.dma_semaphore, #tpu.memory_space<semaphore_mem>>) src(%dma_wait3A_458 : memref<499968x64xf32, #tpu.memory_space<hbm>>) dst(%dma_wait3A_452 : memref<16x64xf32, #tpu.memory_space<vmem>>)
      %dma_wait3A_459 = arith.constant 0 : i32
      %dma_wait3A_460 = arith.constant 0 : i32
      %dma_wait3A_461 = arith.constant 112 : i32
      %dma_wait3A_462 = arith.constant 0 : i32
      %dma_wait3A_463 = tpu.memref_slice %arg6[%dma_wait3A_460, %dma_wait3A_461, %dma_wait3A_462] : memref<5x128x64xf32, #tpu.memory_space<vmem>> -> memref<1x16x64xf32, #tpu.memory_space<vmem>>
      %dma_wait3A_464 = tpu.memref_squeeze %dma_wait3A_463 : memref<1x16x64xf32, #tpu.memory_space<vmem>> -> memref<16x64xf32, #tpu.memory_space<vmem>>
      %dma_wait3A_465 = arith.constant 112 : i32
      %dma_wait3A_466 = tpu.memref_slice %arg5[%dma_wait3A_459, %dma_wait3A_465] : memref<50x128xi32, #tpu.memory_space<vmem>> -> memref<1x16xi32, #tpu.memory_space<vmem>>
      %dma_wait3A_467 = tpu.memref_squeeze %dma_wait3A_466 : memref<1x16xi32, #tpu.memory_space<vmem>> -> memref<16xi32, #tpu.memory_space<vmem>>
      %dma_wait3A_468 = arith.constant 0 : i32
      %dma_wait3A_469 = arith.constant 0 : i32
      %dma_wait3A_470 = tpu.memref_slice %arg2[%dma_wait3A_468, %dma_wait3A_469] : memref<499968x64xf32, #tpu.memory_space<hbm>> -> memref<499968x64xf32, #tpu.memory_space<hbm>>
      tpu.wait_indirect_dma semaphore(%arg7 : memref<!tpu.dma_semaphore, #tpu.memory_space<semaphore_mem>>) src(%dma_wait3A_470 : memref<499968x64xf32, #tpu.memory_space<hbm>>) dst(%dma_wait3A_464 : memref<16x64xf32, #tpu.memory_space<vmem>>)
      %mul3A_471 = arith.constant 128 : i32
      %mul3A_472 = arith.muli %add3A_374, %mul3A_471 : i32
      %add3A_473 = arith.addi %mul3A_2, %mul3A_472 : i32
      %dma_start3A_474 = arith.constant 0 : i32
      %dma_start3A_475 = arith.constant 0 : i32
      %dma_start3A_476 = arith.constant 0 : i32
      %dma_start3A_477 = tpu.memref_slice %arg6[%dma_start3A_474, %dma_start3A_475, %dma_start3A_476] : memref<5x128x64xf32, #tpu.memory_space<vmem>> -> memref<1x128x64xf32, #tpu.memory_space<vmem>>
      %dma_start3A_478 = tpu.memref_squeeze %dma_start3A_477 : memref<1x128x64xf32, #tpu.memory_space<vmem>> -> memref<128x64xf32, #tpu.memory_space<vmem>>
      %dma_start3A_479 = arith.constant 0 : i32
      %dma_start3A_480 = tpu.memref_slice %arg4[%add3A_473, %dma_start3A_479] : memref<204800x64xf32, #tpu.memory_space<hbm>> -> memref<128x64xf32, #tpu.memory_space<hbm>>
      %dma_start3A_481 = arith.constant 0 : i32
      %dma_start3A_482 = tpu.memref_slice %arg4[%add3A_473, %dma_start3A_481] : memref<204800x64xf32, #tpu.memory_space<hbm>> -> memref<128x64xf32, #tpu.memory_space<hbm>>
      %dma_start3A_483 = arith.constant 0 : i32
      %dma_start3A_484 = arith.constant 0 : i32
      %dma_start3A_485 = tpu.memref_slice %arg6[%dma_start3A_474, %dma_start3A_483, %dma_start3A_484] : memref<5x128x64xf32, #tpu.memory_space<vmem>> -> memref<1x128x64xf32, #tpu.memory_space<vmem>>
      %dma_start3A_486 = tpu.memref_squeeze %dma_start3A_485 : memref<1x128x64xf32, #tpu.memory_space<vmem>> -> memref<128x64xf32, #tpu.memory_space<vmem>>
      tpu.enqueue_dma source(%dma_start3A_486 : memref<128x64xf32, #tpu.memory_space<vmem>>) target(%dma_start3A_482 : memref<128x64xf32, #tpu.memory_space<hbm>>) target_semaphore(%arg12 : memref<!tpu.dma_semaphore, #tpu.memory_space<semaphore_mem>>)
      %add3A_487 = arith.constant 3 : i32
      %add3A_488 = arith.addi %add3A_374, %add3A_487 : i32
      %lt3A = arith.constant 50 : i32
      %lt3A_489 = arith.cmpi slt, %add3A_488, %lt3A : i32
      %convert_element_type3A = arith.extui %lt3A_489 : i1 to i32
      %cond3A = arith.constant 0 : i32
      %cond3A_490 = arith.cmpi ne, %convert_element_type3A, %cond3A : i32
      scf.if %cond3A_490 {
        %ge3A = arith.constant 2 : i32
        %ge3A_975 = arith.cmpi sge, %add3A_374, %ge3A : i32
        %convert_element_type3A_976 = arith.extui %ge3A_975 : i1 to i32
        %cond3A_977 = arith.constant 0 : i32
        %cond3A_978 = arith.cmpi ne, %convert_element_type3A_976, %cond3A_977 : i32
        scf.if %cond3A_978 {
          %dma_wait3A_1069 = arith.constant 3 : i32
          %dma_wait3A_1070 = arith.constant 0 : i32
          %dma_wait3A_1071 = arith.constant 0 : i32
          %dma_wait3A_1072 = tpu.memref_slice %arg6[%dma_wait3A_1069, %dma_wait3A_1070, %dma_wait3A_1071] : memref<5x128x64xf32, #tpu.memory_space<vmem>> -> memref<1x128x64xf32, #tpu.memory_space<vmem>>
          %dma_wait3A_1073 = tpu.memref_squeeze %dma_wait3A_1072 : memref<1x128x64xf32, #tpu.memory_space<vmem>> -> memref<128x64xf32, #tpu.memory_space<vmem>>
          %dma_wait3A_1074 = arith.constant 0 : i32
          %dma_wait3A_1075 = arith.constant 0 : i32
          %dma_wait3A_1076 = tpu.memref_slice %arg4[%dma_wait3A_1074, %dma_wait3A_1075] : memref<204800x64xf32, #tpu.memory_space<hbm>> -> memref<128x64xf32, #tpu.memory_space<hbm>>
          %dma_wait3A_1077 = arith.constant 0 : i32
          %dma_wait3A_1078 = arith.constant 0 : i32
          %dma_wait3A_1079 = tpu.memref_slice %arg4[%dma_wait3A_1077, %dma_wait3A_1078] : memref<204800x64xf32, #tpu.memory_space<hbm>> -> memref<128x64xf32, #tpu.memory_space<hbm>>
          %dma_wait3A_1080 = arith.constant 0 : i32
          %dma_wait3A_1081 = arith.constant 0 : i32
          %dma_wait3A_1082 = tpu.memref_slice %arg6[%dma_wait3A_1069, %dma_wait3A_1080, %dma_wait3A_1081] : memref<5x128x64xf32, #tpu.memory_space<vmem>> -> memref<1x128x64xf32, #tpu.memory_space<vmem>>
          %dma_wait3A_1083 = tpu.memref_squeeze %dma_wait3A_1082 : memref<1x128x64xf32, #tpu.memory_space<vmem>> -> memref<128x64xf32, #tpu.memory_space<vmem>>
          tpu.wait_dma2 semaphore(%arg15 : memref<!tpu.dma_semaphore, #tpu.memory_space<semaphore_mem>>) src(%dma_wait3A_1083 : memref<128x64xf32, #tpu.memory_space<vmem>>) dst(%dma_wait3A_1079 : memref<128x64xf32, #tpu.memory_space<hbm>>)
        } else {
        }
        %add3A_979 = arith.constant 3 : i32
        %add3A_980 = arith.addi %add3A_374, %add3A_979 : i32
        %dma_start3A_981 = arith.constant 3 : i32
        %dma_start3A_982 = arith.constant 0 : i32
        %dma_start3A_983 = arith.constant 0 : i32
        %dma_start3A_984 = tpu.memref_slice %arg6[%dma_start3A_981, %dma_start3A_982, %dma_start3A_983] : memref<5x128x64xf32, #tpu.memory_space<vmem>> -> memref<1x16x64xf32, #tpu.memory_space<vmem>>
        %dma_start3A_985 = tpu.memref_squeeze %dma_start3A_984 : memref<1x16x64xf32, #tpu.memory_space<vmem>> -> memref<16x64xf32, #tpu.memory_space<vmem>>
        %dma_start3A_986 = arith.constant 0 : i32
        %dma_start3A_987 = tpu.memref_slice %arg5[%add3A_980, %dma_start3A_986] : memref<50x128xi32, #tpu.memory_space<vmem>> -> memref<1x16xi32, #tpu.memory_space<vmem>>
        %dma_start3A_988 = tpu.memref_squeeze %dma_start3A_987 : memref<1x16xi32, #tpu.memory_space<vmem>> -> memref<16xi32, #tpu.memory_space<vmem>>
        %dma_start3A_989 = arith.constant 0 : i32
        %dma_start3A_990 = arith.constant 0 : i32
        %dma_start3A_991 = tpu.memref_slice %arg2[%dma_start3A_989, %dma_start3A_990] : memref<499968x64xf32, #tpu.memory_space<hbm>> -> memref<499968x64xf32, #tpu.memory_space<hbm>>
        tpu.enqueue_indirect_dma source(%dma_start3A_991 : memref<499968x64xf32, #tpu.memory_space<hbm>>) target(%dma_start3A_985 : memref<16x64xf32, #tpu.memory_space<vmem>>) offsets(%dma_start3A_988 : memref<16xi32, #tpu.memory_space<vmem>>) semaphore(%arg10 : memref<!tpu.dma_semaphore, #tpu.memory_space<semaphore_mem>>)
        %dma_start3A_992 = arith.constant 3 : i32
        %dma_start3A_993 = arith.constant 16 : i32
        %dma_start3A_994 = arith.constant 0 : i32
        %dma_start3A_995 = tpu.memref_slice %arg6[%dma_start3A_992, %dma_start3A_993, %dma_start3A_994] : memref<5x128x64xf32, #tpu.memory_space<vmem>> -> memref<1x16x64xf32, #tpu.memory_space<vmem>>
        %dma_start3A_996 = tpu.memref_squeeze %dma_start3A_995 : memref<1x16x64xf32, #tpu.memory_space<vmem>> -> memref<16x64xf32, #tpu.memory_space<vmem>>
        %dma_start3A_997 = arith.constant 16 : i32
        %dma_start3A_998 = tpu.memref_slice %arg5[%add3A_980, %dma_start3A_997] : memref<50x128xi32, #tpu.memory_space<vmem>> -> memref<1x16xi32, #tpu.memory_space<vmem>>
        %dma_start3A_999 = tpu.memref_squeeze %dma_start3A_998 : memref<1x16xi32, #tpu.memory_space<vmem>> -> memref<16xi32, #tpu.memory_space<vmem>>
        %dma_start3A_1000 = arith.constant 0 : i32
        %dma_start3A_1001 = arith.constant 0 : i32
        %dma_start3A_1002 = tpu.memref_slice %arg2[%dma_start3A_1000, %dma_start3A_1001] : memref<499968x64xf32, #tpu.memory_space<hbm>> -> memref<499968x64xf32, #tpu.memory_space<hbm>>
        tpu.enqueue_indirect_dma source(%dma_start3A_1002 : memref<499968x64xf32, #tpu.memory_space<hbm>>) target(%dma_start3A_996 : memref<16x64xf32, #tpu.memory_space<vmem>>) offsets(%dma_start3A_999 : memref<16xi32, #tpu.memory_space<vmem>>) semaphore(%arg10 : memref<!tpu.dma_semaphore, #tpu.memory_space<semaphore_mem>>)
        %dma_start3A_1003 = arith.constant 3 : i32
        %dma_start3A_1004 = arith.constant 32 : i32
        %dma_start3A_1005 = arith.constant 0 : i32
        %dma_start3A_1006 = tpu.memref_slice %arg6[%dma_start3A_1003, %dma_start3A_1004, %dma_start3A_1005] : memref<5x128x64xf32, #tpu.memory_space<vmem>> -> memref<1x16x64xf32, #tpu.memory_space<vmem>>
        %dma_start3A_1007 = tpu.memref_squeeze %dma_start3A_1006 : memref<1x16x64xf32, #tpu.memory_space<vmem>> -> memref<16x64xf32, #tpu.memory_space<vmem>>
        %dma_start3A_1008 = arith.constant 32 : i32
        %dma_start3A_1009 = tpu.memref_slice %arg5[%add3A_980, %dma_start3A_1008] : memref<50x128xi32, #tpu.memory_space<vmem>> -> memref<1x16xi32, #tpu.memory_space<vmem>>
        %dma_start3A_1010 = tpu.memref_squeeze %dma_start3A_1009 : memref<1x16xi32, #tpu.memory_space<vmem>> -> memref<16xi32, #tpu.memory_space<vmem>>
        %dma_start3A_1011 = arith.constant 0 : i32
        %dma_start3A_1012 = arith.constant 0 : i32
        %dma_start3A_1013 = tpu.memref_slice %arg2[%dma_start3A_1011, %dma_start3A_1012] : memref<499968x64xf32, #tpu.memory_space<hbm>> -> memref<499968x64xf32, #tpu.memory_space<hbm>>
        tpu.enqueue_indirect_dma source(%dma_start3A_1013 : memref<499968x64xf32, #tpu.memory_space<hbm>>) target(%dma_start3A_1007 : memref<16x64xf32, #tpu.memory_space<vmem>>) offsets(%dma_start3A_1010 : memref<16xi32, #tpu.memory_space<vmem>>) semaphore(%arg10 : memref<!tpu.dma_semaphore, #tpu.memory_space<semaphore_mem>>)
        %dma_start3A_1014 = arith.constant 3 : i32
        %dma_start3A_1015 = arith.constant 48 : i32
        %dma_start3A_1016 = arith.constant 0 : i32
        %dma_start3A_1017 = tpu.memref_slice %arg6[%dma_start3A_1014, %dma_start3A_1015, %dma_start3A_1016] : memref<5x128x64xf32, #tpu.memory_space<vmem>> -> memref<1x16x64xf32, #tpu.memory_space<vmem>>
        %dma_start3A_1018 = tpu.memref_squeeze %dma_start3A_1017 : memref<1x16x64xf32, #tpu.memory_space<vmem>> -> memref<16x64xf32, #tpu.memory_space<vmem>>
        %dma_start3A_1019 = arith.constant 48 : i32
        %dma_start3A_1020 = tpu.memref_slice %arg5[%add3A_980, %dma_start3A_1019] : memref<50x128xi32, #tpu.memory_space<vmem>> -> memref<1x16xi32, #tpu.memory_space<vmem>>
        %dma_start3A_1021 = tpu.memref_squeeze %dma_start3A_1020 : memref<1x16xi32, #tpu.memory_space<vmem>> -> memref<16xi32, #tpu.memory_space<vmem>>
        %dma_start3A_1022 = arith.constant 0 : i32
        %dma_start3A_1023 = arith.constant 0 : i32
        %dma_start3A_1024 = tpu.memref_slice %arg2[%dma_start3A_1022, %dma_start3A_1023] : memref<499968x64xf32, #tpu.memory_space<hbm>> -> memref<499968x64xf32, #tpu.memory_space<hbm>>
        tpu.enqueue_indirect_dma source(%dma_start3A_1024 : memref<499968x64xf32, #tpu.memory_space<hbm>>) target(%dma_start3A_1018 : memref<16x64xf32, #tpu.memory_space<vmem>>) offsets(%dma_start3A_1021 : memref<16xi32, #tpu.memory_space<vmem>>) semaphore(%arg10 : memref<!tpu.dma_semaphore, #tpu.memory_space<semaphore_mem>>)
        %dma_start3A_1025 = arith.constant 3 : i32
        %dma_start3A_1026 = arith.constant 64 : i32
        %dma_start3A_1027 = arith.constant 0 : i32
        %dma_start3A_1028 = tpu.memref_slice %arg6[%dma_start3A_1025, %dma_start3A_1026, %dma_start3A_1027] : memref<5x128x64xf32, #tpu.memory_space<vmem>> -> memref<1x16x64xf32, #tpu.memory_space<vmem>>
        %dma_start3A_1029 = tpu.memref_squeeze %dma_start3A_1028 : memref<1x16x64xf32, #tpu.memory_space<vmem>> -> memref<16x64xf32, #tpu.memory_space<vmem>>
        %dma_start3A_1030 = arith.constant 64 : i32
        %dma_start3A_1031 = tpu.memref_slice %arg5[%add3A_980, %dma_start3A_1030] : memref<50x128xi32, #tpu.memory_space<vmem>> -> memref<1x16xi32, #tpu.memory_space<vmem>>
        %dma_start3A_1032 = tpu.memref_squeeze %dma_start3A_1031 : memref<1x16xi32, #tpu.memory_space<vmem>> -> memref<16xi32, #tpu.memory_space<vmem>>
        %dma_start3A_1033 = arith.constant 0 : i32
        %dma_start3A_1034 = arith.constant 0 : i32
        %dma_start3A_1035 = tpu.memref_slice %arg2[%dma_start3A_1033, %dma_start3A_1034] : memref<499968x64xf32, #tpu.memory_space<hbm>> -> memref<499968x64xf32, #tpu.memory_space<hbm>>
        tpu.enqueue_indirect_dma source(%dma_start3A_1035 : memref<499968x64xf32, #tpu.memory_space<hbm>>) target(%dma_start3A_1029 : memref<16x64xf32, #tpu.memory_space<vmem>>) offsets(%dma_start3A_1032 : memref<16xi32, #tpu.memory_space<vmem>>) semaphore(%arg10 : memref<!tpu.dma_semaphore, #tpu.memory_space<semaphore_mem>>)
        %dma_start3A_1036 = arith.constant 3 : i32
        %dma_start3A_1037 = arith.constant 80 : i32
        %dma_start3A_1038 = arith.constant 0 : i32
        %dma_start3A_1039 = tpu.memref_slice %arg6[%dma_start3A_1036, %dma_start3A_1037, %dma_start3A_1038] : memref<5x128x64xf32, #tpu.memory_space<vmem>> -> memref<1x16x64xf32, #tpu.memory_space<vmem>>
        %dma_start3A_1040 = tpu.memref_squeeze %dma_start3A_1039 : memref<1x16x64xf32, #tpu.memory_space<vmem>> -> memref<16x64xf32, #tpu.memory_space<vmem>>
        %dma_start3A_1041 = arith.constant 80 : i32
        %dma_start3A_1042 = tpu.memref_slice %arg5[%add3A_980, %dma_start3A_1041] : memref<50x128xi32, #tpu.memory_space<vmem>> -> memref<1x16xi32, #tpu.memory_space<vmem>>
        %dma_start3A_1043 = tpu.memref_squeeze %dma_start3A_1042 : memref<1x16xi32, #tpu.memory_space<vmem>> -> memref<16xi32, #tpu.memory_space<vmem>>
        %dma_start3A_1044 = arith.constant 0 : i32
        %dma_start3A_1045 = arith.constant 0 : i32
        %dma_start3A_1046 = tpu.memref_slice %arg2[%dma_start3A_1044, %dma_start3A_1045] : memref<499968x64xf32, #tpu.memory_space<hbm>> -> memref<499968x64xf32, #tpu.memory_space<hbm>>
        tpu.enqueue_indirect_dma source(%dma_start3A_1046 : memref<499968x64xf32, #tpu.memory_space<hbm>>) target(%dma_start3A_1040 : memref<16x64xf32, #tpu.memory_space<vmem>>) offsets(%dma_start3A_1043 : memref<16xi32, #tpu.memory_space<vmem>>) semaphore(%arg10 : memref<!tpu.dma_semaphore, #tpu.memory_space<semaphore_mem>>)
        %dma_start3A_1047 = arith.constant 3 : i32
        %dma_start3A_1048 = arith.constant 96 : i32
        %dma_start3A_1049 = arith.constant 0 : i32
        %dma_start3A_1050 = tpu.memref_slice %arg6[%dma_start3A_1047, %dma_start3A_1048, %dma_start3A_1049] : memref<5x128x64xf32, #tpu.memory_space<vmem>> -> memref<1x16x64xf32, #tpu.memory_space<vmem>>
        %dma_start3A_1051 = tpu.memref_squeeze %dma_start3A_1050 : memref<1x16x64xf32, #tpu.memory_space<vmem>> -> memref<16x64xf32, #tpu.memory_space<vmem>>
        %dma_start3A_1052 = arith.constant 96 : i32
        %dma_start3A_1053 = tpu.memref_slice %arg5[%add3A_980, %dma_start3A_1052] : memref<50x128xi32, #tpu.memory_space<vmem>> -> memref<1x16xi32, #tpu.memory_space<vmem>>
        %dma_start3A_1054 = tpu.memref_squeeze %dma_start3A_1053 : memref<1x16xi32, #tpu.memory_space<vmem>> -> memref<16xi32, #tpu.memory_space<vmem>>
        %dma_start3A_1055 = arith.constant 0 : i32
        %dma_start3A_1056 = arith.constant 0 : i32
        %dma_start3A_1057 = tpu.memref_slice %arg2[%dma_start3A_1055, %dma_start3A_1056] : memref<499968x64xf32, #tpu.memory_space<hbm>> -> memref<499968x64xf32, #tpu.memory_space<hbm>>
        tpu.enqueue_indirect_dma source(%dma_start3A_1057 : memref<499968x64xf32, #tpu.memory_space<hbm>>) target(%dma_start3A_1051 : memref<16x64xf32, #tpu.memory_space<vmem>>) offsets(%dma_start3A_1054 : memref<16xi32, #tpu.memory_space<vmem>>) semaphore(%arg10 : memref<!tpu.dma_semaphore, #tpu.memory_space<semaphore_mem>>)
        %dma_start3A_1058 = arith.constant 3 : i32
        %dma_start3A_1059 = arith.constant 112 : i32
        %dma_start3A_1060 = arith.constant 0 : i32
        %dma_start3A_1061 = tpu.memref_slice %arg6[%dma_start3A_1058, %dma_start3A_1059, %dma_start3A_1060] : memref<5x128x64xf32, #tpu.memory_space<vmem>> -> memref<1x16x64xf32, #tpu.memory_space<vmem>>
        %dma_start3A_1062 = tpu.memref_squeeze %dma_start3A_1061 : memref<1x16x64xf32, #tpu.memory_space<vmem>> -> memref<16x64xf32, #tpu.memory_space<vmem>>
        %dma_start3A_1063 = arith.constant 112 : i32
        %dma_start3A_1064 = tpu.memref_slice %arg5[%add3A_980, %dma_start3A_1063] : memref<50x128xi32, #tpu.memory_space<vmem>> -> memref<1x16xi32, #tpu.memory_space<vmem>>
        %dma_start3A_1065 = tpu.memref_squeeze %dma_start3A_1064 : memref<1x16xi32, #tpu.memory_space<vmem>> -> memref<16xi32, #tpu.memory_space<vmem>>
        %dma_start3A_1066 = arith.constant 0 : i32
        %dma_start3A_1067 = arith.constant 0 : i32
        %dma_start3A_1068 = tpu.memref_slice %arg2[%dma_start3A_1066, %dma_start3A_1067] : memref<499968x64xf32, #tpu.memory_space<hbm>> -> memref<499968x64xf32, #tpu.memory_space<hbm>>
        tpu.enqueue_indirect_dma source(%dma_start3A_1068 : memref<499968x64xf32, #tpu.memory_space<hbm>>) target(%dma_start3A_1062 : memref<16x64xf32, #tpu.memory_space<vmem>>) offsets(%dma_start3A_1065 : memref<16xi32, #tpu.memory_space<vmem>>) semaphore(%arg10 : memref<!tpu.dma_semaphore, #tpu.memory_space<semaphore_mem>>)
      } else {
      }
      %add3A_491 = arith.constant 1 : i32
      %add3A_492 = arith.addi %add3A_372, %add3A_491 : i32
      %dma_wait3A_493 = arith.constant 0 : i32
      %dma_wait3A_494 = arith.constant 1 : i32
      %dma_wait3A_495 = arith.constant 0 : i32
      %dma_wait3A_496 = arith.constant 0 : i32
      %dma_wait3A_497 = tpu.memref_slice %arg6[%dma_wait3A_494, %dma_wait3A_495, %dma_wait3A_496] : memref<5x128x64xf32, #tpu.memory_space<vmem>> -> memref<1x16x64xf32, #tpu.memory_space<vmem>>
      %dma_wait3A_498 = tpu.memref_squeeze %dma_wait3A_497 : memref<1x16x64xf32, #tpu.memory_space<vmem>> -> memref<16x64xf32, #tpu.memory_space<vmem>>
      %dma_wait3A_499 = arith.constant 0 : i32
      %dma_wait3A_500 = tpu.memref_slice %arg5[%dma_wait3A_493, %dma_wait3A_499] : memref<50x128xi32, #tpu.memory_space<vmem>> -> memref<1x16xi32, #tpu.memory_space<vmem>>
      %dma_wait3A_501 = tpu.memref_squeeze %dma_wait3A_500 : memref<1x16xi32, #tpu.memory_space<vmem>> -> memref<16xi32, #tpu.memory_space<vmem>>
      %dma_wait3A_502 = arith.constant 0 : i32
      %dma_wait3A_503 = arith.constant 0 : i32
      %dma_wait3A_504 = tpu.memref_slice %arg2[%dma_wait3A_502, %dma_wait3A_503] : memref<499968x64xf32, #tpu.memory_space<hbm>> -> memref<499968x64xf32, #tpu.memory_space<hbm>>
      tpu.wait_indirect_dma semaphore(%arg8 : memref<!tpu.dma_semaphore, #tpu.memory_space<semaphore_mem>>) src(%dma_wait3A_504 : memref<499968x64xf32, #tpu.memory_space<hbm>>) dst(%dma_wait3A_498 : memref<16x64xf32, #tpu.memory_space<vmem>>)
      %dma_wait3A_505 = arith.constant 0 : i32
      %dma_wait3A_506 = arith.constant 1 : i32
      %dma_wait3A_507 = arith.constant 16 : i32
      %dma_wait3A_508 = arith.constant 0 : i32
      %dma_wait3A_509 = tpu.memref_slice %arg6[%dma_wait3A_506, %dma_wait3A_507, %dma_wait3A_508] : memref<5x128x64xf32, #tpu.memory_space<vmem>> -> memref<1x16x64xf32, #tpu.memory_space<vmem>>
      %dma_wait3A_510 = tpu.memref_squeeze %dma_wait3A_509 : memref<1x16x64xf32, #tpu.memory_space<vmem>> -> memref<16x64xf32, #tpu.memory_space<vmem>>
      %dma_wait3A_511 = arith.constant 16 : i32
      %dma_wait3A_512 = tpu.memref_slice %arg5[%dma_wait3A_505, %dma_wait3A_511] : memref<50x128xi32, #tpu.memory_space<vmem>> -> memref<1x16xi32, #tpu.memory_space<vmem>>
      %dma_wait3A_513 = tpu.memref_squeeze %dma_wait3A_512 : memref<1x16xi32, #tpu.memory_space<vmem>> -> memref<16xi32, #tpu.memory_space<vmem>>
      %dma_wait3A_514 = arith.constant 0 : i32
      %dma_wait3A_515 = arith.constant 0 : i32
      %dma_wait3A_516 = tpu.memref_slice %arg2[%dma_wait3A_514, %dma_wait3A_515] : memref<499968x64xf32, #tpu.memory_space<hbm>> -> memref<499968x64xf32, #tpu.memory_space<hbm>>
      tpu.wait_indirect_dma semaphore(%arg8 : memref<!tpu.dma_semaphore, #tpu.memory_space<semaphore_mem>>) src(%dma_wait3A_516 : memref<499968x64xf32, #tpu.memory_space<hbm>>) dst(%dma_wait3A_510 : memref<16x64xf32, #tpu.memory_space<vmem>>)
      %dma_wait3A_517 = arith.constant 0 : i32
      %dma_wait3A_518 = arith.constant 1 : i32
      %dma_wait3A_519 = arith.constant 32 : i32
      %dma_wait3A_520 = arith.constant 0 : i32
      %dma_wait3A_521 = tpu.memref_slice %arg6[%dma_wait3A_518, %dma_wait3A_519, %dma_wait3A_520] : memref<5x128x64xf32, #tpu.memory_space<vmem>> -> memref<1x16x64xf32, #tpu.memory_space<vmem>>
      %dma_wait3A_522 = tpu.memref_squeeze %dma_wait3A_521 : memref<1x16x64xf32, #tpu.memory_space<vmem>> -> memref<16x64xf32, #tpu.memory_space<vmem>>
      %dma_wait3A_523 = arith.constant 32 : i32
      %dma_wait3A_524 = tpu.memref_slice %arg5[%dma_wait3A_517, %dma_wait3A_523] : memref<50x128xi32, #tpu.memory_space<vmem>> -> memref<1x16xi32, #tpu.memory_space<vmem>>
      %dma_wait3A_525 = tpu.memref_squeeze %dma_wait3A_524 : memref<1x16xi32, #tpu.memory_space<vmem>> -> memref<16xi32, #tpu.memory_space<vmem>>
      %dma_wait3A_526 = arith.constant 0 : i32
      %dma_wait3A_527 = arith.constant 0 : i32
      %dma_wait3A_528 = tpu.memref_slice %arg2[%dma_wait3A_526, %dma_wait3A_527] : memref<499968x64xf32, #tpu.memory_space<hbm>> -> memref<499968x64xf32, #tpu.memory_space<hbm>>
      tpu.wait_indirect_dma semaphore(%arg8 : memref<!tpu.dma_semaphore, #tpu.memory_space<semaphore_mem>>) src(%dma_wait3A_528 : memref<499968x64xf32, #tpu.memory_space<hbm>>) dst(%dma_wait3A_522 : memref<16x64xf32, #tpu.memory_space<vmem>>)
      %dma_wait3A_529 = arith.constant 0 : i32
      %dma_wait3A_530 = arith.constant 1 : i32
      %dma_wait3A_531 = arith.constant 48 : i32
      %dma_wait3A_532 = arith.constant 0 : i32
      %dma_wait3A_533 = tpu.memref_slice %arg6[%dma_wait3A_530, %dma_wait3A_531, %dma_wait3A_532] : memref<5x128x64xf32, #tpu.memory_space<vmem>> -> memref<1x16x64xf32, #tpu.memory_space<vmem>>
      %dma_wait3A_534 = tpu.memref_squeeze %dma_wait3A_533 : memref<1x16x64xf32, #tpu.memory_space<vmem>> -> memref<16x64xf32, #tpu.memory_space<vmem>>
      %dma_wait3A_535 = arith.constant 48 : i32
      %dma_wait3A_536 = tpu.memref_slice %arg5[%dma_wait3A_529, %dma_wait3A_535] : memref<50x128xi32, #tpu.memory_space<vmem>> -> memref<1x16xi32, #tpu.memory_space<vmem>>
      %dma_wait3A_537 = tpu.memref_squeeze %dma_wait3A_536 : memref<1x16xi32, #tpu.memory_space<vmem>> -> memref<16xi32, #tpu.memory_space<vmem>>
      %dma_wait3A_538 = arith.constant 0 : i32
      %dma_wait3A_539 = arith.constant 0 : i32
      %dma_wait3A_540 = tpu.memref_slice %arg2[%dma_wait3A_538, %dma_wait3A_539] : memref<499968x64xf32, #tpu.memory_space<hbm>> -> memref<499968x64xf32, #tpu.memory_space<hbm>>
      tpu.wait_indirect_dma semaphore(%arg8 : memref<!tpu.dma_semaphore, #tpu.memory_space<semaphore_mem>>) src(%dma_wait3A_540 : memref<499968x64xf32, #tpu.memory_space<hbm>>) dst(%dma_wait3A_534 : memref<16x64xf32, #tpu.memory_space<vmem>>)
      %dma_wait3A_541 = arith.constant 0 : i32
      %dma_wait3A_542 = arith.constant 1 : i32
      %dma_wait3A_543 = arith.constant 64 : i32
      %dma_wait3A_544 = arith.constant 0 : i32
      %dma_wait3A_545 = tpu.memref_slice %arg6[%dma_wait3A_542, %dma_wait3A_543, %dma_wait3A_544] : memref<5x128x64xf32, #tpu.memory_space<vmem>> -> memref<1x16x64xf32, #tpu.memory_space<vmem>>
      %dma_wait3A_546 = tpu.memref_squeeze %dma_wait3A_545 : memref<1x16x64xf32, #tpu.memory_space<vmem>> -> memref<16x64xf32, #tpu.memory_space<vmem>>
      %dma_wait3A_547 = arith.constant 64 : i32
      %dma_wait3A_548 = tpu.memref_slice %arg5[%dma_wait3A_541, %dma_wait3A_547] : memref<50x128xi32, #tpu.memory_space<vmem>> -> memref<1x16xi32, #tpu.memory_space<vmem>>
      %dma_wait3A_549 = tpu.memref_squeeze %dma_wait3A_548 : memref<1x16xi32, #tpu.memory_space<vmem>> -> memref<16xi32, #tpu.memory_space<vmem>>
      %dma_wait3A_550 = arith.constant 0 : i32
      %dma_wait3A_551 = arith.constant 0 : i32
      %dma_wait3A_552 = tpu.memref_slice %arg2[%dma_wait3A_550, %dma_wait3A_551] : memref<499968x64xf32, #tpu.memory_space<hbm>> -> memref<499968x64xf32, #tpu.memory_space<hbm>>
      tpu.wait_indirect_dma semaphore(%arg8 : memref<!tpu.dma_semaphore, #tpu.memory_space<semaphore_mem>>) src(%dma_wait3A_552 : memref<499968x64xf32, #tpu.memory_space<hbm>>) dst(%dma_wait3A_546 : memref<16x64xf32, #tpu.memory_space<vmem>>)
      %dma_wait3A_553 = arith.constant 0 : i32
      %dma_wait3A_554 = arith.constant 1 : i32
      %dma_wait3A_555 = arith.constant 80 : i32
      %dma_wait3A_556 = arith.constant 0 : i32
      %dma_wait3A_557 = tpu.memref_slice %arg6[%dma_wait3A_554, %dma_wait3A_555, %dma_wait3A_556] : memref<5x128x64xf32, #tpu.memory_space<vmem>> -> memref<1x16x64xf32, #tpu.memory_space<vmem>>
      %dma_wait3A_558 = tpu.memref_squeeze %dma_wait3A_557 : memref<1x16x64xf32, #tpu.memory_space<vmem>> -> memref<16x64xf32, #tpu.memory_space<vmem>>
      %dma_wait3A_559 = arith.constant 80 : i32
      %dma_wait3A_560 = tpu.memref_slice %arg5[%dma_wait3A_553, %dma_wait3A_559] : memref<50x128xi32, #tpu.memory_space<vmem>> -> memref<1x16xi32, #tpu.memory_space<vmem>>
      %dma_wait3A_561 = tpu.memref_squeeze %dma_wait3A_560 : memref<1x16xi32, #tpu.memory_space<vmem>> -> memref<16xi32, #tpu.memory_space<vmem>>
      %dma_wait3A_562 = arith.constant 0 : i32
      %dma_wait3A_563 = arith.constant 0 : i32
      %dma_wait3A_564 = tpu.memref_slice %arg2[%dma_wait3A_562, %dma_wait3A_563] : memref<499968x64xf32, #tpu.memory_space<hbm>> -> memref<499968x64xf32, #tpu.memory_space<hbm>>
      tpu.wait_indirect_dma semaphore(%arg8 : memref<!tpu.dma_semaphore, #tpu.memory_space<semaphore_mem>>) src(%dma_wait3A_564 : memref<499968x64xf32, #tpu.memory_space<hbm>>) dst(%dma_wait3A_558 : memref<16x64xf32, #tpu.memory_space<vmem>>)
      %dma_wait3A_565 = arith.constant 0 : i32
      %dma_wait3A_566 = arith.constant 1 : i32
      %dma_wait3A_567 = arith.constant 96 : i32
      %dma_wait3A_568 = arith.constant 0 : i32
      %dma_wait3A_569 = tpu.memref_slice %arg6[%dma_wait3A_566, %dma_wait3A_567, %dma_wait3A_568] : memref<5x128x64xf32, #tpu.memory_space<vmem>> -> memref<1x16x64xf32, #tpu.memory_space<vmem>>
      %dma_wait3A_570 = tpu.memref_squeeze %dma_wait3A_569 : memref<1x16x64xf32, #tpu.memory_space<vmem>> -> memref<16x64xf32, #tpu.memory_space<vmem>>
      %dma_wait3A_571 = arith.constant 96 : i32
      %dma_wait3A_572 = tpu.memref_slice %arg5[%dma_wait3A_565, %dma_wait3A_571] : memref<50x128xi32, #tpu.memory_space<vmem>> -> memref<1x16xi32, #tpu.memory_space<vmem>>
      %dma_wait3A_573 = tpu.memref_squeeze %dma_wait3A_572 : memref<1x16xi32, #tpu.memory_space<vmem>> -> memref<16xi32, #tpu.memory_space<vmem>>
      %dma_wait3A_574 = arith.constant 0 : i32
      %dma_wait3A_575 = arith.constant 0 : i32
      %dma_wait3A_576 = tpu.memref_slice %arg2[%dma_wait3A_574, %dma_wait3A_575] : memref<499968x64xf32, #tpu.memory_space<hbm>> -> memref<499968x64xf32, #tpu.memory_space<hbm>>
      tpu.wait_indirect_dma semaphore(%arg8 : memref<!tpu.dma_semaphore, #tpu.memory_space<semaphore_mem>>) src(%dma_wait3A_576 : memref<499968x64xf32, #tpu.memory_space<hbm>>) dst(%dma_wait3A_570 : memref<16x64xf32, #tpu.memory_space<vmem>>)
      %dma_wait3A_577 = arith.constant 0 : i32
      %dma_wait3A_578 = arith.constant 1 : i32
      %dma_wait3A_579 = arith.constant 112 : i32
      %dma_wait3A_580 = arith.constant 0 : i32
      %dma_wait3A_581 = tpu.memref_slice %arg6[%dma_wait3A_578, %dma_wait3A_579, %dma_wait3A_580] : memref<5x128x64xf32, #tpu.memory_space<vmem>> -> memref<1x16x64xf32, #tpu.memory_space<vmem>>
      %dma_wait3A_582 = tpu.memref_squeeze %dma_wait3A_581 : memref<1x16x64xf32, #tpu.memory_space<vmem>> -> memref<16x64xf32, #tpu.memory_space<vmem>>
      %dma_wait3A_583 = arith.constant 112 : i32
      %dma_wait3A_584 = tpu.memref_slice %arg5[%dma_wait3A_577, %dma_wait3A_583] : memref<50x128xi32, #tpu.memory_space<vmem>> -> memref<1x16xi32, #tpu.memory_space<vmem>>
      %dma_wait3A_585 = tpu.memref_squeeze %dma_wait3A_584 : memref<1x16xi32, #tpu.memory_space<vmem>> -> memref<16xi32, #tpu.memory_space<vmem>>
      %dma_wait3A_586 = arith.constant 0 : i32
      %dma_wait3A_587 = arith.constant 0 : i32
      %dma_wait3A_588 = tpu.memref_slice %arg2[%dma_wait3A_586, %dma_wait3A_587] : memref<499968x64xf32, #tpu.memory_space<hbm>> -> memref<499968x64xf32, #tpu.memory_space<hbm>>
      tpu.wait_indirect_dma semaphore(%arg8 : memref<!tpu.dma_semaphore, #tpu.memory_space<semaphore_mem>>) src(%dma_wait3A_588 : memref<499968x64xf32, #tpu.memory_space<hbm>>) dst(%dma_wait3A_582 : memref<16x64xf32, #tpu.memory_space<vmem>>)
      %mul3A_589 = arith.constant 128 : i32
      %mul3A_590 = arith.muli %add3A_492, %mul3A_589 : i32
      %add3A_591 = arith.addi %mul3A_2, %mul3A_590 : i32
      %dma_start3A_592 = arith.constant 1 : i32
      %dma_start3A_593 = arith.constant 0 : i32
      %dma_start3A_594 = arith.constant 0 : i32
      %dma_start3A_595 = tpu.memref_slice %arg6[%dma_start3A_592, %dma_start3A_593, %dma_start3A_594] : memref<5x128x64xf32, #tpu.memory_space<vmem>> -> memref<1x128x64xf32, #tpu.memory_space<vmem>>
      %dma_start3A_596 = tpu.memref_squeeze %dma_start3A_595 : memref<1x128x64xf32, #tpu.memory_space<vmem>> -> memref<128x64xf32, #tpu.memory_space<vmem>>
      %dma_start3A_597 = arith.constant 0 : i32
      %dma_start3A_598 = tpu.memref_slice %arg4[%add3A_591, %dma_start3A_597] : memref<204800x64xf32, #tpu.memory_space<hbm>> -> memref<128x64xf32, #tpu.memory_space<hbm>>
      %dma_start3A_599 = arith.constant 0 : i32
      %dma_start3A_600 = tpu.memref_slice %arg4[%add3A_591, %dma_start3A_599] : memref<204800x64xf32, #tpu.memory_space<hbm>> -> memref<128x64xf32, #tpu.memory_space<hbm>>
      %dma_start3A_601 = arith.constant 0 : i32
      %dma_start3A_602 = arith.constant 0 : i32
      %dma_start3A_603 = tpu.memref_slice %arg6[%dma_start3A_592, %dma_start3A_601, %dma_start3A_602] : memref<5x128x64xf32, #tpu.memory_space<vmem>> -> memref<1x128x64xf32, #tpu.memory_space<vmem>>
      %dma_start3A_604 = tpu.memref_squeeze %dma_start3A_603 : memref<1x128x64xf32, #tpu.memory_space<vmem>> -> memref<128x64xf32, #tpu.memory_space<vmem>>
      tpu.enqueue_dma source(%dma_start3A_604 : memref<128x64xf32, #tpu.memory_space<vmem>>) target(%dma_start3A_600 : memref<128x64xf32, #tpu.memory_space<hbm>>) target_semaphore(%arg13 : memref<!tpu.dma_semaphore, #tpu.memory_space<semaphore_mem>>)
      %add3A_605 = arith.constant 3 : i32
      %add3A_606 = arith.addi %add3A_492, %add3A_605 : i32
      %lt3A_607 = arith.constant 50 : i32
      %lt3A_608 = arith.cmpi slt, %add3A_606, %lt3A_607 : i32
      %convert_element_type3A_609 = arith.extui %lt3A_608 : i1 to i32
      %cond3A_610 = arith.constant 0 : i32
      %cond3A_611 = arith.cmpi ne, %convert_element_type3A_609, %cond3A_610 : i32
      scf.if %cond3A_611 {
        %ge3A = arith.constant 2 : i32
        %ge3A_975 = arith.cmpi sge, %add3A_492, %ge3A : i32
        %convert_element_type3A_976 = arith.extui %ge3A_975 : i1 to i32
        %cond3A_977 = arith.constant 0 : i32
        %cond3A_978 = arith.cmpi ne, %convert_element_type3A_976, %cond3A_977 : i32
        scf.if %cond3A_978 {
          %dma_wait3A_1069 = arith.constant 4 : i32
          %dma_wait3A_1070 = arith.constant 0 : i32
          %dma_wait3A_1071 = arith.constant 0 : i32
          %dma_wait3A_1072 = tpu.memref_slice %arg6[%dma_wait3A_1069, %dma_wait3A_1070, %dma_wait3A_1071] : memref<5x128x64xf32, #tpu.memory_space<vmem>> -> memref<1x128x64xf32, #tpu.memory_space<vmem>>
          %dma_wait3A_1073 = tpu.memref_squeeze %dma_wait3A_1072 : memref<1x128x64xf32, #tpu.memory_space<vmem>> -> memref<128x64xf32, #tpu.memory_space<vmem>>
          %dma_wait3A_1074 = arith.constant 0 : i32
          %dma_wait3A_1075 = arith.constant 0 : i32
          %dma_wait3A_1076 = tpu.memref_slice %arg4[%dma_wait3A_1074, %dma_wait3A_1075] : memref<204800x64xf32, #tpu.memory_space<hbm>> -> memref<128x64xf32, #tpu.memory_space<hbm>>
          %dma_wait3A_1077 = arith.constant 0 : i32
          %dma_wait3A_1078 = arith.constant 0 : i32
          %dma_wait3A_1079 = tpu.memref_slice %arg4[%dma_wait3A_1077, %dma_wait3A_1078] : memref<204800x64xf32, #tpu.memory_space<hbm>> -> memref<128x64xf32, #tpu.memory_space<hbm>>
          %dma_wait3A_1080 = arith.constant 0 : i32
          %dma_wait3A_1081 = arith.constant 0 : i32
          %dma_wait3A_1082 = tpu.memref_slice %arg6[%dma_wait3A_1069, %dma_wait3A_1080, %dma_wait3A_1081] : memref<5x128x64xf32, #tpu.memory_space<vmem>> -> memref<1x128x64xf32, #tpu.memory_space<vmem>>
          %dma_wait3A_1083 = tpu.memref_squeeze %dma_wait3A_1082 : memref<1x128x64xf32, #tpu.memory_space<vmem>> -> memref<128x64xf32, #tpu.memory_space<vmem>>
          tpu.wait_dma2 semaphore(%arg16 : memref<!tpu.dma_semaphore, #tpu.memory_space<semaphore_mem>>) src(%dma_wait3A_1083 : memref<128x64xf32, #tpu.memory_space<vmem>>) dst(%dma_wait3A_1079 : memref<128x64xf32, #tpu.memory_space<hbm>>)
        } else {
        }
        %add3A_979 = arith.constant 3 : i32
        %add3A_980 = arith.addi %add3A_492, %add3A_979 : i32
        %dma_start3A_981 = arith.constant 4 : i32
        %dma_start3A_982 = arith.constant 0 : i32
        %dma_start3A_983 = arith.constant 0 : i32
        %dma_start3A_984 = tpu.memref_slice %arg6[%dma_start3A_981, %dma_start3A_982, %dma_start3A_983] : memref<5x128x64xf32, #tpu.memory_space<vmem>> -> memref<1x16x64xf32, #tpu.memory_space<vmem>>
        %dma_start3A_985 = tpu.memref_squeeze %dma_start3A_984 : memref<1x16x64xf32, #tpu.memory_space<vmem>> -> memref<16x64xf32, #tpu.memory_space<vmem>>
        %dma_start3A_986 = arith.constant 0 : i32
        %dma_start3A_987 = tpu.memref_slice %arg5[%add3A_980, %dma_start3A_986] : memref<50x128xi32, #tpu.memory_space<vmem>> -> memref<1x16xi32, #tpu.memory_space<vmem>>
        %dma_start3A_988 = tpu.memref_squeeze %dma_start3A_987 : memref<1x16xi32, #tpu.memory_space<vmem>> -> memref<16xi32, #tpu.memory_space<vmem>>
        %dma_start3A_989 = arith.constant 0 : i32
        %dma_start3A_990 = arith.constant 0 : i32
        %dma_start3A_991 = tpu.memref_slice %arg2[%dma_start3A_989, %dma_start3A_990] : memref<499968x64xf32, #tpu.memory_space<hbm>> -> memref<499968x64xf32, #tpu.memory_space<hbm>>
        tpu.enqueue_indirect_dma source(%dma_start3A_991 : memref<499968x64xf32, #tpu.memory_space<hbm>>) target(%dma_start3A_985 : memref<16x64xf32, #tpu.memory_space<vmem>>) offsets(%dma_start3A_988 : memref<16xi32, #tpu.memory_space<vmem>>) semaphore(%arg11 : memref<!tpu.dma_semaphore, #tpu.memory_space<semaphore_mem>>)
        %dma_start3A_992 = arith.constant 4 : i32
        %dma_start3A_993 = arith.constant 16 : i32
        %dma_start3A_994 = arith.constant 0 : i32
        %dma_start3A_995 = tpu.memref_slice %arg6[%dma_start3A_992, %dma_start3A_993, %dma_start3A_994] : memref<5x128x64xf32, #tpu.memory_space<vmem>> -> memref<1x16x64xf32, #tpu.memory_space<vmem>>
        %dma_start3A_996 = tpu.memref_squeeze %dma_start3A_995 : memref<1x16x64xf32, #tpu.memory_space<vmem>> -> memref<16x64xf32, #tpu.memory_space<vmem>>
        %dma_start3A_997 = arith.constant 16 : i32
        %dma_start3A_998 = tpu.memref_slice %arg5[%add3A_980, %dma_start3A_997] : memref<50x128xi32, #tpu.memory_space<vmem>> -> memref<1x16xi32, #tpu.memory_space<vmem>>
        %dma_start3A_999 = tpu.memref_squeeze %dma_start3A_998 : memref<1x16xi32, #tpu.memory_space<vmem>> -> memref<16xi32, #tpu.memory_space<vmem>>
        %dma_start3A_1000 = arith.constant 0 : i32
        %dma_start3A_1001 = arith.constant 0 : i32
        %dma_start3A_1002 = tpu.memref_slice %arg2[%dma_start3A_1000, %dma_start3A_1001] : memref<499968x64xf32, #tpu.memory_space<hbm>> -> memref<499968x64xf32, #tpu.memory_space<hbm>>
        tpu.enqueue_indirect_dma source(%dma_start3A_1002 : memref<499968x64xf32, #tpu.memory_space<hbm>>) target(%dma_start3A_996 : memref<16x64xf32, #tpu.memory_space<vmem>>) offsets(%dma_start3A_999 : memref<16xi32, #tpu.memory_space<vmem>>) semaphore(%arg11 : memref<!tpu.dma_semaphore, #tpu.memory_space<semaphore_mem>>)
        %dma_start3A_1003 = arith.constant 4 : i32
        %dma_start3A_1004 = arith.constant 32 : i32
        %dma_start3A_1005 = arith.constant 0 : i32
        %dma_start3A_1006 = tpu.memref_slice %arg6[%dma_start3A_1003, %dma_start3A_1004, %dma_start3A_1005] : memref<5x128x64xf32, #tpu.memory_space<vmem>> -> memref<1x16x64xf32, #tpu.memory_space<vmem>>
        %dma_start3A_1007 = tpu.memref_squeeze %dma_start3A_1006 : memref<1x16x64xf32, #tpu.memory_space<vmem>> -> memref<16x64xf32, #tpu.memory_space<vmem>>
        %dma_start3A_1008 = arith.constant 32 : i32
        %dma_start3A_1009 = tpu.memref_slice %arg5[%add3A_980, %dma_start3A_1008] : memref<50x128xi32, #tpu.memory_space<vmem>> -> memref<1x16xi32, #tpu.memory_space<vmem>>
        %dma_start3A_1010 = tpu.memref_squeeze %dma_start3A_1009 : memref<1x16xi32, #tpu.memory_space<vmem>> -> memref<16xi32, #tpu.memory_space<vmem>>
        %dma_start3A_1011 = arith.constant 0 : i32
        %dma_start3A_1012 = arith.constant 0 : i32
        %dma_start3A_1013 = tpu.memref_slice %arg2[%dma_start3A_1011, %dma_start3A_1012] : memref<499968x64xf32, #tpu.memory_space<hbm>> -> memref<499968x64xf32, #tpu.memory_space<hbm>>
        tpu.enqueue_indirect_dma source(%dma_start3A_1013 : memref<499968x64xf32, #tpu.memory_space<hbm>>) target(%dma_start3A_1007 : memref<16x64xf32, #tpu.memory_space<vmem>>) offsets(%dma_start3A_1010 : memref<16xi32, #tpu.memory_space<vmem>>) semaphore(%arg11 : memref<!tpu.dma_semaphore, #tpu.memory_space<semaphore_mem>>)
        %dma_start3A_1014 = arith.constant 4 : i32
        %dma_start3A_1015 = arith.constant 48 : i32
        %dma_start3A_1016 = arith.constant 0 : i32
        %dma_start3A_1017 = tpu.memref_slice %arg6[%dma_start3A_1014, %dma_start3A_1015, %dma_start3A_1016] : memref<5x128x64xf32, #tpu.memory_space<vmem>> -> memref<1x16x64xf32, #tpu.memory_space<vmem>>
        %dma_start3A_1018 = tpu.memref_squeeze %dma_start3A_1017 : memref<1x16x64xf32, #tpu.memory_space<vmem>> -> memref<16x64xf32, #tpu.memory_space<vmem>>
        %dma_start3A_1019 = arith.constant 48 : i32
        %dma_start3A_1020 = tpu.memref_slice %arg5[%add3A_980, %dma_start3A_1019] : memref<50x128xi32, #tpu.memory_space<vmem>> -> memref<1x16xi32, #tpu.memory_space<vmem>>
        %dma_start3A_1021 = tpu.memref_squeeze %dma_start3A_1020 : memref<1x16xi32, #tpu.memory_space<vmem>> -> memref<16xi32, #tpu.memory_space<vmem>>
        %dma_start3A_1022 = arith.constant 0 : i32
        %dma_start3A_1023 = arith.constant 0 : i32
        %dma_start3A_1024 = tpu.memref_slice %arg2[%dma_start3A_1022, %dma_start3A_1023] : memref<499968x64xf32, #tpu.memory_space<hbm>> -> memref<499968x64xf32, #tpu.memory_space<hbm>>
        tpu.enqueue_indirect_dma source(%dma_start3A_1024 : memref<499968x64xf32, #tpu.memory_space<hbm>>) target(%dma_start3A_1018 : memref<16x64xf32, #tpu.memory_space<vmem>>) offsets(%dma_start3A_1021 : memref<16xi32, #tpu.memory_space<vmem>>) semaphore(%arg11 : memref<!tpu.dma_semaphore, #tpu.memory_space<semaphore_mem>>)
        %dma_start3A_1025 = arith.constant 4 : i32
        %dma_start3A_1026 = arith.constant 64 : i32
        %dma_start3A_1027 = arith.constant 0 : i32
        %dma_start3A_1028 = tpu.memref_slice %arg6[%dma_start3A_1025, %dma_start3A_1026, %dma_start3A_1027] : memref<5x128x64xf32, #tpu.memory_space<vmem>> -> memref<1x16x64xf32, #tpu.memory_space<vmem>>
        %dma_start3A_1029 = tpu.memref_squeeze %dma_start3A_1028 : memref<1x16x64xf32, #tpu.memory_space<vmem>> -> memref<16x64xf32, #tpu.memory_space<vmem>>
        %dma_start3A_1030 = arith.constant 64 : i32
        %dma_start3A_1031 = tpu.memref_slice %arg5[%add3A_980, %dma_start3A_1030] : memref<50x128xi32, #tpu.memory_space<vmem>> -> memref<1x16xi32, #tpu.memory_space<vmem>>
        %dma_start3A_1032 = tpu.memref_squeeze %dma_start3A_1031 : memref<1x16xi32, #tpu.memory_space<vmem>> -> memref<16xi32, #tpu.memory_space<vmem>>
        %dma_start3A_1033 = arith.constant 0 : i32
        %dma_start3A_1034 = arith.constant 0 : i32
        %dma_start3A_1035 = tpu.memref_slice %arg2[%dma_start3A_1033, %dma_start3A_1034] : memref<499968x64xf32, #tpu.memory_space<hbm>> -> memref<499968x64xf32, #tpu.memory_space<hbm>>
        tpu.enqueue_indirect_dma source(%dma_start3A_1035 : memref<499968x64xf32, #tpu.memory_space<hbm>>) target(%dma_start3A_1029 : memref<16x64xf32, #tpu.memory_space<vmem>>) offsets(%dma_start3A_1032 : memref<16xi32, #tpu.memory_space<vmem>>) semaphore(%arg11 : memref<!tpu.dma_semaphore, #tpu.memory_space<semaphore_mem>>)
        %dma_start3A_1036 = arith.constant 4 : i32
        %dma_start3A_1037 = arith.constant 80 : i32
        %dma_start3A_1038 = arith.constant 0 : i32
        %dma_start3A_1039 = tpu.memref_slice %arg6[%dma_start3A_1036, %dma_start3A_1037, %dma_start3A_1038] : memref<5x128x64xf32, #tpu.memory_space<vmem>> -> memref<1x16x64xf32, #tpu.memory_space<vmem>>
        %dma_start3A_1040 = tpu.memref_squeeze %dma_start3A_1039 : memref<1x16x64xf32, #tpu.memory_space<vmem>> -> memref<16x64xf32, #tpu.memory_space<vmem>>
        %dma_start3A_1041 = arith.constant 80 : i32
        %dma_start3A_1042 = tpu.memref_slice %arg5[%add3A_980, %dma_start3A_1041] : memref<50x128xi32, #tpu.memory_space<vmem>> -> memref<1x16xi32, #tpu.memory_space<vmem>>
        %dma_start3A_1043 = tpu.memref_squeeze %dma_start3A_1042 : memref<1x16xi32, #tpu.memory_space<vmem>> -> memref<16xi32, #tpu.memory_space<vmem>>
        %dma_start3A_1044 = arith.constant 0 : i32
        %dma_start3A_1045 = arith.constant 0 : i32
        %dma_start3A_1046 = tpu.memref_slice %arg2[%dma_start3A_1044, %dma_start3A_1045] : memref<499968x64xf32, #tpu.memory_space<hbm>> -> memref<499968x64xf32, #tpu.memory_space<hbm>>
        tpu.enqueue_indirect_dma source(%dma_start3A_1046 : memref<499968x64xf32, #tpu.memory_space<hbm>>) target(%dma_start3A_1040 : memref<16x64xf32, #tpu.memory_space<vmem>>) offsets(%dma_start3A_1043 : memref<16xi32, #tpu.memory_space<vmem>>) semaphore(%arg11 : memref<!tpu.dma_semaphore, #tpu.memory_space<semaphore_mem>>)
        %dma_start3A_1047 = arith.constant 4 : i32
        %dma_start3A_1048 = arith.constant 96 : i32
        %dma_start3A_1049 = arith.constant 0 : i32
        %dma_start3A_1050 = tpu.memref_slice %arg6[%dma_start3A_1047, %dma_start3A_1048, %dma_start3A_1049] : memref<5x128x64xf32, #tpu.memory_space<vmem>> -> memref<1x16x64xf32, #tpu.memory_space<vmem>>
        %dma_start3A_1051 = tpu.memref_squeeze %dma_start3A_1050 : memref<1x16x64xf32, #tpu.memory_space<vmem>> -> memref<16x64xf32, #tpu.memory_space<vmem>>
        %dma_start3A_1052 = arith.constant 96 : i32
        %dma_start3A_1053 = tpu.memref_slice %arg5[%add3A_980, %dma_start3A_1052] : memref<50x128xi32, #tpu.memory_space<vmem>> -> memref<1x16xi32, #tpu.memory_space<vmem>>
        %dma_start3A_1054 = tpu.memref_squeeze %dma_start3A_1053 : memref<1x16xi32, #tpu.memory_space<vmem>> -> memref<16xi32, #tpu.memory_space<vmem>>
        %dma_start3A_1055 = arith.constant 0 : i32
        %dma_start3A_1056 = arith.constant 0 : i32
        %dma_start3A_1057 = tpu.memref_slice %arg2[%dma_start3A_1055, %dma_start3A_1056] : memref<499968x64xf32, #tpu.memory_space<hbm>> -> memref<499968x64xf32, #tpu.memory_space<hbm>>
        tpu.enqueue_indirect_dma source(%dma_start3A_1057 : memref<499968x64xf32, #tpu.memory_space<hbm>>) target(%dma_start3A_1051 : memref<16x64xf32, #tpu.memory_space<vmem>>) offsets(%dma_start3A_1054 : memref<16xi32, #tpu.memory_space<vmem>>) semaphore(%arg11 : memref<!tpu.dma_semaphore, #tpu.memory_space<semaphore_mem>>)
        %dma_start3A_1058 = arith.constant 4 : i32
        %dma_start3A_1059 = arith.constant 112 : i32
        %dma_start3A_1060 = arith.constant 0 : i32
        %dma_start3A_1061 = tpu.memref_slice %arg6[%dma_start3A_1058, %dma_start3A_1059, %dma_start3A_1060] : memref<5x128x64xf32, #tpu.memory_space<vmem>> -> memref<1x16x64xf32, #tpu.memory_space<vmem>>
        %dma_start3A_1062 = tpu.memref_squeeze %dma_start3A_1061 : memref<1x16x64xf32, #tpu.memory_space<vmem>> -> memref<16x64xf32, #tpu.memory_space<vmem>>
        %dma_start3A_1063 = arith.constant 112 : i32
        %dma_start3A_1064 = tpu.memref_slice %arg5[%add3A_980, %dma_start3A_1063] : memref<50x128xi32, #tpu.memory_space<vmem>> -> memref<1x16xi32, #tpu.memory_space<vmem>>
        %dma_start3A_1065 = tpu.memref_squeeze %dma_start3A_1064 : memref<1x16xi32, #tpu.memory_space<vmem>> -> memref<16xi32, #tpu.memory_space<vmem>>
        %dma_start3A_1066 = arith.constant 0 : i32
        %dma_start3A_1067 = arith.constant 0 : i32
        %dma_start3A_1068 = tpu.memref_slice %arg2[%dma_start3A_1066, %dma_start3A_1067] : memref<499968x64xf32, #tpu.memory_space<hbm>> -> memref<499968x64xf32, #tpu.memory_space<hbm>>
        tpu.enqueue_indirect_dma source(%dma_start3A_1068 : memref<499968x64xf32, #tpu.memory_space<hbm>>) target(%dma_start3A_1062 : memref<16x64xf32, #tpu.memory_space<vmem>>) offsets(%dma_start3A_1065 : memref<16xi32, #tpu.memory_space<vmem>>) semaphore(%arg11 : memref<!tpu.dma_semaphore, #tpu.memory_space<semaphore_mem>>)
      } else {
      }
      %add3A_612 = arith.constant 2 : i32
      %add3A_613 = arith.addi %add3A_372, %add3A_612 : i32
      %dma_wait3A_614 = arith.constant 0 : i32
      %dma_wait3A_615 = arith.constant 2 : i32
      %dma_wait3A_616 = arith.constant 0 : i32
      %dma_wait3A_617 = arith.constant 0 : i32
      %dma_wait3A_618 = tpu.memref_slice %arg6[%dma_wait3A_615, %dma_wait3A_616, %dma_wait3A_617] : memref<5x128x64xf32, #tpu.memory_space<vmem>> -> memref<1x16x64xf32, #tpu.memory_space<vmem>>
      %dma_wait3A_619 = tpu.memref_squeeze %dma_wait3A_618 : memref<1x16x64xf32, #tpu.memory_space<vmem>> -> memref<16x64xf32, #tpu.memory_space<vmem>>
      %dma_wait3A_620 = arith.constant 0 : i32
      %dma_wait3A_621 = tpu.memref_slice %arg5[%dma_wait3A_614, %dma_wait3A_620] : memref<50x128xi32, #tpu.memory_space<vmem>> -> memref<1x16xi32, #tpu.memory_space<vmem>>
      %dma_wait3A_622 = tpu.memref_squeeze %dma_wait3A_621 : memref<1x16xi32, #tpu.memory_space<vmem>> -> memref<16xi32, #tpu.memory_space<vmem>>
      %dma_wait3A_623 = arith.constant 0 : i32
      %dma_wait3A_624 = arith.constant 0 : i32
      %dma_wait3A_625 = tpu.memref_slice %arg2[%dma_wait3A_623, %dma_wait3A_624] : memref<499968x64xf32, #tpu.memory_space<hbm>> -> memref<499968x64xf32, #tpu.memory_space<hbm>>
      tpu.wait_indirect_dma semaphore(%arg9 : memref<!tpu.dma_semaphore, #tpu.memory_space<semaphore_mem>>) src(%dma_wait3A_625 : memref<499968x64xf32, #tpu.memory_space<hbm>>) dst(%dma_wait3A_619 : memref<16x64xf32, #tpu.memory_space<vmem>>)
      %dma_wait3A_626 = arith.constant 0 : i32
      %dma_wait3A_627 = arith.constant 2 : i32
      %dma_wait3A_628 = arith.constant 16 : i32
      %dma_wait3A_629 = arith.constant 0 : i32
      %dma_wait3A_630 = tpu.memref_slice %arg6[%dma_wait3A_627, %dma_wait3A_628, %dma_wait3A_629] : memref<5x128x64xf32, #tpu.memory_space<vmem>> -> memref<1x16x64xf32, #tpu.memory_space<vmem>>
      %dma_wait3A_631 = tpu.memref_squeeze %dma_wait3A_630 : memref<1x16x64xf32, #tpu.memory_space<vmem>> -> memref<16x64xf32, #tpu.memory_space<vmem>>
      %dma_wait3A_632 = arith.constant 16 : i32
      %dma_wait3A_633 = tpu.memref_slice %arg5[%dma_wait3A_626, %dma_wait3A_632] : memref<50x128xi32, #tpu.memory_space<vmem>> -> memref<1x16xi32, #tpu.memory_space<vmem>>
      %dma_wait3A_634 = tpu.memref_squeeze %dma_wait3A_633 : memref<1x16xi32, #tpu.memory_space<vmem>> -> memref<16xi32, #tpu.memory_space<vmem>>
      %dma_wait3A_635 = arith.constant 0 : i32
      %dma_wait3A_636 = arith.constant 0 : i32
      %dma_wait3A_637 = tpu.memref_slice %arg2[%dma_wait3A_635, %dma_wait3A_636] : memref<499968x64xf32, #tpu.memory_space<hbm>> -> memref<499968x64xf32, #tpu.memory_space<hbm>>
      tpu.wait_indirect_dma semaphore(%arg9 : memref<!tpu.dma_semaphore, #tpu.memory_space<semaphore_mem>>) src(%dma_wait3A_637 : memref<499968x64xf32, #tpu.memory_space<hbm>>) dst(%dma_wait3A_631 : memref<16x64xf32, #tpu.memory_space<vmem>>)
      %dma_wait3A_638 = arith.constant 0 : i32
      %dma_wait3A_639 = arith.constant 2 : i32
      %dma_wait3A_640 = arith.constant 32 : i32
      %dma_wait3A_641 = arith.constant 0 : i32
      %dma_wait3A_642 = tpu.memref_slice %arg6[%dma_wait3A_639, %dma_wait3A_640, %dma_wait3A_641] : memref<5x128x64xf32, #tpu.memory_space<vmem>> -> memref<1x16x64xf32, #tpu.memory_space<vmem>>
      %dma_wait3A_643 = tpu.memref_squeeze %dma_wait3A_642 : memref<1x16x64xf32, #tpu.memory_space<vmem>> -> memref<16x64xf32, #tpu.memory_space<vmem>>
      %dma_wait3A_644 = arith.constant 32 : i32
      %dma_wait3A_645 = tpu.memref_slice %arg5[%dma_wait3A_638, %dma_wait3A_644] : memref<50x128xi32, #tpu.memory_space<vmem>> -> memref<1x16xi32, #tpu.memory_space<vmem>>
      %dma_wait3A_646 = tpu.memref_squeeze %dma_wait3A_645 : memref<1x16xi32, #tpu.memory_space<vmem>> -> memref<16xi32, #tpu.memory_space<vmem>>
      %dma_wait3A_647 = arith.constant 0 : i32
      %dma_wait3A_648 = arith.constant 0 : i32
      %dma_wait3A_649 = tpu.memref_slice %arg2[%dma_wait3A_647, %dma_wait3A_648] : memref<499968x64xf32, #tpu.memory_space<hbm>> -> memref<499968x64xf32, #tpu.memory_space<hbm>>
      tpu.wait_indirect_dma semaphore(%arg9 : memref<!tpu.dma_semaphore, #tpu.memory_space<semaphore_mem>>) src(%dma_wait3A_649 : memref<499968x64xf32, #tpu.memory_space<hbm>>) dst(%dma_wait3A_643 : memref<16x64xf32, #tpu.memory_space<vmem>>)
      %dma_wait3A_650 = arith.constant 0 : i32
      %dma_wait3A_651 = arith.constant 2 : i32
      %dma_wait3A_652 = arith.constant 48 : i32
      %dma_wait3A_653 = arith.constant 0 : i32
      %dma_wait3A_654 = tpu.memref_slice %arg6[%dma_wait3A_651, %dma_wait3A_652, %dma_wait3A_653] : memref<5x128x64xf32, #tpu.memory_space<vmem>> -> memref<1x16x64xf32, #tpu.memory_space<vmem>>
      %dma_wait3A_655 = tpu.memref_squeeze %dma_wait3A_654 : memref<1x16x64xf32, #tpu.memory_space<vmem>> -> memref<16x64xf32, #tpu.memory_space<vmem>>
      %dma_wait3A_656 = arith.constant 48 : i32
      %dma_wait3A_657 = tpu.memref_slice %arg5[%dma_wait3A_650, %dma_wait3A_656] : memref<50x128xi32, #tpu.memory_space<vmem>> -> memref<1x16xi32, #tpu.memory_space<vmem>>
      %dma_wait3A_658 = tpu.memref_squeeze %dma_wait3A_657 : memref<1x16xi32, #tpu.memory_space<vmem>> -> memref<16xi32, #tpu.memory_space<vmem>>
      %dma_wait3A_659 = arith.constant 0 : i32
      %dma_wait3A_660 = arith.constant 0 : i32
      %dma_wait3A_661 = tpu.memref_slice %arg2[%dma_wait3A_659, %dma_wait3A_660] : memref<499968x64xf32, #tpu.memory_space<hbm>> -> memref<499968x64xf32, #tpu.memory_space<hbm>>
      tpu.wait_indirect_dma semaphore(%arg9 : memref<!tpu.dma_semaphore, #tpu.memory_space<semaphore_mem>>) src(%dma_wait3A_661 : memref<499968x64xf32, #tpu.memory_space<hbm>>) dst(%dma_wait3A_655 : memref<16x64xf32, #tpu.memory_space<vmem>>)
      %dma_wait3A_662 = arith.constant 0 : i32
      %dma_wait3A_663 = arith.constant 2 : i32
      %dma_wait3A_664 = arith.constant 64 : i32
      %dma_wait3A_665 = arith.constant 0 : i32
      %dma_wait3A_666 = tpu.memref_slice %arg6[%dma_wait3A_663, %dma_wait3A_664, %dma_wait3A_665] : memref<5x128x64xf32, #tpu.memory_space<vmem>> -> memref<1x16x64xf32, #tpu.memory_space<vmem>>
      %dma_wait3A_667 = tpu.memref_squeeze %dma_wait3A_666 : memref<1x16x64xf32, #tpu.memory_space<vmem>> -> memref<16x64xf32, #tpu.memory_space<vmem>>
      %dma_wait3A_668 = arith.constant 64 : i32
      %dma_wait3A_669 = tpu.memref_slice %arg5[%dma_wait3A_662, %dma_wait3A_668] : memref<50x128xi32, #tpu.memory_space<vmem>> -> memref<1x16xi32, #tpu.memory_space<vmem>>
      %dma_wait3A_670 = tpu.memref_squeeze %dma_wait3A_669 : memref<1x16xi32, #tpu.memory_space<vmem>> -> memref<16xi32, #tpu.memory_space<vmem>>
      %dma_wait3A_671 = arith.constant 0 : i32
      %dma_wait3A_672 = arith.constant 0 : i32
      %dma_wait3A_673 = tpu.memref_slice %arg2[%dma_wait3A_671, %dma_wait3A_672] : memref<499968x64xf32, #tpu.memory_space<hbm>> -> memref<499968x64xf32, #tpu.memory_space<hbm>>
      tpu.wait_indirect_dma semaphore(%arg9 : memref<!tpu.dma_semaphore, #tpu.memory_space<semaphore_mem>>) src(%dma_wait3A_673 : memref<499968x64xf32, #tpu.memory_space<hbm>>) dst(%dma_wait3A_667 : memref<16x64xf32, #tpu.memory_space<vmem>>)
      %dma_wait3A_674 = arith.constant 0 : i32
      %dma_wait3A_675 = arith.constant 2 : i32
      %dma_wait3A_676 = arith.constant 80 : i32
      %dma_wait3A_677 = arith.constant 0 : i32
      %dma_wait3A_678 = tpu.memref_slice %arg6[%dma_wait3A_675, %dma_wait3A_676, %dma_wait3A_677] : memref<5x128x64xf32, #tpu.memory_space<vmem>> -> memref<1x16x64xf32, #tpu.memory_space<vmem>>
      %dma_wait3A_679 = tpu.memref_squeeze %dma_wait3A_678 : memref<1x16x64xf32, #tpu.memory_space<vmem>> -> memref<16x64xf32, #tpu.memory_space<vmem>>
      %dma_wait3A_680 = arith.constant 80 : i32
      %dma_wait3A_681 = tpu.memref_slice %arg5[%dma_wait3A_674, %dma_wait3A_680] : memref<50x128xi32, #tpu.memory_space<vmem>> -> memref<1x16xi32, #tpu.memory_space<vmem>>
      %dma_wait3A_682 = tpu.memref_squeeze %dma_wait3A_681 : memref<1x16xi32, #tpu.memory_space<vmem>> -> memref<16xi32, #tpu.memory_space<vmem>>
      %dma_wait3A_683 = arith.constant 0 : i32
      %dma_wait3A_684 = arith.constant 0 : i32
      %dma_wait3A_685 = tpu.memref_slice %arg2[%dma_wait3A_683, %dma_wait3A_684] : memref<499968x64xf32, #tpu.memory_space<hbm>> -> memref<499968x64xf32, #tpu.memory_space<hbm>>
      tpu.wait_indirect_dma semaphore(%arg9 : memref<!tpu.dma_semaphore, #tpu.memory_space<semaphore_mem>>) src(%dma_wait3A_685 : memref<499968x64xf32, #tpu.memory_space<hbm>>) dst(%dma_wait3A_679 : memref<16x64xf32, #tpu.memory_space<vmem>>)
      %dma_wait3A_686 = arith.constant 0 : i32
      %dma_wait3A_687 = arith.constant 2 : i32
      %dma_wait3A_688 = arith.constant 96 : i32
      %dma_wait3A_689 = arith.constant 0 : i32
      %dma_wait3A_690 = tpu.memref_slice %arg6[%dma_wait3A_687, %dma_wait3A_688, %dma_wait3A_689] : memref<5x128x64xf32, #tpu.memory_space<vmem>> -> memref<1x16x64xf32, #tpu.memory_space<vmem>>
      %dma_wait3A_691 = tpu.memref_squeeze %dma_wait3A_690 : memref<1x16x64xf32, #tpu.memory_space<vmem>> -> memref<16x64xf32, #tpu.memory_space<vmem>>
      %dma_wait3A_692 = arith.constant 96 : i32
      %dma_wait3A_693 = tpu.memref_slice %arg5[%dma_wait3A_686, %dma_wait3A_692] : memref<50x128xi32, #tpu.memory_space<vmem>> -> memref<1x16xi32, #tpu.memory_space<vmem>>
      %dma_wait3A_694 = tpu.memref_squeeze %dma_wait3A_693 : memref<1x16xi32, #tpu.memory_space<vmem>> -> memref<16xi32, #tpu.memory_space<vmem>>
      %dma_wait3A_695 = arith.constant 0 : i32
      %dma_wait3A_696 = arith.constant 0 : i32
      %dma_wait3A_697 = tpu.memref_slice %arg2[%dma_wait3A_695, %dma_wait3A_696] : memref<499968x64xf32, #tpu.memory_space<hbm>> -> memref<499968x64xf32, #tpu.memory_space<hbm>>
      tpu.wait_indirect_dma semaphore(%arg9 : memref<!tpu.dma_semaphore, #tpu.memory_space<semaphore_mem>>) src(%dma_wait3A_697 : memref<499968x64xf32, #tpu.memory_space<hbm>>) dst(%dma_wait3A_691 : memref<16x64xf32, #tpu.memory_space<vmem>>)
      %dma_wait3A_698 = arith.constant 0 : i32
      %dma_wait3A_699 = arith.constant 2 : i32
      %dma_wait3A_700 = arith.constant 112 : i32
      %dma_wait3A_701 = arith.constant 0 : i32
      %dma_wait3A_702 = tpu.memref_slice %arg6[%dma_wait3A_699, %dma_wait3A_700, %dma_wait3A_701] : memref<5x128x64xf32, #tpu.memory_space<vmem>> -> memref<1x16x64xf32, #tpu.memory_space<vmem>>
      %dma_wait3A_703 = tpu.memref_squeeze %dma_wait3A_702 : memref<1x16x64xf32, #tpu.memory_space<vmem>> -> memref<16x64xf32, #tpu.memory_space<vmem>>
      %dma_wait3A_704 = arith.constant 112 : i32
      %dma_wait3A_705 = tpu.memref_slice %arg5[%dma_wait3A_698, %dma_wait3A_704] : memref<50x128xi32, #tpu.memory_space<vmem>> -> memref<1x16xi32, #tpu.memory_space<vmem>>
      %dma_wait3A_706 = tpu.memref_squeeze %dma_wait3A_705 : memref<1x16xi32, #tpu.memory_space<vmem>> -> memref<16xi32, #tpu.memory_space<vmem>>
      %dma_wait3A_707 = arith.constant 0 : i32
      %dma_wait3A_708 = arith.constant 0 : i32
      %dma_wait3A_709 = tpu.memref_slice %arg2[%dma_wait3A_707, %dma_wait3A_708] : memref<499968x64xf32, #tpu.memory_space<hbm>> -> memref<499968x64xf32, #tpu.memory_space<hbm>>
      tpu.wait_indirect_dma semaphore(%arg9 : memref<!tpu.dma_semaphore, #tpu.memory_space<semaphore_mem>>) src(%dma_wait3A_709 : memref<499968x64xf32, #tpu.memory_space<hbm>>) dst(%dma_wait3A_703 : memref<16x64xf32, #tpu.memory_space<vmem>>)
      %mul3A_710 = arith.constant 128 : i32
      %mul3A_711 = arith.muli %add3A_613, %mul3A_710 : i32
      %add3A_712 = arith.addi %mul3A_2, %mul3A_711 : i32
      %dma_start3A_713 = arith.constant 2 : i32
      %dma_start3A_714 = arith.constant 0 : i32
      %dma_start3A_715 = arith.constant 0 : i32
      %dma_start3A_716 = tpu.memref_slice %arg6[%dma_start3A_713, %dma_start3A_714, %dma_start3A_715] : memref<5x128x64xf32, #tpu.memory_space<vmem>> -> memref<1x128x64xf32, #tpu.memory_space<vmem>>
      %dma_start3A_717 = tpu.memref_squeeze %dma_start3A_716 : memref<1x128x64xf32, #tpu.memory_space<vmem>> -> memref<128x64xf32, #tpu.memory_space<vmem>>
      %dma_start3A_718 = arith.constant 0 : i32
      %dma_start3A_719 = tpu.memref_slice %arg4[%add3A_712, %dma_start3A_718] : memref<204800x64xf32, #tpu.memory_space<hbm>> -> memref<128x64xf32, #tpu.memory_space<hbm>>
      %dma_start3A_720 = arith.constant 0 : i32
      %dma_start3A_721 = tpu.memref_slice %arg4[%add3A_712, %dma_start3A_720] : memref<204800x64xf32, #tpu.memory_space<hbm>> -> memref<128x64xf32, #tpu.memory_space<hbm>>
      %dma_start3A_722 = arith.constant 0 : i32
      %dma_start3A_723 = arith.constant 0 : i32
      %dma_start3A_724 = tpu.memref_slice %arg6[%dma_start3A_713, %dma_start3A_722, %dma_start3A_723] : memref<5x128x64xf32, #tpu.memory_space<vmem>> -> memref<1x128x64xf32, #tpu.memory_space<vmem>>
      %dma_start3A_725 = tpu.memref_squeeze %dma_start3A_724 : memref<1x128x64xf32, #tpu.memory_space<vmem>> -> memref<128x64xf32, #tpu.memory_space<vmem>>
      tpu.enqueue_dma source(%dma_start3A_725 : memref<128x64xf32, #tpu.memory_space<vmem>>) target(%dma_start3A_721 : memref<128x64xf32, #tpu.memory_space<hbm>>) target_semaphore(%arg14 : memref<!tpu.dma_semaphore, #tpu.memory_space<semaphore_mem>>)
      %add3A_726 = arith.constant 3 : i32
      %add3A_727 = arith.addi %add3A_613, %add3A_726 : i32
      %lt3A_728 = arith.constant 50 : i32
      %lt3A_729 = arith.cmpi slt, %add3A_727, %lt3A_728 : i32
      %convert_element_type3A_730 = arith.extui %lt3A_729 : i1 to i32
      %cond3A_731 = arith.constant 0 : i32
      %cond3A_732 = arith.cmpi ne, %convert_element_type3A_730, %cond3A_731 : i32
      scf.if %cond3A_732 {
        %ge3A = arith.constant 2 : i32
        %ge3A_975 = arith.cmpi sge, %add3A_613, %ge3A : i32
        %convert_element_type3A_976 = arith.extui %ge3A_975 : i1 to i32
        %cond3A_977 = arith.constant 0 : i32
        %cond3A_978 = arith.cmpi ne, %convert_element_type3A_976, %cond3A_977 : i32
        scf.if %cond3A_978 {
          %dma_wait3A_1069 = arith.constant 0 : i32
          %dma_wait3A_1070 = arith.constant 0 : i32
          %dma_wait3A_1071 = arith.constant 0 : i32
          %dma_wait3A_1072 = tpu.memref_slice %arg6[%dma_wait3A_1069, %dma_wait3A_1070, %dma_wait3A_1071] : memref<5x128x64xf32, #tpu.memory_space<vmem>> -> memref<1x128x64xf32, #tpu.memory_space<vmem>>
          %dma_wait3A_1073 = tpu.memref_squeeze %dma_wait3A_1072 : memref<1x128x64xf32, #tpu.memory_space<vmem>> -> memref<128x64xf32, #tpu.memory_space<vmem>>
          %dma_wait3A_1074 = arith.constant 0 : i32
          %dma_wait3A_1075 = arith.constant 0 : i32
          %dma_wait3A_1076 = tpu.memref_slice %arg4[%dma_wait3A_1074, %dma_wait3A_1075] : memref<204800x64xf32, #tpu.memory_space<hbm>> -> memref<128x64xf32, #tpu.memory_space<hbm>>
          %dma_wait3A_1077 = arith.constant 0 : i32
          %dma_wait3A_1078 = arith.constant 0 : i32
          %dma_wait3A_1079 = tpu.memref_slice %arg4[%dma_wait3A_1077, %dma_wait3A_1078] : memref<204800x64xf32, #tpu.memory_space<hbm>> -> memref<128x64xf32, #tpu.memory_space<hbm>>
          %dma_wait3A_1080 = arith.constant 0 : i32
          %dma_wait3A_1081 = arith.constant 0 : i32
          %dma_wait3A_1082 = tpu.memref_slice %arg6[%dma_wait3A_1069, %dma_wait3A_1080, %dma_wait3A_1081] : memref<5x128x64xf32, #tpu.memory_space<vmem>> -> memref<1x128x64xf32, #tpu.memory_space<vmem>>
          %dma_wait3A_1083 = tpu.memref_squeeze %dma_wait3A_1082 : memref<1x128x64xf32, #tpu.memory_space<vmem>> -> memref<128x64xf32, #tpu.memory_space<vmem>>
          tpu.wait_dma2 semaphore(%arg12 : memref<!tpu.dma_semaphore, #tpu.memory_space<semaphore_mem>>) src(%dma_wait3A_1083 : memref<128x64xf32, #tpu.memory_space<vmem>>) dst(%dma_wait3A_1079 : memref<128x64xf32, #tpu.memory_space<hbm>>)
        } else {
        }
        %add3A_979 = arith.constant 3 : i32
        %add3A_980 = arith.addi %add3A_613, %add3A_979 : i32
        %dma_start3A_981 = arith.constant 0 : i32
        %dma_start3A_982 = arith.constant 0 : i32
        %dma_start3A_983 = arith.constant 0 : i32
        %dma_start3A_984 = tpu.memref_slice %arg6[%dma_start3A_981, %dma_start3A_982, %dma_start3A_983] : memref<5x128x64xf32, #tpu.memory_space<vmem>> -> memref<1x16x64xf32, #tpu.memory_space<vmem>>
        %dma_start3A_985 = tpu.memref_squeeze %dma_start3A_984 : memref<1x16x64xf32, #tpu.memory_space<vmem>> -> memref<16x64xf32, #tpu.memory_space<vmem>>
        %dma_start3A_986 = arith.constant 0 : i32
        %dma_start3A_987 = tpu.memref_slice %arg5[%add3A_980, %dma_start3A_986] : memref<50x128xi32, #tpu.memory_space<vmem>> -> memref<1x16xi32, #tpu.memory_space<vmem>>
        %dma_start3A_988 = tpu.memref_squeeze %dma_start3A_987 : memref<1x16xi32, #tpu.memory_space<vmem>> -> memref<16xi32, #tpu.memory_space<vmem>>
        %dma_start3A_989 = arith.constant 0 : i32
        %dma_start3A_990 = arith.constant 0 : i32
        %dma_start3A_991 = tpu.memref_slice %arg2[%dma_start3A_989, %dma_start3A_990] : memref<499968x64xf32, #tpu.memory_space<hbm>> -> memref<499968x64xf32, #tpu.memory_space<hbm>>
        tpu.enqueue_indirect_dma source(%dma_start3A_991 : memref<499968x64xf32, #tpu.memory_space<hbm>>) target(%dma_start3A_985 : memref<16x64xf32, #tpu.memory_space<vmem>>) offsets(%dma_start3A_988 : memref<16xi32, #tpu.memory_space<vmem>>) semaphore(%arg7 : memref<!tpu.dma_semaphore, #tpu.memory_space<semaphore_mem>>)
        %dma_start3A_992 = arith.constant 0 : i32
        %dma_start3A_993 = arith.constant 16 : i32
        %dma_start3A_994 = arith.constant 0 : i32
        %dma_start3A_995 = tpu.memref_slice %arg6[%dma_start3A_992, %dma_start3A_993, %dma_start3A_994] : memref<5x128x64xf32, #tpu.memory_space<vmem>> -> memref<1x16x64xf32, #tpu.memory_space<vmem>>
        %dma_start3A_996 = tpu.memref_squeeze %dma_start3A_995 : memref<1x16x64xf32, #tpu.memory_space<vmem>> -> memref<16x64xf32, #tpu.memory_space<vmem>>
        %dma_start3A_997 = arith.constant 16 : i32
        %dma_start3A_998 = tpu.memref_slice %arg5[%add3A_980, %dma_start3A_997] : memref<50x128xi32, #tpu.memory_space<vmem>> -> memref<1x16xi32, #tpu.memory_space<vmem>>
        %dma_start3A_999 = tpu.memref_squeeze %dma_start3A_998 : memref<1x16xi32, #tpu.memory_space<vmem>> -> memref<16xi32, #tpu.memory_space<vmem>>
        %dma_start3A_1000 = arith.constant 0 : i32
        %dma_start3A_1001 = arith.constant 0 : i32
        %dma_start3A_1002 = tpu.memref_slice %arg2[%dma_start3A_1000, %dma_start3A_1001] : memref<499968x64xf32, #tpu.memory_space<hbm>> -> memref<499968x64xf32, #tpu.memory_space<hbm>>
        tpu.enqueue_indirect_dma source(%dma_start3A_1002 : memref<499968x64xf32, #tpu.memory_space<hbm>>) target(%dma_start3A_996 : memref<16x64xf32, #tpu.memory_space<vmem>>) offsets(%dma_start3A_999 : memref<16xi32, #tpu.memory_space<vmem>>) semaphore(%arg7 : memref<!tpu.dma_semaphore, #tpu.memory_space<semaphore_mem>>)
        %dma_start3A_1003 = arith.constant 0 : i32
        %dma_start3A_1004 = arith.constant 32 : i32
        %dma_start3A_1005 = arith.constant 0 : i32
        %dma_start3A_1006 = tpu.memref_slice %arg6[%dma_start3A_1003, %dma_start3A_1004, %dma_start3A_1005] : memref<5x128x64xf32, #tpu.memory_space<vmem>> -> memref<1x16x64xf32, #tpu.memory_space<vmem>>
        %dma_start3A_1007 = tpu.memref_squeeze %dma_start3A_1006 : memref<1x16x64xf32, #tpu.memory_space<vmem>> -> memref<16x64xf32, #tpu.memory_space<vmem>>
        %dma_start3A_1008 = arith.constant 32 : i32
        %dma_start3A_1009 = tpu.memref_slice %arg5[%add3A_980, %dma_start3A_1008] : memref<50x128xi32, #tpu.memory_space<vmem>> -> memref<1x16xi32, #tpu.memory_space<vmem>>
        %dma_start3A_1010 = tpu.memref_squeeze %dma_start3A_1009 : memref<1x16xi32, #tpu.memory_space<vmem>> -> memref<16xi32, #tpu.memory_space<vmem>>
        %dma_start3A_1011 = arith.constant 0 : i32
        %dma_start3A_1012 = arith.constant 0 : i32
        %dma_start3A_1013 = tpu.memref_slice %arg2[%dma_start3A_1011, %dma_start3A_1012] : memref<499968x64xf32, #tpu.memory_space<hbm>> -> memref<499968x64xf32, #tpu.memory_space<hbm>>
        tpu.enqueue_indirect_dma source(%dma_start3A_1013 : memref<499968x64xf32, #tpu.memory_space<hbm>>) target(%dma_start3A_1007 : memref<16x64xf32, #tpu.memory_space<vmem>>) offsets(%dma_start3A_1010 : memref<16xi32, #tpu.memory_space<vmem>>) semaphore(%arg7 : memref<!tpu.dma_semaphore, #tpu.memory_space<semaphore_mem>>)
        %dma_start3A_1014 = arith.constant 0 : i32
        %dma_start3A_1015 = arith.constant 48 : i32
        %dma_start3A_1016 = arith.constant 0 : i32
        %dma_start3A_1017 = tpu.memref_slice %arg6[%dma_start3A_1014, %dma_start3A_1015, %dma_start3A_1016] : memref<5x128x64xf32, #tpu.memory_space<vmem>> -> memref<1x16x64xf32, #tpu.memory_space<vmem>>
        %dma_start3A_1018 = tpu.memref_squeeze %dma_start3A_1017 : memref<1x16x64xf32, #tpu.memory_space<vmem>> -> memref<16x64xf32, #tpu.memory_space<vmem>>
        %dma_start3A_1019 = arith.constant 48 : i32
        %dma_start3A_1020 = tpu.memref_slice %arg5[%add3A_980, %dma_start3A_1019] : memref<50x128xi32, #tpu.memory_space<vmem>> -> memref<1x16xi32, #tpu.memory_space<vmem>>
        %dma_start3A_1021 = tpu.memref_squeeze %dma_start3A_1020 : memref<1x16xi32, #tpu.memory_space<vmem>> -> memref<16xi32, #tpu.memory_space<vmem>>
        %dma_start3A_1022 = arith.constant 0 : i32
        %dma_start3A_1023 = arith.constant 0 : i32
        %dma_start3A_1024 = tpu.memref_slice %arg2[%dma_start3A_1022, %dma_start3A_1023] : memref<499968x64xf32, #tpu.memory_space<hbm>> -> memref<499968x64xf32, #tpu.memory_space<hbm>>
        tpu.enqueue_indirect_dma source(%dma_start3A_1024 : memref<499968x64xf32, #tpu.memory_space<hbm>>) target(%dma_start3A_1018 : memref<16x64xf32, #tpu.memory_space<vmem>>) offsets(%dma_start3A_1021 : memref<16xi32, #tpu.memory_space<vmem>>) semaphore(%arg7 : memref<!tpu.dma_semaphore, #tpu.memory_space<semaphore_mem>>)
        %dma_start3A_1025 = arith.constant 0 : i32
        %dma_start3A_1026 = arith.constant 64 : i32
        %dma_start3A_1027 = arith.constant 0 : i32
        %dma_start3A_1028 = tpu.memref_slice %arg6[%dma_start3A_1025, %dma_start3A_1026, %dma_start3A_1027] : memref<5x128x64xf32, #tpu.memory_space<vmem>> -> memref<1x16x64xf32, #tpu.memory_space<vmem>>
        %dma_start3A_1029 = tpu.memref_squeeze %dma_start3A_1028 : memref<1x16x64xf32, #tpu.memory_space<vmem>> -> memref<16x64xf32, #tpu.memory_space<vmem>>
        %dma_start3A_1030 = arith.constant 64 : i32
        %dma_start3A_1031 = tpu.memref_slice %arg5[%add3A_980, %dma_start3A_1030] : memref<50x128xi32, #tpu.memory_space<vmem>> -> memref<1x16xi32, #tpu.memory_space<vmem>>
        %dma_start3A_1032 = tpu.memref_squeeze %dma_start3A_1031 : memref<1x16xi32, #tpu.memory_space<vmem>> -> memref<16xi32, #tpu.memory_space<vmem>>
        %dma_start3A_1033 = arith.constant 0 : i32
        %dma_start3A_1034 = arith.constant 0 : i32
        %dma_start3A_1035 = tpu.memref_slice %arg2[%dma_start3A_1033, %dma_start3A_1034] : memref<499968x64xf32, #tpu.memory_space<hbm>> -> memref<499968x64xf32, #tpu.memory_space<hbm>>
        tpu.enqueue_indirect_dma source(%dma_start3A_1035 : memref<499968x64xf32, #tpu.memory_space<hbm>>) target(%dma_start3A_1029 : memref<16x64xf32, #tpu.memory_space<vmem>>) offsets(%dma_start3A_1032 : memref<16xi32, #tpu.memory_space<vmem>>) semaphore(%arg7 : memref<!tpu.dma_semaphore, #tpu.memory_space<semaphore_mem>>)
        %dma_start3A_1036 = arith.constant 0 : i32
        %dma_start3A_1037 = arith.constant 80 : i32
        %dma_start3A_1038 = arith.constant 0 : i32
        %dma_start3A_1039 = tpu.memref_slice %arg6[%dma_start3A_1036, %dma_start3A_1037, %dma_start3A_1038] : memref<5x128x64xf32, #tpu.memory_space<vmem>> -> memref<1x16x64xf32, #tpu.memory_space<vmem>>
        %dma_start3A_1040 = tpu.memref_squeeze %dma_start3A_1039 : memref<1x16x64xf32, #tpu.memory_space<vmem>> -> memref<16x64xf32, #tpu.memory_space<vmem>>
        %dma_start3A_1041 = arith.constant 80 : i32
        %dma_start3A_1042 = tpu.memref_slice %arg5[%add3A_980, %dma_start3A_1041] : memref<50x128xi32, #tpu.memory_space<vmem>> -> memref<1x16xi32, #tpu.memory_space<vmem>>
        %dma_start3A_1043 = tpu.memref_squeeze %dma_start3A_1042 : memref<1x16xi32, #tpu.memory_space<vmem>> -> memref<16xi32, #tpu.memory_space<vmem>>
        %dma_start3A_1044 = arith.constant 0 : i32
        %dma_start3A_1045 = arith.constant 0 : i32
        %dma_start3A_1046 = tpu.memref_slice %arg2[%dma_start3A_1044, %dma_start3A_1045] : memref<499968x64xf32, #tpu.memory_space<hbm>> -> memref<499968x64xf32, #tpu.memory_space<hbm>>
        tpu.enqueue_indirect_dma source(%dma_start3A_1046 : memref<499968x64xf32, #tpu.memory_space<hbm>>) target(%dma_start3A_1040 : memref<16x64xf32, #tpu.memory_space<vmem>>) offsets(%dma_start3A_1043 : memref<16xi32, #tpu.memory_space<vmem>>) semaphore(%arg7 : memref<!tpu.dma_semaphore, #tpu.memory_space<semaphore_mem>>)
        %dma_start3A_1047 = arith.constant 0 : i32
        %dma_start3A_1048 = arith.constant 96 : i32
        %dma_start3A_1049 = arith.constant 0 : i32
        %dma_start3A_1050 = tpu.memref_slice %arg6[%dma_start3A_1047, %dma_start3A_1048, %dma_start3A_1049] : memref<5x128x64xf32, #tpu.memory_space<vmem>> -> memref<1x16x64xf32, #tpu.memory_space<vmem>>
        %dma_start3A_1051 = tpu.memref_squeeze %dma_start3A_1050 : memref<1x16x64xf32, #tpu.memory_space<vmem>> -> memref<16x64xf32, #tpu.memory_space<vmem>>
        %dma_start3A_1052 = arith.constant 96 : i32
        %dma_start3A_1053 = tpu.memref_slice %arg5[%add3A_980, %dma_start3A_1052] : memref<50x128xi32, #tpu.memory_space<vmem>> -> memref<1x16xi32, #tpu.memory_space<vmem>>
        %dma_start3A_1054 = tpu.memref_squeeze %dma_start3A_1053 : memref<1x16xi32, #tpu.memory_space<vmem>> -> memref<16xi32, #tpu.memory_space<vmem>>
        %dma_start3A_1055 = arith.constant 0 : i32
        %dma_start3A_1056 = arith.constant 0 : i32
        %dma_start3A_1057 = tpu.memref_slice %arg2[%dma_start3A_1055, %dma_start3A_1056] : memref<499968x64xf32, #tpu.memory_space<hbm>> -> memref<499968x64xf32, #tpu.memory_space<hbm>>
        tpu.enqueue_indirect_dma source(%dma_start3A_1057 : memref<499968x64xf32, #tpu.memory_space<hbm>>) target(%dma_start3A_1051 : memref<16x64xf32, #tpu.memory_space<vmem>>) offsets(%dma_start3A_1054 : memref<16xi32, #tpu.memory_space<vmem>>) semaphore(%arg7 : memref<!tpu.dma_semaphore, #tpu.memory_space<semaphore_mem>>)
        %dma_start3A_1058 = arith.constant 0 : i32
        %dma_start3A_1059 = arith.constant 112 : i32
        %dma_start3A_1060 = arith.constant 0 : i32
        %dma_start3A_1061 = tpu.memref_slice %arg6[%dma_start3A_1058, %dma_start3A_1059, %dma_start3A_1060] : memref<5x128x64xf32, #tpu.memory_space<vmem>> -> memref<1x16x64xf32, #tpu.memory_space<vmem>>
        %dma_start3A_1062 = tpu.memref_squeeze %dma_start3A_1061 : memref<1x16x64xf32, #tpu.memory_space<vmem>> -> memref<16x64xf32, #tpu.memory_space<vmem>>
        %dma_start3A_1063 = arith.constant 112 : i32
        %dma_start3A_1064 = tpu.memref_slice %arg5[%add3A_980, %dma_start3A_1063] : memref<50x128xi32, #tpu.memory_space<vmem>> -> memref<1x16xi32, #tpu.memory_space<vmem>>
        %dma_start3A_1065 = tpu.memref_squeeze %dma_start3A_1064 : memref<1x16xi32, #tpu.memory_space<vmem>> -> memref<16xi32, #tpu.memory_space<vmem>>
        %dma_start3A_1066 = arith.constant 0 : i32
        %dma_start3A_1067 = arith.constant 0 : i32
        %dma_start3A_1068 = tpu.memref_slice %arg2[%dma_start3A_1066, %dma_start3A_1067] : memref<499968x64xf32, #tpu.memory_space<hbm>> -> memref<499968x64xf32, #tpu.memory_space<hbm>>
        tpu.enqueue_indirect_dma source(%dma_start3A_1068 : memref<499968x64xf32, #tpu.memory_space<hbm>>) target(%dma_start3A_1062 : memref<16x64xf32, #tpu.memory_space<vmem>>) offsets(%dma_start3A_1065 : memref<16xi32, #tpu.memory_space<vmem>>) semaphore(%arg7 : memref<!tpu.dma_semaphore, #tpu.memory_space<semaphore_mem>>)
      } else {
      }
      %add3A_733 = arith.constant 3 : i32
      %add3A_734 = arith.addi %add3A_372, %add3A_733 : i32
      %dma_wait3A_735 = arith.constant 0 : i32
      %dma_wait3A_736 = arith.constant 3 : i32
      %dma_wait3A_737 = arith.constant 0 : i32
      %dma_wait3A_738 = arith.constant 0 : i32
      %dma_wait3A_739 = tpu.memref_slice %arg6[%dma_wait3A_736, %dma_wait3A_737, %dma_wait3A_738] : memref<5x128x64xf32, #tpu.memory_space<vmem>> -> memref<1x16x64xf32, #tpu.memory_space<vmem>>
      %dma_wait3A_740 = tpu.memref_squeeze %dma_wait3A_739 : memref<1x16x64xf32, #tpu.memory_space<vmem>> -> memref<16x64xf32, #tpu.memory_space<vmem>>
      %dma_wait3A_741 = arith.constant 0 : i32
      %dma_wait3A_742 = tpu.memref_slice %arg5[%dma_wait3A_735, %dma_wait3A_741] : memref<50x128xi32, #tpu.memory_space<vmem>> -> memref<1x16xi32, #tpu.memory_space<vmem>>
      %dma_wait3A_743 = tpu.memref_squeeze %dma_wait3A_742 : memref<1x16xi32, #tpu.memory_space<vmem>> -> memref<16xi32, #tpu.memory_space<vmem>>
      %dma_wait3A_744 = arith.constant 0 : i32
      %dma_wait3A_745 = arith.constant 0 : i32
      %dma_wait3A_746 = tpu.memref_slice %arg2[%dma_wait3A_744, %dma_wait3A_745] : memref<499968x64xf32, #tpu.memory_space<hbm>> -> memref<499968x64xf32, #tpu.memory_space<hbm>>
      tpu.wait_indirect_dma semaphore(%arg10 : memref<!tpu.dma_semaphore, #tpu.memory_space<semaphore_mem>>) src(%dma_wait3A_746 : memref<499968x64xf32, #tpu.memory_space<hbm>>) dst(%dma_wait3A_740 : memref<16x64xf32, #tpu.memory_space<vmem>>)
      %dma_wait3A_747 = arith.constant 0 : i32
      %dma_wait3A_748 = arith.constant 3 : i32
      %dma_wait3A_749 = arith.constant 16 : i32
      %dma_wait3A_750 = arith.constant 0 : i32
      %dma_wait3A_751 = tpu.memref_slice %arg6[%dma_wait3A_748, %dma_wait3A_749, %dma_wait3A_750] : memref<5x128x64xf32, #tpu.memory_space<vmem>> -> memref<1x16x64xf32, #tpu.memory_space<vmem>>
      %dma_wait3A_752 = tpu.memref_squeeze %dma_wait3A_751 : memref<1x16x64xf32, #tpu.memory_space<vmem>> -> memref<16x64xf32, #tpu.memory_space<vmem>>
      %dma_wait3A_753 = arith.constant 16 : i32
      %dma_wait3A_754 = tpu.memref_slice %arg5[%dma_wait3A_747, %dma_wait3A_753] : memref<50x128xi32, #tpu.memory_space<vmem>> -> memref<1x16xi32, #tpu.memory_space<vmem>>
      %dma_wait3A_755 = tpu.memref_squeeze %dma_wait3A_754 : memref<1x16xi32, #tpu.memory_space<vmem>> -> memref<16xi32, #tpu.memory_space<vmem>>
      %dma_wait3A_756 = arith.constant 0 : i32
      %dma_wait3A_757 = arith.constant 0 : i32
      %dma_wait3A_758 = tpu.memref_slice %arg2[%dma_wait3A_756, %dma_wait3A_757] : memref<499968x64xf32, #tpu.memory_space<hbm>> -> memref<499968x64xf32, #tpu.memory_space<hbm>>
      tpu.wait_indirect_dma semaphore(%arg10 : memref<!tpu.dma_semaphore, #tpu.memory_space<semaphore_mem>>) src(%dma_wait3A_758 : memref<499968x64xf32, #tpu.memory_space<hbm>>) dst(%dma_wait3A_752 : memref<16x64xf32, #tpu.memory_space<vmem>>)
      %dma_wait3A_759 = arith.constant 0 : i32
      %dma_wait3A_760 = arith.constant 3 : i32
      %dma_wait3A_761 = arith.constant 32 : i32
      %dma_wait3A_762 = arith.constant 0 : i32
      %dma_wait3A_763 = tpu.memref_slice %arg6[%dma_wait3A_760, %dma_wait3A_761, %dma_wait3A_762] : memref<5x128x64xf32, #tpu.memory_space<vmem>> -> memref<1x16x64xf32, #tpu.memory_space<vmem>>
      %dma_wait3A_764 = tpu.memref_squeeze %dma_wait3A_763 : memref<1x16x64xf32, #tpu.memory_space<vmem>> -> memref<16x64xf32, #tpu.memory_space<vmem>>
      %dma_wait3A_765 = arith.constant 32 : i32
      %dma_wait3A_766 = tpu.memref_slice %arg5[%dma_wait3A_759, %dma_wait3A_765] : memref<50x128xi32, #tpu.memory_space<vmem>> -> memref<1x16xi32, #tpu.memory_space<vmem>>
      %dma_wait3A_767 = tpu.memref_squeeze %dma_wait3A_766 : memref<1x16xi32, #tpu.memory_space<vmem>> -> memref<16xi32, #tpu.memory_space<vmem>>
      %dma_wait3A_768 = arith.constant 0 : i32
      %dma_wait3A_769 = arith.constant 0 : i32
      %dma_wait3A_770 = tpu.memref_slice %arg2[%dma_wait3A_768, %dma_wait3A_769] : memref<499968x64xf32, #tpu.memory_space<hbm>> -> memref<499968x64xf32, #tpu.memory_space<hbm>>
      tpu.wait_indirect_dma semaphore(%arg10 : memref<!tpu.dma_semaphore, #tpu.memory_space<semaphore_mem>>) src(%dma_wait3A_770 : memref<499968x64xf32, #tpu.memory_space<hbm>>) dst(%dma_wait3A_764 : memref<16x64xf32, #tpu.memory_space<vmem>>)
      %dma_wait3A_771 = arith.constant 0 : i32
      %dma_wait3A_772 = arith.constant 3 : i32
      %dma_wait3A_773 = arith.constant 48 : i32
      %dma_wait3A_774 = arith.constant 0 : i32
      %dma_wait3A_775 = tpu.memref_slice %arg6[%dma_wait3A_772, %dma_wait3A_773, %dma_wait3A_774] : memref<5x128x64xf32, #tpu.memory_space<vmem>> -> memref<1x16x64xf32, #tpu.memory_space<vmem>>
      %dma_wait3A_776 = tpu.memref_squeeze %dma_wait3A_775 : memref<1x16x64xf32, #tpu.memory_space<vmem>> -> memref<16x64xf32, #tpu.memory_space<vmem>>
      %dma_wait3A_777 = arith.constant 48 : i32
      %dma_wait3A_778 = tpu.memref_slice %arg5[%dma_wait3A_771, %dma_wait3A_777] : memref<50x128xi32, #tpu.memory_space<vmem>> -> memref<1x16xi32, #tpu.memory_space<vmem>>
      %dma_wait3A_779 = tpu.memref_squeeze %dma_wait3A_778 : memref<1x16xi32, #tpu.memory_space<vmem>> -> memref<16xi32, #tpu.memory_space<vmem>>
      %dma_wait3A_780 = arith.constant 0 : i32
      %dma_wait3A_781 = arith.constant 0 : i32
      %dma_wait3A_782 = tpu.memref_slice %arg2[%dma_wait3A_780, %dma_wait3A_781] : memref<499968x64xf32, #tpu.memory_space<hbm>> -> memref<499968x64xf32, #tpu.memory_space<hbm>>
      tpu.wait_indirect_dma semaphore(%arg10 : memref<!tpu.dma_semaphore, #tpu.memory_space<semaphore_mem>>) src(%dma_wait3A_782 : memref<499968x64xf32, #tpu.memory_space<hbm>>) dst(%dma_wait3A_776 : memref<16x64xf32, #tpu.memory_space<vmem>>)
      %dma_wait3A_783 = arith.constant 0 : i32
      %dma_wait3A_784 = arith.constant 3 : i32
      %dma_wait3A_785 = arith.constant 64 : i32
      %dma_wait3A_786 = arith.constant 0 : i32
      %dma_wait3A_787 = tpu.memref_slice %arg6[%dma_wait3A_784, %dma_wait3A_785, %dma_wait3A_786] : memref<5x128x64xf32, #tpu.memory_space<vmem>> -> memref<1x16x64xf32, #tpu.memory_space<vmem>>
      %dma_wait3A_788 = tpu.memref_squeeze %dma_wait3A_787 : memref<1x16x64xf32, #tpu.memory_space<vmem>> -> memref<16x64xf32, #tpu.memory_space<vmem>>
      %dma_wait3A_789 = arith.constant 64 : i32
      %dma_wait3A_790 = tpu.memref_slice %arg5[%dma_wait3A_783, %dma_wait3A_789] : memref<50x128xi32, #tpu.memory_space<vmem>> -> memref<1x16xi32, #tpu.memory_space<vmem>>
      %dma_wait3A_791 = tpu.memref_squeeze %dma_wait3A_790 : memref<1x16xi32, #tpu.memory_space<vmem>> -> memref<16xi32, #tpu.memory_space<vmem>>
      %dma_wait3A_792 = arith.constant 0 : i32
      %dma_wait3A_793 = arith.constant 0 : i32
      %dma_wait3A_794 = tpu.memref_slice %arg2[%dma_wait3A_792, %dma_wait3A_793] : memref<499968x64xf32, #tpu.memory_space<hbm>> -> memref<499968x64xf32, #tpu.memory_space<hbm>>
      tpu.wait_indirect_dma semaphore(%arg10 : memref<!tpu.dma_semaphore, #tpu.memory_space<semaphore_mem>>) src(%dma_wait3A_794 : memref<499968x64xf32, #tpu.memory_space<hbm>>) dst(%dma_wait3A_788 : memref<16x64xf32, #tpu.memory_space<vmem>>)
      %dma_wait3A_795 = arith.constant 0 : i32
      %dma_wait3A_796 = arith.constant 3 : i32
      %dma_wait3A_797 = arith.constant 80 : i32
      %dma_wait3A_798 = arith.constant 0 : i32
      %dma_wait3A_799 = tpu.memref_slice %arg6[%dma_wait3A_796, %dma_wait3A_797, %dma_wait3A_798] : memref<5x128x64xf32, #tpu.memory_space<vmem>> -> memref<1x16x64xf32, #tpu.memory_space<vmem>>
      %dma_wait3A_800 = tpu.memref_squeeze %dma_wait3A_799 : memref<1x16x64xf32, #tpu.memory_space<vmem>> -> memref<16x64xf32, #tpu.memory_space<vmem>>
      %dma_wait3A_801 = arith.constant 80 : i32
      %dma_wait3A_802 = tpu.memref_slice %arg5[%dma_wait3A_795, %dma_wait3A_801] : memref<50x128xi32, #tpu.memory_space<vmem>> -> memref<1x16xi32, #tpu.memory_space<vmem>>
      %dma_wait3A_803 = tpu.memref_squeeze %dma_wait3A_802 : memref<1x16xi32, #tpu.memory_space<vmem>> -> memref<16xi32, #tpu.memory_space<vmem>>
      %dma_wait3A_804 = arith.constant 0 : i32
      %dma_wait3A_805 = arith.constant 0 : i32
      %dma_wait3A_806 = tpu.memref_slice %arg2[%dma_wait3A_804, %dma_wait3A_805] : memref<499968x64xf32, #tpu.memory_space<hbm>> -> memref<499968x64xf32, #tpu.memory_space<hbm>>
      tpu.wait_indirect_dma semaphore(%arg10 : memref<!tpu.dma_semaphore, #tpu.memory_space<semaphore_mem>>) src(%dma_wait3A_806 : memref<499968x64xf32, #tpu.memory_space<hbm>>) dst(%dma_wait3A_800 : memref<16x64xf32, #tpu.memory_space<vmem>>)
      %dma_wait3A_807 = arith.constant 0 : i32
      %dma_wait3A_808 = arith.constant 3 : i32
      %dma_wait3A_809 = arith.constant 96 : i32
      %dma_wait3A_810 = arith.constant 0 : i32
      %dma_wait3A_811 = tpu.memref_slice %arg6[%dma_wait3A_808, %dma_wait3A_809, %dma_wait3A_810] : memref<5x128x64xf32, #tpu.memory_space<vmem>> -> memref<1x16x64xf32, #tpu.memory_space<vmem>>
      %dma_wait3A_812 = tpu.memref_squeeze %dma_wait3A_811 : memref<1x16x64xf32, #tpu.memory_space<vmem>> -> memref<16x64xf32, #tpu.memory_space<vmem>>
      %dma_wait3A_813 = arith.constant 96 : i32
      %dma_wait3A_814 = tpu.memref_slice %arg5[%dma_wait3A_807, %dma_wait3A_813] : memref<50x128xi32, #tpu.memory_space<vmem>> -> memref<1x16xi32, #tpu.memory_space<vmem>>
      %dma_wait3A_815 = tpu.memref_squeeze %dma_wait3A_814 : memref<1x16xi32, #tpu.memory_space<vmem>> -> memref<16xi32, #tpu.memory_space<vmem>>
      %dma_wait3A_816 = arith.constant 0 : i32
      %dma_wait3A_817 = arith.constant 0 : i32
      %dma_wait3A_818 = tpu.memref_slice %arg2[%dma_wait3A_816, %dma_wait3A_817] : memref<499968x64xf32, #tpu.memory_space<hbm>> -> memref<499968x64xf32, #tpu.memory_space<hbm>>
      tpu.wait_indirect_dma semaphore(%arg10 : memref<!tpu.dma_semaphore, #tpu.memory_space<semaphore_mem>>) src(%dma_wait3A_818 : memref<499968x64xf32, #tpu.memory_space<hbm>>) dst(%dma_wait3A_812 : memref<16x64xf32, #tpu.memory_space<vmem>>)
      %dma_wait3A_819 = arith.constant 0 : i32
      %dma_wait3A_820 = arith.constant 3 : i32
      %dma_wait3A_821 = arith.constant 112 : i32
      %dma_wait3A_822 = arith.constant 0 : i32
      %dma_wait3A_823 = tpu.memref_slice %arg6[%dma_wait3A_820, %dma_wait3A_821, %dma_wait3A_822] : memref<5x128x64xf32, #tpu.memory_space<vmem>> -> memref<1x16x64xf32, #tpu.memory_space<vmem>>
      %dma_wait3A_824 = tpu.memref_squeeze %dma_wait3A_823 : memref<1x16x64xf32, #tpu.memory_space<vmem>> -> memref<16x64xf32, #tpu.memory_space<vmem>>
      %dma_wait3A_825 = arith.constant 112 : i32
      %dma_wait3A_826 = tpu.memref_slice %arg5[%dma_wait3A_819, %dma_wait3A_825] : memref<50x128xi32, #tpu.memory_space<vmem>> -> memref<1x16xi32, #tpu.memory_space<vmem>>
      %dma_wait3A_827 = tpu.memref_squeeze %dma_wait3A_826 : memref<1x16xi32, #tpu.memory_space<vmem>> -> memref<16xi32, #tpu.memory_space<vmem>>
      %dma_wait3A_828 = arith.constant 0 : i32
      %dma_wait3A_829 = arith.constant 0 : i32
      %dma_wait3A_830 = tpu.memref_slice %arg2[%dma_wait3A_828, %dma_wait3A_829] : memref<499968x64xf32, #tpu.memory_space<hbm>> -> memref<499968x64xf32, #tpu.memory_space<hbm>>
      tpu.wait_indirect_dma semaphore(%arg10 : memref<!tpu.dma_semaphore, #tpu.memory_space<semaphore_mem>>) src(%dma_wait3A_830 : memref<499968x64xf32, #tpu.memory_space<hbm>>) dst(%dma_wait3A_824 : memref<16x64xf32, #tpu.memory_space<vmem>>)
      %mul3A_831 = arith.constant 128 : i32
      %mul3A_832 = arith.muli %add3A_734, %mul3A_831 : i32
      %add3A_833 = arith.addi %mul3A_2, %mul3A_832 : i32
      %dma_start3A_834 = arith.constant 3 : i32
      %dma_start3A_835 = arith.constant 0 : i32
      %dma_start3A_836 = arith.constant 0 : i32
      %dma_start3A_837 = tpu.memref_slice %arg6[%dma_start3A_834, %dma_start3A_835, %dma_start3A_836] : memref<5x128x64xf32, #tpu.memory_space<vmem>> -> memref<1x128x64xf32, #tpu.memory_space<vmem>>
      %dma_start3A_838 = tpu.memref_squeeze %dma_start3A_837 : memref<1x128x64xf32, #tpu.memory_space<vmem>> -> memref<128x64xf32, #tpu.memory_space<vmem>>
      %dma_start3A_839 = arith.constant 0 : i32
      %dma_start3A_840 = tpu.memref_slice %arg4[%add3A_833, %dma_start3A_839] : memref<204800x64xf32, #tpu.memory_space<hbm>> -> memref<128x64xf32, #tpu.memory_space<hbm>>
      %dma_start3A_841 = arith.constant 0 : i32
      %dma_start3A_842 = tpu.memref_slice %arg4[%add3A_833, %dma_start3A_841] : memref<204800x64xf32, #tpu.memory_space<hbm>> -> memref<128x64xf32, #tpu.memory_space<hbm>>
      %dma_start3A_843 = arith.constant 0 : i32
      %dma_start3A_844 = arith.constant 0 : i32
      %dma_start3A_845 = tpu.memref_slice %arg6[%dma_start3A_834, %dma_start3A_843, %dma_start3A_844] : memref<5x128x64xf32, #tpu.memory_space<vmem>> -> memref<1x128x64xf32, #tpu.memory_space<vmem>>
      %dma_start3A_846 = tpu.memref_squeeze %dma_start3A_845 : memref<1x128x64xf32, #tpu.memory_space<vmem>> -> memref<128x64xf32, #tpu.memory_space<vmem>>
      tpu.enqueue_dma source(%dma_start3A_846 : memref<128x64xf32, #tpu.memory_space<vmem>>) target(%dma_start3A_842 : memref<128x64xf32, #tpu.memory_space<hbm>>) target_semaphore(%arg15 : memref<!tpu.dma_semaphore, #tpu.memory_space<semaphore_mem>>)
      %add3A_847 = arith.constant 3 : i32
      %add3A_848 = arith.addi %add3A_734, %add3A_847 : i32
      %lt3A_849 = arith.constant 50 : i32
      %lt3A_850 = arith.cmpi slt, %add3A_848, %lt3A_849 : i32
      %convert_element_type3A_851 = arith.extui %lt3A_850 : i1 to i32
      %cond3A_852 = arith.constant 0 : i32
      %cond3A_853 = arith.cmpi ne, %convert_element_type3A_851, %cond3A_852 : i32
      scf.if %cond3A_853 {
        %ge3A = arith.constant 2 : i32
        %ge3A_975 = arith.cmpi sge, %add3A_734, %ge3A : i32
        %convert_element_type3A_976 = arith.extui %ge3A_975 : i1 to i32
        %cond3A_977 = arith.constant 0 : i32
        %cond3A_978 = arith.cmpi ne, %convert_element_type3A_976, %cond3A_977 : i32
        scf.if %cond3A_978 {
          %dma_wait3A_1069 = arith.constant 1 : i32
          %dma_wait3A_1070 = arith.constant 0 : i32
          %dma_wait3A_1071 = arith.constant 0 : i32
          %dma_wait3A_1072 = tpu.memref_slice %arg6[%dma_wait3A_1069, %dma_wait3A_1070, %dma_wait3A_1071] : memref<5x128x64xf32, #tpu.memory_space<vmem>> -> memref<1x128x64xf32, #tpu.memory_space<vmem>>
          %dma_wait3A_1073 = tpu.memref_squeeze %dma_wait3A_1072 : memref<1x128x64xf32, #tpu.memory_space<vmem>> -> memref<128x64xf32, #tpu.memory_space<vmem>>
          %dma_wait3A_1074 = arith.constant 0 : i32
          %dma_wait3A_1075 = arith.constant 0 : i32
          %dma_wait3A_1076 = tpu.memref_slice %arg4[%dma_wait3A_1074, %dma_wait3A_1075] : memref<204800x64xf32, #tpu.memory_space<hbm>> -> memref<128x64xf32, #tpu.memory_space<hbm>>
          %dma_wait3A_1077 = arith.constant 0 : i32
          %dma_wait3A_1078 = arith.constant 0 : i32
          %dma_wait3A_1079 = tpu.memref_slice %arg4[%dma_wait3A_1077, %dma_wait3A_1078] : memref<204800x64xf32, #tpu.memory_space<hbm>> -> memref<128x64xf32, #tpu.memory_space<hbm>>
          %dma_wait3A_1080 = arith.constant 0 : i32
          %dma_wait3A_1081 = arith.constant 0 : i32
          %dma_wait3A_1082 = tpu.memref_slice %arg6[%dma_wait3A_1069, %dma_wait3A_1080, %dma_wait3A_1081] : memref<5x128x64xf32, #tpu.memory_space<vmem>> -> memref<1x128x64xf32, #tpu.memory_space<vmem>>
          %dma_wait3A_1083 = tpu.memref_squeeze %dma_wait3A_1082 : memref<1x128x64xf32, #tpu.memory_space<vmem>> -> memref<128x64xf32, #tpu.memory_space<vmem>>
          tpu.wait_dma2 semaphore(%arg13 : memref<!tpu.dma_semaphore, #tpu.memory_space<semaphore_mem>>) src(%dma_wait3A_1083 : memref<128x64xf32, #tpu.memory_space<vmem>>) dst(%dma_wait3A_1079 : memref<128x64xf32, #tpu.memory_space<hbm>>)
        } else {
        }
        %add3A_979 = arith.constant 3 : i32
        %add3A_980 = arith.addi %add3A_734, %add3A_979 : i32
        %dma_start3A_981 = arith.constant 1 : i32
        %dma_start3A_982 = arith.constant 0 : i32
        %dma_start3A_983 = arith.constant 0 : i32
        %dma_start3A_984 = tpu.memref_slice %arg6[%dma_start3A_981, %dma_start3A_982, %dma_start3A_983] : memref<5x128x64xf32, #tpu.memory_space<vmem>> -> memref<1x16x64xf32, #tpu.memory_space<vmem>>
        %dma_start3A_985 = tpu.memref_squeeze %dma_start3A_984 : memref<1x16x64xf32, #tpu.memory_space<vmem>> -> memref<16x64xf32, #tpu.memory_space<vmem>>
        %dma_start3A_986 = arith.constant 0 : i32
        %dma_start3A_987 = tpu.memref_slice %arg5[%add3A_980, %dma_start3A_986] : memref<50x128xi32, #tpu.memory_space<vmem>> -> memref<1x16xi32, #tpu.memory_space<vmem>>
        %dma_start3A_988 = tpu.memref_squeeze %dma_start3A_987 : memref<1x16xi32, #tpu.memory_space<vmem>> -> memref<16xi32, #tpu.memory_space<vmem>>
        %dma_start3A_989 = arith.constant 0 : i32
        %dma_start3A_990 = arith.constant 0 : i32
        %dma_start3A_991 = tpu.memref_slice %arg2[%dma_start3A_989, %dma_start3A_990] : memref<499968x64xf32, #tpu.memory_space<hbm>> -> memref<499968x64xf32, #tpu.memory_space<hbm>>
        tpu.enqueue_indirect_dma source(%dma_start3A_991 : memref<499968x64xf32, #tpu.memory_space<hbm>>) target(%dma_start3A_985 : memref<16x64xf32, #tpu.memory_space<vmem>>) offsets(%dma_start3A_988 : memref<16xi32, #tpu.memory_space<vmem>>) semaphore(%arg8 : memref<!tpu.dma_semaphore, #tpu.memory_space<semaphore_mem>>)
        %dma_start3A_992 = arith.constant 1 : i32
        %dma_start3A_993 = arith.constant 16 : i32
        %dma_start3A_994 = arith.constant 0 : i32
        %dma_start3A_995 = tpu.memref_slice %arg6[%dma_start3A_992, %dma_start3A_993, %dma_start3A_994] : memref<5x128x64xf32, #tpu.memory_space<vmem>> -> memref<1x16x64xf32, #tpu.memory_space<vmem>>
        %dma_start3A_996 = tpu.memref_squeeze %dma_start3A_995 : memref<1x16x64xf32, #tpu.memory_space<vmem>> -> memref<16x64xf32, #tpu.memory_space<vmem>>
        %dma_start3A_997 = arith.constant 16 : i32
        %dma_start3A_998 = tpu.memref_slice %arg5[%add3A_980, %dma_start3A_997] : memref<50x128xi32, #tpu.memory_space<vmem>> -> memref<1x16xi32, #tpu.memory_space<vmem>>
        %dma_start3A_999 = tpu.memref_squeeze %dma_start3A_998 : memref<1x16xi32, #tpu.memory_space<vmem>> -> memref<16xi32, #tpu.memory_space<vmem>>
        %dma_start3A_1000 = arith.constant 0 : i32
        %dma_start3A_1001 = arith.constant 0 : i32
        %dma_start3A_1002 = tpu.memref_slice %arg2[%dma_start3A_1000, %dma_start3A_1001] : memref<499968x64xf32, #tpu.memory_space<hbm>> -> memref<499968x64xf32, #tpu.memory_space<hbm>>
        tpu.enqueue_indirect_dma source(%dma_start3A_1002 : memref<499968x64xf32, #tpu.memory_space<hbm>>) target(%dma_start3A_996 : memref<16x64xf32, #tpu.memory_space<vmem>>) offsets(%dma_start3A_999 : memref<16xi32, #tpu.memory_space<vmem>>) semaphore(%arg8 : memref<!tpu.dma_semaphore, #tpu.memory_space<semaphore_mem>>)
        %dma_start3A_1003 = arith.constant 1 : i32
        %dma_start3A_1004 = arith.constant 32 : i32
        %dma_start3A_1005 = arith.constant 0 : i32
        %dma_start3A_1006 = tpu.memref_slice %arg6[%dma_start3A_1003, %dma_start3A_1004, %dma_start3A_1005] : memref<5x128x64xf32, #tpu.memory_space<vmem>> -> memref<1x16x64xf32, #tpu.memory_space<vmem>>
        %dma_start3A_1007 = tpu.memref_squeeze %dma_start3A_1006 : memref<1x16x64xf32, #tpu.memory_space<vmem>> -> memref<16x64xf32, #tpu.memory_space<vmem>>
        %dma_start3A_1008 = arith.constant 32 : i32
        %dma_start3A_1009 = tpu.memref_slice %arg5[%add3A_980, %dma_start3A_1008] : memref<50x128xi32, #tpu.memory_space<vmem>> -> memref<1x16xi32, #tpu.memory_space<vmem>>
        %dma_start3A_1010 = tpu.memref_squeeze %dma_start3A_1009 : memref<1x16xi32, #tpu.memory_space<vmem>> -> memref<16xi32, #tpu.memory_space<vmem>>
        %dma_start3A_1011 = arith.constant 0 : i32
        %dma_start3A_1012 = arith.constant 0 : i32
        %dma_start3A_1013 = tpu.memref_slice %arg2[%dma_start3A_1011, %dma_start3A_1012] : memref<499968x64xf32, #tpu.memory_space<hbm>> -> memref<499968x64xf32, #tpu.memory_space<hbm>>
        tpu.enqueue_indirect_dma source(%dma_start3A_1013 : memref<499968x64xf32, #tpu.memory_space<hbm>>) target(%dma_start3A_1007 : memref<16x64xf32, #tpu.memory_space<vmem>>) offsets(%dma_start3A_1010 : memref<16xi32, #tpu.memory_space<vmem>>) semaphore(%arg8 : memref<!tpu.dma_semaphore, #tpu.memory_space<semaphore_mem>>)
        %dma_start3A_1014 = arith.constant 1 : i32
        %dma_start3A_1015 = arith.constant 48 : i32
        %dma_start3A_1016 = arith.constant 0 : i32
        %dma_start3A_1017 = tpu.memref_slice %arg6[%dma_start3A_1014, %dma_start3A_1015, %dma_start3A_1016] : memref<5x128x64xf32, #tpu.memory_space<vmem>> -> memref<1x16x64xf32, #tpu.memory_space<vmem>>
        %dma_start3A_1018 = tpu.memref_squeeze %dma_start3A_1017 : memref<1x16x64xf32, #tpu.memory_space<vmem>> -> memref<16x64xf32, #tpu.memory_space<vmem>>
        %dma_start3A_1019 = arith.constant 48 : i32
        %dma_start3A_1020 = tpu.memref_slice %arg5[%add3A_980, %dma_start3A_1019] : memref<50x128xi32, #tpu.memory_space<vmem>> -> memref<1x16xi32, #tpu.memory_space<vmem>>
        %dma_start3A_1021 = tpu.memref_squeeze %dma_start3A_1020 : memref<1x16xi32, #tpu.memory_space<vmem>> -> memref<16xi32, #tpu.memory_space<vmem>>
        %dma_start3A_1022 = arith.constant 0 : i32
        %dma_start3A_1023 = arith.constant 0 : i32
        %dma_start3A_1024 = tpu.memref_slice %arg2[%dma_start3A_1022, %dma_start3A_1023] : memref<499968x64xf32, #tpu.memory_space<hbm>> -> memref<499968x64xf32, #tpu.memory_space<hbm>>
        tpu.enqueue_indirect_dma source(%dma_start3A_1024 : memref<499968x64xf32, #tpu.memory_space<hbm>>) target(%dma_start3A_1018 : memref<16x64xf32, #tpu.memory_space<vmem>>) offsets(%dma_start3A_1021 : memref<16xi32, #tpu.memory_space<vmem>>) semaphore(%arg8 : memref<!tpu.dma_semaphore, #tpu.memory_space<semaphore_mem>>)
        %dma_start3A_1025 = arith.constant 1 : i32
        %dma_start3A_1026 = arith.constant 64 : i32
        %dma_start3A_1027 = arith.constant 0 : i32
        %dma_start3A_1028 = tpu.memref_slice %arg6[%dma_start3A_1025, %dma_start3A_1026, %dma_start3A_1027] : memref<5x128x64xf32, #tpu.memory_space<vmem>> -> memref<1x16x64xf32, #tpu.memory_space<vmem>>
        %dma_start3A_1029 = tpu.memref_squeeze %dma_start3A_1028 : memref<1x16x64xf32, #tpu.memory_space<vmem>> -> memref<16x64xf32, #tpu.memory_space<vmem>>
        %dma_start3A_1030 = arith.constant 64 : i32
        %dma_start3A_1031 = tpu.memref_slice %arg5[%add3A_980, %dma_start3A_1030] : memref<50x128xi32, #tpu.memory_space<vmem>> -> memref<1x16xi32, #tpu.memory_space<vmem>>
        %dma_start3A_1032 = tpu.memref_squeeze %dma_start3A_1031 : memref<1x16xi32, #tpu.memory_space<vmem>> -> memref<16xi32, #tpu.memory_space<vmem>>
        %dma_start3A_1033 = arith.constant 0 : i32
        %dma_start3A_1034 = arith.constant 0 : i32
        %dma_start3A_1035 = tpu.memref_slice %arg2[%dma_start3A_1033, %dma_start3A_1034] : memref<499968x64xf32, #tpu.memory_space<hbm>> -> memref<499968x64xf32, #tpu.memory_space<hbm>>
        tpu.enqueue_indirect_dma source(%dma_start3A_1035 : memref<499968x64xf32, #tpu.memory_space<hbm>>) target(%dma_start3A_1029 : memref<16x64xf32, #tpu.memory_space<vmem>>) offsets(%dma_start3A_1032 : memref<16xi32, #tpu.memory_space<vmem>>) semaphore(%arg8 : memref<!tpu.dma_semaphore, #tpu.memory_space<semaphore_mem>>)
        %dma_start3A_1036 = arith.constant 1 : i32
        %dma_start3A_1037 = arith.constant 80 : i32
        %dma_start3A_1038 = arith.constant 0 : i32
        %dma_start3A_1039 = tpu.memref_slice %arg6[%dma_start3A_1036, %dma_start3A_1037, %dma_start3A_1038] : memref<5x128x64xf32, #tpu.memory_space<vmem>> -> memref<1x16x64xf32, #tpu.memory_space<vmem>>
        %dma_start3A_1040 = tpu.memref_squeeze %dma_start3A_1039 : memref<1x16x64xf32, #tpu.memory_space<vmem>> -> memref<16x64xf32, #tpu.memory_space<vmem>>
        %dma_start3A_1041 = arith.constant 80 : i32
        %dma_start3A_1042 = tpu.memref_slice %arg5[%add3A_980, %dma_start3A_1041] : memref<50x128xi32, #tpu.memory_space<vmem>> -> memref<1x16xi32, #tpu.memory_space<vmem>>
        %dma_start3A_1043 = tpu.memref_squeeze %dma_start3A_1042 : memref<1x16xi32, #tpu.memory_space<vmem>> -> memref<16xi32, #tpu.memory_space<vmem>>
        %dma_start3A_1044 = arith.constant 0 : i32
        %dma_start3A_1045 = arith.constant 0 : i32
        %dma_start3A_1046 = tpu.memref_slice %arg2[%dma_start3A_1044, %dma_start3A_1045] : memref<499968x64xf32, #tpu.memory_space<hbm>> -> memref<499968x64xf32, #tpu.memory_space<hbm>>
        tpu.enqueue_indirect_dma source(%dma_start3A_1046 : memref<499968x64xf32, #tpu.memory_space<hbm>>) target(%dma_start3A_1040 : memref<16x64xf32, #tpu.memory_space<vmem>>) offsets(%dma_start3A_1043 : memref<16xi32, #tpu.memory_space<vmem>>) semaphore(%arg8 : memref<!tpu.dma_semaphore, #tpu.memory_space<semaphore_mem>>)
        %dma_start3A_1047 = arith.constant 1 : i32
        %dma_start3A_1048 = arith.constant 96 : i32
        %dma_start3A_1049 = arith.constant 0 : i32
        %dma_start3A_1050 = tpu.memref_slice %arg6[%dma_start3A_1047, %dma_start3A_1048, %dma_start3A_1049] : memref<5x128x64xf32, #tpu.memory_space<vmem>> -> memref<1x16x64xf32, #tpu.memory_space<vmem>>
        %dma_start3A_1051 = tpu.memref_squeeze %dma_start3A_1050 : memref<1x16x64xf32, #tpu.memory_space<vmem>> -> memref<16x64xf32, #tpu.memory_space<vmem>>
        %dma_start3A_1052 = arith.constant 96 : i32
        %dma_start3A_1053 = tpu.memref_slice %arg5[%add3A_980, %dma_start3A_1052] : memref<50x128xi32, #tpu.memory_space<vmem>> -> memref<1x16xi32, #tpu.memory_space<vmem>>
        %dma_start3A_1054 = tpu.memref_squeeze %dma_start3A_1053 : memref<1x16xi32, #tpu.memory_space<vmem>> -> memref<16xi32, #tpu.memory_space<vmem>>
        %dma_start3A_1055 = arith.constant 0 : i32
        %dma_start3A_1056 = arith.constant 0 : i32
        %dma_start3A_1057 = tpu.memref_slice %arg2[%dma_start3A_1055, %dma_start3A_1056] : memref<499968x64xf32, #tpu.memory_space<hbm>> -> memref<499968x64xf32, #tpu.memory_space<hbm>>
        tpu.enqueue_indirect_dma source(%dma_start3A_1057 : memref<499968x64xf32, #tpu.memory_space<hbm>>) target(%dma_start3A_1051 : memref<16x64xf32, #tpu.memory_space<vmem>>) offsets(%dma_start3A_1054 : memref<16xi32, #tpu.memory_space<vmem>>) semaphore(%arg8 : memref<!tpu.dma_semaphore, #tpu.memory_space<semaphore_mem>>)
        %dma_start3A_1058 = arith.constant 1 : i32
        %dma_start3A_1059 = arith.constant 112 : i32
        %dma_start3A_1060 = arith.constant 0 : i32
        %dma_start3A_1061 = tpu.memref_slice %arg6[%dma_start3A_1058, %dma_start3A_1059, %dma_start3A_1060] : memref<5x128x64xf32, #tpu.memory_space<vmem>> -> memref<1x16x64xf32, #tpu.memory_space<vmem>>
        %dma_start3A_1062 = tpu.memref_squeeze %dma_start3A_1061 : memref<1x16x64xf32, #tpu.memory_space<vmem>> -> memref<16x64xf32, #tpu.memory_space<vmem>>
        %dma_start3A_1063 = arith.constant 112 : i32
        %dma_start3A_1064 = tpu.memref_slice %arg5[%add3A_980, %dma_start3A_1063] : memref<50x128xi32, #tpu.memory_space<vmem>> -> memref<1x16xi32, #tpu.memory_space<vmem>>
        %dma_start3A_1065 = tpu.memref_squeeze %dma_start3A_1064 : memref<1x16xi32, #tpu.memory_space<vmem>> -> memref<16xi32, #tpu.memory_space<vmem>>
        %dma_start3A_1066 = arith.constant 0 : i32
        %dma_start3A_1067 = arith.constant 0 : i32
        %dma_start3A_1068 = tpu.memref_slice %arg2[%dma_start3A_1066, %dma_start3A_1067] : memref<499968x64xf32, #tpu.memory_space<hbm>> -> memref<499968x64xf32, #tpu.memory_space<hbm>>
        tpu.enqueue_indirect_dma source(%dma_start3A_1068 : memref<499968x64xf32, #tpu.memory_space<hbm>>) target(%dma_start3A_1062 : memref<16x64xf32, #tpu.memory_space<vmem>>) offsets(%dma_start3A_1065 : memref<16xi32, #tpu.memory_space<vmem>>) semaphore(%arg8 : memref<!tpu.dma_semaphore, #tpu.memory_space<semaphore_mem>>)
      } else {
      }
      %add3A_854 = arith.constant 4 : i32
      %add3A_855 = arith.addi %add3A_372, %add3A_854 : i32
      %dma_wait3A_856 = arith.constant 0 : i32
      %dma_wait3A_857 = arith.constant 4 : i32
      %dma_wait3A_858 = arith.constant 0 : i32
      %dma_wait3A_859 = arith.constant 0 : i32
      %dma_wait3A_860 = tpu.memref_slice %arg6[%dma_wait3A_857, %dma_wait3A_858, %dma_wait3A_859] : memref<5x128x64xf32, #tpu.memory_space<vmem>> -> memref<1x16x64xf32, #tpu.memory_space<vmem>>
      %dma_wait3A_861 = tpu.memref_squeeze %dma_wait3A_860 : memref<1x16x64xf32, #tpu.memory_space<vmem>> -> memref<16x64xf32, #tpu.memory_space<vmem>>
      %dma_wait3A_862 = arith.constant 0 : i32
      %dma_wait3A_863 = tpu.memref_slice %arg5[%dma_wait3A_856, %dma_wait3A_862] : memref<50x128xi32, #tpu.memory_space<vmem>> -> memref<1x16xi32, #tpu.memory_space<vmem>>
      %dma_wait3A_864 = tpu.memref_squeeze %dma_wait3A_863 : memref<1x16xi32, #tpu.memory_space<vmem>> -> memref<16xi32, #tpu.memory_space<vmem>>
      %dma_wait3A_865 = arith.constant 0 : i32
      %dma_wait3A_866 = arith.constant 0 : i32
      %dma_wait3A_867 = tpu.memref_slice %arg2[%dma_wait3A_865, %dma_wait3A_866] : memref<499968x64xf32, #tpu.memory_space<hbm>> -> memref<499968x64xf32, #tpu.memory_space<hbm>>
      tpu.wait_indirect_dma semaphore(%arg11 : memref<!tpu.dma_semaphore, #tpu.memory_space<semaphore_mem>>) src(%dma_wait3A_867 : memref<499968x64xf32, #tpu.memory_space<hbm>>) dst(%dma_wait3A_861 : memref<16x64xf32, #tpu.memory_space<vmem>>)
      %dma_wait3A_868 = arith.constant 0 : i32
      %dma_wait3A_869 = arith.constant 4 : i32
      %dma_wait3A_870 = arith.constant 16 : i32
      %dma_wait3A_871 = arith.constant 0 : i32
      %dma_wait3A_872 = tpu.memref_slice %arg6[%dma_wait3A_869, %dma_wait3A_870, %dma_wait3A_871] : memref<5x128x64xf32, #tpu.memory_space<vmem>> -> memref<1x16x64xf32, #tpu.memory_space<vmem>>
      %dma_wait3A_873 = tpu.memref_squeeze %dma_wait3A_872 : memref<1x16x64xf32, #tpu.memory_space<vmem>> -> memref<16x64xf32, #tpu.memory_space<vmem>>
      %dma_wait3A_874 = arith.constant 16 : i32
      %dma_wait3A_875 = tpu.memref_slice %arg5[%dma_wait3A_868, %dma_wait3A_874] : memref<50x128xi32, #tpu.memory_space<vmem>> -> memref<1x16xi32, #tpu.memory_space<vmem>>
      %dma_wait3A_876 = tpu.memref_squeeze %dma_wait3A_875 : memref<1x16xi32, #tpu.memory_space<vmem>> -> memref<16xi32, #tpu.memory_space<vmem>>
      %dma_wait3A_877 = arith.constant 0 : i32
      %dma_wait3A_878 = arith.constant 0 : i32
      %dma_wait3A_879 = tpu.memref_slice %arg2[%dma_wait3A_877, %dma_wait3A_878] : memref<499968x64xf32, #tpu.memory_space<hbm>> -> memref<499968x64xf32, #tpu.memory_space<hbm>>
      tpu.wait_indirect_dma semaphore(%arg11 : memref<!tpu.dma_semaphore, #tpu.memory_space<semaphore_mem>>) src(%dma_wait3A_879 : memref<499968x64xf32, #tpu.memory_space<hbm>>) dst(%dma_wait3A_873 : memref<16x64xf32, #tpu.memory_space<vmem>>)
      %dma_wait3A_880 = arith.constant 0 : i32
      %dma_wait3A_881 = arith.constant 4 : i32
      %dma_wait3A_882 = arith.constant 32 : i32
      %dma_wait3A_883 = arith.constant 0 : i32
      %dma_wait3A_884 = tpu.memref_slice %arg6[%dma_wait3A_881, %dma_wait3A_882, %dma_wait3A_883] : memref<5x128x64xf32, #tpu.memory_space<vmem>> -> memref<1x16x64xf32, #tpu.memory_space<vmem>>
      %dma_wait3A_885 = tpu.memref_squeeze %dma_wait3A_884 : memref<1x16x64xf32, #tpu.memory_space<vmem>> -> memref<16x64xf32, #tpu.memory_space<vmem>>
      %dma_wait3A_886 = arith.constant 32 : i32
      %dma_wait3A_887 = tpu.memref_slice %arg5[%dma_wait3A_880, %dma_wait3A_886] : memref<50x128xi32, #tpu.memory_space<vmem>> -> memref<1x16xi32, #tpu.memory_space<vmem>>
      %dma_wait3A_888 = tpu.memref_squeeze %dma_wait3A_887 : memref<1x16xi32, #tpu.memory_space<vmem>> -> memref<16xi32, #tpu.memory_space<vmem>>
      %dma_wait3A_889 = arith.constant 0 : i32
      %dma_wait3A_890 = arith.constant 0 : i32
      %dma_wait3A_891 = tpu.memref_slice %arg2[%dma_wait3A_889, %dma_wait3A_890] : memref<499968x64xf32, #tpu.memory_space<hbm>> -> memref<499968x64xf32, #tpu.memory_space<hbm>>
      tpu.wait_indirect_dma semaphore(%arg11 : memref<!tpu.dma_semaphore, #tpu.memory_space<semaphore_mem>>) src(%dma_wait3A_891 : memref<499968x64xf32, #tpu.memory_space<hbm>>) dst(%dma_wait3A_885 : memref<16x64xf32, #tpu.memory_space<vmem>>)
      %dma_wait3A_892 = arith.constant 0 : i32
      %dma_wait3A_893 = arith.constant 4 : i32
      %dma_wait3A_894 = arith.constant 48 : i32
      %dma_wait3A_895 = arith.constant 0 : i32
      %dma_wait3A_896 = tpu.memref_slice %arg6[%dma_wait3A_893, %dma_wait3A_894, %dma_wait3A_895] : memref<5x128x64xf32, #tpu.memory_space<vmem>> -> memref<1x16x64xf32, #tpu.memory_space<vmem>>
      %dma_wait3A_897 = tpu.memref_squeeze %dma_wait3A_896 : memref<1x16x64xf32, #tpu.memory_space<vmem>> -> memref<16x64xf32, #tpu.memory_space<vmem>>
      %dma_wait3A_898 = arith.constant 48 : i32
      %dma_wait3A_899 = tpu.memref_slice %arg5[%dma_wait3A_892, %dma_wait3A_898] : memref<50x128xi32, #tpu.memory_space<vmem>> -> memref<1x16xi32, #tpu.memory_space<vmem>>
      %dma_wait3A_900 = tpu.memref_squeeze %dma_wait3A_899 : memref<1x16xi32, #tpu.memory_space<vmem>> -> memref<16xi32, #tpu.memory_space<vmem>>
      %dma_wait3A_901 = arith.constant 0 : i32
      %dma_wait3A_902 = arith.constant 0 : i32
      %dma_wait3A_903 = tpu.memref_slice %arg2[%dma_wait3A_901, %dma_wait3A_902] : memref<499968x64xf32, #tpu.memory_space<hbm>> -> memref<499968x64xf32, #tpu.memory_space<hbm>>
      tpu.wait_indirect_dma semaphore(%arg11 : memref<!tpu.dma_semaphore, #tpu.memory_space<semaphore_mem>>) src(%dma_wait3A_903 : memref<499968x64xf32, #tpu.memory_space<hbm>>) dst(%dma_wait3A_897 : memref<16x64xf32, #tpu.memory_space<vmem>>)
      %dma_wait3A_904 = arith.constant 0 : i32
      %dma_wait3A_905 = arith.constant 4 : i32
      %dma_wait3A_906 = arith.constant 64 : i32
      %dma_wait3A_907 = arith.constant 0 : i32
      %dma_wait3A_908 = tpu.memref_slice %arg6[%dma_wait3A_905, %dma_wait3A_906, %dma_wait3A_907] : memref<5x128x64xf32, #tpu.memory_space<vmem>> -> memref<1x16x64xf32, #tpu.memory_space<vmem>>
      %dma_wait3A_909 = tpu.memref_squeeze %dma_wait3A_908 : memref<1x16x64xf32, #tpu.memory_space<vmem>> -> memref<16x64xf32, #tpu.memory_space<vmem>>
      %dma_wait3A_910 = arith.constant 64 : i32
      %dma_wait3A_911 = tpu.memref_slice %arg5[%dma_wait3A_904, %dma_wait3A_910] : memref<50x128xi32, #tpu.memory_space<vmem>> -> memref<1x16xi32, #tpu.memory_space<vmem>>
      %dma_wait3A_912 = tpu.memref_squeeze %dma_wait3A_911 : memref<1x16xi32, #tpu.memory_space<vmem>> -> memref<16xi32, #tpu.memory_space<vmem>>
      %dma_wait3A_913 = arith.constant 0 : i32
      %dma_wait3A_914 = arith.constant 0 : i32
      %dma_wait3A_915 = tpu.memref_slice %arg2[%dma_wait3A_913, %dma_wait3A_914] : memref<499968x64xf32, #tpu.memory_space<hbm>> -> memref<499968x64xf32, #tpu.memory_space<hbm>>
      tpu.wait_indirect_dma semaphore(%arg11 : memref<!tpu.dma_semaphore, #tpu.memory_space<semaphore_mem>>) src(%dma_wait3A_915 : memref<499968x64xf32, #tpu.memory_space<hbm>>) dst(%dma_wait3A_909 : memref<16x64xf32, #tpu.memory_space<vmem>>)
      %dma_wait3A_916 = arith.constant 0 : i32
      %dma_wait3A_917 = arith.constant 4 : i32
      %dma_wait3A_918 = arith.constant 80 : i32
      %dma_wait3A_919 = arith.constant 0 : i32
      %dma_wait3A_920 = tpu.memref_slice %arg6[%dma_wait3A_917, %dma_wait3A_918, %dma_wait3A_919] : memref<5x128x64xf32, #tpu.memory_space<vmem>> -> memref<1x16x64xf32, #tpu.memory_space<vmem>>
      %dma_wait3A_921 = tpu.memref_squeeze %dma_wait3A_920 : memref<1x16x64xf32, #tpu.memory_space<vmem>> -> memref<16x64xf32, #tpu.memory_space<vmem>>
      %dma_wait3A_922 = arith.constant 80 : i32
      %dma_wait3A_923 = tpu.memref_slice %arg5[%dma_wait3A_916, %dma_wait3A_922] : memref<50x128xi32, #tpu.memory_space<vmem>> -> memref<1x16xi32, #tpu.memory_space<vmem>>
      %dma_wait3A_924 = tpu.memref_squeeze %dma_wait3A_923 : memref<1x16xi32, #tpu.memory_space<vmem>> -> memref<16xi32, #tpu.memory_space<vmem>>
      %dma_wait3A_925 = arith.constant 0 : i32
      %dma_wait3A_926 = arith.constant 0 : i32
      %dma_wait3A_927 = tpu.memref_slice %arg2[%dma_wait3A_925, %dma_wait3A_926] : memref<499968x64xf32, #tpu.memory_space<hbm>> -> memref<499968x64xf32, #tpu.memory_space<hbm>>
      tpu.wait_indirect_dma semaphore(%arg11 : memref<!tpu.dma_semaphore, #tpu.memory_space<semaphore_mem>>) src(%dma_wait3A_927 : memref<499968x64xf32, #tpu.memory_space<hbm>>) dst(%dma_wait3A_921 : memref<16x64xf32, #tpu.memory_space<vmem>>)
      %dma_wait3A_928 = arith.constant 0 : i32
      %dma_wait3A_929 = arith.constant 4 : i32
      %dma_wait3A_930 = arith.constant 96 : i32
      %dma_wait3A_931 = arith.constant 0 : i32
      %dma_wait3A_932 = tpu.memref_slice %arg6[%dma_wait3A_929, %dma_wait3A_930, %dma_wait3A_931] : memref<5x128x64xf32, #tpu.memory_space<vmem>> -> memref<1x16x64xf32, #tpu.memory_space<vmem>>
      %dma_wait3A_933 = tpu.memref_squeeze %dma_wait3A_932 : memref<1x16x64xf32, #tpu.memory_space<vmem>> -> memref<16x64xf32, #tpu.memory_space<vmem>>
      %dma_wait3A_934 = arith.constant 96 : i32
      %dma_wait3A_935 = tpu.memref_slice %arg5[%dma_wait3A_928, %dma_wait3A_934] : memref<50x128xi32, #tpu.memory_space<vmem>> -> memref<1x16xi32, #tpu.memory_space<vmem>>
      %dma_wait3A_936 = tpu.memref_squeeze %dma_wait3A_935 : memref<1x16xi32, #tpu.memory_space<vmem>> -> memref<16xi32, #tpu.memory_space<vmem>>
      %dma_wait3A_937 = arith.constant 0 : i32
      %dma_wait3A_938 = arith.constant 0 : i32
      %dma_wait3A_939 = tpu.memref_slice %arg2[%dma_wait3A_937, %dma_wait3A_938] : memref<499968x64xf32, #tpu.memory_space<hbm>> -> memref<499968x64xf32, #tpu.memory_space<hbm>>
      tpu.wait_indirect_dma semaphore(%arg11 : memref<!tpu.dma_semaphore, #tpu.memory_space<semaphore_mem>>) src(%dma_wait3A_939 : memref<499968x64xf32, #tpu.memory_space<hbm>>) dst(%dma_wait3A_933 : memref<16x64xf32, #tpu.memory_space<vmem>>)
      %dma_wait3A_940 = arith.constant 0 : i32
      %dma_wait3A_941 = arith.constant 4 : i32
      %dma_wait3A_942 = arith.constant 112 : i32
      %dma_wait3A_943 = arith.constant 0 : i32
      %dma_wait3A_944 = tpu.memref_slice %arg6[%dma_wait3A_941, %dma_wait3A_942, %dma_wait3A_943] : memref<5x128x64xf32, #tpu.memory_space<vmem>> -> memref<1x16x64xf32, #tpu.memory_space<vmem>>
      %dma_wait3A_945 = tpu.memref_squeeze %dma_wait3A_944 : memref<1x16x64xf32, #tpu.memory_space<vmem>> -> memref<16x64xf32, #tpu.memory_space<vmem>>
      %dma_wait3A_946 = arith.constant 112 : i32
      %dma_wait3A_947 = tpu.memref_slice %arg5[%dma_wait3A_940, %dma_wait3A_946] : memref<50x128xi32, #tpu.memory_space<vmem>> -> memref<1x16xi32, #tpu.memory_space<vmem>>
      %dma_wait3A_948 = tpu.memref_squeeze %dma_wait3A_947 : memref<1x16xi32, #tpu.memory_space<vmem>> -> memref<16xi32, #tpu.memory_space<vmem>>
      %dma_wait3A_949 = arith.constant 0 : i32
      %dma_wait3A_950 = arith.constant 0 : i32
      %dma_wait3A_951 = tpu.memref_slice %arg2[%dma_wait3A_949, %dma_wait3A_950] : memref<499968x64xf32, #tpu.memory_space<hbm>> -> memref<499968x64xf32, #tpu.memory_space<hbm>>
      tpu.wait_indirect_dma semaphore(%arg11 : memref<!tpu.dma_semaphore, #tpu.memory_space<semaphore_mem>>) src(%dma_wait3A_951 : memref<499968x64xf32, #tpu.memory_space<hbm>>) dst(%dma_wait3A_945 : memref<16x64xf32, #tpu.memory_space<vmem>>)
      %mul3A_952 = arith.constant 128 : i32
      %mul3A_953 = arith.muli %add3A_855, %mul3A_952 : i32
      %add3A_954 = arith.addi %mul3A_2, %mul3A_953 : i32
      %dma_start3A_955 = arith.constant 4 : i32
      %dma_start3A_956 = arith.constant 0 : i32
      %dma_start3A_957 = arith.constant 0 : i32
      %dma_start3A_958 = tpu.memref_slice %arg6[%dma_start3A_955, %dma_start3A_956, %dma_start3A_957] : memref<5x128x64xf32, #tpu.memory_space<vmem>> -> memref<1x128x64xf32, #tpu.memory_space<vmem>>
      %dma_start3A_959 = tpu.memref_squeeze %dma_start3A_958 : memref<1x128x64xf32, #tpu.memory_space<vmem>> -> memref<128x64xf32, #tpu.memory_space<vmem>>
      %dma_start3A_960 = arith.constant 0 : i32
      %dma_start3A_961 = tpu.memref_slice %arg4[%add3A_954, %dma_start3A_960] : memref<204800x64xf32, #tpu.memory_space<hbm>> -> memref<128x64xf32, #tpu.memory_space<hbm>>
      %dma_start3A_962 = arith.constant 0 : i32
      %dma_start3A_963 = tpu.memref_slice %arg4[%add3A_954, %dma_start3A_962] : memref<204800x64xf32, #tpu.memory_space<hbm>> -> memref<128x64xf32, #tpu.memory_space<hbm>>
      %dma_start3A_964 = arith.constant 0 : i32
      %dma_start3A_965 = arith.constant 0 : i32
      %dma_start3A_966 = tpu.memref_slice %arg6[%dma_start3A_955, %dma_start3A_964, %dma_start3A_965] : memref<5x128x64xf32, #tpu.memory_space<vmem>> -> memref<1x128x64xf32, #tpu.memory_space<vmem>>
      %dma_start3A_967 = tpu.memref_squeeze %dma_start3A_966 : memref<1x128x64xf32, #tpu.memory_space<vmem>> -> memref<128x64xf32, #tpu.memory_space<vmem>>
      tpu.enqueue_dma source(%dma_start3A_967 : memref<128x64xf32, #tpu.memory_space<vmem>>) target(%dma_start3A_963 : memref<128x64xf32, #tpu.memory_space<hbm>>) target_semaphore(%arg16 : memref<!tpu.dma_semaphore, #tpu.memory_space<semaphore_mem>>)
      %add3A_968 = arith.constant 3 : i32
      %add3A_969 = arith.addi %add3A_855, %add3A_968 : i32
      %lt3A_970 = arith.constant 50 : i32
      %lt3A_971 = arith.cmpi slt, %add3A_969, %lt3A_970 : i32
      %convert_element_type3A_972 = arith.extui %lt3A_971 : i1 to i32
      %cond3A_973 = arith.constant 0 : i32
      %cond3A_974 = arith.cmpi ne, %convert_element_type3A_972, %cond3A_973 : i32
      scf.if %cond3A_974 {
        %ge3A = arith.constant 2 : i32
        %ge3A_975 = arith.cmpi sge, %add3A_855, %ge3A : i32
        %convert_element_type3A_976 = arith.extui %ge3A_975 : i1 to i32
        %cond3A_977 = arith.constant 0 : i32
        %cond3A_978 = arith.cmpi ne, %convert_element_type3A_976, %cond3A_977 : i32
        scf.if %cond3A_978 {
          %dma_wait3A_1069 = arith.constant 2 : i32
          %dma_wait3A_1070 = arith.constant 0 : i32
          %dma_wait3A_1071 = arith.constant 0 : i32
          %dma_wait3A_1072 = tpu.memref_slice %arg6[%dma_wait3A_1069, %dma_wait3A_1070, %dma_wait3A_1071] : memref<5x128x64xf32, #tpu.memory_space<vmem>> -> memref<1x128x64xf32, #tpu.memory_space<vmem>>
          %dma_wait3A_1073 = tpu.memref_squeeze %dma_wait3A_1072 : memref<1x128x64xf32, #tpu.memory_space<vmem>> -> memref<128x64xf32, #tpu.memory_space<vmem>>
          %dma_wait3A_1074 = arith.constant 0 : i32
          %dma_wait3A_1075 = arith.constant 0 : i32
          %dma_wait3A_1076 = tpu.memref_slice %arg4[%dma_wait3A_1074, %dma_wait3A_1075] : memref<204800x64xf32, #tpu.memory_space<hbm>> -> memref<128x64xf32, #tpu.memory_space<hbm>>
          %dma_wait3A_1077 = arith.constant 0 : i32
          %dma_wait3A_1078 = arith.constant 0 : i32
          %dma_wait3A_1079 = tpu.memref_slice %arg4[%dma_wait3A_1077, %dma_wait3A_1078] : memref<204800x64xf32, #tpu.memory_space<hbm>> -> memref<128x64xf32, #tpu.memory_space<hbm>>
          %dma_wait3A_1080 = arith.constant 0 : i32
          %dma_wait3A_1081 = arith.constant 0 : i32
          %dma_wait3A_1082 = tpu.memref_slice %arg6[%dma_wait3A_1069, %dma_wait3A_1080, %dma_wait3A_1081] : memref<5x128x64xf32, #tpu.memory_space<vmem>> -> memref<1x128x64xf32, #tpu.memory_space<vmem>>
          %dma_wait3A_1083 = tpu.memref_squeeze %dma_wait3A_1082 : memref<1x128x64xf32, #tpu.memory_space<vmem>> -> memref<128x64xf32, #tpu.memory_space<vmem>>
          tpu.wait_dma2 semaphore(%arg14 : memref<!tpu.dma_semaphore, #tpu.memory_space<semaphore_mem>>) src(%dma_wait3A_1083 : memref<128x64xf32, #tpu.memory_space<vmem>>) dst(%dma_wait3A_1079 : memref<128x64xf32, #tpu.memory_space<hbm>>)
        } else {
        }
        %add3A_979 = arith.constant 3 : i32
        %add3A_980 = arith.addi %add3A_855, %add3A_979 : i32
        %dma_start3A_981 = arith.constant 2 : i32
        %dma_start3A_982 = arith.constant 0 : i32
        %dma_start3A_983 = arith.constant 0 : i32
        %dma_start3A_984 = tpu.memref_slice %arg6[%dma_start3A_981, %dma_start3A_982, %dma_start3A_983] : memref<5x128x64xf32, #tpu.memory_space<vmem>> -> memref<1x16x64xf32, #tpu.memory_space<vmem>>
        %dma_start3A_985 = tpu.memref_squeeze %dma_start3A_984 : memref<1x16x64xf32, #tpu.memory_space<vmem>> -> memref<16x64xf32, #tpu.memory_space<vmem>>
        %dma_start3A_986 = arith.constant 0 : i32
        %dma_start3A_987 = tpu.memref_slice %arg5[%add3A_980, %dma_start3A_986] : memref<50x128xi32, #tpu.memory_space<vmem>> -> memref<1x16xi32, #tpu.memory_space<vmem>>
        %dma_start3A_988 = tpu.memref_squeeze %dma_start3A_987 : memref<1x16xi32, #tpu.memory_space<vmem>> -> memref<16xi32, #tpu.memory_space<vmem>>
        %dma_start3A_989 = arith.constant 0 : i32
        %dma_start3A_990 = arith.constant 0 : i32
        %dma_start3A_991 = tpu.memref_slice %arg2[%dma_start3A_989, %dma_start3A_990] : memref<499968x64xf32, #tpu.memory_space<hbm>> -> memref<499968x64xf32, #tpu.memory_space<hbm>>
        tpu.enqueue_indirect_dma source(%dma_start3A_991 : memref<499968x64xf32, #tpu.memory_space<hbm>>) target(%dma_start3A_985 : memref<16x64xf32, #tpu.memory_space<vmem>>) offsets(%dma_start3A_988 : memref<16xi32, #tpu.memory_space<vmem>>) semaphore(%arg9 : memref<!tpu.dma_semaphore, #tpu.memory_space<semaphore_mem>>)
        %dma_start3A_992 = arith.constant 2 : i32
        %dma_start3A_993 = arith.constant 16 : i32
        %dma_start3A_994 = arith.constant 0 : i32
        %dma_start3A_995 = tpu.memref_slice %arg6[%dma_start3A_992, %dma_start3A_993, %dma_start3A_994] : memref<5x128x64xf32, #tpu.memory_space<vmem>> -> memref<1x16x64xf32, #tpu.memory_space<vmem>>
        %dma_start3A_996 = tpu.memref_squeeze %dma_start3A_995 : memref<1x16x64xf32, #tpu.memory_space<vmem>> -> memref<16x64xf32, #tpu.memory_space<vmem>>
        %dma_start3A_997 = arith.constant 16 : i32
        %dma_start3A_998 = tpu.memref_slice %arg5[%add3A_980, %dma_start3A_997] : memref<50x128xi32, #tpu.memory_space<vmem>> -> memref<1x16xi32, #tpu.memory_space<vmem>>
        %dma_start3A_999 = tpu.memref_squeeze %dma_start3A_998 : memref<1x16xi32, #tpu.memory_space<vmem>> -> memref<16xi32, #tpu.memory_space<vmem>>
        %dma_start3A_1000 = arith.constant 0 : i32
        %dma_start3A_1001 = arith.constant 0 : i32
        %dma_start3A_1002 = tpu.memref_slice %arg2[%dma_start3A_1000, %dma_start3A_1001] : memref<499968x64xf32, #tpu.memory_space<hbm>> -> memref<499968x64xf32, #tpu.memory_space<hbm>>
        tpu.enqueue_indirect_dma source(%dma_start3A_1002 : memref<499968x64xf32, #tpu.memory_space<hbm>>) target(%dma_start3A_996 : memref<16x64xf32, #tpu.memory_space<vmem>>) offsets(%dma_start3A_999 : memref<16xi32, #tpu.memory_space<vmem>>) semaphore(%arg9 : memref<!tpu.dma_semaphore, #tpu.memory_space<semaphore_mem>>)
        %dma_start3A_1003 = arith.constant 2 : i32
        %dma_start3A_1004 = arith.constant 32 : i32
        %dma_start3A_1005 = arith.constant 0 : i32
        %dma_start3A_1006 = tpu.memref_slice %arg6[%dma_start3A_1003, %dma_start3A_1004, %dma_start3A_1005] : memref<5x128x64xf32, #tpu.memory_space<vmem>> -> memref<1x16x64xf32, #tpu.memory_space<vmem>>
        %dma_start3A_1007 = tpu.memref_squeeze %dma_start3A_1006 : memref<1x16x64xf32, #tpu.memory_space<vmem>> -> memref<16x64xf32, #tpu.memory_space<vmem>>
        %dma_start3A_1008 = arith.constant 32 : i32
        %dma_start3A_1009 = tpu.memref_slice %arg5[%add3A_980, %dma_start3A_1008] : memref<50x128xi32, #tpu.memory_space<vmem>> -> memref<1x16xi32, #tpu.memory_space<vmem>>
        %dma_start3A_1010 = tpu.memref_squeeze %dma_start3A_1009 : memref<1x16xi32, #tpu.memory_space<vmem>> -> memref<16xi32, #tpu.memory_space<vmem>>
        %dma_start3A_1011 = arith.constant 0 : i32
        %dma_start3A_1012 = arith.constant 0 : i32
        %dma_start3A_1013 = tpu.memref_slice %arg2[%dma_start3A_1011, %dma_start3A_1012] : memref<499968x64xf32, #tpu.memory_space<hbm>> -> memref<499968x64xf32, #tpu.memory_space<hbm>>
        tpu.enqueue_indirect_dma source(%dma_start3A_1013 : memref<499968x64xf32, #tpu.memory_space<hbm>>) target(%dma_start3A_1007 : memref<16x64xf32, #tpu.memory_space<vmem>>) offsets(%dma_start3A_1010 : memref<16xi32, #tpu.memory_space<vmem>>) semaphore(%arg9 : memref<!tpu.dma_semaphore, #tpu.memory_space<semaphore_mem>>)
        %dma_start3A_1014 = arith.constant 2 : i32
        %dma_start3A_1015 = arith.constant 48 : i32
        %dma_start3A_1016 = arith.constant 0 : i32
        %dma_start3A_1017 = tpu.memref_slice %arg6[%dma_start3A_1014, %dma_start3A_1015, %dma_start3A_1016] : memref<5x128x64xf32, #tpu.memory_space<vmem>> -> memref<1x16x64xf32, #tpu.memory_space<vmem>>
        %dma_start3A_1018 = tpu.memref_squeeze %dma_start3A_1017 : memref<1x16x64xf32, #tpu.memory_space<vmem>> -> memref<16x64xf32, #tpu.memory_space<vmem>>
        %dma_start3A_1019 = arith.constant 48 : i32
        %dma_start3A_1020 = tpu.memref_slice %arg5[%add3A_980, %dma_start3A_1019] : memref<50x128xi32, #tpu.memory_space<vmem>> -> memref<1x16xi32, #tpu.memory_space<vmem>>
        %dma_start3A_1021 = tpu.memref_squeeze %dma_start3A_1020 : memref<1x16xi32, #tpu.memory_space<vmem>> -> memref<16xi32, #tpu.memory_space<vmem>>
        %dma_start3A_1022 = arith.constant 0 : i32
        %dma_start3A_1023 = arith.constant 0 : i32
        %dma_start3A_1024 = tpu.memref_slice %arg2[%dma_start3A_1022, %dma_start3A_1023] : memref<499968x64xf32, #tpu.memory_space<hbm>> -> memref<499968x64xf32, #tpu.memory_space<hbm>>
        tpu.enqueue_indirect_dma source(%dma_start3A_1024 : memref<499968x64xf32, #tpu.memory_space<hbm>>) target(%dma_start3A_1018 : memref<16x64xf32, #tpu.memory_space<vmem>>) offsets(%dma_start3A_1021 : memref<16xi32, #tpu.memory_space<vmem>>) semaphore(%arg9 : memref<!tpu.dma_semaphore, #tpu.memory_space<semaphore_mem>>)
        %dma_start3A_1025 = arith.constant 2 : i32
        %dma_start3A_1026 = arith.constant 64 : i32
        %dma_start3A_1027 = arith.constant 0 : i32
        %dma_start3A_1028 = tpu.memref_slice %arg6[%dma_start3A_1025, %dma_start3A_1026, %dma_start3A_1027] : memref<5x128x64xf32, #tpu.memory_space<vmem>> -> memref<1x16x64xf32, #tpu.memory_space<vmem>>
        %dma_start3A_1029 = tpu.memref_squeeze %dma_start3A_1028 : memref<1x16x64xf32, #tpu.memory_space<vmem>> -> memref<16x64xf32, #tpu.memory_space<vmem>>
        %dma_start3A_1030 = arith.constant 64 : i32
        %dma_start3A_1031 = tpu.memref_slice %arg5[%add3A_980, %dma_start3A_1030] : memref<50x128xi32, #tpu.memory_space<vmem>> -> memref<1x16xi32, #tpu.memory_space<vmem>>
        %dma_start3A_1032 = tpu.memref_squeeze %dma_start3A_1031 : memref<1x16xi32, #tpu.memory_space<vmem>> -> memref<16xi32, #tpu.memory_space<vmem>>
        %dma_start3A_1033 = arith.constant 0 : i32
        %dma_start3A_1034 = arith.constant 0 : i32
        %dma_start3A_1035 = tpu.memref_slice %arg2[%dma_start3A_1033, %dma_start3A_1034] : memref<499968x64xf32, #tpu.memory_space<hbm>> -> memref<499968x64xf32, #tpu.memory_space<hbm>>
        tpu.enqueue_indirect_dma source(%dma_start3A_1035 : memref<499968x64xf32, #tpu.memory_space<hbm>>) target(%dma_start3A_1029 : memref<16x64xf32, #tpu.memory_space<vmem>>) offsets(%dma_start3A_1032 : memref<16xi32, #tpu.memory_space<vmem>>) semaphore(%arg9 : memref<!tpu.dma_semaphore, #tpu.memory_space<semaphore_mem>>)
        %dma_start3A_1036 = arith.constant 2 : i32
        %dma_start3A_1037 = arith.constant 80 : i32
        %dma_start3A_1038 = arith.constant 0 : i32
        %dma_start3A_1039 = tpu.memref_slice %arg6[%dma_start3A_1036, %dma_start3A_1037, %dma_start3A_1038] : memref<5x128x64xf32, #tpu.memory_space<vmem>> -> memref<1x16x64xf32, #tpu.memory_space<vmem>>
        %dma_start3A_1040 = tpu.memref_squeeze %dma_start3A_1039 : memref<1x16x64xf32, #tpu.memory_space<vmem>> -> memref<16x64xf32, #tpu.memory_space<vmem>>
        %dma_start3A_1041 = arith.constant 80 : i32
        %dma_start3A_1042 = tpu.memref_slice %arg5[%add3A_980, %dma_start3A_1041] : memref<50x128xi32, #tpu.memory_space<vmem>> -> memref<1x16xi32, #tpu.memory_space<vmem>>
        %dma_start3A_1043 = tpu.memref_squeeze %dma_start3A_1042 : memref<1x16xi32, #tpu.memory_space<vmem>> -> memref<16xi32, #tpu.memory_space<vmem>>
        %dma_start3A_1044 = arith.constant 0 : i32
        %dma_start3A_1045 = arith.constant 0 : i32
        %dma_start3A_1046 = tpu.memref_slice %arg2[%dma_start3A_1044, %dma_start3A_1045] : memref<499968x64xf32, #tpu.memory_space<hbm>> -> memref<499968x64xf32, #tpu.memory_space<hbm>>
        tpu.enqueue_indirect_dma source(%dma_start3A_1046 : memref<499968x64xf32, #tpu.memory_space<hbm>>) target(%dma_start3A_1040 : memref<16x64xf32, #tpu.memory_space<vmem>>) offsets(%dma_start3A_1043 : memref<16xi32, #tpu.memory_space<vmem>>) semaphore(%arg9 : memref<!tpu.dma_semaphore, #tpu.memory_space<semaphore_mem>>)
        %dma_start3A_1047 = arith.constant 2 : i32
        %dma_start3A_1048 = arith.constant 96 : i32
        %dma_start3A_1049 = arith.constant 0 : i32
        %dma_start3A_1050 = tpu.memref_slice %arg6[%dma_start3A_1047, %dma_start3A_1048, %dma_start3A_1049] : memref<5x128x64xf32, #tpu.memory_space<vmem>> -> memref<1x16x64xf32, #tpu.memory_space<vmem>>
        %dma_start3A_1051 = tpu.memref_squeeze %dma_start3A_1050 : memref<1x16x64xf32, #tpu.memory_space<vmem>> -> memref<16x64xf32, #tpu.memory_space<vmem>>
        %dma_start3A_1052 = arith.constant 96 : i32
        %dma_start3A_1053 = tpu.memref_slice %arg5[%add3A_980, %dma_start3A_1052] : memref<50x128xi32, #tpu.memory_space<vmem>> -> memref<1x16xi32, #tpu.memory_space<vmem>>
        %dma_start3A_1054 = tpu.memref_squeeze %dma_start3A_1053 : memref<1x16xi32, #tpu.memory_space<vmem>> -> memref<16xi32, #tpu.memory_space<vmem>>
        %dma_start3A_1055 = arith.constant 0 : i32
        %dma_start3A_1056 = arith.constant 0 : i32
        %dma_start3A_1057 = tpu.memref_slice %arg2[%dma_start3A_1055, %dma_start3A_1056] : memref<499968x64xf32, #tpu.memory_space<hbm>> -> memref<499968x64xf32, #tpu.memory_space<hbm>>
        tpu.enqueue_indirect_dma source(%dma_start3A_1057 : memref<499968x64xf32, #tpu.memory_space<hbm>>) target(%dma_start3A_1051 : memref<16x64xf32, #tpu.memory_space<vmem>>) offsets(%dma_start3A_1054 : memref<16xi32, #tpu.memory_space<vmem>>) semaphore(%arg9 : memref<!tpu.dma_semaphore, #tpu.memory_space<semaphore_mem>>)
        %dma_start3A_1058 = arith.constant 2 : i32
        %dma_start3A_1059 = arith.constant 112 : i32
        %dma_start3A_1060 = arith.constant 0 : i32
        %dma_start3A_1061 = tpu.memref_slice %arg6[%dma_start3A_1058, %dma_start3A_1059, %dma_start3A_1060] : memref<5x128x64xf32, #tpu.memory_space<vmem>> -> memref<1x16x64xf32, #tpu.memory_space<vmem>>
        %dma_start3A_1062 = tpu.memref_squeeze %dma_start3A_1061 : memref<1x16x64xf32, #tpu.memory_space<vmem>> -> memref<16x64xf32, #tpu.memory_space<vmem>>
        %dma_start3A_1063 = arith.constant 112 : i32
        %dma_start3A_1064 = tpu.memref_slice %arg5[%add3A_980, %dma_start3A_1063] : memref<50x128xi32, #tpu.memory_space<vmem>> -> memref<1x16xi32, #tpu.memory_space<vmem>>
        %dma_start3A_1065 = tpu.memref_squeeze %dma_start3A_1064 : memref<1x16xi32, #tpu.memory_space<vmem>> -> memref<16xi32, #tpu.memory_space<vmem>>
        %dma_start3A_1066 = arith.constant 0 : i32
        %dma_start3A_1067 = arith.constant 0 : i32
        %dma_start3A_1068 = tpu.memref_slice %arg2[%dma_start3A_1066, %dma_start3A_1067] : memref<499968x64xf32, #tpu.memory_space<hbm>> -> memref<499968x64xf32, #tpu.memory_space<hbm>>
        tpu.enqueue_indirect_dma source(%dma_start3A_1068 : memref<499968x64xf32, #tpu.memory_space<hbm>>) target(%dma_start3A_1062 : memref<16x64xf32, #tpu.memory_space<vmem>>) offsets(%dma_start3A_1065 : memref<16xi32, #tpu.memory_space<vmem>>) semaphore(%arg9 : memref<!tpu.dma_semaphore, #tpu.memory_space<semaphore_mem>>)
      } else {
      }
    }
    %scan3A_293 = arith.constant 10 : i32
    %dma_wait3A = arith.constant 0 : i32
    %dma_wait3A_294 = arith.constant 0 : i32
    %dma_wait3A_295 = arith.constant 0 : i32
    %dma_wait3A_296 = tpu.memref_slice %arg6[%dma_wait3A, %dma_wait3A_294, %dma_wait3A_295] : memref<5x128x64xf32, #tpu.memory_space<vmem>> -> memref<1x128x64xf32, #tpu.memory_space<vmem>>
    %dma_wait3A_297 = tpu.memref_squeeze %dma_wait3A_296 : memref<1x128x64xf32, #tpu.memory_space<vmem>> -> memref<128x64xf32, #tpu.memory_space<vmem>>
    %dma_wait3A_298 = arith.constant 0 : i32
    %dma_wait3A_299 = arith.constant 0 : i32
    %dma_wait3A_300 = tpu.memref_slice %arg4[%dma_wait3A_298, %dma_wait3A_299] : memref<204800x64xf32, #tpu.memory_space<hbm>> -> memref<128x64xf32, #tpu.memory_space<hbm>>
    %dma_wait3A_301 = arith.constant 0 : i32
    %dma_wait3A_302 = arith.constant 0 : i32
    %dma_wait3A_303 = tpu.memref_slice %arg4[%dma_wait3A_301, %dma_wait3A_302] : memref<204800x64xf32, #tpu.memory_space<hbm>> -> memref<128x64xf32, #tpu.memory_space<hbm>>
    %dma_wait3A_304 = arith.constant 0 : i32
    %dma_wait3A_305 = arith.constant 0 : i32
    %dma_wait3A_306 = tpu.memref_slice %arg6[%dma_wait3A, %dma_wait3A_304, %dma_wait3A_305] : memref<5x128x64xf32, #tpu.memory_space<vmem>> -> memref<1x128x64xf32, #tpu.memory_space<vmem>>
    %dma_wait3A_307 = tpu.memref_squeeze %dma_wait3A_306 : memref<1x128x64xf32, #tpu.memory_space<vmem>> -> memref<128x64xf32, #tpu.memory_space<vmem>>
    tpu.wait_dma2 semaphore(%arg12 : memref<!tpu.dma_semaphore, #tpu.memory_space<semaphore_mem>>) src(%dma_wait3A_307 : memref<128x64xf32, #tpu.memory_space<vmem>>) dst(%dma_wait3A_303 : memref<128x64xf32, #tpu.memory_space<hbm>>)
    %dma_wait3A_308 = arith.constant 1 : i32
    %dma_wait3A_309 = arith.constant 0 : i32
    %dma_wait3A_310 = arith.constant 0 : i32
    %dma_wait3A_311 = tpu.memref_slice %arg6[%dma_wait3A_308, %dma_wait3A_309, %dma_wait3A_310] : memref<5x128x64xf32, #tpu.memory_space<vmem>> -> memref<1x128x64xf32, #tpu.memory_space<vmem>>
    %dma_wait3A_312 = tpu.memref_squeeze %dma_wait3A_311 : memref<1x128x64xf32, #tpu.memory_space<vmem>> -> memref<128x64xf32, #tpu.memory_space<vmem>>
    %dma_wait3A_313 = arith.constant 0 : i32
    %dma_wait3A_314 = arith.constant 0 : i32
    %dma_wait3A_315 = tpu.memref_slice %arg4[%dma_wait3A_313, %dma_wait3A_314] : memref<204800x64xf32, #tpu.memory_space<hbm>> -> memref<128x64xf32, #tpu.memory_space<hbm>>
    %dma_wait3A_316 = arith.constant 0 : i32
    %dma_wait3A_317 = arith.constant 0 : i32
    %dma_wait3A_318 = tpu.memref_slice %arg4[%dma_wait3A_316, %dma_wait3A_317] : memref<204800x64xf32, #tpu.memory_space<hbm>> -> memref<128x64xf32, #tpu.memory_space<hbm>>
    %dma_wait3A_319 = arith.constant 0 : i32
    %dma_wait3A_320 = arith.constant 0 : i32
    %dma_wait3A_321 = tpu.memref_slice %arg6[%dma_wait3A_308, %dma_wait3A_319, %dma_wait3A_320] : memref<5x128x64xf32, #tpu.memory_space<vmem>> -> memref<1x128x64xf32, #tpu.memory_space<vmem>>
    %dma_wait3A_322 = tpu.memref_squeeze %dma_wait3A_321 : memref<1x128x64xf32, #tpu.memory_space<vmem>> -> memref<128x64xf32, #tpu.memory_space<vmem>>
    tpu.wait_dma2 semaphore(%arg13 : memref<!tpu.dma_semaphore, #tpu.memory_space<semaphore_mem>>) src(%dma_wait3A_322 : memref<128x64xf32, #tpu.memory_space<vmem>>) dst(%dma_wait3A_318 : memref<128x64xf32, #tpu.memory_space<hbm>>)
    %dma_wait3A_323 = arith.constant 2 : i32
    %dma_wait3A_324 = arith.constant 0 : i32
    %dma_wait3A_325 = arith.constant 0 : i32
    %dma_wait3A_326 = tpu.memref_slice %arg6[%dma_wait3A_323, %dma_wait3A_324, %dma_wait3A_325] : memref<5x128x64xf32, #tpu.memory_space<vmem>> -> memref<1x128x64xf32, #tpu.memory_space<vmem>>
    %dma_wait3A_327 = tpu.memref_squeeze %dma_wait3A_326 : memref<1x128x64xf32, #tpu.memory_space<vmem>> -> memref<128x64xf32, #tpu.memory_space<vmem>>
    %dma_wait3A_328 = arith.constant 0 : i32
    %dma_wait3A_329 = arith.constant 0 : i32
    %dma_wait3A_330 = tpu.memref_slice %arg4[%dma_wait3A_328, %dma_wait3A_329] : memref<204800x64xf32, #tpu.memory_space<hbm>> -> memref<128x64xf32, #tpu.memory_space<hbm>>
    %dma_wait3A_331 = arith.constant 0 : i32
    %dma_wait3A_332 = arith.constant 0 : i32
    %dma_wait3A_333 = tpu.memref_slice %arg4[%dma_wait3A_331, %dma_wait3A_332] : memref<204800x64xf32, #tpu.memory_space<hbm>> -> memref<128x64xf32, #tpu.memory_space<hbm>>
    %dma_wait3A_334 = arith.constant 0 : i32
    %dma_wait3A_335 = arith.constant 0 : i32
    %dma_wait3A_336 = tpu.memref_slice %arg6[%dma_wait3A_323, %dma_wait3A_334, %dma_wait3A_335] : memref<5x128x64xf32, #tpu.memory_space<vmem>> -> memref<1x128x64xf32, #tpu.memory_space<vmem>>
    %dma_wait3A_337 = tpu.memref_squeeze %dma_wait3A_336 : memref<1x128x64xf32, #tpu.memory_space<vmem>> -> memref<128x64xf32, #tpu.memory_space<vmem>>
    tpu.wait_dma2 semaphore(%arg14 : memref<!tpu.dma_semaphore, #tpu.memory_space<semaphore_mem>>) src(%dma_wait3A_337 : memref<128x64xf32, #tpu.memory_space<vmem>>) dst(%dma_wait3A_333 : memref<128x64xf32, #tpu.memory_space<hbm>>)
    %dma_wait3A_338 = arith.constant 3 : i32
    %dma_wait3A_339 = arith.constant 0 : i32
    %dma_wait3A_340 = arith.constant 0 : i32
    %dma_wait3A_341 = tpu.memref_slice %arg6[%dma_wait3A_338, %dma_wait3A_339, %dma_wait3A_340] : memref<5x128x64xf32, #tpu.memory_space<vmem>> -> memref<1x128x64xf32, #tpu.memory_space<vmem>>
    %dma_wait3A_342 = tpu.memref_squeeze %dma_wait3A_341 : memref<1x128x64xf32, #tpu.memory_space<vmem>> -> memref<128x64xf32, #tpu.memory_space<vmem>>
    %dma_wait3A_343 = arith.constant 0 : i32
    %dma_wait3A_344 = arith.constant 0 : i32
    %dma_wait3A_345 = tpu.memref_slice %arg4[%dma_wait3A_343, %dma_wait3A_344] : memref<204800x64xf32, #tpu.memory_space<hbm>> -> memref<128x64xf32, #tpu.memory_space<hbm>>
    %dma_wait3A_346 = arith.constant 0 : i32
    %dma_wait3A_347 = arith.constant 0 : i32
    %dma_wait3A_348 = tpu.memref_slice %arg4[%dma_wait3A_346, %dma_wait3A_347] : memref<204800x64xf32, #tpu.memory_space<hbm>> -> memref<128x64xf32, #tpu.memory_space<hbm>>
    %dma_wait3A_349 = arith.constant 0 : i32
    %dma_wait3A_350 = arith.constant 0 : i32
    %dma_wait3A_351 = tpu.memref_slice %arg6[%dma_wait3A_338, %dma_wait3A_349, %dma_wait3A_350] : memref<5x128x64xf32, #tpu.memory_space<vmem>> -> memref<1x128x64xf32, #tpu.memory_space<vmem>>
    %dma_wait3A_352 = tpu.memref_squeeze %dma_wait3A_351 : memref<1x128x64xf32, #tpu.memory_space<vmem>> -> memref<128x64xf32, #tpu.memory_space<vmem>>
    tpu.wait_dma2 semaphore(%arg15 : memref<!tpu.dma_semaphore, #tpu.memory_space<semaphore_mem>>) src(%dma_wait3A_352 : memref<128x64xf32, #tpu.memory_space<vmem>>) dst(%dma_wait3A_348 : memref<128x64xf32, #tpu.memory_space<hbm>>)
    %dma_wait3A_353 = arith.constant 4 : i32
    %dma_wait3A_354 = arith.constant 0 : i32
    %dma_wait3A_355 = arith.constant 0 : i32
    %dma_wait3A_356 = tpu.memref_slice %arg6[%dma_wait3A_353, %dma_wait3A_354, %dma_wait3A_355] : memref<5x128x64xf32, #tpu.memory_space<vmem>> -> memref<1x128x64xf32, #tpu.memory_space<vmem>>
    %dma_wait3A_357 = tpu.memref_squeeze %dma_wait3A_356 : memref<1x128x64xf32, #tpu.memory_space<vmem>> -> memref<128x64xf32, #tpu.memory_space<vmem>>
    %dma_wait3A_358 = arith.constant 0 : i32
    %dma_wait3A_359 = arith.constant 0 : i32
    %dma_wait3A_360 = tpu.memref_slice %arg4[%dma_wait3A_358, %dma_wait3A_359] : memref<204800x64xf32, #tpu.memory_space<hbm>> -> memref<128x64xf32, #tpu.memory_space<hbm>>
    %dma_wait3A_361 = arith.constant 0 : i32
    %dma_wait3A_362 = arith.constant 0 : i32
    %dma_wait3A_363 = tpu.memref_slice %arg4[%dma_wait3A_361, %dma_wait3A_362] : memref<204800x64xf32, #tpu.memory_space<hbm>> -> memref<128x64xf32, #tpu.memory_space<hbm>>
    %dma_wait3A_364 = arith.constant 0 : i32
    %dma_wait3A_365 = arith.constant 0 : i32
    %dma_wait3A_366 = tpu.memref_slice %arg6[%dma_wait3A_353, %dma_wait3A_364, %dma_wait3A_365] : memref<5x128x64xf32, #tpu.memory_space<vmem>> -> memref<1x128x64xf32, #tpu.memory_space<vmem>>
    %dma_wait3A_367 = tpu.memref_squeeze %dma_wait3A_366 : memref<1x128x64xf32, #tpu.memory_space<vmem>> -> memref<128x64xf32, #tpu.memory_space<vmem>>
    tpu.wait_dma2 semaphore(%arg16 : memref<!tpu.dma_semaphore, #tpu.memory_space<semaphore_mem>>) src(%dma_wait3A_367 : memref<128x64xf32, #tpu.memory_space<vmem>>) dst(%dma_wait3A_363 : memref<128x64xf32, #tpu.memory_space<hbm>>)
    return
  }
}

#map = affine_map<(d0, d1) -> (0, 0)>
#map1 = affine_map<(d0, d1) -> (0, 0, 0)>
module attributes {stable_mosaic.version = 14 : i64} {
  func.func @k(%arg0: i32, %arg1: i32, %arg2: memref<500032x64xf32, #tpu.memory_space<hbm>>, %arg3: memref<32x50x128xi32, #tpu.memory_space<hbm>>, %arg4: memref<204800x64xf32, #tpu.memory_space<hbm>>, %arg5: memref<50x128xi32, #tpu.memory_space<vmem>>, %arg6: memref<5x128x64xf32, #tpu.memory_space<vmem>>, %arg7: memref<!tpu.dma_semaphore, #tpu.memory_space<semaphore_mem>>, %arg8: memref<!tpu.dma_semaphore, #tpu.memory_space<semaphore_mem>>, %arg9: memref<!tpu.dma_semaphore, #tpu.memory_space<semaphore_mem>>, %arg10: memref<!tpu.dma_semaphore, #tpu.memory_space<semaphore_mem>>, %arg11: memref<!tpu.dma_semaphore, #tpu.memory_space<semaphore_mem>>, %arg12: memref<!tpu.dma_semaphore, #tpu.memory_space<semaphore_mem>>, %arg13: memref<!tpu.dma_semaphore, #tpu.memory_space<semaphore_mem>>, %arg14: memref<!tpu.dma_semaphore, #tpu.memory_space<semaphore_mem>>, %arg15: memref<!tpu.dma_semaphore, #tpu.memory_space<semaphore_mem>>, %arg16: memref<!tpu.dma_semaphore, #tpu.memory_space<semaphore_mem>>) attributes {dimension_semantics = [#tpu.dimension_semantics<core_parallel>, #tpu.dimension_semantics<subcore_parallel>], iteration_bounds = array<i64: 2, 16>, scalar_prefetch = 0 : i64, scratch_operands = 12 : i64, tpu.core_type = #tpu.core_type<sc_vector_subcore>, window_params = [{transform_indices = #map}, {transform_indices = #map1}, {transform_indices = #map}]} {
    %mul3A = arith.constant 2 : i32
    %mul3A_0 = arith.muli %arg1, %mul3A : i32
    %add3A = arith.addi %mul3A_0, %arg0 : i32
    %mul3A_1 = arith.constant 6400 : i32
    %mul3A_2 = arith.muli %add3A, %mul3A_1 : i32
    "tpu.region"() ({
      %run_scoped3A = tpu.sem_alloc : memref<!tpu.dma_semaphore, #tpu.memory_space<semaphore_mem>>
      %dma_start3A_368 = arith.constant 0 : i32
      %dma_start3A_369 = arith.constant 0 : i32
      %dma_start3A_370 = tpu.memref_slice %arg3[%add3A, %dma_start3A_368, %dma_start3A_369] : memref<32x50x128xi32, #tpu.memory_space<hbm>> -> memref<1x50x128xi32, #tpu.memory_space<hbm>>
      %dma_start3A_371 = tpu.memref_squeeze %dma_start3A_370 : memref<1x50x128xi32, #tpu.memory_space<hbm>> -> memref<50x128xi32, #tpu.memory_space<hbm>>
      %dma_start3A_372 = arith.constant 0 : i32
      %dma_start3A_373 = arith.constant 0 : i32
      %dma_start3A_374 = tpu.memref_slice %arg3[%add3A, %dma_start3A_372, %dma_start3A_373] : memref<32x50x128xi32, #tpu.memory_space<hbm>> -> memref<1x50x128xi32, #tpu.memory_space<hbm>>
      %dma_start3A_375 = tpu.memref_squeeze %dma_start3A_374 : memref<1x50x128xi32, #tpu.memory_space<hbm>> -> memref<50x128xi32, #tpu.memory_space<hbm>>
      tpu.enqueue_dma source(%dma_start3A_375 : memref<50x128xi32, #tpu.memory_space<hbm>>) target(%arg5 : memref<50x128xi32, #tpu.memory_space<vmem>>) target_semaphore(%run_scoped3A : memref<!tpu.dma_semaphore, #tpu.memory_space<semaphore_mem>>)
      %dma_wait3A_376 = arith.constant 0 : i32
      %dma_wait3A_377 = arith.constant 0 : i32
      %dma_wait3A_378 = tpu.memref_slice %arg3[%add3A, %dma_wait3A_376, %dma_wait3A_377] : memref<32x50x128xi32, #tpu.memory_space<hbm>> -> memref<1x50x128xi32, #tpu.memory_space<hbm>>
      %dma_wait3A_379 = tpu.memref_squeeze %dma_wait3A_378 : memref<1x50x128xi32, #tpu.memory_space<hbm>> -> memref<50x128xi32, #tpu.memory_space<hbm>>
      %dma_wait3A_380 = arith.constant 0 : i32
      %dma_wait3A_381 = arith.constant 0 : i32
      %dma_wait3A_382 = tpu.memref_slice %arg3[%add3A, %dma_wait3A_380, %dma_wait3A_381] : memref<32x50x128xi32, #tpu.memory_space<hbm>> -> memref<1x50x128xi32, #tpu.memory_space<hbm>>
      %dma_wait3A_383 = tpu.memref_squeeze %dma_wait3A_382 : memref<1x50x128xi32, #tpu.memory_space<hbm>> -> memref<50x128xi32, #tpu.memory_space<hbm>>
      tpu.wait_dma2 semaphore(%run_scoped3A : memref<!tpu.dma_semaphore, #tpu.memory_space<semaphore_mem>>) src(%dma_wait3A_383 : memref<50x128xi32, #tpu.memory_space<hbm>>) dst(%arg5 : memref<50x128xi32, #tpu.memory_space<vmem>>)
      tpu.yield
    }) : () -> ()
    %dma_start3A = arith.constant 0 : i32
    %dma_start3A_3 = arith.constant 0 : i32
    %dma_start3A_4 = arith.constant 0 : i32
    %dma_start3A_5 = arith.constant 0 : i32
    %dma_start3A_6 = tpu.memref_slice %arg6[%dma_start3A_3, %dma_start3A_4, %dma_start3A_5] : memref<5x128x64xf32, #tpu.memory_space<vmem>> -> memref<1x16x64xf32, #tpu.memory_space<vmem>>
    %dma_start3A_7 = tpu.memref_squeeze %dma_start3A_6 : memref<1x16x64xf32, #tpu.memory_space<vmem>> -> memref<16x64xf32, #tpu.memory_space<vmem>>
    %dma_start3A_8 = arith.constant 0 : i32
    %dma_start3A_9 = tpu.memref_slice %arg5[%dma_start3A, %dma_start3A_8] : memref<50x128xi32, #tpu.memory_space<vmem>> -> memref<1x16xi32, #tpu.memory_space<vmem>>
    %dma_start3A_10 = tpu.memref_squeeze %dma_start3A_9 : memref<1x16xi32, #tpu.memory_space<vmem>> -> memref<16xi32, #tpu.memory_space<vmem>>
    %dma_start3A_11 = arith.constant 0 : i32
    %dma_start3A_12 = arith.constant 0 : i32
    %dma_start3A_13 = tpu.memref_slice %arg2[%dma_start3A_11, %dma_start3A_12] : memref<500032x64xf32, #tpu.memory_space<hbm>> -> memref<500032x64xf32, #tpu.memory_space<hbm>>
    tpu.enqueue_indirect_dma source(%dma_start3A_13 : memref<500032x64xf32, #tpu.memory_space<hbm>>) target(%dma_start3A_7 : memref<16x64xf32, #tpu.memory_space<vmem>>) offsets(%dma_start3A_10 : memref<16xi32, #tpu.memory_space<vmem>>) semaphore(%arg7 : memref<!tpu.dma_semaphore, #tpu.memory_space<semaphore_mem>>)
    %dma_start3A_14 = arith.constant 0 : i32
    %dma_start3A_15 = arith.constant 0 : i32
    %dma_start3A_16 = arith.constant 16 : i32
    %dma_start3A_17 = arith.constant 0 : i32
    %dma_start3A_18 = tpu.memref_slice %arg6[%dma_start3A_15, %dma_start3A_16, %dma_start3A_17] : memref<5x128x64xf32, #tpu.memory_space<vmem>> -> memref<1x16x64xf32, #tpu.memory_space<vmem>>
    %dma_start3A_19 = tpu.memref_squeeze %dma_start3A_18 : memref<1x16x64xf32, #tpu.memory_space<vmem>> -> memref<16x64xf32, #tpu.memory_space<vmem>>
    %dma_start3A_20 = arith.constant 16 : i32
    %dma_start3A_21 = tpu.memref_slice %arg5[%dma_start3A_14, %dma_start3A_20] : memref<50x128xi32, #tpu.memory_space<vmem>> -> memref<1x16xi32, #tpu.memory_space<vmem>>
    %dma_start3A_22 = tpu.memref_squeeze %dma_start3A_21 : memref<1x16xi32, #tpu.memory_space<vmem>> -> memref<16xi32, #tpu.memory_space<vmem>>
    %dma_start3A_23 = arith.constant 0 : i32
    %dma_start3A_24 = arith.constant 0 : i32
    %dma_start3A_25 = tpu.memref_slice %arg2[%dma_start3A_23, %dma_start3A_24] : memref<500032x64xf32, #tpu.memory_space<hbm>> -> memref<500032x64xf32, #tpu.memory_space<hbm>>
    tpu.enqueue_indirect_dma source(%dma_start3A_25 : memref<500032x64xf32, #tpu.memory_space<hbm>>) target(%dma_start3A_19 : memref<16x64xf32, #tpu.memory_space<vmem>>) offsets(%dma_start3A_22 : memref<16xi32, #tpu.memory_space<vmem>>) semaphore(%arg7 : memref<!tpu.dma_semaphore, #tpu.memory_space<semaphore_mem>>)
    %dma_start3A_26 = arith.constant 0 : i32
    %dma_start3A_27 = arith.constant 0 : i32
    %dma_start3A_28 = arith.constant 32 : i32
    %dma_start3A_29 = arith.constant 0 : i32
    %dma_start3A_30 = tpu.memref_slice %arg6[%dma_start3A_27, %dma_start3A_28, %dma_start3A_29] : memref<5x128x64xf32, #tpu.memory_space<vmem>> -> memref<1x16x64xf32, #tpu.memory_space<vmem>>
    %dma_start3A_31 = tpu.memref_squeeze %dma_start3A_30 : memref<1x16x64xf32, #tpu.memory_space<vmem>> -> memref<16x64xf32, #tpu.memory_space<vmem>>
    %dma_start3A_32 = arith.constant 32 : i32
    %dma_start3A_33 = tpu.memref_slice %arg5[%dma_start3A_26, %dma_start3A_32] : memref<50x128xi32, #tpu.memory_space<vmem>> -> memref<1x16xi32, #tpu.memory_space<vmem>>
    %dma_start3A_34 = tpu.memref_squeeze %dma_start3A_33 : memref<1x16xi32, #tpu.memory_space<vmem>> -> memref<16xi32, #tpu.memory_space<vmem>>
    %dma_start3A_35 = arith.constant 0 : i32
    %dma_start3A_36 = arith.constant 0 : i32
    %dma_start3A_37 = tpu.memref_slice %arg2[%dma_start3A_35, %dma_start3A_36] : memref<500032x64xf32, #tpu.memory_space<hbm>> -> memref<500032x64xf32, #tpu.memory_space<hbm>>
    tpu.enqueue_indirect_dma source(%dma_start3A_37 : memref<500032x64xf32, #tpu.memory_space<hbm>>) target(%dma_start3A_31 : memref<16x64xf32, #tpu.memory_space<vmem>>) offsets(%dma_start3A_34 : memref<16xi32, #tpu.memory_space<vmem>>) semaphore(%arg7 : memref<!tpu.dma_semaphore, #tpu.memory_space<semaphore_mem>>)
    %dma_start3A_38 = arith.constant 0 : i32
    %dma_start3A_39 = arith.constant 0 : i32
    %dma_start3A_40 = arith.constant 48 : i32
    %dma_start3A_41 = arith.constant 0 : i32
    %dma_start3A_42 = tpu.memref_slice %arg6[%dma_start3A_39, %dma_start3A_40, %dma_start3A_41] : memref<5x128x64xf32, #tpu.memory_space<vmem>> -> memref<1x16x64xf32, #tpu.memory_space<vmem>>
    %dma_start3A_43 = tpu.memref_squeeze %dma_start3A_42 : memref<1x16x64xf32, #tpu.memory_space<vmem>> -> memref<16x64xf32, #tpu.memory_space<vmem>>
    %dma_start3A_44 = arith.constant 48 : i32
    %dma_start3A_45 = tpu.memref_slice %arg5[%dma_start3A_38, %dma_start3A_44] : memref<50x128xi32, #tpu.memory_space<vmem>> -> memref<1x16xi32, #tpu.memory_space<vmem>>
    %dma_start3A_46 = tpu.memref_squeeze %dma_start3A_45 : memref<1x16xi32, #tpu.memory_space<vmem>> -> memref<16xi32, #tpu.memory_space<vmem>>
    %dma_start3A_47 = arith.constant 0 : i32
    %dma_start3A_48 = arith.constant 0 : i32
    %dma_start3A_49 = tpu.memref_slice %arg2[%dma_start3A_47, %dma_start3A_48] : memref<500032x64xf32, #tpu.memory_space<hbm>> -> memref<500032x64xf32, #tpu.memory_space<hbm>>
    tpu.enqueue_indirect_dma source(%dma_start3A_49 : memref<500032x64xf32, #tpu.memory_space<hbm>>) target(%dma_start3A_43 : memref<16x64xf32, #tpu.memory_space<vmem>>) offsets(%dma_start3A_46 : memref<16xi32, #tpu.memory_space<vmem>>) semaphore(%arg7 : memref<!tpu.dma_semaphore, #tpu.memory_space<semaphore_mem>>)
    %dma_start3A_50 = arith.constant 0 : i32
    %dma_start3A_51 = arith.constant 0 : i32
    %dma_start3A_52 = arith.constant 64 : i32
    %dma_start3A_53 = arith.constant 0 : i32
    %dma_start3A_54 = tpu.memref_slice %arg6[%dma_start3A_51, %dma_start3A_52, %dma_start3A_53] : memref<5x128x64xf32, #tpu.memory_space<vmem>> -> memref<1x16x64xf32, #tpu.memory_space<vmem>>
    %dma_start3A_55 = tpu.memref_squeeze %dma_start3A_54 : memref<1x16x64xf32, #tpu.memory_space<vmem>> -> memref<16x64xf32, #tpu.memory_space<vmem>>
    %dma_start3A_56 = arith.constant 64 : i32
    %dma_start3A_57 = tpu.memref_slice %arg5[%dma_start3A_50, %dma_start3A_56] : memref<50x128xi32, #tpu.memory_space<vmem>> -> memref<1x16xi32, #tpu.memory_space<vmem>>
    %dma_start3A_58 = tpu.memref_squeeze %dma_start3A_57 : memref<1x16xi32, #tpu.memory_space<vmem>> -> memref<16xi32, #tpu.memory_space<vmem>>
    %dma_start3A_59 = arith.constant 0 : i32
    %dma_start3A_60 = arith.constant 0 : i32
    %dma_start3A_61 = tpu.memref_slice %arg2[%dma_start3A_59, %dma_start3A_60] : memref<500032x64xf32, #tpu.memory_space<hbm>> -> memref<500032x64xf32, #tpu.memory_space<hbm>>
    tpu.enqueue_indirect_dma source(%dma_start3A_61 : memref<500032x64xf32, #tpu.memory_space<hbm>>) target(%dma_start3A_55 : memref<16x64xf32, #tpu.memory_space<vmem>>) offsets(%dma_start3A_58 : memref<16xi32, #tpu.memory_space<vmem>>) semaphore(%arg7 : memref<!tpu.dma_semaphore, #tpu.memory_space<semaphore_mem>>)
    %dma_start3A_62 = arith.constant 0 : i32
    %dma_start3A_63 = arith.constant 0 : i32
    %dma_start3A_64 = arith.constant 80 : i32
    %dma_start3A_65 = arith.constant 0 : i32
    %dma_start3A_66 = tpu.memref_slice %arg6[%dma_start3A_63, %dma_start3A_64, %dma_start3A_65] : memref<5x128x64xf32, #tpu.memory_space<vmem>> -> memref<1x16x64xf32, #tpu.memory_space<vmem>>
    %dma_start3A_67 = tpu.memref_squeeze %dma_start3A_66 : memref<1x16x64xf32, #tpu.memory_space<vmem>> -> memref<16x64xf32, #tpu.memory_space<vmem>>
    %dma_start3A_68 = arith.constant 80 : i32
    %dma_start3A_69 = tpu.memref_slice %arg5[%dma_start3A_62, %dma_start3A_68] : memref<50x128xi32, #tpu.memory_space<vmem>> -> memref<1x16xi32, #tpu.memory_space<vmem>>
    %dma_start3A_70 = tpu.memref_squeeze %dma_start3A_69 : memref<1x16xi32, #tpu.memory_space<vmem>> -> memref<16xi32, #tpu.memory_space<vmem>>
    %dma_start3A_71 = arith.constant 0 : i32
    %dma_start3A_72 = arith.constant 0 : i32
    %dma_start3A_73 = tpu.memref_slice %arg2[%dma_start3A_71, %dma_start3A_72] : memref<500032x64xf32, #tpu.memory_space<hbm>> -> memref<500032x64xf32, #tpu.memory_space<hbm>>
    tpu.enqueue_indirect_dma source(%dma_start3A_73 : memref<500032x64xf32, #tpu.memory_space<hbm>>) target(%dma_start3A_67 : memref<16x64xf32, #tpu.memory_space<vmem>>) offsets(%dma_start3A_70 : memref<16xi32, #tpu.memory_space<vmem>>) semaphore(%arg7 : memref<!tpu.dma_semaphore, #tpu.memory_space<semaphore_mem>>)
    %dma_start3A_74 = arith.constant 0 : i32
    %dma_start3A_75 = arith.constant 0 : i32
    %dma_start3A_76 = arith.constant 96 : i32
    %dma_start3A_77 = arith.constant 0 : i32
    %dma_start3A_78 = tpu.memref_slice %arg6[%dma_start3A_75, %dma_start3A_76, %dma_start3A_77] : memref<5x128x64xf32, #tpu.memory_space<vmem>> -> memref<1x16x64xf32, #tpu.memory_space<vmem>>
    %dma_start3A_79 = tpu.memref_squeeze %dma_start3A_78 : memref<1x16x64xf32, #tpu.memory_space<vmem>> -> memref<16x64xf32, #tpu.memory_space<vmem>>
    %dma_start3A_80 = arith.constant 96 : i32
    %dma_start3A_81 = tpu.memref_slice %arg5[%dma_start3A_74, %dma_start3A_80] : memref<50x128xi32, #tpu.memory_space<vmem>> -> memref<1x16xi32, #tpu.memory_space<vmem>>
    %dma_start3A_82 = tpu.memref_squeeze %dma_start3A_81 : memref<1x16xi32, #tpu.memory_space<vmem>> -> memref<16xi32, #tpu.memory_space<vmem>>
    %dma_start3A_83 = arith.constant 0 : i32
    %dma_start3A_84 = arith.constant 0 : i32
    %dma_start3A_85 = tpu.memref_slice %arg2[%dma_start3A_83, %dma_start3A_84] : memref<500032x64xf32, #tpu.memory_space<hbm>> -> memref<500032x64xf32, #tpu.memory_space<hbm>>
    tpu.enqueue_indirect_dma source(%dma_start3A_85 : memref<500032x64xf32, #tpu.memory_space<hbm>>) target(%dma_start3A_79 : memref<16x64xf32, #tpu.memory_space<vmem>>) offsets(%dma_start3A_82 : memref<16xi32, #tpu.memory_space<vmem>>) semaphore(%arg7 : memref<!tpu.dma_semaphore, #tpu.memory_space<semaphore_mem>>)
    %dma_start3A_86 = arith.constant 0 : i32
    %dma_start3A_87 = arith.constant 0 : i32
    %dma_start3A_88 = arith.constant 112 : i32
    %dma_start3A_89 = arith.constant 0 : i32
    %dma_start3A_90 = tpu.memref_slice %arg6[%dma_start3A_87, %dma_start3A_88, %dma_start3A_89] : memref<5x128x64xf32, #tpu.memory_space<vmem>> -> memref<1x16x64xf32, #tpu.memory_space<vmem>>
    %dma_start3A_91 = tpu.memref_squeeze %dma_start3A_90 : memref<1x16x64xf32, #tpu.memory_space<vmem>> -> memref<16x64xf32, #tpu.memory_space<vmem>>
    %dma_start3A_92 = arith.constant 112 : i32
    %dma_start3A_93 = tpu.memref_slice %arg5[%dma_start3A_86, %dma_start3A_92] : memref<50x128xi32, #tpu.memory_space<vmem>> -> memref<1x16xi32, #tpu.memory_space<vmem>>
    %dma_start3A_94 = tpu.memref_squeeze %dma_start3A_93 : memref<1x16xi32, #tpu.memory_space<vmem>> -> memref<16xi32, #tpu.memory_space<vmem>>
    %dma_start3A_95 = arith.constant 0 : i32
    %dma_start3A_96 = arith.constant 0 : i32
    %dma_start3A_97 = tpu.memref_slice %arg2[%dma_start3A_95, %dma_start3A_96] : memref<500032x64xf32, #tpu.memory_space<hbm>> -> memref<500032x64xf32, #tpu.memory_space<hbm>>
    tpu.enqueue_indirect_dma source(%dma_start3A_97 : memref<500032x64xf32, #tpu.memory_space<hbm>>) target(%dma_start3A_91 : memref<16x64xf32, #tpu.memory_space<vmem>>) offsets(%dma_start3A_94 : memref<16xi32, #tpu.memory_space<vmem>>) semaphore(%arg7 : memref<!tpu.dma_semaphore, #tpu.memory_space<semaphore_mem>>)
    %dma_start3A_98 = arith.constant 1 : i32
    %dma_start3A_99 = arith.constant 1 : i32
    %dma_start3A_100 = arith.constant 0 : i32
    %dma_start3A_101 = arith.constant 0 : i32
    %dma_start3A_102 = tpu.memref_slice %arg6[%dma_start3A_99, %dma_start3A_100, %dma_start3A_101] : memref<5x128x64xf32, #tpu.memory_space<vmem>> -> memref<1x16x64xf32, #tpu.memory_space<vmem>>
    %dma_start3A_103 = tpu.memref_squeeze %dma_start3A_102 : memref<1x16x64xf32, #tpu.memory_space<vmem>> -> memref<16x64xf32, #tpu.memory_space<vmem>>
    %dma_start3A_104 = arith.constant 0 : i32
    %dma_start3A_105 = tpu.memref_slice %arg5[%dma_start3A_98, %dma_start3A_104] : memref<50x128xi32, #tpu.memory_space<vmem>> -> memref<1x16xi32, #tpu.memory_space<vmem>>
    %dma_start3A_106 = tpu.memref_squeeze %dma_start3A_105 : memref<1x16xi32, #tpu.memory_space<vmem>> -> memref<16xi32, #tpu.memory_space<vmem>>
    %dma_start3A_107 = arith.constant 0 : i32
    %dma_start3A_108 = arith.constant 0 : i32
    %dma_start3A_109 = tpu.memref_slice %arg2[%dma_start3A_107, %dma_start3A_108] : memref<500032x64xf32, #tpu.memory_space<hbm>> -> memref<500032x64xf32, #tpu.memory_space<hbm>>
    tpu.enqueue_indirect_dma source(%dma_start3A_109 : memref<500032x64xf32, #tpu.memory_space<hbm>>) target(%dma_start3A_103 : memref<16x64xf32, #tpu.memory_space<vmem>>) offsets(%dma_start3A_106 : memref<16xi32, #tpu.memory_space<vmem>>) semaphore(%arg8 : memref<!tpu.dma_semaphore, #tpu.memory_space<semaphore_mem>>)
    %dma_start3A_110 = arith.constant 1 : i32
    %dma_start3A_111 = arith.constant 1 : i32
    %dma_start3A_112 = arith.constant 16 : i32
    %dma_start3A_113 = arith.constant 0 : i32
    %dma_start3A_114 = tpu.memref_slice %arg6[%dma_start3A_111, %dma_start3A_112, %dma_start3A_113] : memref<5x128x64xf32, #tpu.memory_space<vmem>> -> memref<1x16x64xf32, #tpu.memory_space<vmem>>
    %dma_start3A_115 = tpu.memref_squeeze %dma_start3A_114 : memref<1x16x64xf32, #tpu.memory_space<vmem>> -> memref<16x64xf32, #tpu.memory_space<vmem>>
    %dma_start3A_116 = arith.constant 16 : i32
    %dma_start3A_117 = tpu.memref_slice %arg5[%dma_start3A_110, %dma_start3A_116] : memref<50x128xi32, #tpu.memory_space<vmem>> -> memref<1x16xi32, #tpu.memory_space<vmem>>
    %dma_start3A_118 = tpu.memref_squeeze %dma_start3A_117 : memref<1x16xi32, #tpu.memory_space<vmem>> -> memref<16xi32, #tpu.memory_space<vmem>>
    %dma_start3A_119 = arith.constant 0 : i32
    %dma_start3A_120 = arith.constant 0 : i32
    %dma_start3A_121 = tpu.memref_slice %arg2[%dma_start3A_119, %dma_start3A_120] : memref<500032x64xf32, #tpu.memory_space<hbm>> -> memref<500032x64xf32, #tpu.memory_space<hbm>>
    tpu.enqueue_indirect_dma source(%dma_start3A_121 : memref<500032x64xf32, #tpu.memory_space<hbm>>) target(%dma_start3A_115 : memref<16x64xf32, #tpu.memory_space<vmem>>) offsets(%dma_start3A_118 : memref<16xi32, #tpu.memory_space<vmem>>) semaphore(%arg8 : memref<!tpu.dma_semaphore, #tpu.memory_space<semaphore_mem>>)
    %dma_start3A_122 = arith.constant 1 : i32
    %dma_start3A_123 = arith.constant 1 : i32
    %dma_start3A_124 = arith.constant 32 : i32
    %dma_start3A_125 = arith.constant 0 : i32
    %dma_start3A_126 = tpu.memref_slice %arg6[%dma_start3A_123, %dma_start3A_124, %dma_start3A_125] : memref<5x128x64xf32, #tpu.memory_space<vmem>> -> memref<1x16x64xf32, #tpu.memory_space<vmem>>
    %dma_start3A_127 = tpu.memref_squeeze %dma_start3A_126 : memref<1x16x64xf32, #tpu.memory_space<vmem>> -> memref<16x64xf32, #tpu.memory_space<vmem>>
    %dma_start3A_128 = arith.constant 32 : i32
    %dma_start3A_129 = tpu.memref_slice %arg5[%dma_start3A_122, %dma_start3A_128] : memref<50x128xi32, #tpu.memory_space<vmem>> -> memref<1x16xi32, #tpu.memory_space<vmem>>
    %dma_start3A_130 = tpu.memref_squeeze %dma_start3A_129 : memref<1x16xi32, #tpu.memory_space<vmem>> -> memref<16xi32, #tpu.memory_space<vmem>>
    %dma_start3A_131 = arith.constant 0 : i32
    %dma_start3A_132 = arith.constant 0 : i32
    %dma_start3A_133 = tpu.memref_slice %arg2[%dma_start3A_131, %dma_start3A_132] : memref<500032x64xf32, #tpu.memory_space<hbm>> -> memref<500032x64xf32, #tpu.memory_space<hbm>>
    tpu.enqueue_indirect_dma source(%dma_start3A_133 : memref<500032x64xf32, #tpu.memory_space<hbm>>) target(%dma_start3A_127 : memref<16x64xf32, #tpu.memory_space<vmem>>) offsets(%dma_start3A_130 : memref<16xi32, #tpu.memory_space<vmem>>) semaphore(%arg8 : memref<!tpu.dma_semaphore, #tpu.memory_space<semaphore_mem>>)
    %dma_start3A_134 = arith.constant 1 : i32
    %dma_start3A_135 = arith.constant 1 : i32
    %dma_start3A_136 = arith.constant 48 : i32
    %dma_start3A_137 = arith.constant 0 : i32
    %dma_start3A_138 = tpu.memref_slice %arg6[%dma_start3A_135, %dma_start3A_136, %dma_start3A_137] : memref<5x128x64xf32, #tpu.memory_space<vmem>> -> memref<1x16x64xf32, #tpu.memory_space<vmem>>
    %dma_start3A_139 = tpu.memref_squeeze %dma_start3A_138 : memref<1x16x64xf32, #tpu.memory_space<vmem>> -> memref<16x64xf32, #tpu.memory_space<vmem>>
    %dma_start3A_140 = arith.constant 48 : i32
    %dma_start3A_141 = tpu.memref_slice %arg5[%dma_start3A_134, %dma_start3A_140] : memref<50x128xi32, #tpu.memory_space<vmem>> -> memref<1x16xi32, #tpu.memory_space<vmem>>
    %dma_start3A_142 = tpu.memref_squeeze %dma_start3A_141 : memref<1x16xi32, #tpu.memory_space<vmem>> -> memref<16xi32, #tpu.memory_space<vmem>>
    %dma_start3A_143 = arith.constant 0 : i32
    %dma_start3A_144 = arith.constant 0 : i32
    %dma_start3A_145 = tpu.memref_slice %arg2[%dma_start3A_143, %dma_start3A_144] : memref<500032x64xf32, #tpu.memory_space<hbm>> -> memref<500032x64xf32, #tpu.memory_space<hbm>>
    tpu.enqueue_indirect_dma source(%dma_start3A_145 : memref<500032x64xf32, #tpu.memory_space<hbm>>) target(%dma_start3A_139 : memref<16x64xf32, #tpu.memory_space<vmem>>) offsets(%dma_start3A_142 : memref<16xi32, #tpu.memory_space<vmem>>) semaphore(%arg8 : memref<!tpu.dma_semaphore, #tpu.memory_space<semaphore_mem>>)
    %dma_start3A_146 = arith.constant 1 : i32
    %dma_start3A_147 = arith.constant 1 : i32
    %dma_start3A_148 = arith.constant 64 : i32
    %dma_start3A_149 = arith.constant 0 : i32
    %dma_start3A_150 = tpu.memref_slice %arg6[%dma_start3A_147, %dma_start3A_148, %dma_start3A_149] : memref<5x128x64xf32, #tpu.memory_space<vmem>> -> memref<1x16x64xf32, #tpu.memory_space<vmem>>
    %dma_start3A_151 = tpu.memref_squeeze %dma_start3A_150 : memref<1x16x64xf32, #tpu.memory_space<vmem>> -> memref<16x64xf32, #tpu.memory_space<vmem>>
    %dma_start3A_152 = arith.constant 64 : i32
    %dma_start3A_153 = tpu.memref_slice %arg5[%dma_start3A_146, %dma_start3A_152] : memref<50x128xi32, #tpu.memory_space<vmem>> -> memref<1x16xi32, #tpu.memory_space<vmem>>
    %dma_start3A_154 = tpu.memref_squeeze %dma_start3A_153 : memref<1x16xi32, #tpu.memory_space<vmem>> -> memref<16xi32, #tpu.memory_space<vmem>>
    %dma_start3A_155 = arith.constant 0 : i32
    %dma_start3A_156 = arith.constant 0 : i32
    %dma_start3A_157 = tpu.memref_slice %arg2[%dma_start3A_155, %dma_start3A_156] : memref<500032x64xf32, #tpu.memory_space<hbm>> -> memref<500032x64xf32, #tpu.memory_space<hbm>>
    tpu.enqueue_indirect_dma source(%dma_start3A_157 : memref<500032x64xf32, #tpu.memory_space<hbm>>) target(%dma_start3A_151 : memref<16x64xf32, #tpu.memory_space<vmem>>) offsets(%dma_start3A_154 : memref<16xi32, #tpu.memory_space<vmem>>) semaphore(%arg8 : memref<!tpu.dma_semaphore, #tpu.memory_space<semaphore_mem>>)
    %dma_start3A_158 = arith.constant 1 : i32
    %dma_start3A_159 = arith.constant 1 : i32
    %dma_start3A_160 = arith.constant 80 : i32
    %dma_start3A_161 = arith.constant 0 : i32
    %dma_start3A_162 = tpu.memref_slice %arg6[%dma_start3A_159, %dma_start3A_160, %dma_start3A_161] : memref<5x128x64xf32, #tpu.memory_space<vmem>> -> memref<1x16x64xf32, #tpu.memory_space<vmem>>
    %dma_start3A_163 = tpu.memref_squeeze %dma_start3A_162 : memref<1x16x64xf32, #tpu.memory_space<vmem>> -> memref<16x64xf32, #tpu.memory_space<vmem>>
    %dma_start3A_164 = arith.constant 80 : i32
    %dma_start3A_165 = tpu.memref_slice %arg5[%dma_start3A_158, %dma_start3A_164] : memref<50x128xi32, #tpu.memory_space<vmem>> -> memref<1x16xi32, #tpu.memory_space<vmem>>
    %dma_start3A_166 = tpu.memref_squeeze %dma_start3A_165 : memref<1x16xi32, #tpu.memory_space<vmem>> -> memref<16xi32, #tpu.memory_space<vmem>>
    %dma_start3A_167 = arith.constant 0 : i32
    %dma_start3A_168 = arith.constant 0 : i32
    %dma_start3A_169 = tpu.memref_slice %arg2[%dma_start3A_167, %dma_start3A_168] : memref<500032x64xf32, #tpu.memory_space<hbm>> -> memref<500032x64xf32, #tpu.memory_space<hbm>>
    tpu.enqueue_indirect_dma source(%dma_start3A_169 : memref<500032x64xf32, #tpu.memory_space<hbm>>) target(%dma_start3A_163 : memref<16x64xf32, #tpu.memory_space<vmem>>) offsets(%dma_start3A_166 : memref<16xi32, #tpu.memory_space<vmem>>) semaphore(%arg8 : memref<!tpu.dma_semaphore, #tpu.memory_space<semaphore_mem>>)
    %dma_start3A_170 = arith.constant 1 : i32
    %dma_start3A_171 = arith.constant 1 : i32
    %dma_start3A_172 = arith.constant 96 : i32
    %dma_start3A_173 = arith.constant 0 : i32
    %dma_start3A_174 = tpu.memref_slice %arg6[%dma_start3A_171, %dma_start3A_172, %dma_start3A_173] : memref<5x128x64xf32, #tpu.memory_space<vmem>> -> memref<1x16x64xf32, #tpu.memory_space<vmem>>
    %dma_start3A_175 = tpu.memref_squeeze %dma_start3A_174 : memref<1x16x64xf32, #tpu.memory_space<vmem>> -> memref<16x64xf32, #tpu.memory_space<vmem>>
    %dma_start3A_176 = arith.constant 96 : i32
    %dma_start3A_177 = tpu.memref_slice %arg5[%dma_start3A_170, %dma_start3A_176] : memref<50x128xi32, #tpu.memory_space<vmem>> -> memref<1x16xi32, #tpu.memory_space<vmem>>
    %dma_start3A_178 = tpu.memref_squeeze %dma_start3A_177 : memref<1x16xi32, #tpu.memory_space<vmem>> -> memref<16xi32, #tpu.memory_space<vmem>>
    %dma_start3A_179 = arith.constant 0 : i32
    %dma_start3A_180 = arith.constant 0 : i32
    %dma_start3A_181 = tpu.memref_slice %arg2[%dma_start3A_179, %dma_start3A_180] : memref<500032x64xf32, #tpu.memory_space<hbm>> -> memref<500032x64xf32, #tpu.memory_space<hbm>>
    tpu.enqueue_indirect_dma source(%dma_start3A_181 : memref<500032x64xf32, #tpu.memory_space<hbm>>) target(%dma_start3A_175 : memref<16x64xf32, #tpu.memory_space<vmem>>) offsets(%dma_start3A_178 : memref<16xi32, #tpu.memory_space<vmem>>) semaphore(%arg8 : memref<!tpu.dma_semaphore, #tpu.memory_space<semaphore_mem>>)
    %dma_start3A_182 = arith.constant 1 : i32
    %dma_start3A_183 = arith.constant 1 : i32
    %dma_start3A_184 = arith.constant 112 : i32
    %dma_start3A_185 = arith.constant 0 : i32
    %dma_start3A_186 = tpu.memref_slice %arg6[%dma_start3A_183, %dma_start3A_184, %dma_start3A_185] : memref<5x128x64xf32, #tpu.memory_space<vmem>> -> memref<1x16x64xf32, #tpu.memory_space<vmem>>
    %dma_start3A_187 = tpu.memref_squeeze %dma_start3A_186 : memref<1x16x64xf32, #tpu.memory_space<vmem>> -> memref<16x64xf32, #tpu.memory_space<vmem>>
    %dma_start3A_188 = arith.constant 112 : i32
    %dma_start3A_189 = tpu.memref_slice %arg5[%dma_start3A_182, %dma_start3A_188] : memref<50x128xi32, #tpu.memory_space<vmem>> -> memref<1x16xi32, #tpu.memory_space<vmem>>
    %dma_start3A_190 = tpu.memref_squeeze %dma_start3A_189 : memref<1x16xi32, #tpu.memory_space<vmem>> -> memref<16xi32, #tpu.memory_space<vmem>>
    %dma_start3A_191 = arith.constant 0 : i32
    %dma_start3A_192 = arith.constant 0 : i32
    %dma_start3A_193 = tpu.memref_slice %arg2[%dma_start3A_191, %dma_start3A_192] : memref<500032x64xf32, #tpu.memory_space<hbm>> -> memref<500032x64xf32, #tpu.memory_space<hbm>>
    tpu.enqueue_indirect_dma source(%dma_start3A_193 : memref<500032x64xf32, #tpu.memory_space<hbm>>) target(%dma_start3A_187 : memref<16x64xf32, #tpu.memory_space<vmem>>) offsets(%dma_start3A_190 : memref<16xi32, #tpu.memory_space<vmem>>) semaphore(%arg8 : memref<!tpu.dma_semaphore, #tpu.memory_space<semaphore_mem>>)
    %dma_start3A_194 = arith.constant 2 : i32
    %dma_start3A_195 = arith.constant 2 : i32
    %dma_start3A_196 = arith.constant 0 : i32
    %dma_start3A_197 = arith.constant 0 : i32
    %dma_start3A_198 = tpu.memref_slice %arg6[%dma_start3A_195, %dma_start3A_196, %dma_start3A_197] : memref<5x128x64xf32, #tpu.memory_space<vmem>> -> memref<1x16x64xf32, #tpu.memory_space<vmem>>
    %dma_start3A_199 = tpu.memref_squeeze %dma_start3A_198 : memref<1x16x64xf32, #tpu.memory_space<vmem>> -> memref<16x64xf32, #tpu.memory_space<vmem>>
    %dma_start3A_200 = arith.constant 0 : i32
    %dma_start3A_201 = tpu.memref_slice %arg5[%dma_start3A_194, %dma_start3A_200] : memref<50x128xi32, #tpu.memory_space<vmem>> -> memref<1x16xi32, #tpu.memory_space<vmem>>
    %dma_start3A_202 = tpu.memref_squeeze %dma_start3A_201 : memref<1x16xi32, #tpu.memory_space<vmem>> -> memref<16xi32, #tpu.memory_space<vmem>>
    %dma_start3A_203 = arith.constant 0 : i32
    %dma_start3A_204 = arith.constant 0 : i32
    %dma_start3A_205 = tpu.memref_slice %arg2[%dma_start3A_203, %dma_start3A_204] : memref<500032x64xf32, #tpu.memory_space<hbm>> -> memref<500032x64xf32, #tpu.memory_space<hbm>>
    tpu.enqueue_indirect_dma source(%dma_start3A_205 : memref<500032x64xf32, #tpu.memory_space<hbm>>) target(%dma_start3A_199 : memref<16x64xf32, #tpu.memory_space<vmem>>) offsets(%dma_start3A_202 : memref<16xi32, #tpu.memory_space<vmem>>) semaphore(%arg9 : memref<!tpu.dma_semaphore, #tpu.memory_space<semaphore_mem>>)
    %dma_start3A_206 = arith.constant 2 : i32
    %dma_start3A_207 = arith.constant 2 : i32
    %dma_start3A_208 = arith.constant 16 : i32
    %dma_start3A_209 = arith.constant 0 : i32
    %dma_start3A_210 = tpu.memref_slice %arg6[%dma_start3A_207, %dma_start3A_208, %dma_start3A_209] : memref<5x128x64xf32, #tpu.memory_space<vmem>> -> memref<1x16x64xf32, #tpu.memory_space<vmem>>
    %dma_start3A_211 = tpu.memref_squeeze %dma_start3A_210 : memref<1x16x64xf32, #tpu.memory_space<vmem>> -> memref<16x64xf32, #tpu.memory_space<vmem>>
    %dma_start3A_212 = arith.constant 16 : i32
    %dma_start3A_213 = tpu.memref_slice %arg5[%dma_start3A_206, %dma_start3A_212] : memref<50x128xi32, #tpu.memory_space<vmem>> -> memref<1x16xi32, #tpu.memory_space<vmem>>
    %dma_start3A_214 = tpu.memref_squeeze %dma_start3A_213 : memref<1x16xi32, #tpu.memory_space<vmem>> -> memref<16xi32, #tpu.memory_space<vmem>>
    %dma_start3A_215 = arith.constant 0 : i32
    %dma_start3A_216 = arith.constant 0 : i32
    %dma_start3A_217 = tpu.memref_slice %arg2[%dma_start3A_215, %dma_start3A_216] : memref<500032x64xf32, #tpu.memory_space<hbm>> -> memref<500032x64xf32, #tpu.memory_space<hbm>>
    tpu.enqueue_indirect_dma source(%dma_start3A_217 : memref<500032x64xf32, #tpu.memory_space<hbm>>) target(%dma_start3A_211 : memref<16x64xf32, #tpu.memory_space<vmem>>) offsets(%dma_start3A_214 : memref<16xi32, #tpu.memory_space<vmem>>) semaphore(%arg9 : memref<!tpu.dma_semaphore, #tpu.memory_space<semaphore_mem>>)
    %dma_start3A_218 = arith.constant 2 : i32
    %dma_start3A_219 = arith.constant 2 : i32
    %dma_start3A_220 = arith.constant 32 : i32
    %dma_start3A_221 = arith.constant 0 : i32
    %dma_start3A_222 = tpu.memref_slice %arg6[%dma_start3A_219, %dma_start3A_220, %dma_start3A_221] : memref<5x128x64xf32, #tpu.memory_space<vmem>> -> memref<1x16x64xf32, #tpu.memory_space<vmem>>
    %dma_start3A_223 = tpu.memref_squeeze %dma_start3A_222 : memref<1x16x64xf32, #tpu.memory_space<vmem>> -> memref<16x64xf32, #tpu.memory_space<vmem>>
    %dma_start3A_224 = arith.constant 32 : i32
    %dma_start3A_225 = tpu.memref_slice %arg5[%dma_start3A_218, %dma_start3A_224] : memref<50x128xi32, #tpu.memory_space<vmem>> -> memref<1x16xi32, #tpu.memory_space<vmem>>
    %dma_start3A_226 = tpu.memref_squeeze %dma_start3A_225 : memref<1x16xi32, #tpu.memory_space<vmem>> -> memref<16xi32, #tpu.memory_space<vmem>>
    %dma_start3A_227 = arith.constant 0 : i32
    %dma_start3A_228 = arith.constant 0 : i32
    %dma_start3A_229 = tpu.memref_slice %arg2[%dma_start3A_227, %dma_start3A_228] : memref<500032x64xf32, #tpu.memory_space<hbm>> -> memref<500032x64xf32, #tpu.memory_space<hbm>>
    tpu.enqueue_indirect_dma source(%dma_start3A_229 : memref<500032x64xf32, #tpu.memory_space<hbm>>) target(%dma_start3A_223 : memref<16x64xf32, #tpu.memory_space<vmem>>) offsets(%dma_start3A_226 : memref<16xi32, #tpu.memory_space<vmem>>) semaphore(%arg9 : memref<!tpu.dma_semaphore, #tpu.memory_space<semaphore_mem>>)
    %dma_start3A_230 = arith.constant 2 : i32
    %dma_start3A_231 = arith.constant 2 : i32
    %dma_start3A_232 = arith.constant 48 : i32
    %dma_start3A_233 = arith.constant 0 : i32
    %dma_start3A_234 = tpu.memref_slice %arg6[%dma_start3A_231, %dma_start3A_232, %dma_start3A_233] : memref<5x128x64xf32, #tpu.memory_space<vmem>> -> memref<1x16x64xf32, #tpu.memory_space<vmem>>
    %dma_start3A_235 = tpu.memref_squeeze %dma_start3A_234 : memref<1x16x64xf32, #tpu.memory_space<vmem>> -> memref<16x64xf32, #tpu.memory_space<vmem>>
    %dma_start3A_236 = arith.constant 48 : i32
    %dma_start3A_237 = tpu.memref_slice %arg5[%dma_start3A_230, %dma_start3A_236] : memref<50x128xi32, #tpu.memory_space<vmem>> -> memref<1x16xi32, #tpu.memory_space<vmem>>
    %dma_start3A_238 = tpu.memref_squeeze %dma_start3A_237 : memref<1x16xi32, #tpu.memory_space<vmem>> -> memref<16xi32, #tpu.memory_space<vmem>>
    %dma_start3A_239 = arith.constant 0 : i32
    %dma_start3A_240 = arith.constant 0 : i32
    %dma_start3A_241 = tpu.memref_slice %arg2[%dma_start3A_239, %dma_start3A_240] : memref<500032x64xf32, #tpu.memory_space<hbm>> -> memref<500032x64xf32, #tpu.memory_space<hbm>>
    tpu.enqueue_indirect_dma source(%dma_start3A_241 : memref<500032x64xf32, #tpu.memory_space<hbm>>) target(%dma_start3A_235 : memref<16x64xf32, #tpu.memory_space<vmem>>) offsets(%dma_start3A_238 : memref<16xi32, #tpu.memory_space<vmem>>) semaphore(%arg9 : memref<!tpu.dma_semaphore, #tpu.memory_space<semaphore_mem>>)
    %dma_start3A_242 = arith.constant 2 : i32
    %dma_start3A_243 = arith.constant 2 : i32
    %dma_start3A_244 = arith.constant 64 : i32
    %dma_start3A_245 = arith.constant 0 : i32
    %dma_start3A_246 = tpu.memref_slice %arg6[%dma_start3A_243, %dma_start3A_244, %dma_start3A_245] : memref<5x128x64xf32, #tpu.memory_space<vmem>> -> memref<1x16x64xf32, #tpu.memory_space<vmem>>
    %dma_start3A_247 = tpu.memref_squeeze %dma_start3A_246 : memref<1x16x64xf32, #tpu.memory_space<vmem>> -> memref<16x64xf32, #tpu.memory_space<vmem>>
    %dma_start3A_248 = arith.constant 64 : i32
    %dma_start3A_249 = tpu.memref_slice %arg5[%dma_start3A_242, %dma_start3A_248] : memref<50x128xi32, #tpu.memory_space<vmem>> -> memref<1x16xi32, #tpu.memory_space<vmem>>
    %dma_start3A_250 = tpu.memref_squeeze %dma_start3A_249 : memref<1x16xi32, #tpu.memory_space<vmem>> -> memref<16xi32, #tpu.memory_space<vmem>>
    %dma_start3A_251 = arith.constant 0 : i32
    %dma_start3A_252 = arith.constant 0 : i32
    %dma_start3A_253 = tpu.memref_slice %arg2[%dma_start3A_251, %dma_start3A_252] : memref<500032x64xf32, #tpu.memory_space<hbm>> -> memref<500032x64xf32, #tpu.memory_space<hbm>>
    tpu.enqueue_indirect_dma source(%dma_start3A_253 : memref<500032x64xf32, #tpu.memory_space<hbm>>) target(%dma_start3A_247 : memref<16x64xf32, #tpu.memory_space<vmem>>) offsets(%dma_start3A_250 : memref<16xi32, #tpu.memory_space<vmem>>) semaphore(%arg9 : memref<!tpu.dma_semaphore, #tpu.memory_space<semaphore_mem>>)
    %dma_start3A_254 = arith.constant 2 : i32
    %dma_start3A_255 = arith.constant 2 : i32
    %dma_start3A_256 = arith.constant 80 : i32
    %dma_start3A_257 = arith.constant 0 : i32
    %dma_start3A_258 = tpu.memref_slice %arg6[%dma_start3A_255, %dma_start3A_256, %dma_start3A_257] : memref<5x128x64xf32, #tpu.memory_space<vmem>> -> memref<1x16x64xf32, #tpu.memory_space<vmem>>
    %dma_start3A_259 = tpu.memref_squeeze %dma_start3A_258 : memref<1x16x64xf32, #tpu.memory_space<vmem>> -> memref<16x64xf32, #tpu.memory_space<vmem>>
    %dma_start3A_260 = arith.constant 80 : i32
    %dma_start3A_261 = tpu.memref_slice %arg5[%dma_start3A_254, %dma_start3A_260] : memref<50x128xi32, #tpu.memory_space<vmem>> -> memref<1x16xi32, #tpu.memory_space<vmem>>
    %dma_start3A_262 = tpu.memref_squeeze %dma_start3A_261 : memref<1x16xi32, #tpu.memory_space<vmem>> -> memref<16xi32, #tpu.memory_space<vmem>>
    %dma_start3A_263 = arith.constant 0 : i32
    %dma_start3A_264 = arith.constant 0 : i32
    %dma_start3A_265 = tpu.memref_slice %arg2[%dma_start3A_263, %dma_start3A_264] : memref<500032x64xf32, #tpu.memory_space<hbm>> -> memref<500032x64xf32, #tpu.memory_space<hbm>>
    tpu.enqueue_indirect_dma source(%dma_start3A_265 : memref<500032x64xf32, #tpu.memory_space<hbm>>) target(%dma_start3A_259 : memref<16x64xf32, #tpu.memory_space<vmem>>) offsets(%dma_start3A_262 : memref<16xi32, #tpu.memory_space<vmem>>) semaphore(%arg9 : memref<!tpu.dma_semaphore, #tpu.memory_space<semaphore_mem>>)
    %dma_start3A_266 = arith.constant 2 : i32
    %dma_start3A_267 = arith.constant 2 : i32
    %dma_start3A_268 = arith.constant 96 : i32
    %dma_start3A_269 = arith.constant 0 : i32
    %dma_start3A_270 = tpu.memref_slice %arg6[%dma_start3A_267, %dma_start3A_268, %dma_start3A_269] : memref<5x128x64xf32, #tpu.memory_space<vmem>> -> memref<1x16x64xf32, #tpu.memory_space<vmem>>
    %dma_start3A_271 = tpu.memref_squeeze %dma_start3A_270 : memref<1x16x64xf32, #tpu.memory_space<vmem>> -> memref<16x64xf32, #tpu.memory_space<vmem>>
    %dma_start3A_272 = arith.constant 96 : i32
    %dma_start3A_273 = tpu.memref_slice %arg5[%dma_start3A_266, %dma_start3A_272] : memref<50x128xi32, #tpu.memory_space<vmem>> -> memref<1x16xi32, #tpu.memory_space<vmem>>
    %dma_start3A_274 = tpu.memref_squeeze %dma_start3A_273 : memref<1x16xi32, #tpu.memory_space<vmem>> -> memref<16xi32, #tpu.memory_space<vmem>>
    %dma_start3A_275 = arith.constant 0 : i32
    %dma_start3A_276 = arith.constant 0 : i32
    %dma_start3A_277 = tpu.memref_slice %arg2[%dma_start3A_275, %dma_start3A_276] : memref<500032x64xf32, #tpu.memory_space<hbm>> -> memref<500032x64xf32, #tpu.memory_space<hbm>>
    tpu.enqueue_indirect_dma source(%dma_start3A_277 : memref<500032x64xf32, #tpu.memory_space<hbm>>) target(%dma_start3A_271 : memref<16x64xf32, #tpu.memory_space<vmem>>) offsets(%dma_start3A_274 : memref<16xi32, #tpu.memory_space<vmem>>) semaphore(%arg9 : memref<!tpu.dma_semaphore, #tpu.memory_space<semaphore_mem>>)
    %dma_start3A_278 = arith.constant 2 : i32
    %dma_start3A_279 = arith.constant 2 : i32
    %dma_start3A_280 = arith.constant 112 : i32
    %dma_start3A_281 = arith.constant 0 : i32
    %dma_start3A_282 = tpu.memref_slice %arg6[%dma_start3A_279, %dma_start3A_280, %dma_start3A_281] : memref<5x128x64xf32, #tpu.memory_space<vmem>> -> memref<1x16x64xf32, #tpu.memory_space<vmem>>
    %dma_start3A_283 = tpu.memref_squeeze %dma_start3A_282 : memref<1x16x64xf32, #tpu.memory_space<vmem>> -> memref<16x64xf32, #tpu.memory_space<vmem>>
    %dma_start3A_284 = arith.constant 112 : i32
    %dma_start3A_285 = tpu.memref_slice %arg5[%dma_start3A_278, %dma_start3A_284] : memref<50x128xi32, #tpu.memory_space<vmem>> -> memref<1x16xi32, #tpu.memory_space<vmem>>
    %dma_start3A_286 = tpu.memref_squeeze %dma_start3A_285 : memref<1x16xi32, #tpu.memory_space<vmem>> -> memref<16xi32, #tpu.memory_space<vmem>>
    %dma_start3A_287 = arith.constant 0 : i32
    %dma_start3A_288 = arith.constant 0 : i32
    %dma_start3A_289 = tpu.memref_slice %arg2[%dma_start3A_287, %dma_start3A_288] : memref<500032x64xf32, #tpu.memory_space<hbm>> -> memref<500032x64xf32, #tpu.memory_space<hbm>>
    tpu.enqueue_indirect_dma source(%dma_start3A_289 : memref<500032x64xf32, #tpu.memory_space<hbm>>) target(%dma_start3A_283 : memref<16x64xf32, #tpu.memory_space<vmem>>) offsets(%dma_start3A_286 : memref<16xi32, #tpu.memory_space<vmem>>) semaphore(%arg9 : memref<!tpu.dma_semaphore, #tpu.memory_space<semaphore_mem>>)
    %scan3A = arith.constant 0 : i32
    %scan3A_290 = arith.constant 10 : i32
    %scan3A_291 = arith.addi %scan3A, %scan3A_290 : i32
    %scan3A_292 = arith.constant 1 : i32
    scf.for %scan3A_368 = %scan3A to %scan3A_291 step %scan3A_292  : i32 {
      %mul3A_369 = arith.constant 5 : i32
      %mul3A_370 = arith.muli %scan3A_368, %mul3A_369 : i32
      %add3A_371 = arith.constant 0 : i32
      %add3A_372 = arith.addi %add3A_371, %mul3A_370 : i32
      %add3A_373 = arith.constant 0 : i32
      %add3A_374 = arith.addi %add3A_372, %add3A_373 : i32
      %dma_wait3A_375 = arith.constant 0 : i32
      %dma_wait3A_376 = arith.constant 0 : i32
      %dma_wait3A_377 = arith.constant 0 : i32
      %dma_wait3A_378 = arith.constant 0 : i32
      %dma_wait3A_379 = tpu.memref_slice %arg6[%dma_wait3A_376, %dma_wait3A_377, %dma_wait3A_378] : memref<5x128x64xf32, #tpu.memory_space<vmem>> -> memref<1x16x64xf32, #tpu.memory_space<vmem>>
      %dma_wait3A_380 = tpu.memref_squeeze %dma_wait3A_379 : memref<1x16x64xf32, #tpu.memory_space<vmem>> -> memref<16x64xf32, #tpu.memory_space<vmem>>
      %dma_wait3A_381 = arith.constant 0 : i32
      %dma_wait3A_382 = tpu.memref_slice %arg5[%dma_wait3A_375, %dma_wait3A_381] : memref<50x128xi32, #tpu.memory_space<vmem>> -> memref<1x16xi32, #tpu.memory_space<vmem>>
      %dma_wait3A_383 = tpu.memref_squeeze %dma_wait3A_382 : memref<1x16xi32, #tpu.memory_space<vmem>> -> memref<16xi32, #tpu.memory_space<vmem>>
      %dma_wait3A_384 = arith.constant 0 : i32
      %dma_wait3A_385 = arith.constant 0 : i32
      %dma_wait3A_386 = tpu.memref_slice %arg2[%dma_wait3A_384, %dma_wait3A_385] : memref<500032x64xf32, #tpu.memory_space<hbm>> -> memref<500032x64xf32, #tpu.memory_space<hbm>>
      tpu.wait_indirect_dma semaphore(%arg7 : memref<!tpu.dma_semaphore, #tpu.memory_space<semaphore_mem>>) src(%dma_wait3A_386 : memref<500032x64xf32, #tpu.memory_space<hbm>>) dst(%dma_wait3A_380 : memref<16x64xf32, #tpu.memory_space<vmem>>)
      %dma_wait3A_387 = arith.constant 0 : i32
      %dma_wait3A_388 = arith.constant 0 : i32
      %dma_wait3A_389 = arith.constant 16 : i32
      %dma_wait3A_390 = arith.constant 0 : i32
      %dma_wait3A_391 = tpu.memref_slice %arg6[%dma_wait3A_388, %dma_wait3A_389, %dma_wait3A_390] : memref<5x128x64xf32, #tpu.memory_space<vmem>> -> memref<1x16x64xf32, #tpu.memory_space<vmem>>
      %dma_wait3A_392 = tpu.memref_squeeze %dma_wait3A_391 : memref<1x16x64xf32, #tpu.memory_space<vmem>> -> memref<16x64xf32, #tpu.memory_space<vmem>>
      %dma_wait3A_393 = arith.constant 16 : i32
      %dma_wait3A_394 = tpu.memref_slice %arg5[%dma_wait3A_387, %dma_wait3A_393] : memref<50x128xi32, #tpu.memory_space<vmem>> -> memref<1x16xi32, #tpu.memory_space<vmem>>
      %dma_wait3A_395 = tpu.memref_squeeze %dma_wait3A_394 : memref<1x16xi32, #tpu.memory_space<vmem>> -> memref<16xi32, #tpu.memory_space<vmem>>
      %dma_wait3A_396 = arith.constant 0 : i32
      %dma_wait3A_397 = arith.constant 0 : i32
      %dma_wait3A_398 = tpu.memref_slice %arg2[%dma_wait3A_396, %dma_wait3A_397] : memref<500032x64xf32, #tpu.memory_space<hbm>> -> memref<500032x64xf32, #tpu.memory_space<hbm>>
      tpu.wait_indirect_dma semaphore(%arg7 : memref<!tpu.dma_semaphore, #tpu.memory_space<semaphore_mem>>) src(%dma_wait3A_398 : memref<500032x64xf32, #tpu.memory_space<hbm>>) dst(%dma_wait3A_392 : memref<16x64xf32, #tpu.memory_space<vmem>>)
      %dma_wait3A_399 = arith.constant 0 : i32
      %dma_wait3A_400 = arith.constant 0 : i32
      %dma_wait3A_401 = arith.constant 32 : i32
      %dma_wait3A_402 = arith.constant 0 : i32
      %dma_wait3A_403 = tpu.memref_slice %arg6[%dma_wait3A_400, %dma_wait3A_401, %dma_wait3A_402] : memref<5x128x64xf32, #tpu.memory_space<vmem>> -> memref<1x16x64xf32, #tpu.memory_space<vmem>>
      %dma_wait3A_404 = tpu.memref_squeeze %dma_wait3A_403 : memref<1x16x64xf32, #tpu.memory_space<vmem>> -> memref<16x64xf32, #tpu.memory_space<vmem>>
      %dma_wait3A_405 = arith.constant 32 : i32
      %dma_wait3A_406 = tpu.memref_slice %arg5[%dma_wait3A_399, %dma_wait3A_405] : memref<50x128xi32, #tpu.memory_space<vmem>> -> memref<1x16xi32, #tpu.memory_space<vmem>>
      %dma_wait3A_407 = tpu.memref_squeeze %dma_wait3A_406 : memref<1x16xi32, #tpu.memory_space<vmem>> -> memref<16xi32, #tpu.memory_space<vmem>>
      %dma_wait3A_408 = arith.constant 0 : i32
      %dma_wait3A_409 = arith.constant 0 : i32
      %dma_wait3A_410 = tpu.memref_slice %arg2[%dma_wait3A_408, %dma_wait3A_409] : memref<500032x64xf32, #tpu.memory_space<hbm>> -> memref<500032x64xf32, #tpu.memory_space<hbm>>
      tpu.wait_indirect_dma semaphore(%arg7 : memref<!tpu.dma_semaphore, #tpu.memory_space<semaphore_mem>>) src(%dma_wait3A_410 : memref<500032x64xf32, #tpu.memory_space<hbm>>) dst(%dma_wait3A_404 : memref<16x64xf32, #tpu.memory_space<vmem>>)
      %dma_wait3A_411 = arith.constant 0 : i32
      %dma_wait3A_412 = arith.constant 0 : i32
      %dma_wait3A_413 = arith.constant 48 : i32
      %dma_wait3A_414 = arith.constant 0 : i32
      %dma_wait3A_415 = tpu.memref_slice %arg6[%dma_wait3A_412, %dma_wait3A_413, %dma_wait3A_414] : memref<5x128x64xf32, #tpu.memory_space<vmem>> -> memref<1x16x64xf32, #tpu.memory_space<vmem>>
      %dma_wait3A_416 = tpu.memref_squeeze %dma_wait3A_415 : memref<1x16x64xf32, #tpu.memory_space<vmem>> -> memref<16x64xf32, #tpu.memory_space<vmem>>
      %dma_wait3A_417 = arith.constant 48 : i32
      %dma_wait3A_418 = tpu.memref_slice %arg5[%dma_wait3A_411, %dma_wait3A_417] : memref<50x128xi32, #tpu.memory_space<vmem>> -> memref<1x16xi32, #tpu.memory_space<vmem>>
      %dma_wait3A_419 = tpu.memref_squeeze %dma_wait3A_418 : memref<1x16xi32, #tpu.memory_space<vmem>> -> memref<16xi32, #tpu.memory_space<vmem>>
      %dma_wait3A_420 = arith.constant 0 : i32
      %dma_wait3A_421 = arith.constant 0 : i32
      %dma_wait3A_422 = tpu.memref_slice %arg2[%dma_wait3A_420, %dma_wait3A_421] : memref<500032x64xf32, #tpu.memory_space<hbm>> -> memref<500032x64xf32, #tpu.memory_space<hbm>>
      tpu.wait_indirect_dma semaphore(%arg7 : memref<!tpu.dma_semaphore, #tpu.memory_space<semaphore_mem>>) src(%dma_wait3A_422 : memref<500032x64xf32, #tpu.memory_space<hbm>>) dst(%dma_wait3A_416 : memref<16x64xf32, #tpu.memory_space<vmem>>)
      %dma_wait3A_423 = arith.constant 0 : i32
      %dma_wait3A_424 = arith.constant 0 : i32
      %dma_wait3A_425 = arith.constant 64 : i32
      %dma_wait3A_426 = arith.constant 0 : i32
      %dma_wait3A_427 = tpu.memref_slice %arg6[%dma_wait3A_424, %dma_wait3A_425, %dma_wait3A_426] : memref<5x128x64xf32, #tpu.memory_space<vmem>> -> memref<1x16x64xf32, #tpu.memory_space<vmem>>
      %dma_wait3A_428 = tpu.memref_squeeze %dma_wait3A_427 : memref<1x16x64xf32, #tpu.memory_space<vmem>> -> memref<16x64xf32, #tpu.memory_space<vmem>>
      %dma_wait3A_429 = arith.constant 64 : i32
      %dma_wait3A_430 = tpu.memref_slice %arg5[%dma_wait3A_423, %dma_wait3A_429] : memref<50x128xi32, #tpu.memory_space<vmem>> -> memref<1x16xi32, #tpu.memory_space<vmem>>
      %dma_wait3A_431 = tpu.memref_squeeze %dma_wait3A_430 : memref<1x16xi32, #tpu.memory_space<vmem>> -> memref<16xi32, #tpu.memory_space<vmem>>
      %dma_wait3A_432 = arith.constant 0 : i32
      %dma_wait3A_433 = arith.constant 0 : i32
      %dma_wait3A_434 = tpu.memref_slice %arg2[%dma_wait3A_432, %dma_wait3A_433] : memref<500032x64xf32, #tpu.memory_space<hbm>> -> memref<500032x64xf32, #tpu.memory_space<hbm>>
      tpu.wait_indirect_dma semaphore(%arg7 : memref<!tpu.dma_semaphore, #tpu.memory_space<semaphore_mem>>) src(%dma_wait3A_434 : memref<500032x64xf32, #tpu.memory_space<hbm>>) dst(%dma_wait3A_428 : memref<16x64xf32, #tpu.memory_space<vmem>>)
      %dma_wait3A_435 = arith.constant 0 : i32
      %dma_wait3A_436 = arith.constant 0 : i32
      %dma_wait3A_437 = arith.constant 80 : i32
      %dma_wait3A_438 = arith.constant 0 : i32
      %dma_wait3A_439 = tpu.memref_slice %arg6[%dma_wait3A_436, %dma_wait3A_437, %dma_wait3A_438] : memref<5x128x64xf32, #tpu.memory_space<vmem>> -> memref<1x16x64xf32, #tpu.memory_space<vmem>>
      %dma_wait3A_440 = tpu.memref_squeeze %dma_wait3A_439 : memref<1x16x64xf32, #tpu.memory_space<vmem>> -> memref<16x64xf32, #tpu.memory_space<vmem>>
      %dma_wait3A_441 = arith.constant 80 : i32
      %dma_wait3A_442 = tpu.memref_slice %arg5[%dma_wait3A_435, %dma_wait3A_441] : memref<50x128xi32, #tpu.memory_space<vmem>> -> memref<1x16xi32, #tpu.memory_space<vmem>>
      %dma_wait3A_443 = tpu.memref_squeeze %dma_wait3A_442 : memref<1x16xi32, #tpu.memory_space<vmem>> -> memref<16xi32, #tpu.memory_space<vmem>>
      %dma_wait3A_444 = arith.constant 0 : i32
      %dma_wait3A_445 = arith.constant 0 : i32
      %dma_wait3A_446 = tpu.memref_slice %arg2[%dma_wait3A_444, %dma_wait3A_445] : memref<500032x64xf32, #tpu.memory_space<hbm>> -> memref<500032x64xf32, #tpu.memory_space<hbm>>
      tpu.wait_indirect_dma semaphore(%arg7 : memref<!tpu.dma_semaphore, #tpu.memory_space<semaphore_mem>>) src(%dma_wait3A_446 : memref<500032x64xf32, #tpu.memory_space<hbm>>) dst(%dma_wait3A_440 : memref<16x64xf32, #tpu.memory_space<vmem>>)
      %dma_wait3A_447 = arith.constant 0 : i32
      %dma_wait3A_448 = arith.constant 0 : i32
      %dma_wait3A_449 = arith.constant 96 : i32
      %dma_wait3A_450 = arith.constant 0 : i32
      %dma_wait3A_451 = tpu.memref_slice %arg6[%dma_wait3A_448, %dma_wait3A_449, %dma_wait3A_450] : memref<5x128x64xf32, #tpu.memory_space<vmem>> -> memref<1x16x64xf32, #tpu.memory_space<vmem>>
      %dma_wait3A_452 = tpu.memref_squeeze %dma_wait3A_451 : memref<1x16x64xf32, #tpu.memory_space<vmem>> -> memref<16x64xf32, #tpu.memory_space<vmem>>
      %dma_wait3A_453 = arith.constant 96 : i32
      %dma_wait3A_454 = tpu.memref_slice %arg5[%dma_wait3A_447, %dma_wait3A_453] : memref<50x128xi32, #tpu.memory_space<vmem>> -> memref<1x16xi32, #tpu.memory_space<vmem>>
      %dma_wait3A_455 = tpu.memref_squeeze %dma_wait3A_454 : memref<1x16xi32, #tpu.memory_space<vmem>> -> memref<16xi32, #tpu.memory_space<vmem>>
      %dma_wait3A_456 = arith.constant 0 : i32
      %dma_wait3A_457 = arith.constant 0 : i32
      %dma_wait3A_458 = tpu.memref_slice %arg2[%dma_wait3A_456, %dma_wait3A_457] : memref<500032x64xf32, #tpu.memory_space<hbm>> -> memref<500032x64xf32, #tpu.memory_space<hbm>>
      tpu.wait_indirect_dma semaphore(%arg7 : memref<!tpu.dma_semaphore, #tpu.memory_space<semaphore_mem>>) src(%dma_wait3A_458 : memref<500032x64xf32, #tpu.memory_space<hbm>>) dst(%dma_wait3A_452 : memref<16x64xf32, #tpu.memory_space<vmem>>)
      %dma_wait3A_459 = arith.constant 0 : i32
      %dma_wait3A_460 = arith.constant 0 : i32
      %dma_wait3A_461 = arith.constant 112 : i32
      %dma_wait3A_462 = arith.constant 0 : i32
      %dma_wait3A_463 = tpu.memref_slice %arg6[%dma_wait3A_460, %dma_wait3A_461, %dma_wait3A_462] : memref<5x128x64xf32, #tpu.memory_space<vmem>> -> memref<1x16x64xf32, #tpu.memory_space<vmem>>
      %dma_wait3A_464 = tpu.memref_squeeze %dma_wait3A_463 : memref<1x16x64xf32, #tpu.memory_space<vmem>> -> memref<16x64xf32, #tpu.memory_space<vmem>>
      %dma_wait3A_465 = arith.constant 112 : i32
      %dma_wait3A_466 = tpu.memref_slice %arg5[%dma_wait3A_459, %dma_wait3A_465] : memref<50x128xi32, #tpu.memory_space<vmem>> -> memref<1x16xi32, #tpu.memory_space<vmem>>
      %dma_wait3A_467 = tpu.memref_squeeze %dma_wait3A_466 : memref<1x16xi32, #tpu.memory_space<vmem>> -> memref<16xi32, #tpu.memory_space<vmem>>
      %dma_wait3A_468 = arith.constant 0 : i32
      %dma_wait3A_469 = arith.constant 0 : i32
      %dma_wait3A_470 = tpu.memref_slice %arg2[%dma_wait3A_468, %dma_wait3A_469] : memref<500032x64xf32, #tpu.memory_space<hbm>> -> memref<500032x64xf32, #tpu.memory_space<hbm>>
      tpu.wait_indirect_dma semaphore(%arg7 : memref<!tpu.dma_semaphore, #tpu.memory_space<semaphore_mem>>) src(%dma_wait3A_470 : memref<500032x64xf32, #tpu.memory_space<hbm>>) dst(%dma_wait3A_464 : memref<16x64xf32, #tpu.memory_space<vmem>>)
      %mul3A_471 = arith.constant 128 : i32
      %mul3A_472 = arith.muli %add3A_374, %mul3A_471 : i32
      %add3A_473 = arith.addi %mul3A_2, %mul3A_472 : i32
      %dma_start3A_474 = arith.constant 0 : i32
      %dma_start3A_475 = arith.constant 0 : i32
      %dma_start3A_476 = arith.constant 0 : i32
      %dma_start3A_477 = tpu.memref_slice %arg6[%dma_start3A_474, %dma_start3A_475, %dma_start3A_476] : memref<5x128x64xf32, #tpu.memory_space<vmem>> -> memref<1x128x64xf32, #tpu.memory_space<vmem>>
      %dma_start3A_478 = tpu.memref_squeeze %dma_start3A_477 : memref<1x128x64xf32, #tpu.memory_space<vmem>> -> memref<128x64xf32, #tpu.memory_space<vmem>>
      %dma_start3A_479 = arith.constant 0 : i32
      %dma_start3A_480 = tpu.memref_slice %arg4[%add3A_473, %dma_start3A_479] : memref<204800x64xf32, #tpu.memory_space<hbm>> -> memref<128x64xf32, #tpu.memory_space<hbm>>
      %dma_start3A_481 = arith.constant 0 : i32
      %dma_start3A_482 = tpu.memref_slice %arg4[%add3A_473, %dma_start3A_481] : memref<204800x64xf32, #tpu.memory_space<hbm>> -> memref<128x64xf32, #tpu.memory_space<hbm>>
      %dma_start3A_483 = arith.constant 0 : i32
      %dma_start3A_484 = arith.constant 0 : i32
      %dma_start3A_485 = tpu.memref_slice %arg6[%dma_start3A_474, %dma_start3A_483, %dma_start3A_484] : memref<5x128x64xf32, #tpu.memory_space<vmem>> -> memref<1x128x64xf32, #tpu.memory_space<vmem>>
      %dma_start3A_486 = tpu.memref_squeeze %dma_start3A_485 : memref<1x128x64xf32, #tpu.memory_space<vmem>> -> memref<128x64xf32, #tpu.memory_space<vmem>>
      tpu.enqueue_dma source(%dma_start3A_486 : memref<128x64xf32, #tpu.memory_space<vmem>>) target(%dma_start3A_482 : memref<128x64xf32, #tpu.memory_space<hbm>>) target_semaphore(%arg12 : memref<!tpu.dma_semaphore, #tpu.memory_space<semaphore_mem>>)
      %add3A_487 = arith.constant 3 : i32
      %add3A_488 = arith.addi %add3A_374, %add3A_487 : i32
      %lt3A = arith.constant 50 : i32
      %lt3A_489 = arith.cmpi slt, %add3A_488, %lt3A : i32
      %convert_element_type3A = arith.extui %lt3A_489 : i1 to i32
      %cond3A = arith.constant 0 : i32
      %cond3A_490 = arith.cmpi ne, %convert_element_type3A, %cond3A : i32
      scf.if %cond3A_490 {
        %ge3A = arith.constant 2 : i32
        %ge3A_975 = arith.cmpi sge, %add3A_374, %ge3A : i32
        %convert_element_type3A_976 = arith.extui %ge3A_975 : i1 to i32
        %cond3A_977 = arith.constant 0 : i32
        %cond3A_978 = arith.cmpi ne, %convert_element_type3A_976, %cond3A_977 : i32
        scf.if %cond3A_978 {
          %dma_wait3A_1069 = arith.constant 3 : i32
          %dma_wait3A_1070 = arith.constant 0 : i32
          %dma_wait3A_1071 = arith.constant 0 : i32
          %dma_wait3A_1072 = tpu.memref_slice %arg6[%dma_wait3A_1069, %dma_wait3A_1070, %dma_wait3A_1071] : memref<5x128x64xf32, #tpu.memory_space<vmem>> -> memref<1x128x64xf32, #tpu.memory_space<vmem>>
          %dma_wait3A_1073 = tpu.memref_squeeze %dma_wait3A_1072 : memref<1x128x64xf32, #tpu.memory_space<vmem>> -> memref<128x64xf32, #tpu.memory_space<vmem>>
          %dma_wait3A_1074 = arith.constant 0 : i32
          %dma_wait3A_1075 = arith.constant 0 : i32
          %dma_wait3A_1076 = tpu.memref_slice %arg4[%dma_wait3A_1074, %dma_wait3A_1075] : memref<204800x64xf32, #tpu.memory_space<hbm>> -> memref<128x64xf32, #tpu.memory_space<hbm>>
          %dma_wait3A_1077 = arith.constant 0 : i32
          %dma_wait3A_1078 = arith.constant 0 : i32
          %dma_wait3A_1079 = tpu.memref_slice %arg4[%dma_wait3A_1077, %dma_wait3A_1078] : memref<204800x64xf32, #tpu.memory_space<hbm>> -> memref<128x64xf32, #tpu.memory_space<hbm>>
          %dma_wait3A_1080 = arith.constant 0 : i32
          %dma_wait3A_1081 = arith.constant 0 : i32
          %dma_wait3A_1082 = tpu.memref_slice %arg6[%dma_wait3A_1069, %dma_wait3A_1080, %dma_wait3A_1081] : memref<5x128x64xf32, #tpu.memory_space<vmem>> -> memref<1x128x64xf32, #tpu.memory_space<vmem>>
          %dma_wait3A_1083 = tpu.memref_squeeze %dma_wait3A_1082 : memref<1x128x64xf32, #tpu.memory_space<vmem>> -> memref<128x64xf32, #tpu.memory_space<vmem>>
          tpu.wait_dma2 semaphore(%arg15 : memref<!tpu.dma_semaphore, #tpu.memory_space<semaphore_mem>>) src(%dma_wait3A_1083 : memref<128x64xf32, #tpu.memory_space<vmem>>) dst(%dma_wait3A_1079 : memref<128x64xf32, #tpu.memory_space<hbm>>)
        } else {
        }
        %add3A_979 = arith.constant 3 : i32
        %add3A_980 = arith.addi %add3A_374, %add3A_979 : i32
        %dma_start3A_981 = arith.constant 3 : i32
        %dma_start3A_982 = arith.constant 0 : i32
        %dma_start3A_983 = arith.constant 0 : i32
        %dma_start3A_984 = tpu.memref_slice %arg6[%dma_start3A_981, %dma_start3A_982, %dma_start3A_983] : memref<5x128x64xf32, #tpu.memory_space<vmem>> -> memref<1x16x64xf32, #tpu.memory_space<vmem>>
        %dma_start3A_985 = tpu.memref_squeeze %dma_start3A_984 : memref<1x16x64xf32, #tpu.memory_space<vmem>> -> memref<16x64xf32, #tpu.memory_space<vmem>>
        %dma_start3A_986 = arith.constant 0 : i32
        %dma_start3A_987 = tpu.memref_slice %arg5[%add3A_980, %dma_start3A_986] : memref<50x128xi32, #tpu.memory_space<vmem>> -> memref<1x16xi32, #tpu.memory_space<vmem>>
        %dma_start3A_988 = tpu.memref_squeeze %dma_start3A_987 : memref<1x16xi32, #tpu.memory_space<vmem>> -> memref<16xi32, #tpu.memory_space<vmem>>
        %dma_start3A_989 = arith.constant 0 : i32
        %dma_start3A_990 = arith.constant 0 : i32
        %dma_start3A_991 = tpu.memref_slice %arg2[%dma_start3A_989, %dma_start3A_990] : memref<500032x64xf32, #tpu.memory_space<hbm>> -> memref<500032x64xf32, #tpu.memory_space<hbm>>
        tpu.enqueue_indirect_dma source(%dma_start3A_991 : memref<500032x64xf32, #tpu.memory_space<hbm>>) target(%dma_start3A_985 : memref<16x64xf32, #tpu.memory_space<vmem>>) offsets(%dma_start3A_988 : memref<16xi32, #tpu.memory_space<vmem>>) semaphore(%arg10 : memref<!tpu.dma_semaphore, #tpu.memory_space<semaphore_mem>>)
        %dma_start3A_992 = arith.constant 3 : i32
        %dma_start3A_993 = arith.constant 16 : i32
        %dma_start3A_994 = arith.constant 0 : i32
        %dma_start3A_995 = tpu.memref_slice %arg6[%dma_start3A_992, %dma_start3A_993, %dma_start3A_994] : memref<5x128x64xf32, #tpu.memory_space<vmem>> -> memref<1x16x64xf32, #tpu.memory_space<vmem>>
        %dma_start3A_996 = tpu.memref_squeeze %dma_start3A_995 : memref<1x16x64xf32, #tpu.memory_space<vmem>> -> memref<16x64xf32, #tpu.memory_space<vmem>>
        %dma_start3A_997 = arith.constant 16 : i32
        %dma_start3A_998 = tpu.memref_slice %arg5[%add3A_980, %dma_start3A_997] : memref<50x128xi32, #tpu.memory_space<vmem>> -> memref<1x16xi32, #tpu.memory_space<vmem>>
        %dma_start3A_999 = tpu.memref_squeeze %dma_start3A_998 : memref<1x16xi32, #tpu.memory_space<vmem>> -> memref<16xi32, #tpu.memory_space<vmem>>
        %dma_start3A_1000 = arith.constant 0 : i32
        %dma_start3A_1001 = arith.constant 0 : i32
        %dma_start3A_1002 = tpu.memref_slice %arg2[%dma_start3A_1000, %dma_start3A_1001] : memref<500032x64xf32, #tpu.memory_space<hbm>> -> memref<500032x64xf32, #tpu.memory_space<hbm>>
        tpu.enqueue_indirect_dma source(%dma_start3A_1002 : memref<500032x64xf32, #tpu.memory_space<hbm>>) target(%dma_start3A_996 : memref<16x64xf32, #tpu.memory_space<vmem>>) offsets(%dma_start3A_999 : memref<16xi32, #tpu.memory_space<vmem>>) semaphore(%arg10 : memref<!tpu.dma_semaphore, #tpu.memory_space<semaphore_mem>>)
        %dma_start3A_1003 = arith.constant 3 : i32
        %dma_start3A_1004 = arith.constant 32 : i32
        %dma_start3A_1005 = arith.constant 0 : i32
        %dma_start3A_1006 = tpu.memref_slice %arg6[%dma_start3A_1003, %dma_start3A_1004, %dma_start3A_1005] : memref<5x128x64xf32, #tpu.memory_space<vmem>> -> memref<1x16x64xf32, #tpu.memory_space<vmem>>
        %dma_start3A_1007 = tpu.memref_squeeze %dma_start3A_1006 : memref<1x16x64xf32, #tpu.memory_space<vmem>> -> memref<16x64xf32, #tpu.memory_space<vmem>>
        %dma_start3A_1008 = arith.constant 32 : i32
        %dma_start3A_1009 = tpu.memref_slice %arg5[%add3A_980, %dma_start3A_1008] : memref<50x128xi32, #tpu.memory_space<vmem>> -> memref<1x16xi32, #tpu.memory_space<vmem>>
        %dma_start3A_1010 = tpu.memref_squeeze %dma_start3A_1009 : memref<1x16xi32, #tpu.memory_space<vmem>> -> memref<16xi32, #tpu.memory_space<vmem>>
        %dma_start3A_1011 = arith.constant 0 : i32
        %dma_start3A_1012 = arith.constant 0 : i32
        %dma_start3A_1013 = tpu.memref_slice %arg2[%dma_start3A_1011, %dma_start3A_1012] : memref<500032x64xf32, #tpu.memory_space<hbm>> -> memref<500032x64xf32, #tpu.memory_space<hbm>>
        tpu.enqueue_indirect_dma source(%dma_start3A_1013 : memref<500032x64xf32, #tpu.memory_space<hbm>>) target(%dma_start3A_1007 : memref<16x64xf32, #tpu.memory_space<vmem>>) offsets(%dma_start3A_1010 : memref<16xi32, #tpu.memory_space<vmem>>) semaphore(%arg10 : memref<!tpu.dma_semaphore, #tpu.memory_space<semaphore_mem>>)
        %dma_start3A_1014 = arith.constant 3 : i32
        %dma_start3A_1015 = arith.constant 48 : i32
        %dma_start3A_1016 = arith.constant 0 : i32
        %dma_start3A_1017 = tpu.memref_slice %arg6[%dma_start3A_1014, %dma_start3A_1015, %dma_start3A_1016] : memref<5x128x64xf32, #tpu.memory_space<vmem>> -> memref<1x16x64xf32, #tpu.memory_space<vmem>>
        %dma_start3A_1018 = tpu.memref_squeeze %dma_start3A_1017 : memref<1x16x64xf32, #tpu.memory_space<vmem>> -> memref<16x64xf32, #tpu.memory_space<vmem>>
        %dma_start3A_1019 = arith.constant 48 : i32
        %dma_start3A_1020 = tpu.memref_slice %arg5[%add3A_980, %dma_start3A_1019] : memref<50x128xi32, #tpu.memory_space<vmem>> -> memref<1x16xi32, #tpu.memory_space<vmem>>
        %dma_start3A_1021 = tpu.memref_squeeze %dma_start3A_1020 : memref<1x16xi32, #tpu.memory_space<vmem>> -> memref<16xi32, #tpu.memory_space<vmem>>
        %dma_start3A_1022 = arith.constant 0 : i32
        %dma_start3A_1023 = arith.constant 0 : i32
        %dma_start3A_1024 = tpu.memref_slice %arg2[%dma_start3A_1022, %dma_start3A_1023] : memref<500032x64xf32, #tpu.memory_space<hbm>> -> memref<500032x64xf32, #tpu.memory_space<hbm>>
        tpu.enqueue_indirect_dma source(%dma_start3A_1024 : memref<500032x64xf32, #tpu.memory_space<hbm>>) target(%dma_start3A_1018 : memref<16x64xf32, #tpu.memory_space<vmem>>) offsets(%dma_start3A_1021 : memref<16xi32, #tpu.memory_space<vmem>>) semaphore(%arg10 : memref<!tpu.dma_semaphore, #tpu.memory_space<semaphore_mem>>)
        %dma_start3A_1025 = arith.constant 3 : i32
        %dma_start3A_1026 = arith.constant 64 : i32
        %dma_start3A_1027 = arith.constant 0 : i32
        %dma_start3A_1028 = tpu.memref_slice %arg6[%dma_start3A_1025, %dma_start3A_1026, %dma_start3A_1027] : memref<5x128x64xf32, #tpu.memory_space<vmem>> -> memref<1x16x64xf32, #tpu.memory_space<vmem>>
        %dma_start3A_1029 = tpu.memref_squeeze %dma_start3A_1028 : memref<1x16x64xf32, #tpu.memory_space<vmem>> -> memref<16x64xf32, #tpu.memory_space<vmem>>
        %dma_start3A_1030 = arith.constant 64 : i32
        %dma_start3A_1031 = tpu.memref_slice %arg5[%add3A_980, %dma_start3A_1030] : memref<50x128xi32, #tpu.memory_space<vmem>> -> memref<1x16xi32, #tpu.memory_space<vmem>>
        %dma_start3A_1032 = tpu.memref_squeeze %dma_start3A_1031 : memref<1x16xi32, #tpu.memory_space<vmem>> -> memref<16xi32, #tpu.memory_space<vmem>>
        %dma_start3A_1033 = arith.constant 0 : i32
        %dma_start3A_1034 = arith.constant 0 : i32
        %dma_start3A_1035 = tpu.memref_slice %arg2[%dma_start3A_1033, %dma_start3A_1034] : memref<500032x64xf32, #tpu.memory_space<hbm>> -> memref<500032x64xf32, #tpu.memory_space<hbm>>
        tpu.enqueue_indirect_dma source(%dma_start3A_1035 : memref<500032x64xf32, #tpu.memory_space<hbm>>) target(%dma_start3A_1029 : memref<16x64xf32, #tpu.memory_space<vmem>>) offsets(%dma_start3A_1032 : memref<16xi32, #tpu.memory_space<vmem>>) semaphore(%arg10 : memref<!tpu.dma_semaphore, #tpu.memory_space<semaphore_mem>>)
        %dma_start3A_1036 = arith.constant 3 : i32
        %dma_start3A_1037 = arith.constant 80 : i32
        %dma_start3A_1038 = arith.constant 0 : i32
        %dma_start3A_1039 = tpu.memref_slice %arg6[%dma_start3A_1036, %dma_start3A_1037, %dma_start3A_1038] : memref<5x128x64xf32, #tpu.memory_space<vmem>> -> memref<1x16x64xf32, #tpu.memory_space<vmem>>
        %dma_start3A_1040 = tpu.memref_squeeze %dma_start3A_1039 : memref<1x16x64xf32, #tpu.memory_space<vmem>> -> memref<16x64xf32, #tpu.memory_space<vmem>>
        %dma_start3A_1041 = arith.constant 80 : i32
        %dma_start3A_1042 = tpu.memref_slice %arg5[%add3A_980, %dma_start3A_1041] : memref<50x128xi32, #tpu.memory_space<vmem>> -> memref<1x16xi32, #tpu.memory_space<vmem>>
        %dma_start3A_1043 = tpu.memref_squeeze %dma_start3A_1042 : memref<1x16xi32, #tpu.memory_space<vmem>> -> memref<16xi32, #tpu.memory_space<vmem>>
        %dma_start3A_1044 = arith.constant 0 : i32
        %dma_start3A_1045 = arith.constant 0 : i32
        %dma_start3A_1046 = tpu.memref_slice %arg2[%dma_start3A_1044, %dma_start3A_1045] : memref<500032x64xf32, #tpu.memory_space<hbm>> -> memref<500032x64xf32, #tpu.memory_space<hbm>>
        tpu.enqueue_indirect_dma source(%dma_start3A_1046 : memref<500032x64xf32, #tpu.memory_space<hbm>>) target(%dma_start3A_1040 : memref<16x64xf32, #tpu.memory_space<vmem>>) offsets(%dma_start3A_1043 : memref<16xi32, #tpu.memory_space<vmem>>) semaphore(%arg10 : memref<!tpu.dma_semaphore, #tpu.memory_space<semaphore_mem>>)
        %dma_start3A_1047 = arith.constant 3 : i32
        %dma_start3A_1048 = arith.constant 96 : i32
        %dma_start3A_1049 = arith.constant 0 : i32
        %dma_start3A_1050 = tpu.memref_slice %arg6[%dma_start3A_1047, %dma_start3A_1048, %dma_start3A_1049] : memref<5x128x64xf32, #tpu.memory_space<vmem>> -> memref<1x16x64xf32, #tpu.memory_space<vmem>>
        %dma_start3A_1051 = tpu.memref_squeeze %dma_start3A_1050 : memref<1x16x64xf32, #tpu.memory_space<vmem>> -> memref<16x64xf32, #tpu.memory_space<vmem>>
        %dma_start3A_1052 = arith.constant 96 : i32
        %dma_start3A_1053 = tpu.memref_slice %arg5[%add3A_980, %dma_start3A_1052] : memref<50x128xi32, #tpu.memory_space<vmem>> -> memref<1x16xi32, #tpu.memory_space<vmem>>
        %dma_start3A_1054 = tpu.memref_squeeze %dma_start3A_1053 : memref<1x16xi32, #tpu.memory_space<vmem>> -> memref<16xi32, #tpu.memory_space<vmem>>
        %dma_start3A_1055 = arith.constant 0 : i32
        %dma_start3A_1056 = arith.constant 0 : i32
        %dma_start3A_1057 = tpu.memref_slice %arg2[%dma_start3A_1055, %dma_start3A_1056] : memref<500032x64xf32, #tpu.memory_space<hbm>> -> memref<500032x64xf32, #tpu.memory_space<hbm>>
        tpu.enqueue_indirect_dma source(%dma_start3A_1057 : memref<500032x64xf32, #tpu.memory_space<hbm>>) target(%dma_start3A_1051 : memref<16x64xf32, #tpu.memory_space<vmem>>) offsets(%dma_start3A_1054 : memref<16xi32, #tpu.memory_space<vmem>>) semaphore(%arg10 : memref<!tpu.dma_semaphore, #tpu.memory_space<semaphore_mem>>)
        %dma_start3A_1058 = arith.constant 3 : i32
        %dma_start3A_1059 = arith.constant 112 : i32
        %dma_start3A_1060 = arith.constant 0 : i32
        %dma_start3A_1061 = tpu.memref_slice %arg6[%dma_start3A_1058, %dma_start3A_1059, %dma_start3A_1060] : memref<5x128x64xf32, #tpu.memory_space<vmem>> -> memref<1x16x64xf32, #tpu.memory_space<vmem>>
        %dma_start3A_1062 = tpu.memref_squeeze %dma_start3A_1061 : memref<1x16x64xf32, #tpu.memory_space<vmem>> -> memref<16x64xf32, #tpu.memory_space<vmem>>
        %dma_start3A_1063 = arith.constant 112 : i32
        %dma_start3A_1064 = tpu.memref_slice %arg5[%add3A_980, %dma_start3A_1063] : memref<50x128xi32, #tpu.memory_space<vmem>> -> memref<1x16xi32, #tpu.memory_space<vmem>>
        %dma_start3A_1065 = tpu.memref_squeeze %dma_start3A_1064 : memref<1x16xi32, #tpu.memory_space<vmem>> -> memref<16xi32, #tpu.memory_space<vmem>>
        %dma_start3A_1066 = arith.constant 0 : i32
        %dma_start3A_1067 = arith.constant 0 : i32
        %dma_start3A_1068 = tpu.memref_slice %arg2[%dma_start3A_1066, %dma_start3A_1067] : memref<500032x64xf32, #tpu.memory_space<hbm>> -> memref<500032x64xf32, #tpu.memory_space<hbm>>
        tpu.enqueue_indirect_dma source(%dma_start3A_1068 : memref<500032x64xf32, #tpu.memory_space<hbm>>) target(%dma_start3A_1062 : memref<16x64xf32, #tpu.memory_space<vmem>>) offsets(%dma_start3A_1065 : memref<16xi32, #tpu.memory_space<vmem>>) semaphore(%arg10 : memref<!tpu.dma_semaphore, #tpu.memory_space<semaphore_mem>>)
      } else {
      }
      %add3A_491 = arith.constant 1 : i32
      %add3A_492 = arith.addi %add3A_372, %add3A_491 : i32
      %dma_wait3A_493 = arith.constant 0 : i32
      %dma_wait3A_494 = arith.constant 1 : i32
      %dma_wait3A_495 = arith.constant 0 : i32
      %dma_wait3A_496 = arith.constant 0 : i32
      %dma_wait3A_497 = tpu.memref_slice %arg6[%dma_wait3A_494, %dma_wait3A_495, %dma_wait3A_496] : memref<5x128x64xf32, #tpu.memory_space<vmem>> -> memref<1x16x64xf32, #tpu.memory_space<vmem>>
      %dma_wait3A_498 = tpu.memref_squeeze %dma_wait3A_497 : memref<1x16x64xf32, #tpu.memory_space<vmem>> -> memref<16x64xf32, #tpu.memory_space<vmem>>
      %dma_wait3A_499 = arith.constant 0 : i32
      %dma_wait3A_500 = tpu.memref_slice %arg5[%dma_wait3A_493, %dma_wait3A_499] : memref<50x128xi32, #tpu.memory_space<vmem>> -> memref<1x16xi32, #tpu.memory_space<vmem>>
      %dma_wait3A_501 = tpu.memref_squeeze %dma_wait3A_500 : memref<1x16xi32, #tpu.memory_space<vmem>> -> memref<16xi32, #tpu.memory_space<vmem>>
      %dma_wait3A_502 = arith.constant 0 : i32
      %dma_wait3A_503 = arith.constant 0 : i32
      %dma_wait3A_504 = tpu.memref_slice %arg2[%dma_wait3A_502, %dma_wait3A_503] : memref<500032x64xf32, #tpu.memory_space<hbm>> -> memref<500032x64xf32, #tpu.memory_space<hbm>>
      tpu.wait_indirect_dma semaphore(%arg8 : memref<!tpu.dma_semaphore, #tpu.memory_space<semaphore_mem>>) src(%dma_wait3A_504 : memref<500032x64xf32, #tpu.memory_space<hbm>>) dst(%dma_wait3A_498 : memref<16x64xf32, #tpu.memory_space<vmem>>)
      %dma_wait3A_505 = arith.constant 0 : i32
      %dma_wait3A_506 = arith.constant 1 : i32
      %dma_wait3A_507 = arith.constant 16 : i32
      %dma_wait3A_508 = arith.constant 0 : i32
      %dma_wait3A_509 = tpu.memref_slice %arg6[%dma_wait3A_506, %dma_wait3A_507, %dma_wait3A_508] : memref<5x128x64xf32, #tpu.memory_space<vmem>> -> memref<1x16x64xf32, #tpu.memory_space<vmem>>
      %dma_wait3A_510 = tpu.memref_squeeze %dma_wait3A_509 : memref<1x16x64xf32, #tpu.memory_space<vmem>> -> memref<16x64xf32, #tpu.memory_space<vmem>>
      %dma_wait3A_511 = arith.constant 16 : i32
      %dma_wait3A_512 = tpu.memref_slice %arg5[%dma_wait3A_505, %dma_wait3A_511] : memref<50x128xi32, #tpu.memory_space<vmem>> -> memref<1x16xi32, #tpu.memory_space<vmem>>
      %dma_wait3A_513 = tpu.memref_squeeze %dma_wait3A_512 : memref<1x16xi32, #tpu.memory_space<vmem>> -> memref<16xi32, #tpu.memory_space<vmem>>
      %dma_wait3A_514 = arith.constant 0 : i32
      %dma_wait3A_515 = arith.constant 0 : i32
      %dma_wait3A_516 = tpu.memref_slice %arg2[%dma_wait3A_514, %dma_wait3A_515] : memref<500032x64xf32, #tpu.memory_space<hbm>> -> memref<500032x64xf32, #tpu.memory_space<hbm>>
      tpu.wait_indirect_dma semaphore(%arg8 : memref<!tpu.dma_semaphore, #tpu.memory_space<semaphore_mem>>) src(%dma_wait3A_516 : memref<500032x64xf32, #tpu.memory_space<hbm>>) dst(%dma_wait3A_510 : memref<16x64xf32, #tpu.memory_space<vmem>>)
      %dma_wait3A_517 = arith.constant 0 : i32
      %dma_wait3A_518 = arith.constant 1 : i32
      %dma_wait3A_519 = arith.constant 32 : i32
      %dma_wait3A_520 = arith.constant 0 : i32
      %dma_wait3A_521 = tpu.memref_slice %arg6[%dma_wait3A_518, %dma_wait3A_519, %dma_wait3A_520] : memref<5x128x64xf32, #tpu.memory_space<vmem>> -> memref<1x16x64xf32, #tpu.memory_space<vmem>>
      %dma_wait3A_522 = tpu.memref_squeeze %dma_wait3A_521 : memref<1x16x64xf32, #tpu.memory_space<vmem>> -> memref<16x64xf32, #tpu.memory_space<vmem>>
      %dma_wait3A_523 = arith.constant 32 : i32
      %dma_wait3A_524 = tpu.memref_slice %arg5[%dma_wait3A_517, %dma_wait3A_523] : memref<50x128xi32, #tpu.memory_space<vmem>> -> memref<1x16xi32, #tpu.memory_space<vmem>>
      %dma_wait3A_525 = tpu.memref_squeeze %dma_wait3A_524 : memref<1x16xi32, #tpu.memory_space<vmem>> -> memref<16xi32, #tpu.memory_space<vmem>>
      %dma_wait3A_526 = arith.constant 0 : i32
      %dma_wait3A_527 = arith.constant 0 : i32
      %dma_wait3A_528 = tpu.memref_slice %arg2[%dma_wait3A_526, %dma_wait3A_527] : memref<500032x64xf32, #tpu.memory_space<hbm>> -> memref<500032x64xf32, #tpu.memory_space<hbm>>
      tpu.wait_indirect_dma semaphore(%arg8 : memref<!tpu.dma_semaphore, #tpu.memory_space<semaphore_mem>>) src(%dma_wait3A_528 : memref<500032x64xf32, #tpu.memory_space<hbm>>) dst(%dma_wait3A_522 : memref<16x64xf32, #tpu.memory_space<vmem>>)
      %dma_wait3A_529 = arith.constant 0 : i32
      %dma_wait3A_530 = arith.constant 1 : i32
      %dma_wait3A_531 = arith.constant 48 : i32
      %dma_wait3A_532 = arith.constant 0 : i32
      %dma_wait3A_533 = tpu.memref_slice %arg6[%dma_wait3A_530, %dma_wait3A_531, %dma_wait3A_532] : memref<5x128x64xf32, #tpu.memory_space<vmem>> -> memref<1x16x64xf32, #tpu.memory_space<vmem>>
      %dma_wait3A_534 = tpu.memref_squeeze %dma_wait3A_533 : memref<1x16x64xf32, #tpu.memory_space<vmem>> -> memref<16x64xf32, #tpu.memory_space<vmem>>
      %dma_wait3A_535 = arith.constant 48 : i32
      %dma_wait3A_536 = tpu.memref_slice %arg5[%dma_wait3A_529, %dma_wait3A_535] : memref<50x128xi32, #tpu.memory_space<vmem>> -> memref<1x16xi32, #tpu.memory_space<vmem>>
      %dma_wait3A_537 = tpu.memref_squeeze %dma_wait3A_536 : memref<1x16xi32, #tpu.memory_space<vmem>> -> memref<16xi32, #tpu.memory_space<vmem>>
      %dma_wait3A_538 = arith.constant 0 : i32
      %dma_wait3A_539 = arith.constant 0 : i32
      %dma_wait3A_540 = tpu.memref_slice %arg2[%dma_wait3A_538, %dma_wait3A_539] : memref<500032x64xf32, #tpu.memory_space<hbm>> -> memref<500032x64xf32, #tpu.memory_space<hbm>>
      tpu.wait_indirect_dma semaphore(%arg8 : memref<!tpu.dma_semaphore, #tpu.memory_space<semaphore_mem>>) src(%dma_wait3A_540 : memref<500032x64xf32, #tpu.memory_space<hbm>>) dst(%dma_wait3A_534 : memref<16x64xf32, #tpu.memory_space<vmem>>)
      %dma_wait3A_541 = arith.constant 0 : i32
      %dma_wait3A_542 = arith.constant 1 : i32
      %dma_wait3A_543 = arith.constant 64 : i32
      %dma_wait3A_544 = arith.constant 0 : i32
      %dma_wait3A_545 = tpu.memref_slice %arg6[%dma_wait3A_542, %dma_wait3A_543, %dma_wait3A_544] : memref<5x128x64xf32, #tpu.memory_space<vmem>> -> memref<1x16x64xf32, #tpu.memory_space<vmem>>
      %dma_wait3A_546 = tpu.memref_squeeze %dma_wait3A_545 : memref<1x16x64xf32, #tpu.memory_space<vmem>> -> memref<16x64xf32, #tpu.memory_space<vmem>>
      %dma_wait3A_547 = arith.constant 64 : i32
      %dma_wait3A_548 = tpu.memref_slice %arg5[%dma_wait3A_541, %dma_wait3A_547] : memref<50x128xi32, #tpu.memory_space<vmem>> -> memref<1x16xi32, #tpu.memory_space<vmem>>
      %dma_wait3A_549 = tpu.memref_squeeze %dma_wait3A_548 : memref<1x16xi32, #tpu.memory_space<vmem>> -> memref<16xi32, #tpu.memory_space<vmem>>
      %dma_wait3A_550 = arith.constant 0 : i32
      %dma_wait3A_551 = arith.constant 0 : i32
      %dma_wait3A_552 = tpu.memref_slice %arg2[%dma_wait3A_550, %dma_wait3A_551] : memref<500032x64xf32, #tpu.memory_space<hbm>> -> memref<500032x64xf32, #tpu.memory_space<hbm>>
      tpu.wait_indirect_dma semaphore(%arg8 : memref<!tpu.dma_semaphore, #tpu.memory_space<semaphore_mem>>) src(%dma_wait3A_552 : memref<500032x64xf32, #tpu.memory_space<hbm>>) dst(%dma_wait3A_546 : memref<16x64xf32, #tpu.memory_space<vmem>>)
      %dma_wait3A_553 = arith.constant 0 : i32
      %dma_wait3A_554 = arith.constant 1 : i32
      %dma_wait3A_555 = arith.constant 80 : i32
      %dma_wait3A_556 = arith.constant 0 : i32
      %dma_wait3A_557 = tpu.memref_slice %arg6[%dma_wait3A_554, %dma_wait3A_555, %dma_wait3A_556] : memref<5x128x64xf32, #tpu.memory_space<vmem>> -> memref<1x16x64xf32, #tpu.memory_space<vmem>>
      %dma_wait3A_558 = tpu.memref_squeeze %dma_wait3A_557 : memref<1x16x64xf32, #tpu.memory_space<vmem>> -> memref<16x64xf32, #tpu.memory_space<vmem>>
      %dma_wait3A_559 = arith.constant 80 : i32
      %dma_wait3A_560 = tpu.memref_slice %arg5[%dma_wait3A_553, %dma_wait3A_559] : memref<50x128xi32, #tpu.memory_space<vmem>> -> memref<1x16xi32, #tpu.memory_space<vmem>>
      %dma_wait3A_561 = tpu.memref_squeeze %dma_wait3A_560 : memref<1x16xi32, #tpu.memory_space<vmem>> -> memref<16xi32, #tpu.memory_space<vmem>>
      %dma_wait3A_562 = arith.constant 0 : i32
      %dma_wait3A_563 = arith.constant 0 : i32
      %dma_wait3A_564 = tpu.memref_slice %arg2[%dma_wait3A_562, %dma_wait3A_563] : memref<500032x64xf32, #tpu.memory_space<hbm>> -> memref<500032x64xf32, #tpu.memory_space<hbm>>
      tpu.wait_indirect_dma semaphore(%arg8 : memref<!tpu.dma_semaphore, #tpu.memory_space<semaphore_mem>>) src(%dma_wait3A_564 : memref<500032x64xf32, #tpu.memory_space<hbm>>) dst(%dma_wait3A_558 : memref<16x64xf32, #tpu.memory_space<vmem>>)
      %dma_wait3A_565 = arith.constant 0 : i32
      %dma_wait3A_566 = arith.constant 1 : i32
      %dma_wait3A_567 = arith.constant 96 : i32
      %dma_wait3A_568 = arith.constant 0 : i32
      %dma_wait3A_569 = tpu.memref_slice %arg6[%dma_wait3A_566, %dma_wait3A_567, %dma_wait3A_568] : memref<5x128x64xf32, #tpu.memory_space<vmem>> -> memref<1x16x64xf32, #tpu.memory_space<vmem>>
      %dma_wait3A_570 = tpu.memref_squeeze %dma_wait3A_569 : memref<1x16x64xf32, #tpu.memory_space<vmem>> -> memref<16x64xf32, #tpu.memory_space<vmem>>
      %dma_wait3A_571 = arith.constant 96 : i32
      %dma_wait3A_572 = tpu.memref_slice %arg5[%dma_wait3A_565, %dma_wait3A_571] : memref<50x128xi32, #tpu.memory_space<vmem>> -> memref<1x16xi32, #tpu.memory_space<vmem>>
      %dma_wait3A_573 = tpu.memref_squeeze %dma_wait3A_572 : memref<1x16xi32, #tpu.memory_space<vmem>> -> memref<16xi32, #tpu.memory_space<vmem>>
      %dma_wait3A_574 = arith.constant 0 : i32
      %dma_wait3A_575 = arith.constant 0 : i32
      %dma_wait3A_576 = tpu.memref_slice %arg2[%dma_wait3A_574, %dma_wait3A_575] : memref<500032x64xf32, #tpu.memory_space<hbm>> -> memref<500032x64xf32, #tpu.memory_space<hbm>>
      tpu.wait_indirect_dma semaphore(%arg8 : memref<!tpu.dma_semaphore, #tpu.memory_space<semaphore_mem>>) src(%dma_wait3A_576 : memref<500032x64xf32, #tpu.memory_space<hbm>>) dst(%dma_wait3A_570 : memref<16x64xf32, #tpu.memory_space<vmem>>)
      %dma_wait3A_577 = arith.constant 0 : i32
      %dma_wait3A_578 = arith.constant 1 : i32
      %dma_wait3A_579 = arith.constant 112 : i32
      %dma_wait3A_580 = arith.constant 0 : i32
      %dma_wait3A_581 = tpu.memref_slice %arg6[%dma_wait3A_578, %dma_wait3A_579, %dma_wait3A_580] : memref<5x128x64xf32, #tpu.memory_space<vmem>> -> memref<1x16x64xf32, #tpu.memory_space<vmem>>
      %dma_wait3A_582 = tpu.memref_squeeze %dma_wait3A_581 : memref<1x16x64xf32, #tpu.memory_space<vmem>> -> memref<16x64xf32, #tpu.memory_space<vmem>>
      %dma_wait3A_583 = arith.constant 112 : i32
      %dma_wait3A_584 = tpu.memref_slice %arg5[%dma_wait3A_577, %dma_wait3A_583] : memref<50x128xi32, #tpu.memory_space<vmem>> -> memref<1x16xi32, #tpu.memory_space<vmem>>
      %dma_wait3A_585 = tpu.memref_squeeze %dma_wait3A_584 : memref<1x16xi32, #tpu.memory_space<vmem>> -> memref<16xi32, #tpu.memory_space<vmem>>
      %dma_wait3A_586 = arith.constant 0 : i32
      %dma_wait3A_587 = arith.constant 0 : i32
      %dma_wait3A_588 = tpu.memref_slice %arg2[%dma_wait3A_586, %dma_wait3A_587] : memref<500032x64xf32, #tpu.memory_space<hbm>> -> memref<500032x64xf32, #tpu.memory_space<hbm>>
      tpu.wait_indirect_dma semaphore(%arg8 : memref<!tpu.dma_semaphore, #tpu.memory_space<semaphore_mem>>) src(%dma_wait3A_588 : memref<500032x64xf32, #tpu.memory_space<hbm>>) dst(%dma_wait3A_582 : memref<16x64xf32, #tpu.memory_space<vmem>>)
      %mul3A_589 = arith.constant 128 : i32
      %mul3A_590 = arith.muli %add3A_492, %mul3A_589 : i32
      %add3A_591 = arith.addi %mul3A_2, %mul3A_590 : i32
      %dma_start3A_592 = arith.constant 1 : i32
      %dma_start3A_593 = arith.constant 0 : i32
      %dma_start3A_594 = arith.constant 0 : i32
      %dma_start3A_595 = tpu.memref_slice %arg6[%dma_start3A_592, %dma_start3A_593, %dma_start3A_594] : memref<5x128x64xf32, #tpu.memory_space<vmem>> -> memref<1x128x64xf32, #tpu.memory_space<vmem>>
      %dma_start3A_596 = tpu.memref_squeeze %dma_start3A_595 : memref<1x128x64xf32, #tpu.memory_space<vmem>> -> memref<128x64xf32, #tpu.memory_space<vmem>>
      %dma_start3A_597 = arith.constant 0 : i32
      %dma_start3A_598 = tpu.memref_slice %arg4[%add3A_591, %dma_start3A_597] : memref<204800x64xf32, #tpu.memory_space<hbm>> -> memref<128x64xf32, #tpu.memory_space<hbm>>
      %dma_start3A_599 = arith.constant 0 : i32
      %dma_start3A_600 = tpu.memref_slice %arg4[%add3A_591, %dma_start3A_599] : memref<204800x64xf32, #tpu.memory_space<hbm>> -> memref<128x64xf32, #tpu.memory_space<hbm>>
      %dma_start3A_601 = arith.constant 0 : i32
      %dma_start3A_602 = arith.constant 0 : i32
      %dma_start3A_603 = tpu.memref_slice %arg6[%dma_start3A_592, %dma_start3A_601, %dma_start3A_602] : memref<5x128x64xf32, #tpu.memory_space<vmem>> -> memref<1x128x64xf32, #tpu.memory_space<vmem>>
      %dma_start3A_604 = tpu.memref_squeeze %dma_start3A_603 : memref<1x128x64xf32, #tpu.memory_space<vmem>> -> memref<128x64xf32, #tpu.memory_space<vmem>>
      tpu.enqueue_dma source(%dma_start3A_604 : memref<128x64xf32, #tpu.memory_space<vmem>>) target(%dma_start3A_600 : memref<128x64xf32, #tpu.memory_space<hbm>>) target_semaphore(%arg13 : memref<!tpu.dma_semaphore, #tpu.memory_space<semaphore_mem>>)
      %add3A_605 = arith.constant 3 : i32
      %add3A_606 = arith.addi %add3A_492, %add3A_605 : i32
      %lt3A_607 = arith.constant 50 : i32
      %lt3A_608 = arith.cmpi slt, %add3A_606, %lt3A_607 : i32
      %convert_element_type3A_609 = arith.extui %lt3A_608 : i1 to i32
      %cond3A_610 = arith.constant 0 : i32
      %cond3A_611 = arith.cmpi ne, %convert_element_type3A_609, %cond3A_610 : i32
      scf.if %cond3A_611 {
        %ge3A = arith.constant 2 : i32
        %ge3A_975 = arith.cmpi sge, %add3A_492, %ge3A : i32
        %convert_element_type3A_976 = arith.extui %ge3A_975 : i1 to i32
        %cond3A_977 = arith.constant 0 : i32
        %cond3A_978 = arith.cmpi ne, %convert_element_type3A_976, %cond3A_977 : i32
        scf.if %cond3A_978 {
          %dma_wait3A_1069 = arith.constant 4 : i32
          %dma_wait3A_1070 = arith.constant 0 : i32
          %dma_wait3A_1071 = arith.constant 0 : i32
          %dma_wait3A_1072 = tpu.memref_slice %arg6[%dma_wait3A_1069, %dma_wait3A_1070, %dma_wait3A_1071] : memref<5x128x64xf32, #tpu.memory_space<vmem>> -> memref<1x128x64xf32, #tpu.memory_space<vmem>>
          %dma_wait3A_1073 = tpu.memref_squeeze %dma_wait3A_1072 : memref<1x128x64xf32, #tpu.memory_space<vmem>> -> memref<128x64xf32, #tpu.memory_space<vmem>>
          %dma_wait3A_1074 = arith.constant 0 : i32
          %dma_wait3A_1075 = arith.constant 0 : i32
          %dma_wait3A_1076 = tpu.memref_slice %arg4[%dma_wait3A_1074, %dma_wait3A_1075] : memref<204800x64xf32, #tpu.memory_space<hbm>> -> memref<128x64xf32, #tpu.memory_space<hbm>>
          %dma_wait3A_1077 = arith.constant 0 : i32
          %dma_wait3A_1078 = arith.constant 0 : i32
          %dma_wait3A_1079 = tpu.memref_slice %arg4[%dma_wait3A_1077, %dma_wait3A_1078] : memref<204800x64xf32, #tpu.memory_space<hbm>> -> memref<128x64xf32, #tpu.memory_space<hbm>>
          %dma_wait3A_1080 = arith.constant 0 : i32
          %dma_wait3A_1081 = arith.constant 0 : i32
          %dma_wait3A_1082 = tpu.memref_slice %arg6[%dma_wait3A_1069, %dma_wait3A_1080, %dma_wait3A_1081] : memref<5x128x64xf32, #tpu.memory_space<vmem>> -> memref<1x128x64xf32, #tpu.memory_space<vmem>>
          %dma_wait3A_1083 = tpu.memref_squeeze %dma_wait3A_1082 : memref<1x128x64xf32, #tpu.memory_space<vmem>> -> memref<128x64xf32, #tpu.memory_space<vmem>>
          tpu.wait_dma2 semaphore(%arg16 : memref<!tpu.dma_semaphore, #tpu.memory_space<semaphore_mem>>) src(%dma_wait3A_1083 : memref<128x64xf32, #tpu.memory_space<vmem>>) dst(%dma_wait3A_1079 : memref<128x64xf32, #tpu.memory_space<hbm>>)
        } else {
        }
        %add3A_979 = arith.constant 3 : i32
        %add3A_980 = arith.addi %add3A_492, %add3A_979 : i32
        %dma_start3A_981 = arith.constant 4 : i32
        %dma_start3A_982 = arith.constant 0 : i32
        %dma_start3A_983 = arith.constant 0 : i32
        %dma_start3A_984 = tpu.memref_slice %arg6[%dma_start3A_981, %dma_start3A_982, %dma_start3A_983] : memref<5x128x64xf32, #tpu.memory_space<vmem>> -> memref<1x16x64xf32, #tpu.memory_space<vmem>>
        %dma_start3A_985 = tpu.memref_squeeze %dma_start3A_984 : memref<1x16x64xf32, #tpu.memory_space<vmem>> -> memref<16x64xf32, #tpu.memory_space<vmem>>
        %dma_start3A_986 = arith.constant 0 : i32
        %dma_start3A_987 = tpu.memref_slice %arg5[%add3A_980, %dma_start3A_986] : memref<50x128xi32, #tpu.memory_space<vmem>> -> memref<1x16xi32, #tpu.memory_space<vmem>>
        %dma_start3A_988 = tpu.memref_squeeze %dma_start3A_987 : memref<1x16xi32, #tpu.memory_space<vmem>> -> memref<16xi32, #tpu.memory_space<vmem>>
        %dma_start3A_989 = arith.constant 0 : i32
        %dma_start3A_990 = arith.constant 0 : i32
        %dma_start3A_991 = tpu.memref_slice %arg2[%dma_start3A_989, %dma_start3A_990] : memref<500032x64xf32, #tpu.memory_space<hbm>> -> memref<500032x64xf32, #tpu.memory_space<hbm>>
        tpu.enqueue_indirect_dma source(%dma_start3A_991 : memref<500032x64xf32, #tpu.memory_space<hbm>>) target(%dma_start3A_985 : memref<16x64xf32, #tpu.memory_space<vmem>>) offsets(%dma_start3A_988 : memref<16xi32, #tpu.memory_space<vmem>>) semaphore(%arg11 : memref<!tpu.dma_semaphore, #tpu.memory_space<semaphore_mem>>)
        %dma_start3A_992 = arith.constant 4 : i32
        %dma_start3A_993 = arith.constant 16 : i32
        %dma_start3A_994 = arith.constant 0 : i32
        %dma_start3A_995 = tpu.memref_slice %arg6[%dma_start3A_992, %dma_start3A_993, %dma_start3A_994] : memref<5x128x64xf32, #tpu.memory_space<vmem>> -> memref<1x16x64xf32, #tpu.memory_space<vmem>>
        %dma_start3A_996 = tpu.memref_squeeze %dma_start3A_995 : memref<1x16x64xf32, #tpu.memory_space<vmem>> -> memref<16x64xf32, #tpu.memory_space<vmem>>
        %dma_start3A_997 = arith.constant 16 : i32
        %dma_start3A_998 = tpu.memref_slice %arg5[%add3A_980, %dma_start3A_997] : memref<50x128xi32, #tpu.memory_space<vmem>> -> memref<1x16xi32, #tpu.memory_space<vmem>>
        %dma_start3A_999 = tpu.memref_squeeze %dma_start3A_998 : memref<1x16xi32, #tpu.memory_space<vmem>> -> memref<16xi32, #tpu.memory_space<vmem>>
        %dma_start3A_1000 = arith.constant 0 : i32
        %dma_start3A_1001 = arith.constant 0 : i32
        %dma_start3A_1002 = tpu.memref_slice %arg2[%dma_start3A_1000, %dma_start3A_1001] : memref<500032x64xf32, #tpu.memory_space<hbm>> -> memref<500032x64xf32, #tpu.memory_space<hbm>>
        tpu.enqueue_indirect_dma source(%dma_start3A_1002 : memref<500032x64xf32, #tpu.memory_space<hbm>>) target(%dma_start3A_996 : memref<16x64xf32, #tpu.memory_space<vmem>>) offsets(%dma_start3A_999 : memref<16xi32, #tpu.memory_space<vmem>>) semaphore(%arg11 : memref<!tpu.dma_semaphore, #tpu.memory_space<semaphore_mem>>)
        %dma_start3A_1003 = arith.constant 4 : i32
        %dma_start3A_1004 = arith.constant 32 : i32
        %dma_start3A_1005 = arith.constant 0 : i32
        %dma_start3A_1006 = tpu.memref_slice %arg6[%dma_start3A_1003, %dma_start3A_1004, %dma_start3A_1005] : memref<5x128x64xf32, #tpu.memory_space<vmem>> -> memref<1x16x64xf32, #tpu.memory_space<vmem>>
        %dma_start3A_1007 = tpu.memref_squeeze %dma_start3A_1006 : memref<1x16x64xf32, #tpu.memory_space<vmem>> -> memref<16x64xf32, #tpu.memory_space<vmem>>
        %dma_start3A_1008 = arith.constant 32 : i32
        %dma_start3A_1009 = tpu.memref_slice %arg5[%add3A_980, %dma_start3A_1008] : memref<50x128xi32, #tpu.memory_space<vmem>> -> memref<1x16xi32, #tpu.memory_space<vmem>>
        %dma_start3A_1010 = tpu.memref_squeeze %dma_start3A_1009 : memref<1x16xi32, #tpu.memory_space<vmem>> -> memref<16xi32, #tpu.memory_space<vmem>>
        %dma_start3A_1011 = arith.constant 0 : i32
        %dma_start3A_1012 = arith.constant 0 : i32
        %dma_start3A_1013 = tpu.memref_slice %arg2[%dma_start3A_1011, %dma_start3A_1012] : memref<500032x64xf32, #tpu.memory_space<hbm>> -> memref<500032x64xf32, #tpu.memory_space<hbm>>
        tpu.enqueue_indirect_dma source(%dma_start3A_1013 : memref<500032x64xf32, #tpu.memory_space<hbm>>) target(%dma_start3A_1007 : memref<16x64xf32, #tpu.memory_space<vmem>>) offsets(%dma_start3A_1010 : memref<16xi32, #tpu.memory_space<vmem>>) semaphore(%arg11 : memref<!tpu.dma_semaphore, #tpu.memory_space<semaphore_mem>>)
        %dma_start3A_1014 = arith.constant 4 : i32
        %dma_start3A_1015 = arith.constant 48 : i32
        %dma_start3A_1016 = arith.constant 0 : i32
        %dma_start3A_1017 = tpu.memref_slice %arg6[%dma_start3A_1014, %dma_start3A_1015, %dma_start3A_1016] : memref<5x128x64xf32, #tpu.memory_space<vmem>> -> memref<1x16x64xf32, #tpu.memory_space<vmem>>
        %dma_start3A_1018 = tpu.memref_squeeze %dma_start3A_1017 : memref<1x16x64xf32, #tpu.memory_space<vmem>> -> memref<16x64xf32, #tpu.memory_space<vmem>>
        %dma_start3A_1019 = arith.constant 48 : i32
        %dma_start3A_1020 = tpu.memref_slice %arg5[%add3A_980, %dma_start3A_1019] : memref<50x128xi32, #tpu.memory_space<vmem>> -> memref<1x16xi32, #tpu.memory_space<vmem>>
        %dma_start3A_1021 = tpu.memref_squeeze %dma_start3A_1020 : memref<1x16xi32, #tpu.memory_space<vmem>> -> memref<16xi32, #tpu.memory_space<vmem>>
        %dma_start3A_1022 = arith.constant 0 : i32
        %dma_start3A_1023 = arith.constant 0 : i32
        %dma_start3A_1024 = tpu.memref_slice %arg2[%dma_start3A_1022, %dma_start3A_1023] : memref<500032x64xf32, #tpu.memory_space<hbm>> -> memref<500032x64xf32, #tpu.memory_space<hbm>>
        tpu.enqueue_indirect_dma source(%dma_start3A_1024 : memref<500032x64xf32, #tpu.memory_space<hbm>>) target(%dma_start3A_1018 : memref<16x64xf32, #tpu.memory_space<vmem>>) offsets(%dma_start3A_1021 : memref<16xi32, #tpu.memory_space<vmem>>) semaphore(%arg11 : memref<!tpu.dma_semaphore, #tpu.memory_space<semaphore_mem>>)
        %dma_start3A_1025 = arith.constant 4 : i32
        %dma_start3A_1026 = arith.constant 64 : i32
        %dma_start3A_1027 = arith.constant 0 : i32
        %dma_start3A_1028 = tpu.memref_slice %arg6[%dma_start3A_1025, %dma_start3A_1026, %dma_start3A_1027] : memref<5x128x64xf32, #tpu.memory_space<vmem>> -> memref<1x16x64xf32, #tpu.memory_space<vmem>>
        %dma_start3A_1029 = tpu.memref_squeeze %dma_start3A_1028 : memref<1x16x64xf32, #tpu.memory_space<vmem>> -> memref<16x64xf32, #tpu.memory_space<vmem>>
        %dma_start3A_1030 = arith.constant 64 : i32
        %dma_start3A_1031 = tpu.memref_slice %arg5[%add3A_980, %dma_start3A_1030] : memref<50x128xi32, #tpu.memory_space<vmem>> -> memref<1x16xi32, #tpu.memory_space<vmem>>
        %dma_start3A_1032 = tpu.memref_squeeze %dma_start3A_1031 : memref<1x16xi32, #tpu.memory_space<vmem>> -> memref<16xi32, #tpu.memory_space<vmem>>
        %dma_start3A_1033 = arith.constant 0 : i32
        %dma_start3A_1034 = arith.constant 0 : i32
        %dma_start3A_1035 = tpu.memref_slice %arg2[%dma_start3A_1033, %dma_start3A_1034] : memref<500032x64xf32, #tpu.memory_space<hbm>> -> memref<500032x64xf32, #tpu.memory_space<hbm>>
        tpu.enqueue_indirect_dma source(%dma_start3A_1035 : memref<500032x64xf32, #tpu.memory_space<hbm>>) target(%dma_start3A_1029 : memref<16x64xf32, #tpu.memory_space<vmem>>) offsets(%dma_start3A_1032 : memref<16xi32, #tpu.memory_space<vmem>>) semaphore(%arg11 : memref<!tpu.dma_semaphore, #tpu.memory_space<semaphore_mem>>)
        %dma_start3A_1036 = arith.constant 4 : i32
        %dma_start3A_1037 = arith.constant 80 : i32
        %dma_start3A_1038 = arith.constant 0 : i32
        %dma_start3A_1039 = tpu.memref_slice %arg6[%dma_start3A_1036, %dma_start3A_1037, %dma_start3A_1038] : memref<5x128x64xf32, #tpu.memory_space<vmem>> -> memref<1x16x64xf32, #tpu.memory_space<vmem>>
        %dma_start3A_1040 = tpu.memref_squeeze %dma_start3A_1039 : memref<1x16x64xf32, #tpu.memory_space<vmem>> -> memref<16x64xf32, #tpu.memory_space<vmem>>
        %dma_start3A_1041 = arith.constant 80 : i32
        %dma_start3A_1042 = tpu.memref_slice %arg5[%add3A_980, %dma_start3A_1041] : memref<50x128xi32, #tpu.memory_space<vmem>> -> memref<1x16xi32, #tpu.memory_space<vmem>>
        %dma_start3A_1043 = tpu.memref_squeeze %dma_start3A_1042 : memref<1x16xi32, #tpu.memory_space<vmem>> -> memref<16xi32, #tpu.memory_space<vmem>>
        %dma_start3A_1044 = arith.constant 0 : i32
        %dma_start3A_1045 = arith.constant 0 : i32
        %dma_start3A_1046 = tpu.memref_slice %arg2[%dma_start3A_1044, %dma_start3A_1045] : memref<500032x64xf32, #tpu.memory_space<hbm>> -> memref<500032x64xf32, #tpu.memory_space<hbm>>
        tpu.enqueue_indirect_dma source(%dma_start3A_1046 : memref<500032x64xf32, #tpu.memory_space<hbm>>) target(%dma_start3A_1040 : memref<16x64xf32, #tpu.memory_space<vmem>>) offsets(%dma_start3A_1043 : memref<16xi32, #tpu.memory_space<vmem>>) semaphore(%arg11 : memref<!tpu.dma_semaphore, #tpu.memory_space<semaphore_mem>>)
        %dma_start3A_1047 = arith.constant 4 : i32
        %dma_start3A_1048 = arith.constant 96 : i32
        %dma_start3A_1049 = arith.constant 0 : i32
        %dma_start3A_1050 = tpu.memref_slice %arg6[%dma_start3A_1047, %dma_start3A_1048, %dma_start3A_1049] : memref<5x128x64xf32, #tpu.memory_space<vmem>> -> memref<1x16x64xf32, #tpu.memory_space<vmem>>
        %dma_start3A_1051 = tpu.memref_squeeze %dma_start3A_1050 : memref<1x16x64xf32, #tpu.memory_space<vmem>> -> memref<16x64xf32, #tpu.memory_space<vmem>>
        %dma_start3A_1052 = arith.constant 96 : i32
        %dma_start3A_1053 = tpu.memref_slice %arg5[%add3A_980, %dma_start3A_1052] : memref<50x128xi32, #tpu.memory_space<vmem>> -> memref<1x16xi32, #tpu.memory_space<vmem>>
        %dma_start3A_1054 = tpu.memref_squeeze %dma_start3A_1053 : memref<1x16xi32, #tpu.memory_space<vmem>> -> memref<16xi32, #tpu.memory_space<vmem>>
        %dma_start3A_1055 = arith.constant 0 : i32
        %dma_start3A_1056 = arith.constant 0 : i32
        %dma_start3A_1057 = tpu.memref_slice %arg2[%dma_start3A_1055, %dma_start3A_1056] : memref<500032x64xf32, #tpu.memory_space<hbm>> -> memref<500032x64xf32, #tpu.memory_space<hbm>>
        tpu.enqueue_indirect_dma source(%dma_start3A_1057 : memref<500032x64xf32, #tpu.memory_space<hbm>>) target(%dma_start3A_1051 : memref<16x64xf32, #tpu.memory_space<vmem>>) offsets(%dma_start3A_1054 : memref<16xi32, #tpu.memory_space<vmem>>) semaphore(%arg11 : memref<!tpu.dma_semaphore, #tpu.memory_space<semaphore_mem>>)
        %dma_start3A_1058 = arith.constant 4 : i32
        %dma_start3A_1059 = arith.constant 112 : i32
        %dma_start3A_1060 = arith.constant 0 : i32
        %dma_start3A_1061 = tpu.memref_slice %arg6[%dma_start3A_1058, %dma_start3A_1059, %dma_start3A_1060] : memref<5x128x64xf32, #tpu.memory_space<vmem>> -> memref<1x16x64xf32, #tpu.memory_space<vmem>>
        %dma_start3A_1062 = tpu.memref_squeeze %dma_start3A_1061 : memref<1x16x64xf32, #tpu.memory_space<vmem>> -> memref<16x64xf32, #tpu.memory_space<vmem>>
        %dma_start3A_1063 = arith.constant 112 : i32
        %dma_start3A_1064 = tpu.memref_slice %arg5[%add3A_980, %dma_start3A_1063] : memref<50x128xi32, #tpu.memory_space<vmem>> -> memref<1x16xi32, #tpu.memory_space<vmem>>
        %dma_start3A_1065 = tpu.memref_squeeze %dma_start3A_1064 : memref<1x16xi32, #tpu.memory_space<vmem>> -> memref<16xi32, #tpu.memory_space<vmem>>
        %dma_start3A_1066 = arith.constant 0 : i32
        %dma_start3A_1067 = arith.constant 0 : i32
        %dma_start3A_1068 = tpu.memref_slice %arg2[%dma_start3A_1066, %dma_start3A_1067] : memref<500032x64xf32, #tpu.memory_space<hbm>> -> memref<500032x64xf32, #tpu.memory_space<hbm>>
        tpu.enqueue_indirect_dma source(%dma_start3A_1068 : memref<500032x64xf32, #tpu.memory_space<hbm>>) target(%dma_start3A_1062 : memref<16x64xf32, #tpu.memory_space<vmem>>) offsets(%dma_start3A_1065 : memref<16xi32, #tpu.memory_space<vmem>>) semaphore(%arg11 : memref<!tpu.dma_semaphore, #tpu.memory_space<semaphore_mem>>)
      } else {
      }
      %add3A_612 = arith.constant 2 : i32
      %add3A_613 = arith.addi %add3A_372, %add3A_612 : i32
      %dma_wait3A_614 = arith.constant 0 : i32
      %dma_wait3A_615 = arith.constant 2 : i32
      %dma_wait3A_616 = arith.constant 0 : i32
      %dma_wait3A_617 = arith.constant 0 : i32
      %dma_wait3A_618 = tpu.memref_slice %arg6[%dma_wait3A_615, %dma_wait3A_616, %dma_wait3A_617] : memref<5x128x64xf32, #tpu.memory_space<vmem>> -> memref<1x16x64xf32, #tpu.memory_space<vmem>>
      %dma_wait3A_619 = tpu.memref_squeeze %dma_wait3A_618 : memref<1x16x64xf32, #tpu.memory_space<vmem>> -> memref<16x64xf32, #tpu.memory_space<vmem>>
      %dma_wait3A_620 = arith.constant 0 : i32
      %dma_wait3A_621 = tpu.memref_slice %arg5[%dma_wait3A_614, %dma_wait3A_620] : memref<50x128xi32, #tpu.memory_space<vmem>> -> memref<1x16xi32, #tpu.memory_space<vmem>>
      %dma_wait3A_622 = tpu.memref_squeeze %dma_wait3A_621 : memref<1x16xi32, #tpu.memory_space<vmem>> -> memref<16xi32, #tpu.memory_space<vmem>>
      %dma_wait3A_623 = arith.constant 0 : i32
      %dma_wait3A_624 = arith.constant 0 : i32
      %dma_wait3A_625 = tpu.memref_slice %arg2[%dma_wait3A_623, %dma_wait3A_624] : memref<500032x64xf32, #tpu.memory_space<hbm>> -> memref<500032x64xf32, #tpu.memory_space<hbm>>
      tpu.wait_indirect_dma semaphore(%arg9 : memref<!tpu.dma_semaphore, #tpu.memory_space<semaphore_mem>>) src(%dma_wait3A_625 : memref<500032x64xf32, #tpu.memory_space<hbm>>) dst(%dma_wait3A_619 : memref<16x64xf32, #tpu.memory_space<vmem>>)
      %dma_wait3A_626 = arith.constant 0 : i32
      %dma_wait3A_627 = arith.constant 2 : i32
      %dma_wait3A_628 = arith.constant 16 : i32
      %dma_wait3A_629 = arith.constant 0 : i32
      %dma_wait3A_630 = tpu.memref_slice %arg6[%dma_wait3A_627, %dma_wait3A_628, %dma_wait3A_629] : memref<5x128x64xf32, #tpu.memory_space<vmem>> -> memref<1x16x64xf32, #tpu.memory_space<vmem>>
      %dma_wait3A_631 = tpu.memref_squeeze %dma_wait3A_630 : memref<1x16x64xf32, #tpu.memory_space<vmem>> -> memref<16x64xf32, #tpu.memory_space<vmem>>
      %dma_wait3A_632 = arith.constant 16 : i32
      %dma_wait3A_633 = tpu.memref_slice %arg5[%dma_wait3A_626, %dma_wait3A_632] : memref<50x128xi32, #tpu.memory_space<vmem>> -> memref<1x16xi32, #tpu.memory_space<vmem>>
      %dma_wait3A_634 = tpu.memref_squeeze %dma_wait3A_633 : memref<1x16xi32, #tpu.memory_space<vmem>> -> memref<16xi32, #tpu.memory_space<vmem>>
      %dma_wait3A_635 = arith.constant 0 : i32
      %dma_wait3A_636 = arith.constant 0 : i32
      %dma_wait3A_637 = tpu.memref_slice %arg2[%dma_wait3A_635, %dma_wait3A_636] : memref<500032x64xf32, #tpu.memory_space<hbm>> -> memref<500032x64xf32, #tpu.memory_space<hbm>>
      tpu.wait_indirect_dma semaphore(%arg9 : memref<!tpu.dma_semaphore, #tpu.memory_space<semaphore_mem>>) src(%dma_wait3A_637 : memref<500032x64xf32, #tpu.memory_space<hbm>>) dst(%dma_wait3A_631 : memref<16x64xf32, #tpu.memory_space<vmem>>)
      %dma_wait3A_638 = arith.constant 0 : i32
      %dma_wait3A_639 = arith.constant 2 : i32
      %dma_wait3A_640 = arith.constant 32 : i32
      %dma_wait3A_641 = arith.constant 0 : i32
      %dma_wait3A_642 = tpu.memref_slice %arg6[%dma_wait3A_639, %dma_wait3A_640, %dma_wait3A_641] : memref<5x128x64xf32, #tpu.memory_space<vmem>> -> memref<1x16x64xf32, #tpu.memory_space<vmem>>
      %dma_wait3A_643 = tpu.memref_squeeze %dma_wait3A_642 : memref<1x16x64xf32, #tpu.memory_space<vmem>> -> memref<16x64xf32, #tpu.memory_space<vmem>>
      %dma_wait3A_644 = arith.constant 32 : i32
      %dma_wait3A_645 = tpu.memref_slice %arg5[%dma_wait3A_638, %dma_wait3A_644] : memref<50x128xi32, #tpu.memory_space<vmem>> -> memref<1x16xi32, #tpu.memory_space<vmem>>
      %dma_wait3A_646 = tpu.memref_squeeze %dma_wait3A_645 : memref<1x16xi32, #tpu.memory_space<vmem>> -> memref<16xi32, #tpu.memory_space<vmem>>
      %dma_wait3A_647 = arith.constant 0 : i32
      %dma_wait3A_648 = arith.constant 0 : i32
      %dma_wait3A_649 = tpu.memref_slice %arg2[%dma_wait3A_647, %dma_wait3A_648] : memref<500032x64xf32, #tpu.memory_space<hbm>> -> memref<500032x64xf32, #tpu.memory_space<hbm>>
      tpu.wait_indirect_dma semaphore(%arg9 : memref<!tpu.dma_semaphore, #tpu.memory_space<semaphore_mem>>) src(%dma_wait3A_649 : memref<500032x64xf32, #tpu.memory_space<hbm>>) dst(%dma_wait3A_643 : memref<16x64xf32, #tpu.memory_space<vmem>>)
      %dma_wait3A_650 = arith.constant 0 : i32
      %dma_wait3A_651 = arith.constant 2 : i32
      %dma_wait3A_652 = arith.constant 48 : i32
      %dma_wait3A_653 = arith.constant 0 : i32
      %dma_wait3A_654 = tpu.memref_slice %arg6[%dma_wait3A_651, %dma_wait3A_652, %dma_wait3A_653] : memref<5x128x64xf32, #tpu.memory_space<vmem>> -> memref<1x16x64xf32, #tpu.memory_space<vmem>>
      %dma_wait3A_655 = tpu.memref_squeeze %dma_wait3A_654 : memref<1x16x64xf32, #tpu.memory_space<vmem>> -> memref<16x64xf32, #tpu.memory_space<vmem>>
      %dma_wait3A_656 = arith.constant 48 : i32
      %dma_wait3A_657 = tpu.memref_slice %arg5[%dma_wait3A_650, %dma_wait3A_656] : memref<50x128xi32, #tpu.memory_space<vmem>> -> memref<1x16xi32, #tpu.memory_space<vmem>>
      %dma_wait3A_658 = tpu.memref_squeeze %dma_wait3A_657 : memref<1x16xi32, #tpu.memory_space<vmem>> -> memref<16xi32, #tpu.memory_space<vmem>>
      %dma_wait3A_659 = arith.constant 0 : i32
      %dma_wait3A_660 = arith.constant 0 : i32
      %dma_wait3A_661 = tpu.memref_slice %arg2[%dma_wait3A_659, %dma_wait3A_660] : memref<500032x64xf32, #tpu.memory_space<hbm>> -> memref<500032x64xf32, #tpu.memory_space<hbm>>
      tpu.wait_indirect_dma semaphore(%arg9 : memref<!tpu.dma_semaphore, #tpu.memory_space<semaphore_mem>>) src(%dma_wait3A_661 : memref<500032x64xf32, #tpu.memory_space<hbm>>) dst(%dma_wait3A_655 : memref<16x64xf32, #tpu.memory_space<vmem>>)
      %dma_wait3A_662 = arith.constant 0 : i32
      %dma_wait3A_663 = arith.constant 2 : i32
      %dma_wait3A_664 = arith.constant 64 : i32
      %dma_wait3A_665 = arith.constant 0 : i32
      %dma_wait3A_666 = tpu.memref_slice %arg6[%dma_wait3A_663, %dma_wait3A_664, %dma_wait3A_665] : memref<5x128x64xf32, #tpu.memory_space<vmem>> -> memref<1x16x64xf32, #tpu.memory_space<vmem>>
      %dma_wait3A_667 = tpu.memref_squeeze %dma_wait3A_666 : memref<1x16x64xf32, #tpu.memory_space<vmem>> -> memref<16x64xf32, #tpu.memory_space<vmem>>
      %dma_wait3A_668 = arith.constant 64 : i32
      %dma_wait3A_669 = tpu.memref_slice %arg5[%dma_wait3A_662, %dma_wait3A_668] : memref<50x128xi32, #tpu.memory_space<vmem>> -> memref<1x16xi32, #tpu.memory_space<vmem>>
      %dma_wait3A_670 = tpu.memref_squeeze %dma_wait3A_669 : memref<1x16xi32, #tpu.memory_space<vmem>> -> memref<16xi32, #tpu.memory_space<vmem>>
      %dma_wait3A_671 = arith.constant 0 : i32
      %dma_wait3A_672 = arith.constant 0 : i32
      %dma_wait3A_673 = tpu.memref_slice %arg2[%dma_wait3A_671, %dma_wait3A_672] : memref<500032x64xf32, #tpu.memory_space<hbm>> -> memref<500032x64xf32, #tpu.memory_space<hbm>>
      tpu.wait_indirect_dma semaphore(%arg9 : memref<!tpu.dma_semaphore, #tpu.memory_space<semaphore_mem>>) src(%dma_wait3A_673 : memref<500032x64xf32, #tpu.memory_space<hbm>>) dst(%dma_wait3A_667 : memref<16x64xf32, #tpu.memory_space<vmem>>)
      %dma_wait3A_674 = arith.constant 0 : i32
      %dma_wait3A_675 = arith.constant 2 : i32
      %dma_wait3A_676 = arith.constant 80 : i32
      %dma_wait3A_677 = arith.constant 0 : i32
      %dma_wait3A_678 = tpu.memref_slice %arg6[%dma_wait3A_675, %dma_wait3A_676, %dma_wait3A_677] : memref<5x128x64xf32, #tpu.memory_space<vmem>> -> memref<1x16x64xf32, #tpu.memory_space<vmem>>
      %dma_wait3A_679 = tpu.memref_squeeze %dma_wait3A_678 : memref<1x16x64xf32, #tpu.memory_space<vmem>> -> memref<16x64xf32, #tpu.memory_space<vmem>>
      %dma_wait3A_680 = arith.constant 80 : i32
      %dma_wait3A_681 = tpu.memref_slice %arg5[%dma_wait3A_674, %dma_wait3A_680] : memref<50x128xi32, #tpu.memory_space<vmem>> -> memref<1x16xi32, #tpu.memory_space<vmem>>
      %dma_wait3A_682 = tpu.memref_squeeze %dma_wait3A_681 : memref<1x16xi32, #tpu.memory_space<vmem>> -> memref<16xi32, #tpu.memory_space<vmem>>
      %dma_wait3A_683 = arith.constant 0 : i32
      %dma_wait3A_684 = arith.constant 0 : i32
      %dma_wait3A_685 = tpu.memref_slice %arg2[%dma_wait3A_683, %dma_wait3A_684] : memref<500032x64xf32, #tpu.memory_space<hbm>> -> memref<500032x64xf32, #tpu.memory_space<hbm>>
      tpu.wait_indirect_dma semaphore(%arg9 : memref<!tpu.dma_semaphore, #tpu.memory_space<semaphore_mem>>) src(%dma_wait3A_685 : memref<500032x64xf32, #tpu.memory_space<hbm>>) dst(%dma_wait3A_679 : memref<16x64xf32, #tpu.memory_space<vmem>>)
      %dma_wait3A_686 = arith.constant 0 : i32
      %dma_wait3A_687 = arith.constant 2 : i32
      %dma_wait3A_688 = arith.constant 96 : i32
      %dma_wait3A_689 = arith.constant 0 : i32
      %dma_wait3A_690 = tpu.memref_slice %arg6[%dma_wait3A_687, %dma_wait3A_688, %dma_wait3A_689] : memref<5x128x64xf32, #tpu.memory_space<vmem>> -> memref<1x16x64xf32, #tpu.memory_space<vmem>>
      %dma_wait3A_691 = tpu.memref_squeeze %dma_wait3A_690 : memref<1x16x64xf32, #tpu.memory_space<vmem>> -> memref<16x64xf32, #tpu.memory_space<vmem>>
      %dma_wait3A_692 = arith.constant 96 : i32
      %dma_wait3A_693 = tpu.memref_slice %arg5[%dma_wait3A_686, %dma_wait3A_692] : memref<50x128xi32, #tpu.memory_space<vmem>> -> memref<1x16xi32, #tpu.memory_space<vmem>>
      %dma_wait3A_694 = tpu.memref_squeeze %dma_wait3A_693 : memref<1x16xi32, #tpu.memory_space<vmem>> -> memref<16xi32, #tpu.memory_space<vmem>>
      %dma_wait3A_695 = arith.constant 0 : i32
      %dma_wait3A_696 = arith.constant 0 : i32
      %dma_wait3A_697 = tpu.memref_slice %arg2[%dma_wait3A_695, %dma_wait3A_696] : memref<500032x64xf32, #tpu.memory_space<hbm>> -> memref<500032x64xf32, #tpu.memory_space<hbm>>
      tpu.wait_indirect_dma semaphore(%arg9 : memref<!tpu.dma_semaphore, #tpu.memory_space<semaphore_mem>>) src(%dma_wait3A_697 : memref<500032x64xf32, #tpu.memory_space<hbm>>) dst(%dma_wait3A_691 : memref<16x64xf32, #tpu.memory_space<vmem>>)
      %dma_wait3A_698 = arith.constant 0 : i32
      %dma_wait3A_699 = arith.constant 2 : i32
      %dma_wait3A_700 = arith.constant 112 : i32
      %dma_wait3A_701 = arith.constant 0 : i32
      %dma_wait3A_702 = tpu.memref_slice %arg6[%dma_wait3A_699, %dma_wait3A_700, %dma_wait3A_701] : memref<5x128x64xf32, #tpu.memory_space<vmem>> -> memref<1x16x64xf32, #tpu.memory_space<vmem>>
      %dma_wait3A_703 = tpu.memref_squeeze %dma_wait3A_702 : memref<1x16x64xf32, #tpu.memory_space<vmem>> -> memref<16x64xf32, #tpu.memory_space<vmem>>
      %dma_wait3A_704 = arith.constant 112 : i32
      %dma_wait3A_705 = tpu.memref_slice %arg5[%dma_wait3A_698, %dma_wait3A_704] : memref<50x128xi32, #tpu.memory_space<vmem>> -> memref<1x16xi32, #tpu.memory_space<vmem>>
      %dma_wait3A_706 = tpu.memref_squeeze %dma_wait3A_705 : memref<1x16xi32, #tpu.memory_space<vmem>> -> memref<16xi32, #tpu.memory_space<vmem>>
      %dma_wait3A_707 = arith.constant 0 : i32
      %dma_wait3A_708 = arith.constant 0 : i32
      %dma_wait3A_709 = tpu.memref_slice %arg2[%dma_wait3A_707, %dma_wait3A_708] : memref<500032x64xf32, #tpu.memory_space<hbm>> -> memref<500032x64xf32, #tpu.memory_space<hbm>>
      tpu.wait_indirect_dma semaphore(%arg9 : memref<!tpu.dma_semaphore, #tpu.memory_space<semaphore_mem>>) src(%dma_wait3A_709 : memref<500032x64xf32, #tpu.memory_space<hbm>>) dst(%dma_wait3A_703 : memref<16x64xf32, #tpu.memory_space<vmem>>)
      %mul3A_710 = arith.constant 128 : i32
      %mul3A_711 = arith.muli %add3A_613, %mul3A_710 : i32
      %add3A_712 = arith.addi %mul3A_2, %mul3A_711 : i32
      %dma_start3A_713 = arith.constant 2 : i32
      %dma_start3A_714 = arith.constant 0 : i32
      %dma_start3A_715 = arith.constant 0 : i32
      %dma_start3A_716 = tpu.memref_slice %arg6[%dma_start3A_713, %dma_start3A_714, %dma_start3A_715] : memref<5x128x64xf32, #tpu.memory_space<vmem>> -> memref<1x128x64xf32, #tpu.memory_space<vmem>>
      %dma_start3A_717 = tpu.memref_squeeze %dma_start3A_716 : memref<1x128x64xf32, #tpu.memory_space<vmem>> -> memref<128x64xf32, #tpu.memory_space<vmem>>
      %dma_start3A_718 = arith.constant 0 : i32
      %dma_start3A_719 = tpu.memref_slice %arg4[%add3A_712, %dma_start3A_718] : memref<204800x64xf32, #tpu.memory_space<hbm>> -> memref<128x64xf32, #tpu.memory_space<hbm>>
      %dma_start3A_720 = arith.constant 0 : i32
      %dma_start3A_721 = tpu.memref_slice %arg4[%add3A_712, %dma_start3A_720] : memref<204800x64xf32, #tpu.memory_space<hbm>> -> memref<128x64xf32, #tpu.memory_space<hbm>>
      %dma_start3A_722 = arith.constant 0 : i32
      %dma_start3A_723 = arith.constant 0 : i32
      %dma_start3A_724 = tpu.memref_slice %arg6[%dma_start3A_713, %dma_start3A_722, %dma_start3A_723] : memref<5x128x64xf32, #tpu.memory_space<vmem>> -> memref<1x128x64xf32, #tpu.memory_space<vmem>>
      %dma_start3A_725 = tpu.memref_squeeze %dma_start3A_724 : memref<1x128x64xf32, #tpu.memory_space<vmem>> -> memref<128x64xf32, #tpu.memory_space<vmem>>
      tpu.enqueue_dma source(%dma_start3A_725 : memref<128x64xf32, #tpu.memory_space<vmem>>) target(%dma_start3A_721 : memref<128x64xf32, #tpu.memory_space<hbm>>) target_semaphore(%arg14 : memref<!tpu.dma_semaphore, #tpu.memory_space<semaphore_mem>>)
      %add3A_726 = arith.constant 3 : i32
      %add3A_727 = arith.addi %add3A_613, %add3A_726 : i32
      %lt3A_728 = arith.constant 50 : i32
      %lt3A_729 = arith.cmpi slt, %add3A_727, %lt3A_728 : i32
      %convert_element_type3A_730 = arith.extui %lt3A_729 : i1 to i32
      %cond3A_731 = arith.constant 0 : i32
      %cond3A_732 = arith.cmpi ne, %convert_element_type3A_730, %cond3A_731 : i32
      scf.if %cond3A_732 {
        %ge3A = arith.constant 2 : i32
        %ge3A_975 = arith.cmpi sge, %add3A_613, %ge3A : i32
        %convert_element_type3A_976 = arith.extui %ge3A_975 : i1 to i32
        %cond3A_977 = arith.constant 0 : i32
        %cond3A_978 = arith.cmpi ne, %convert_element_type3A_976, %cond3A_977 : i32
        scf.if %cond3A_978 {
          %dma_wait3A_1069 = arith.constant 0 : i32
          %dma_wait3A_1070 = arith.constant 0 : i32
          %dma_wait3A_1071 = arith.constant 0 : i32
          %dma_wait3A_1072 = tpu.memref_slice %arg6[%dma_wait3A_1069, %dma_wait3A_1070, %dma_wait3A_1071] : memref<5x128x64xf32, #tpu.memory_space<vmem>> -> memref<1x128x64xf32, #tpu.memory_space<vmem>>
          %dma_wait3A_1073 = tpu.memref_squeeze %dma_wait3A_1072 : memref<1x128x64xf32, #tpu.memory_space<vmem>> -> memref<128x64xf32, #tpu.memory_space<vmem>>
          %dma_wait3A_1074 = arith.constant 0 : i32
          %dma_wait3A_1075 = arith.constant 0 : i32
          %dma_wait3A_1076 = tpu.memref_slice %arg4[%dma_wait3A_1074, %dma_wait3A_1075] : memref<204800x64xf32, #tpu.memory_space<hbm>> -> memref<128x64xf32, #tpu.memory_space<hbm>>
          %dma_wait3A_1077 = arith.constant 0 : i32
          %dma_wait3A_1078 = arith.constant 0 : i32
          %dma_wait3A_1079 = tpu.memref_slice %arg4[%dma_wait3A_1077, %dma_wait3A_1078] : memref<204800x64xf32, #tpu.memory_space<hbm>> -> memref<128x64xf32, #tpu.memory_space<hbm>>
          %dma_wait3A_1080 = arith.constant 0 : i32
          %dma_wait3A_1081 = arith.constant 0 : i32
          %dma_wait3A_1082 = tpu.memref_slice %arg6[%dma_wait3A_1069, %dma_wait3A_1080, %dma_wait3A_1081] : memref<5x128x64xf32, #tpu.memory_space<vmem>> -> memref<1x128x64xf32, #tpu.memory_space<vmem>>
          %dma_wait3A_1083 = tpu.memref_squeeze %dma_wait3A_1082 : memref<1x128x64xf32, #tpu.memory_space<vmem>> -> memref<128x64xf32, #tpu.memory_space<vmem>>
          tpu.wait_dma2 semaphore(%arg12 : memref<!tpu.dma_semaphore, #tpu.memory_space<semaphore_mem>>) src(%dma_wait3A_1083 : memref<128x64xf32, #tpu.memory_space<vmem>>) dst(%dma_wait3A_1079 : memref<128x64xf32, #tpu.memory_space<hbm>>)
        } else {
        }
        %add3A_979 = arith.constant 3 : i32
        %add3A_980 = arith.addi %add3A_613, %add3A_979 : i32
        %dma_start3A_981 = arith.constant 0 : i32
        %dma_start3A_982 = arith.constant 0 : i32
        %dma_start3A_983 = arith.constant 0 : i32
        %dma_start3A_984 = tpu.memref_slice %arg6[%dma_start3A_981, %dma_start3A_982, %dma_start3A_983] : memref<5x128x64xf32, #tpu.memory_space<vmem>> -> memref<1x16x64xf32, #tpu.memory_space<vmem>>
        %dma_start3A_985 = tpu.memref_squeeze %dma_start3A_984 : memref<1x16x64xf32, #tpu.memory_space<vmem>> -> memref<16x64xf32, #tpu.memory_space<vmem>>
        %dma_start3A_986 = arith.constant 0 : i32
        %dma_start3A_987 = tpu.memref_slice %arg5[%add3A_980, %dma_start3A_986] : memref<50x128xi32, #tpu.memory_space<vmem>> -> memref<1x16xi32, #tpu.memory_space<vmem>>
        %dma_start3A_988 = tpu.memref_squeeze %dma_start3A_987 : memref<1x16xi32, #tpu.memory_space<vmem>> -> memref<16xi32, #tpu.memory_space<vmem>>
        %dma_start3A_989 = arith.constant 0 : i32
        %dma_start3A_990 = arith.constant 0 : i32
        %dma_start3A_991 = tpu.memref_slice %arg2[%dma_start3A_989, %dma_start3A_990] : memref<500032x64xf32, #tpu.memory_space<hbm>> -> memref<500032x64xf32, #tpu.memory_space<hbm>>
        tpu.enqueue_indirect_dma source(%dma_start3A_991 : memref<500032x64xf32, #tpu.memory_space<hbm>>) target(%dma_start3A_985 : memref<16x64xf32, #tpu.memory_space<vmem>>) offsets(%dma_start3A_988 : memref<16xi32, #tpu.memory_space<vmem>>) semaphore(%arg7 : memref<!tpu.dma_semaphore, #tpu.memory_space<semaphore_mem>>)
        %dma_start3A_992 = arith.constant 0 : i32
        %dma_start3A_993 = arith.constant 16 : i32
        %dma_start3A_994 = arith.constant 0 : i32
        %dma_start3A_995 = tpu.memref_slice %arg6[%dma_start3A_992, %dma_start3A_993, %dma_start3A_994] : memref<5x128x64xf32, #tpu.memory_space<vmem>> -> memref<1x16x64xf32, #tpu.memory_space<vmem>>
        %dma_start3A_996 = tpu.memref_squeeze %dma_start3A_995 : memref<1x16x64xf32, #tpu.memory_space<vmem>> -> memref<16x64xf32, #tpu.memory_space<vmem>>
        %dma_start3A_997 = arith.constant 16 : i32
        %dma_start3A_998 = tpu.memref_slice %arg5[%add3A_980, %dma_start3A_997] : memref<50x128xi32, #tpu.memory_space<vmem>> -> memref<1x16xi32, #tpu.memory_space<vmem>>
        %dma_start3A_999 = tpu.memref_squeeze %dma_start3A_998 : memref<1x16xi32, #tpu.memory_space<vmem>> -> memref<16xi32, #tpu.memory_space<vmem>>
        %dma_start3A_1000 = arith.constant 0 : i32
        %dma_start3A_1001 = arith.constant 0 : i32
        %dma_start3A_1002 = tpu.memref_slice %arg2[%dma_start3A_1000, %dma_start3A_1001] : memref<500032x64xf32, #tpu.memory_space<hbm>> -> memref<500032x64xf32, #tpu.memory_space<hbm>>
        tpu.enqueue_indirect_dma source(%dma_start3A_1002 : memref<500032x64xf32, #tpu.memory_space<hbm>>) target(%dma_start3A_996 : memref<16x64xf32, #tpu.memory_space<vmem>>) offsets(%dma_start3A_999 : memref<16xi32, #tpu.memory_space<vmem>>) semaphore(%arg7 : memref<!tpu.dma_semaphore, #tpu.memory_space<semaphore_mem>>)
        %dma_start3A_1003 = arith.constant 0 : i32
        %dma_start3A_1004 = arith.constant 32 : i32
        %dma_start3A_1005 = arith.constant 0 : i32
        %dma_start3A_1006 = tpu.memref_slice %arg6[%dma_start3A_1003, %dma_start3A_1004, %dma_start3A_1005] : memref<5x128x64xf32, #tpu.memory_space<vmem>> -> memref<1x16x64xf32, #tpu.memory_space<vmem>>
        %dma_start3A_1007 = tpu.memref_squeeze %dma_start3A_1006 : memref<1x16x64xf32, #tpu.memory_space<vmem>> -> memref<16x64xf32, #tpu.memory_space<vmem>>
        %dma_start3A_1008 = arith.constant 32 : i32
        %dma_start3A_1009 = tpu.memref_slice %arg5[%add3A_980, %dma_start3A_1008] : memref<50x128xi32, #tpu.memory_space<vmem>> -> memref<1x16xi32, #tpu.memory_space<vmem>>
        %dma_start3A_1010 = tpu.memref_squeeze %dma_start3A_1009 : memref<1x16xi32, #tpu.memory_space<vmem>> -> memref<16xi32, #tpu.memory_space<vmem>>
        %dma_start3A_1011 = arith.constant 0 : i32
        %dma_start3A_1012 = arith.constant 0 : i32
        %dma_start3A_1013 = tpu.memref_slice %arg2[%dma_start3A_1011, %dma_start3A_1012] : memref<500032x64xf32, #tpu.memory_space<hbm>> -> memref<500032x64xf32, #tpu.memory_space<hbm>>
        tpu.enqueue_indirect_dma source(%dma_start3A_1013 : memref<500032x64xf32, #tpu.memory_space<hbm>>) target(%dma_start3A_1007 : memref<16x64xf32, #tpu.memory_space<vmem>>) offsets(%dma_start3A_1010 : memref<16xi32, #tpu.memory_space<vmem>>) semaphore(%arg7 : memref<!tpu.dma_semaphore, #tpu.memory_space<semaphore_mem>>)
        %dma_start3A_1014 = arith.constant 0 : i32
        %dma_start3A_1015 = arith.constant 48 : i32
        %dma_start3A_1016 = arith.constant 0 : i32
        %dma_start3A_1017 = tpu.memref_slice %arg6[%dma_start3A_1014, %dma_start3A_1015, %dma_start3A_1016] : memref<5x128x64xf32, #tpu.memory_space<vmem>> -> memref<1x16x64xf32, #tpu.memory_space<vmem>>
        %dma_start3A_1018 = tpu.memref_squeeze %dma_start3A_1017 : memref<1x16x64xf32, #tpu.memory_space<vmem>> -> memref<16x64xf32, #tpu.memory_space<vmem>>
        %dma_start3A_1019 = arith.constant 48 : i32
        %dma_start3A_1020 = tpu.memref_slice %arg5[%add3A_980, %dma_start3A_1019] : memref<50x128xi32, #tpu.memory_space<vmem>> -> memref<1x16xi32, #tpu.memory_space<vmem>>
        %dma_start3A_1021 = tpu.memref_squeeze %dma_start3A_1020 : memref<1x16xi32, #tpu.memory_space<vmem>> -> memref<16xi32, #tpu.memory_space<vmem>>
        %dma_start3A_1022 = arith.constant 0 : i32
        %dma_start3A_1023 = arith.constant 0 : i32
        %dma_start3A_1024 = tpu.memref_slice %arg2[%dma_start3A_1022, %dma_start3A_1023] : memref<500032x64xf32, #tpu.memory_space<hbm>> -> memref<500032x64xf32, #tpu.memory_space<hbm>>
        tpu.enqueue_indirect_dma source(%dma_start3A_1024 : memref<500032x64xf32, #tpu.memory_space<hbm>>) target(%dma_start3A_1018 : memref<16x64xf32, #tpu.memory_space<vmem>>) offsets(%dma_start3A_1021 : memref<16xi32, #tpu.memory_space<vmem>>) semaphore(%arg7 : memref<!tpu.dma_semaphore, #tpu.memory_space<semaphore_mem>>)
        %dma_start3A_1025 = arith.constant 0 : i32
        %dma_start3A_1026 = arith.constant 64 : i32
        %dma_start3A_1027 = arith.constant 0 : i32
        %dma_start3A_1028 = tpu.memref_slice %arg6[%dma_start3A_1025, %dma_start3A_1026, %dma_start3A_1027] : memref<5x128x64xf32, #tpu.memory_space<vmem>> -> memref<1x16x64xf32, #tpu.memory_space<vmem>>
        %dma_start3A_1029 = tpu.memref_squeeze %dma_start3A_1028 : memref<1x16x64xf32, #tpu.memory_space<vmem>> -> memref<16x64xf32, #tpu.memory_space<vmem>>
        %dma_start3A_1030 = arith.constant 64 : i32
        %dma_start3A_1031 = tpu.memref_slice %arg5[%add3A_980, %dma_start3A_1030] : memref<50x128xi32, #tpu.memory_space<vmem>> -> memref<1x16xi32, #tpu.memory_space<vmem>>
        %dma_start3A_1032 = tpu.memref_squeeze %dma_start3A_1031 : memref<1x16xi32, #tpu.memory_space<vmem>> -> memref<16xi32, #tpu.memory_space<vmem>>
        %dma_start3A_1033 = arith.constant 0 : i32
        %dma_start3A_1034 = arith.constant 0 : i32
        %dma_start3A_1035 = tpu.memref_slice %arg2[%dma_start3A_1033, %dma_start3A_1034] : memref<500032x64xf32, #tpu.memory_space<hbm>> -> memref<500032x64xf32, #tpu.memory_space<hbm>>
        tpu.enqueue_indirect_dma source(%dma_start3A_1035 : memref<500032x64xf32, #tpu.memory_space<hbm>>) target(%dma_start3A_1029 : memref<16x64xf32, #tpu.memory_space<vmem>>) offsets(%dma_start3A_1032 : memref<16xi32, #tpu.memory_space<vmem>>) semaphore(%arg7 : memref<!tpu.dma_semaphore, #tpu.memory_space<semaphore_mem>>)
        %dma_start3A_1036 = arith.constant 0 : i32
        %dma_start3A_1037 = arith.constant 80 : i32
        %dma_start3A_1038 = arith.constant 0 : i32
        %dma_start3A_1039 = tpu.memref_slice %arg6[%dma_start3A_1036, %dma_start3A_1037, %dma_start3A_1038] : memref<5x128x64xf32, #tpu.memory_space<vmem>> -> memref<1x16x64xf32, #tpu.memory_space<vmem>>
        %dma_start3A_1040 = tpu.memref_squeeze %dma_start3A_1039 : memref<1x16x64xf32, #tpu.memory_space<vmem>> -> memref<16x64xf32, #tpu.memory_space<vmem>>
        %dma_start3A_1041 = arith.constant 80 : i32
        %dma_start3A_1042 = tpu.memref_slice %arg5[%add3A_980, %dma_start3A_1041] : memref<50x128xi32, #tpu.memory_space<vmem>> -> memref<1x16xi32, #tpu.memory_space<vmem>>
        %dma_start3A_1043 = tpu.memref_squeeze %dma_start3A_1042 : memref<1x16xi32, #tpu.memory_space<vmem>> -> memref<16xi32, #tpu.memory_space<vmem>>
        %dma_start3A_1044 = arith.constant 0 : i32
        %dma_start3A_1045 = arith.constant 0 : i32
        %dma_start3A_1046 = tpu.memref_slice %arg2[%dma_start3A_1044, %dma_start3A_1045] : memref<500032x64xf32, #tpu.memory_space<hbm>> -> memref<500032x64xf32, #tpu.memory_space<hbm>>
        tpu.enqueue_indirect_dma source(%dma_start3A_1046 : memref<500032x64xf32, #tpu.memory_space<hbm>>) target(%dma_start3A_1040 : memref<16x64xf32, #tpu.memory_space<vmem>>) offsets(%dma_start3A_1043 : memref<16xi32, #tpu.memory_space<vmem>>) semaphore(%arg7 : memref<!tpu.dma_semaphore, #tpu.memory_space<semaphore_mem>>)
        %dma_start3A_1047 = arith.constant 0 : i32
        %dma_start3A_1048 = arith.constant 96 : i32
        %dma_start3A_1049 = arith.constant 0 : i32
        %dma_start3A_1050 = tpu.memref_slice %arg6[%dma_start3A_1047, %dma_start3A_1048, %dma_start3A_1049] : memref<5x128x64xf32, #tpu.memory_space<vmem>> -> memref<1x16x64xf32, #tpu.memory_space<vmem>>
        %dma_start3A_1051 = tpu.memref_squeeze %dma_start3A_1050 : memref<1x16x64xf32, #tpu.memory_space<vmem>> -> memref<16x64xf32, #tpu.memory_space<vmem>>
        %dma_start3A_1052 = arith.constant 96 : i32
        %dma_start3A_1053 = tpu.memref_slice %arg5[%add3A_980, %dma_start3A_1052] : memref<50x128xi32, #tpu.memory_space<vmem>> -> memref<1x16xi32, #tpu.memory_space<vmem>>
        %dma_start3A_1054 = tpu.memref_squeeze %dma_start3A_1053 : memref<1x16xi32, #tpu.memory_space<vmem>> -> memref<16xi32, #tpu.memory_space<vmem>>
        %dma_start3A_1055 = arith.constant 0 : i32
        %dma_start3A_1056 = arith.constant 0 : i32
        %dma_start3A_1057 = tpu.memref_slice %arg2[%dma_start3A_1055, %dma_start3A_1056] : memref<500032x64xf32, #tpu.memory_space<hbm>> -> memref<500032x64xf32, #tpu.memory_space<hbm>>
        tpu.enqueue_indirect_dma source(%dma_start3A_1057 : memref<500032x64xf32, #tpu.memory_space<hbm>>) target(%dma_start3A_1051 : memref<16x64xf32, #tpu.memory_space<vmem>>) offsets(%dma_start3A_1054 : memref<16xi32, #tpu.memory_space<vmem>>) semaphore(%arg7 : memref<!tpu.dma_semaphore, #tpu.memory_space<semaphore_mem>>)
        %dma_start3A_1058 = arith.constant 0 : i32
        %dma_start3A_1059 = arith.constant 112 : i32
        %dma_start3A_1060 = arith.constant 0 : i32
        %dma_start3A_1061 = tpu.memref_slice %arg6[%dma_start3A_1058, %dma_start3A_1059, %dma_start3A_1060] : memref<5x128x64xf32, #tpu.memory_space<vmem>> -> memref<1x16x64xf32, #tpu.memory_space<vmem>>
        %dma_start3A_1062 = tpu.memref_squeeze %dma_start3A_1061 : memref<1x16x64xf32, #tpu.memory_space<vmem>> -> memref<16x64xf32, #tpu.memory_space<vmem>>
        %dma_start3A_1063 = arith.constant 112 : i32
        %dma_start3A_1064 = tpu.memref_slice %arg5[%add3A_980, %dma_start3A_1063] : memref<50x128xi32, #tpu.memory_space<vmem>> -> memref<1x16xi32, #tpu.memory_space<vmem>>
        %dma_start3A_1065 = tpu.memref_squeeze %dma_start3A_1064 : memref<1x16xi32, #tpu.memory_space<vmem>> -> memref<16xi32, #tpu.memory_space<vmem>>
        %dma_start3A_1066 = arith.constant 0 : i32
        %dma_start3A_1067 = arith.constant 0 : i32
        %dma_start3A_1068 = tpu.memref_slice %arg2[%dma_start3A_1066, %dma_start3A_1067] : memref<500032x64xf32, #tpu.memory_space<hbm>> -> memref<500032x64xf32, #tpu.memory_space<hbm>>
        tpu.enqueue_indirect_dma source(%dma_start3A_1068 : memref<500032x64xf32, #tpu.memory_space<hbm>>) target(%dma_start3A_1062 : memref<16x64xf32, #tpu.memory_space<vmem>>) offsets(%dma_start3A_1065 : memref<16xi32, #tpu.memory_space<vmem>>) semaphore(%arg7 : memref<!tpu.dma_semaphore, #tpu.memory_space<semaphore_mem>>)
      } else {
      }
      %add3A_733 = arith.constant 3 : i32
      %add3A_734 = arith.addi %add3A_372, %add3A_733 : i32
      %dma_wait3A_735 = arith.constant 0 : i32
      %dma_wait3A_736 = arith.constant 3 : i32
      %dma_wait3A_737 = arith.constant 0 : i32
      %dma_wait3A_738 = arith.constant 0 : i32
      %dma_wait3A_739 = tpu.memref_slice %arg6[%dma_wait3A_736, %dma_wait3A_737, %dma_wait3A_738] : memref<5x128x64xf32, #tpu.memory_space<vmem>> -> memref<1x16x64xf32, #tpu.memory_space<vmem>>
      %dma_wait3A_740 = tpu.memref_squeeze %dma_wait3A_739 : memref<1x16x64xf32, #tpu.memory_space<vmem>> -> memref<16x64xf32, #tpu.memory_space<vmem>>
      %dma_wait3A_741 = arith.constant 0 : i32
      %dma_wait3A_742 = tpu.memref_slice %arg5[%dma_wait3A_735, %dma_wait3A_741] : memref<50x128xi32, #tpu.memory_space<vmem>> -> memref<1x16xi32, #tpu.memory_space<vmem>>
      %dma_wait3A_743 = tpu.memref_squeeze %dma_wait3A_742 : memref<1x16xi32, #tpu.memory_space<vmem>> -> memref<16xi32, #tpu.memory_space<vmem>>
      %dma_wait3A_744 = arith.constant 0 : i32
      %dma_wait3A_745 = arith.constant 0 : i32
      %dma_wait3A_746 = tpu.memref_slice %arg2[%dma_wait3A_744, %dma_wait3A_745] : memref<500032x64xf32, #tpu.memory_space<hbm>> -> memref<500032x64xf32, #tpu.memory_space<hbm>>
      tpu.wait_indirect_dma semaphore(%arg10 : memref<!tpu.dma_semaphore, #tpu.memory_space<semaphore_mem>>) src(%dma_wait3A_746 : memref<500032x64xf32, #tpu.memory_space<hbm>>) dst(%dma_wait3A_740 : memref<16x64xf32, #tpu.memory_space<vmem>>)
      %dma_wait3A_747 = arith.constant 0 : i32
      %dma_wait3A_748 = arith.constant 3 : i32
      %dma_wait3A_749 = arith.constant 16 : i32
      %dma_wait3A_750 = arith.constant 0 : i32
      %dma_wait3A_751 = tpu.memref_slice %arg6[%dma_wait3A_748, %dma_wait3A_749, %dma_wait3A_750] : memref<5x128x64xf32, #tpu.memory_space<vmem>> -> memref<1x16x64xf32, #tpu.memory_space<vmem>>
      %dma_wait3A_752 = tpu.memref_squeeze %dma_wait3A_751 : memref<1x16x64xf32, #tpu.memory_space<vmem>> -> memref<16x64xf32, #tpu.memory_space<vmem>>
      %dma_wait3A_753 = arith.constant 16 : i32
      %dma_wait3A_754 = tpu.memref_slice %arg5[%dma_wait3A_747, %dma_wait3A_753] : memref<50x128xi32, #tpu.memory_space<vmem>> -> memref<1x16xi32, #tpu.memory_space<vmem>>
      %dma_wait3A_755 = tpu.memref_squeeze %dma_wait3A_754 : memref<1x16xi32, #tpu.memory_space<vmem>> -> memref<16xi32, #tpu.memory_space<vmem>>
      %dma_wait3A_756 = arith.constant 0 : i32
      %dma_wait3A_757 = arith.constant 0 : i32
      %dma_wait3A_758 = tpu.memref_slice %arg2[%dma_wait3A_756, %dma_wait3A_757] : memref<500032x64xf32, #tpu.memory_space<hbm>> -> memref<500032x64xf32, #tpu.memory_space<hbm>>
      tpu.wait_indirect_dma semaphore(%arg10 : memref<!tpu.dma_semaphore, #tpu.memory_space<semaphore_mem>>) src(%dma_wait3A_758 : memref<500032x64xf32, #tpu.memory_space<hbm>>) dst(%dma_wait3A_752 : memref<16x64xf32, #tpu.memory_space<vmem>>)
      %dma_wait3A_759 = arith.constant 0 : i32
      %dma_wait3A_760 = arith.constant 3 : i32
      %dma_wait3A_761 = arith.constant 32 : i32
      %dma_wait3A_762 = arith.constant 0 : i32
      %dma_wait3A_763 = tpu.memref_slice %arg6[%dma_wait3A_760, %dma_wait3A_761, %dma_wait3A_762] : memref<5x128x64xf32, #tpu.memory_space<vmem>> -> memref<1x16x64xf32, #tpu.memory_space<vmem>>
      %dma_wait3A_764 = tpu.memref_squeeze %dma_wait3A_763 : memref<1x16x64xf32, #tpu.memory_space<vmem>> -> memref<16x64xf32, #tpu.memory_space<vmem>>
      %dma_wait3A_765 = arith.constant 32 : i32
      %dma_wait3A_766 = tpu.memref_slice %arg5[%dma_wait3A_759, %dma_wait3A_765] : memref<50x128xi32, #tpu.memory_space<vmem>> -> memref<1x16xi32, #tpu.memory_space<vmem>>
      %dma_wait3A_767 = tpu.memref_squeeze %dma_wait3A_766 : memref<1x16xi32, #tpu.memory_space<vmem>> -> memref<16xi32, #tpu.memory_space<vmem>>
      %dma_wait3A_768 = arith.constant 0 : i32
      %dma_wait3A_769 = arith.constant 0 : i32
      %dma_wait3A_770 = tpu.memref_slice %arg2[%dma_wait3A_768, %dma_wait3A_769] : memref<500032x64xf32, #tpu.memory_space<hbm>> -> memref<500032x64xf32, #tpu.memory_space<hbm>>
      tpu.wait_indirect_dma semaphore(%arg10 : memref<!tpu.dma_semaphore, #tpu.memory_space<semaphore_mem>>) src(%dma_wait3A_770 : memref<500032x64xf32, #tpu.memory_space<hbm>>) dst(%dma_wait3A_764 : memref<16x64xf32, #tpu.memory_space<vmem>>)
      %dma_wait3A_771 = arith.constant 0 : i32
      %dma_wait3A_772 = arith.constant 3 : i32
      %dma_wait3A_773 = arith.constant 48 : i32
      %dma_wait3A_774 = arith.constant 0 : i32
      %dma_wait3A_775 = tpu.memref_slice %arg6[%dma_wait3A_772, %dma_wait3A_773, %dma_wait3A_774] : memref<5x128x64xf32, #tpu.memory_space<vmem>> -> memref<1x16x64xf32, #tpu.memory_space<vmem>>
      %dma_wait3A_776 = tpu.memref_squeeze %dma_wait3A_775 : memref<1x16x64xf32, #tpu.memory_space<vmem>> -> memref<16x64xf32, #tpu.memory_space<vmem>>
      %dma_wait3A_777 = arith.constant 48 : i32
      %dma_wait3A_778 = tpu.memref_slice %arg5[%dma_wait3A_771, %dma_wait3A_777] : memref<50x128xi32, #tpu.memory_space<vmem>> -> memref<1x16xi32, #tpu.memory_space<vmem>>
      %dma_wait3A_779 = tpu.memref_squeeze %dma_wait3A_778 : memref<1x16xi32, #tpu.memory_space<vmem>> -> memref<16xi32, #tpu.memory_space<vmem>>
      %dma_wait3A_780 = arith.constant 0 : i32
      %dma_wait3A_781 = arith.constant 0 : i32
      %dma_wait3A_782 = tpu.memref_slice %arg2[%dma_wait3A_780, %dma_wait3A_781] : memref<500032x64xf32, #tpu.memory_space<hbm>> -> memref<500032x64xf32, #tpu.memory_space<hbm>>
      tpu.wait_indirect_dma semaphore(%arg10 : memref<!tpu.dma_semaphore, #tpu.memory_space<semaphore_mem>>) src(%dma_wait3A_782 : memref<500032x64xf32, #tpu.memory_space<hbm>>) dst(%dma_wait3A_776 : memref<16x64xf32, #tpu.memory_space<vmem>>)
      %dma_wait3A_783 = arith.constant 0 : i32
      %dma_wait3A_784 = arith.constant 3 : i32
      %dma_wait3A_785 = arith.constant 64 : i32
      %dma_wait3A_786 = arith.constant 0 : i32
      %dma_wait3A_787 = tpu.memref_slice %arg6[%dma_wait3A_784, %dma_wait3A_785, %dma_wait3A_786] : memref<5x128x64xf32, #tpu.memory_space<vmem>> -> memref<1x16x64xf32, #tpu.memory_space<vmem>>
      %dma_wait3A_788 = tpu.memref_squeeze %dma_wait3A_787 : memref<1x16x64xf32, #tpu.memory_space<vmem>> -> memref<16x64xf32, #tpu.memory_space<vmem>>
      %dma_wait3A_789 = arith.constant 64 : i32
      %dma_wait3A_790 = tpu.memref_slice %arg5[%dma_wait3A_783, %dma_wait3A_789] : memref<50x128xi32, #tpu.memory_space<vmem>> -> memref<1x16xi32, #tpu.memory_space<vmem>>
      %dma_wait3A_791 = tpu.memref_squeeze %dma_wait3A_790 : memref<1x16xi32, #tpu.memory_space<vmem>> -> memref<16xi32, #tpu.memory_space<vmem>>
      %dma_wait3A_792 = arith.constant 0 : i32
      %dma_wait3A_793 = arith.constant 0 : i32
      %dma_wait3A_794 = tpu.memref_slice %arg2[%dma_wait3A_792, %dma_wait3A_793] : memref<500032x64xf32, #tpu.memory_space<hbm>> -> memref<500032x64xf32, #tpu.memory_space<hbm>>
      tpu.wait_indirect_dma semaphore(%arg10 : memref<!tpu.dma_semaphore, #tpu.memory_space<semaphore_mem>>) src(%dma_wait3A_794 : memref<500032x64xf32, #tpu.memory_space<hbm>>) dst(%dma_wait3A_788 : memref<16x64xf32, #tpu.memory_space<vmem>>)
      %dma_wait3A_795 = arith.constant 0 : i32
      %dma_wait3A_796 = arith.constant 3 : i32
      %dma_wait3A_797 = arith.constant 80 : i32
      %dma_wait3A_798 = arith.constant 0 : i32
      %dma_wait3A_799 = tpu.memref_slice %arg6[%dma_wait3A_796, %dma_wait3A_797, %dma_wait3A_798] : memref<5x128x64xf32, #tpu.memory_space<vmem>> -> memref<1x16x64xf32, #tpu.memory_space<vmem>>
      %dma_wait3A_800 = tpu.memref_squeeze %dma_wait3A_799 : memref<1x16x64xf32, #tpu.memory_space<vmem>> -> memref<16x64xf32, #tpu.memory_space<vmem>>
      %dma_wait3A_801 = arith.constant 80 : i32
      %dma_wait3A_802 = tpu.memref_slice %arg5[%dma_wait3A_795, %dma_wait3A_801] : memref<50x128xi32, #tpu.memory_space<vmem>> -> memref<1x16xi32, #tpu.memory_space<vmem>>
      %dma_wait3A_803 = tpu.memref_squeeze %dma_wait3A_802 : memref<1x16xi32, #tpu.memory_space<vmem>> -> memref<16xi32, #tpu.memory_space<vmem>>
      %dma_wait3A_804 = arith.constant 0 : i32
      %dma_wait3A_805 = arith.constant 0 : i32
      %dma_wait3A_806 = tpu.memref_slice %arg2[%dma_wait3A_804, %dma_wait3A_805] : memref<500032x64xf32, #tpu.memory_space<hbm>> -> memref<500032x64xf32, #tpu.memory_space<hbm>>
      tpu.wait_indirect_dma semaphore(%arg10 : memref<!tpu.dma_semaphore, #tpu.memory_space<semaphore_mem>>) src(%dma_wait3A_806 : memref<500032x64xf32, #tpu.memory_space<hbm>>) dst(%dma_wait3A_800 : memref<16x64xf32, #tpu.memory_space<vmem>>)
      %dma_wait3A_807 = arith.constant 0 : i32
      %dma_wait3A_808 = arith.constant 3 : i32
      %dma_wait3A_809 = arith.constant 96 : i32
      %dma_wait3A_810 = arith.constant 0 : i32
      %dma_wait3A_811 = tpu.memref_slice %arg6[%dma_wait3A_808, %dma_wait3A_809, %dma_wait3A_810] : memref<5x128x64xf32, #tpu.memory_space<vmem>> -> memref<1x16x64xf32, #tpu.memory_space<vmem>>
      %dma_wait3A_812 = tpu.memref_squeeze %dma_wait3A_811 : memref<1x16x64xf32, #tpu.memory_space<vmem>> -> memref<16x64xf32, #tpu.memory_space<vmem>>
      %dma_wait3A_813 = arith.constant 96 : i32
      %dma_wait3A_814 = tpu.memref_slice %arg5[%dma_wait3A_807, %dma_wait3A_813] : memref<50x128xi32, #tpu.memory_space<vmem>> -> memref<1x16xi32, #tpu.memory_space<vmem>>
      %dma_wait3A_815 = tpu.memref_squeeze %dma_wait3A_814 : memref<1x16xi32, #tpu.memory_space<vmem>> -> memref<16xi32, #tpu.memory_space<vmem>>
      %dma_wait3A_816 = arith.constant 0 : i32
      %dma_wait3A_817 = arith.constant 0 : i32
      %dma_wait3A_818 = tpu.memref_slice %arg2[%dma_wait3A_816, %dma_wait3A_817] : memref<500032x64xf32, #tpu.memory_space<hbm>> -> memref<500032x64xf32, #tpu.memory_space<hbm>>
      tpu.wait_indirect_dma semaphore(%arg10 : memref<!tpu.dma_semaphore, #tpu.memory_space<semaphore_mem>>) src(%dma_wait3A_818 : memref<500032x64xf32, #tpu.memory_space<hbm>>) dst(%dma_wait3A_812 : memref<16x64xf32, #tpu.memory_space<vmem>>)
      %dma_wait3A_819 = arith.constant 0 : i32
      %dma_wait3A_820 = arith.constant 3 : i32
      %dma_wait3A_821 = arith.constant 112 : i32
      %dma_wait3A_822 = arith.constant 0 : i32
      %dma_wait3A_823 = tpu.memref_slice %arg6[%dma_wait3A_820, %dma_wait3A_821, %dma_wait3A_822] : memref<5x128x64xf32, #tpu.memory_space<vmem>> -> memref<1x16x64xf32, #tpu.memory_space<vmem>>
      %dma_wait3A_824 = tpu.memref_squeeze %dma_wait3A_823 : memref<1x16x64xf32, #tpu.memory_space<vmem>> -> memref<16x64xf32, #tpu.memory_space<vmem>>
      %dma_wait3A_825 = arith.constant 112 : i32
      %dma_wait3A_826 = tpu.memref_slice %arg5[%dma_wait3A_819, %dma_wait3A_825] : memref<50x128xi32, #tpu.memory_space<vmem>> -> memref<1x16xi32, #tpu.memory_space<vmem>>
      %dma_wait3A_827 = tpu.memref_squeeze %dma_wait3A_826 : memref<1x16xi32, #tpu.memory_space<vmem>> -> memref<16xi32, #tpu.memory_space<vmem>>
      %dma_wait3A_828 = arith.constant 0 : i32
      %dma_wait3A_829 = arith.constant 0 : i32
      %dma_wait3A_830 = tpu.memref_slice %arg2[%dma_wait3A_828, %dma_wait3A_829] : memref<500032x64xf32, #tpu.memory_space<hbm>> -> memref<500032x64xf32, #tpu.memory_space<hbm>>
      tpu.wait_indirect_dma semaphore(%arg10 : memref<!tpu.dma_semaphore, #tpu.memory_space<semaphore_mem>>) src(%dma_wait3A_830 : memref<500032x64xf32, #tpu.memory_space<hbm>>) dst(%dma_wait3A_824 : memref<16x64xf32, #tpu.memory_space<vmem>>)
      %mul3A_831 = arith.constant 128 : i32
      %mul3A_832 = arith.muli %add3A_734, %mul3A_831 : i32
      %add3A_833 = arith.addi %mul3A_2, %mul3A_832 : i32
      %dma_start3A_834 = arith.constant 3 : i32
      %dma_start3A_835 = arith.constant 0 : i32
      %dma_start3A_836 = arith.constant 0 : i32
      %dma_start3A_837 = tpu.memref_slice %arg6[%dma_start3A_834, %dma_start3A_835, %dma_start3A_836] : memref<5x128x64xf32, #tpu.memory_space<vmem>> -> memref<1x128x64xf32, #tpu.memory_space<vmem>>
      %dma_start3A_838 = tpu.memref_squeeze %dma_start3A_837 : memref<1x128x64xf32, #tpu.memory_space<vmem>> -> memref<128x64xf32, #tpu.memory_space<vmem>>
      %dma_start3A_839 = arith.constant 0 : i32
      %dma_start3A_840 = tpu.memref_slice %arg4[%add3A_833, %dma_start3A_839] : memref<204800x64xf32, #tpu.memory_space<hbm>> -> memref<128x64xf32, #tpu.memory_space<hbm>>
      %dma_start3A_841 = arith.constant 0 : i32
      %dma_start3A_842 = tpu.memref_slice %arg4[%add3A_833, %dma_start3A_841] : memref<204800x64xf32, #tpu.memory_space<hbm>> -> memref<128x64xf32, #tpu.memory_space<hbm>>
      %dma_start3A_843 = arith.constant 0 : i32
      %dma_start3A_844 = arith.constant 0 : i32
      %dma_start3A_845 = tpu.memref_slice %arg6[%dma_start3A_834, %dma_start3A_843, %dma_start3A_844] : memref<5x128x64xf32, #tpu.memory_space<vmem>> -> memref<1x128x64xf32, #tpu.memory_space<vmem>>
      %dma_start3A_846 = tpu.memref_squeeze %dma_start3A_845 : memref<1x128x64xf32, #tpu.memory_space<vmem>> -> memref<128x64xf32, #tpu.memory_space<vmem>>
      tpu.enqueue_dma source(%dma_start3A_846 : memref<128x64xf32, #tpu.memory_space<vmem>>) target(%dma_start3A_842 : memref<128x64xf32, #tpu.memory_space<hbm>>) target_semaphore(%arg15 : memref<!tpu.dma_semaphore, #tpu.memory_space<semaphore_mem>>)
      %add3A_847 = arith.constant 3 : i32
      %add3A_848 = arith.addi %add3A_734, %add3A_847 : i32
      %lt3A_849 = arith.constant 50 : i32
      %lt3A_850 = arith.cmpi slt, %add3A_848, %lt3A_849 : i32
      %convert_element_type3A_851 = arith.extui %lt3A_850 : i1 to i32
      %cond3A_852 = arith.constant 0 : i32
      %cond3A_853 = arith.cmpi ne, %convert_element_type3A_851, %cond3A_852 : i32
      scf.if %cond3A_853 {
        %ge3A = arith.constant 2 : i32
        %ge3A_975 = arith.cmpi sge, %add3A_734, %ge3A : i32
        %convert_element_type3A_976 = arith.extui %ge3A_975 : i1 to i32
        %cond3A_977 = arith.constant 0 : i32
        %cond3A_978 = arith.cmpi ne, %convert_element_type3A_976, %cond3A_977 : i32
        scf.if %cond3A_978 {
          %dma_wait3A_1069 = arith.constant 1 : i32
          %dma_wait3A_1070 = arith.constant 0 : i32
          %dma_wait3A_1071 = arith.constant 0 : i32
          %dma_wait3A_1072 = tpu.memref_slice %arg6[%dma_wait3A_1069, %dma_wait3A_1070, %dma_wait3A_1071] : memref<5x128x64xf32, #tpu.memory_space<vmem>> -> memref<1x128x64xf32, #tpu.memory_space<vmem>>
          %dma_wait3A_1073 = tpu.memref_squeeze %dma_wait3A_1072 : memref<1x128x64xf32, #tpu.memory_space<vmem>> -> memref<128x64xf32, #tpu.memory_space<vmem>>
          %dma_wait3A_1074 = arith.constant 0 : i32
          %dma_wait3A_1075 = arith.constant 0 : i32
          %dma_wait3A_1076 = tpu.memref_slice %arg4[%dma_wait3A_1074, %dma_wait3A_1075] : memref<204800x64xf32, #tpu.memory_space<hbm>> -> memref<128x64xf32, #tpu.memory_space<hbm>>
          %dma_wait3A_1077 = arith.constant 0 : i32
          %dma_wait3A_1078 = arith.constant 0 : i32
          %dma_wait3A_1079 = tpu.memref_slice %arg4[%dma_wait3A_1077, %dma_wait3A_1078] : memref<204800x64xf32, #tpu.memory_space<hbm>> -> memref<128x64xf32, #tpu.memory_space<hbm>>
          %dma_wait3A_1080 = arith.constant 0 : i32
          %dma_wait3A_1081 = arith.constant 0 : i32
          %dma_wait3A_1082 = tpu.memref_slice %arg6[%dma_wait3A_1069, %dma_wait3A_1080, %dma_wait3A_1081] : memref<5x128x64xf32, #tpu.memory_space<vmem>> -> memref<1x128x64xf32, #tpu.memory_space<vmem>>
          %dma_wait3A_1083 = tpu.memref_squeeze %dma_wait3A_1082 : memref<1x128x64xf32, #tpu.memory_space<vmem>> -> memref<128x64xf32, #tpu.memory_space<vmem>>
          tpu.wait_dma2 semaphore(%arg13 : memref<!tpu.dma_semaphore, #tpu.memory_space<semaphore_mem>>) src(%dma_wait3A_1083 : memref<128x64xf32, #tpu.memory_space<vmem>>) dst(%dma_wait3A_1079 : memref<128x64xf32, #tpu.memory_space<hbm>>)
        } else {
        }
        %add3A_979 = arith.constant 3 : i32
        %add3A_980 = arith.addi %add3A_734, %add3A_979 : i32
        %dma_start3A_981 = arith.constant 1 : i32
        %dma_start3A_982 = arith.constant 0 : i32
        %dma_start3A_983 = arith.constant 0 : i32
        %dma_start3A_984 = tpu.memref_slice %arg6[%dma_start3A_981, %dma_start3A_982, %dma_start3A_983] : memref<5x128x64xf32, #tpu.memory_space<vmem>> -> memref<1x16x64xf32, #tpu.memory_space<vmem>>
        %dma_start3A_985 = tpu.memref_squeeze %dma_start3A_984 : memref<1x16x64xf32, #tpu.memory_space<vmem>> -> memref<16x64xf32, #tpu.memory_space<vmem>>
        %dma_start3A_986 = arith.constant 0 : i32
        %dma_start3A_987 = tpu.memref_slice %arg5[%add3A_980, %dma_start3A_986] : memref<50x128xi32, #tpu.memory_space<vmem>> -> memref<1x16xi32, #tpu.memory_space<vmem>>
        %dma_start3A_988 = tpu.memref_squeeze %dma_start3A_987 : memref<1x16xi32, #tpu.memory_space<vmem>> -> memref<16xi32, #tpu.memory_space<vmem>>
        %dma_start3A_989 = arith.constant 0 : i32
        %dma_start3A_990 = arith.constant 0 : i32
        %dma_start3A_991 = tpu.memref_slice %arg2[%dma_start3A_989, %dma_start3A_990] : memref<500032x64xf32, #tpu.memory_space<hbm>> -> memref<500032x64xf32, #tpu.memory_space<hbm>>
        tpu.enqueue_indirect_dma source(%dma_start3A_991 : memref<500032x64xf32, #tpu.memory_space<hbm>>) target(%dma_start3A_985 : memref<16x64xf32, #tpu.memory_space<vmem>>) offsets(%dma_start3A_988 : memref<16xi32, #tpu.memory_space<vmem>>) semaphore(%arg8 : memref<!tpu.dma_semaphore, #tpu.memory_space<semaphore_mem>>)
        %dma_start3A_992 = arith.constant 1 : i32
        %dma_start3A_993 = arith.constant 16 : i32
        %dma_start3A_994 = arith.constant 0 : i32
        %dma_start3A_995 = tpu.memref_slice %arg6[%dma_start3A_992, %dma_start3A_993, %dma_start3A_994] : memref<5x128x64xf32, #tpu.memory_space<vmem>> -> memref<1x16x64xf32, #tpu.memory_space<vmem>>
        %dma_start3A_996 = tpu.memref_squeeze %dma_start3A_995 : memref<1x16x64xf32, #tpu.memory_space<vmem>> -> memref<16x64xf32, #tpu.memory_space<vmem>>
        %dma_start3A_997 = arith.constant 16 : i32
        %dma_start3A_998 = tpu.memref_slice %arg5[%add3A_980, %dma_start3A_997] : memref<50x128xi32, #tpu.memory_space<vmem>> -> memref<1x16xi32, #tpu.memory_space<vmem>>
        %dma_start3A_999 = tpu.memref_squeeze %dma_start3A_998 : memref<1x16xi32, #tpu.memory_space<vmem>> -> memref<16xi32, #tpu.memory_space<vmem>>
        %dma_start3A_1000 = arith.constant 0 : i32
        %dma_start3A_1001 = arith.constant 0 : i32
        %dma_start3A_1002 = tpu.memref_slice %arg2[%dma_start3A_1000, %dma_start3A_1001] : memref<500032x64xf32, #tpu.memory_space<hbm>> -> memref<500032x64xf32, #tpu.memory_space<hbm>>
        tpu.enqueue_indirect_dma source(%dma_start3A_1002 : memref<500032x64xf32, #tpu.memory_space<hbm>>) target(%dma_start3A_996 : memref<16x64xf32, #tpu.memory_space<vmem>>) offsets(%dma_start3A_999 : memref<16xi32, #tpu.memory_space<vmem>>) semaphore(%arg8 : memref<!tpu.dma_semaphore, #tpu.memory_space<semaphore_mem>>)
        %dma_start3A_1003 = arith.constant 1 : i32
        %dma_start3A_1004 = arith.constant 32 : i32
        %dma_start3A_1005 = arith.constant 0 : i32
        %dma_start3A_1006 = tpu.memref_slice %arg6[%dma_start3A_1003, %dma_start3A_1004, %dma_start3A_1005] : memref<5x128x64xf32, #tpu.memory_space<vmem>> -> memref<1x16x64xf32, #tpu.memory_space<vmem>>
        %dma_start3A_1007 = tpu.memref_squeeze %dma_start3A_1006 : memref<1x16x64xf32, #tpu.memory_space<vmem>> -> memref<16x64xf32, #tpu.memory_space<vmem>>
        %dma_start3A_1008 = arith.constant 32 : i32
        %dma_start3A_1009 = tpu.memref_slice %arg5[%add3A_980, %dma_start3A_1008] : memref<50x128xi32, #tpu.memory_space<vmem>> -> memref<1x16xi32, #tpu.memory_space<vmem>>
        %dma_start3A_1010 = tpu.memref_squeeze %dma_start3A_1009 : memref<1x16xi32, #tpu.memory_space<vmem>> -> memref<16xi32, #tpu.memory_space<vmem>>
        %dma_start3A_1011 = arith.constant 0 : i32
        %dma_start3A_1012 = arith.constant 0 : i32
        %dma_start3A_1013 = tpu.memref_slice %arg2[%dma_start3A_1011, %dma_start3A_1012] : memref<500032x64xf32, #tpu.memory_space<hbm>> -> memref<500032x64xf32, #tpu.memory_space<hbm>>
        tpu.enqueue_indirect_dma source(%dma_start3A_1013 : memref<500032x64xf32, #tpu.memory_space<hbm>>) target(%dma_start3A_1007 : memref<16x64xf32, #tpu.memory_space<vmem>>) offsets(%dma_start3A_1010 : memref<16xi32, #tpu.memory_space<vmem>>) semaphore(%arg8 : memref<!tpu.dma_semaphore, #tpu.memory_space<semaphore_mem>>)
        %dma_start3A_1014 = arith.constant 1 : i32
        %dma_start3A_1015 = arith.constant 48 : i32
        %dma_start3A_1016 = arith.constant 0 : i32
        %dma_start3A_1017 = tpu.memref_slice %arg6[%dma_start3A_1014, %dma_start3A_1015, %dma_start3A_1016] : memref<5x128x64xf32, #tpu.memory_space<vmem>> -> memref<1x16x64xf32, #tpu.memory_space<vmem>>
        %dma_start3A_1018 = tpu.memref_squeeze %dma_start3A_1017 : memref<1x16x64xf32, #tpu.memory_space<vmem>> -> memref<16x64xf32, #tpu.memory_space<vmem>>
        %dma_start3A_1019 = arith.constant 48 : i32
        %dma_start3A_1020 = tpu.memref_slice %arg5[%add3A_980, %dma_start3A_1019] : memref<50x128xi32, #tpu.memory_space<vmem>> -> memref<1x16xi32, #tpu.memory_space<vmem>>
        %dma_start3A_1021 = tpu.memref_squeeze %dma_start3A_1020 : memref<1x16xi32, #tpu.memory_space<vmem>> -> memref<16xi32, #tpu.memory_space<vmem>>
        %dma_start3A_1022 = arith.constant 0 : i32
        %dma_start3A_1023 = arith.constant 0 : i32
        %dma_start3A_1024 = tpu.memref_slice %arg2[%dma_start3A_1022, %dma_start3A_1023] : memref<500032x64xf32, #tpu.memory_space<hbm>> -> memref<500032x64xf32, #tpu.memory_space<hbm>>
        tpu.enqueue_indirect_dma source(%dma_start3A_1024 : memref<500032x64xf32, #tpu.memory_space<hbm>>) target(%dma_start3A_1018 : memref<16x64xf32, #tpu.memory_space<vmem>>) offsets(%dma_start3A_1021 : memref<16xi32, #tpu.memory_space<vmem>>) semaphore(%arg8 : memref<!tpu.dma_semaphore, #tpu.memory_space<semaphore_mem>>)
        %dma_start3A_1025 = arith.constant 1 : i32
        %dma_start3A_1026 = arith.constant 64 : i32
        %dma_start3A_1027 = arith.constant 0 : i32
        %dma_start3A_1028 = tpu.memref_slice %arg6[%dma_start3A_1025, %dma_start3A_1026, %dma_start3A_1027] : memref<5x128x64xf32, #tpu.memory_space<vmem>> -> memref<1x16x64xf32, #tpu.memory_space<vmem>>
        %dma_start3A_1029 = tpu.memref_squeeze %dma_start3A_1028 : memref<1x16x64xf32, #tpu.memory_space<vmem>> -> memref<16x64xf32, #tpu.memory_space<vmem>>
        %dma_start3A_1030 = arith.constant 64 : i32
        %dma_start3A_1031 = tpu.memref_slice %arg5[%add3A_980, %dma_start3A_1030] : memref<50x128xi32, #tpu.memory_space<vmem>> -> memref<1x16xi32, #tpu.memory_space<vmem>>
        %dma_start3A_1032 = tpu.memref_squeeze %dma_start3A_1031 : memref<1x16xi32, #tpu.memory_space<vmem>> -> memref<16xi32, #tpu.memory_space<vmem>>
        %dma_start3A_1033 = arith.constant 0 : i32
        %dma_start3A_1034 = arith.constant 0 : i32
        %dma_start3A_1035 = tpu.memref_slice %arg2[%dma_start3A_1033, %dma_start3A_1034] : memref<500032x64xf32, #tpu.memory_space<hbm>> -> memref<500032x64xf32, #tpu.memory_space<hbm>>
        tpu.enqueue_indirect_dma source(%dma_start3A_1035 : memref<500032x64xf32, #tpu.memory_space<hbm>>) target(%dma_start3A_1029 : memref<16x64xf32, #tpu.memory_space<vmem>>) offsets(%dma_start3A_1032 : memref<16xi32, #tpu.memory_space<vmem>>) semaphore(%arg8 : memref<!tpu.dma_semaphore, #tpu.memory_space<semaphore_mem>>)
        %dma_start3A_1036 = arith.constant 1 : i32
        %dma_start3A_1037 = arith.constant 80 : i32
        %dma_start3A_1038 = arith.constant 0 : i32
        %dma_start3A_1039 = tpu.memref_slice %arg6[%dma_start3A_1036, %dma_start3A_1037, %dma_start3A_1038] : memref<5x128x64xf32, #tpu.memory_space<vmem>> -> memref<1x16x64xf32, #tpu.memory_space<vmem>>
        %dma_start3A_1040 = tpu.memref_squeeze %dma_start3A_1039 : memref<1x16x64xf32, #tpu.memory_space<vmem>> -> memref<16x64xf32, #tpu.memory_space<vmem>>
        %dma_start3A_1041 = arith.constant 80 : i32
        %dma_start3A_1042 = tpu.memref_slice %arg5[%add3A_980, %dma_start3A_1041] : memref<50x128xi32, #tpu.memory_space<vmem>> -> memref<1x16xi32, #tpu.memory_space<vmem>>
        %dma_start3A_1043 = tpu.memref_squeeze %dma_start3A_1042 : memref<1x16xi32, #tpu.memory_space<vmem>> -> memref<16xi32, #tpu.memory_space<vmem>>
        %dma_start3A_1044 = arith.constant 0 : i32
        %dma_start3A_1045 = arith.constant 0 : i32
        %dma_start3A_1046 = tpu.memref_slice %arg2[%dma_start3A_1044, %dma_start3A_1045] : memref<500032x64xf32, #tpu.memory_space<hbm>> -> memref<500032x64xf32, #tpu.memory_space<hbm>>
        tpu.enqueue_indirect_dma source(%dma_start3A_1046 : memref<500032x64xf32, #tpu.memory_space<hbm>>) target(%dma_start3A_1040 : memref<16x64xf32, #tpu.memory_space<vmem>>) offsets(%dma_start3A_1043 : memref<16xi32, #tpu.memory_space<vmem>>) semaphore(%arg8 : memref<!tpu.dma_semaphore, #tpu.memory_space<semaphore_mem>>)
        %dma_start3A_1047 = arith.constant 1 : i32
        %dma_start3A_1048 = arith.constant 96 : i32
        %dma_start3A_1049 = arith.constant 0 : i32
        %dma_start3A_1050 = tpu.memref_slice %arg6[%dma_start3A_1047, %dma_start3A_1048, %dma_start3A_1049] : memref<5x128x64xf32, #tpu.memory_space<vmem>> -> memref<1x16x64xf32, #tpu.memory_space<vmem>>
        %dma_start3A_1051 = tpu.memref_squeeze %dma_start3A_1050 : memref<1x16x64xf32, #tpu.memory_space<vmem>> -> memref<16x64xf32, #tpu.memory_space<vmem>>
        %dma_start3A_1052 = arith.constant 96 : i32
        %dma_start3A_1053 = tpu.memref_slice %arg5[%add3A_980, %dma_start3A_1052] : memref<50x128xi32, #tpu.memory_space<vmem>> -> memref<1x16xi32, #tpu.memory_space<vmem>>
        %dma_start3A_1054 = tpu.memref_squeeze %dma_start3A_1053 : memref<1x16xi32, #tpu.memory_space<vmem>> -> memref<16xi32, #tpu.memory_space<vmem>>
        %dma_start3A_1055 = arith.constant 0 : i32
        %dma_start3A_1056 = arith.constant 0 : i32
        %dma_start3A_1057 = tpu.memref_slice %arg2[%dma_start3A_1055, %dma_start3A_1056] : memref<500032x64xf32, #tpu.memory_space<hbm>> -> memref<500032x64xf32, #tpu.memory_space<hbm>>
        tpu.enqueue_indirect_dma source(%dma_start3A_1057 : memref<500032x64xf32, #tpu.memory_space<hbm>>) target(%dma_start3A_1051 : memref<16x64xf32, #tpu.memory_space<vmem>>) offsets(%dma_start3A_1054 : memref<16xi32, #tpu.memory_space<vmem>>) semaphore(%arg8 : memref<!tpu.dma_semaphore, #tpu.memory_space<semaphore_mem>>)
        %dma_start3A_1058 = arith.constant 1 : i32
        %dma_start3A_1059 = arith.constant 112 : i32
        %dma_start3A_1060 = arith.constant 0 : i32
        %dma_start3A_1061 = tpu.memref_slice %arg6[%dma_start3A_1058, %dma_start3A_1059, %dma_start3A_1060] : memref<5x128x64xf32, #tpu.memory_space<vmem>> -> memref<1x16x64xf32, #tpu.memory_space<vmem>>
        %dma_start3A_1062 = tpu.memref_squeeze %dma_start3A_1061 : memref<1x16x64xf32, #tpu.memory_space<vmem>> -> memref<16x64xf32, #tpu.memory_space<vmem>>
        %dma_start3A_1063 = arith.constant 112 : i32
        %dma_start3A_1064 = tpu.memref_slice %arg5[%add3A_980, %dma_start3A_1063] : memref<50x128xi32, #tpu.memory_space<vmem>> -> memref<1x16xi32, #tpu.memory_space<vmem>>
        %dma_start3A_1065 = tpu.memref_squeeze %dma_start3A_1064 : memref<1x16xi32, #tpu.memory_space<vmem>> -> memref<16xi32, #tpu.memory_space<vmem>>
        %dma_start3A_1066 = arith.constant 0 : i32
        %dma_start3A_1067 = arith.constant 0 : i32
        %dma_start3A_1068 = tpu.memref_slice %arg2[%dma_start3A_1066, %dma_start3A_1067] : memref<500032x64xf32, #tpu.memory_space<hbm>> -> memref<500032x64xf32, #tpu.memory_space<hbm>>
        tpu.enqueue_indirect_dma source(%dma_start3A_1068 : memref<500032x64xf32, #tpu.memory_space<hbm>>) target(%dma_start3A_1062 : memref<16x64xf32, #tpu.memory_space<vmem>>) offsets(%dma_start3A_1065 : memref<16xi32, #tpu.memory_space<vmem>>) semaphore(%arg8 : memref<!tpu.dma_semaphore, #tpu.memory_space<semaphore_mem>>)
      } else {
      }
      %add3A_854 = arith.constant 4 : i32
      %add3A_855 = arith.addi %add3A_372, %add3A_854 : i32
      %dma_wait3A_856 = arith.constant 0 : i32
      %dma_wait3A_857 = arith.constant 4 : i32
      %dma_wait3A_858 = arith.constant 0 : i32
      %dma_wait3A_859 = arith.constant 0 : i32
      %dma_wait3A_860 = tpu.memref_slice %arg6[%dma_wait3A_857, %dma_wait3A_858, %dma_wait3A_859] : memref<5x128x64xf32, #tpu.memory_space<vmem>> -> memref<1x16x64xf32, #tpu.memory_space<vmem>>
      %dma_wait3A_861 = tpu.memref_squeeze %dma_wait3A_860 : memref<1x16x64xf32, #tpu.memory_space<vmem>> -> memref<16x64xf32, #tpu.memory_space<vmem>>
      %dma_wait3A_862 = arith.constant 0 : i32
      %dma_wait3A_863 = tpu.memref_slice %arg5[%dma_wait3A_856, %dma_wait3A_862] : memref<50x128xi32, #tpu.memory_space<vmem>> -> memref<1x16xi32, #tpu.memory_space<vmem>>
      %dma_wait3A_864 = tpu.memref_squeeze %dma_wait3A_863 : memref<1x16xi32, #tpu.memory_space<vmem>> -> memref<16xi32, #tpu.memory_space<vmem>>
      %dma_wait3A_865 = arith.constant 0 : i32
      %dma_wait3A_866 = arith.constant 0 : i32
      %dma_wait3A_867 = tpu.memref_slice %arg2[%dma_wait3A_865, %dma_wait3A_866] : memref<500032x64xf32, #tpu.memory_space<hbm>> -> memref<500032x64xf32, #tpu.memory_space<hbm>>
      tpu.wait_indirect_dma semaphore(%arg11 : memref<!tpu.dma_semaphore, #tpu.memory_space<semaphore_mem>>) src(%dma_wait3A_867 : memref<500032x64xf32, #tpu.memory_space<hbm>>) dst(%dma_wait3A_861 : memref<16x64xf32, #tpu.memory_space<vmem>>)
      %dma_wait3A_868 = arith.constant 0 : i32
      %dma_wait3A_869 = arith.constant 4 : i32
      %dma_wait3A_870 = arith.constant 16 : i32
      %dma_wait3A_871 = arith.constant 0 : i32
      %dma_wait3A_872 = tpu.memref_slice %arg6[%dma_wait3A_869, %dma_wait3A_870, %dma_wait3A_871] : memref<5x128x64xf32, #tpu.memory_space<vmem>> -> memref<1x16x64xf32, #tpu.memory_space<vmem>>
      %dma_wait3A_873 = tpu.memref_squeeze %dma_wait3A_872 : memref<1x16x64xf32, #tpu.memory_space<vmem>> -> memref<16x64xf32, #tpu.memory_space<vmem>>
      %dma_wait3A_874 = arith.constant 16 : i32
      %dma_wait3A_875 = tpu.memref_slice %arg5[%dma_wait3A_868, %dma_wait3A_874] : memref<50x128xi32, #tpu.memory_space<vmem>> -> memref<1x16xi32, #tpu.memory_space<vmem>>
      %dma_wait3A_876 = tpu.memref_squeeze %dma_wait3A_875 : memref<1x16xi32, #tpu.memory_space<vmem>> -> memref<16xi32, #tpu.memory_space<vmem>>
      %dma_wait3A_877 = arith.constant 0 : i32
      %dma_wait3A_878 = arith.constant 0 : i32
      %dma_wait3A_879 = tpu.memref_slice %arg2[%dma_wait3A_877, %dma_wait3A_878] : memref<500032x64xf32, #tpu.memory_space<hbm>> -> memref<500032x64xf32, #tpu.memory_space<hbm>>
      tpu.wait_indirect_dma semaphore(%arg11 : memref<!tpu.dma_semaphore, #tpu.memory_space<semaphore_mem>>) src(%dma_wait3A_879 : memref<500032x64xf32, #tpu.memory_space<hbm>>) dst(%dma_wait3A_873 : memref<16x64xf32, #tpu.memory_space<vmem>>)
      %dma_wait3A_880 = arith.constant 0 : i32
      %dma_wait3A_881 = arith.constant 4 : i32
      %dma_wait3A_882 = arith.constant 32 : i32
      %dma_wait3A_883 = arith.constant 0 : i32
      %dma_wait3A_884 = tpu.memref_slice %arg6[%dma_wait3A_881, %dma_wait3A_882, %dma_wait3A_883] : memref<5x128x64xf32, #tpu.memory_space<vmem>> -> memref<1x16x64xf32, #tpu.memory_space<vmem>>
      %dma_wait3A_885 = tpu.memref_squeeze %dma_wait3A_884 : memref<1x16x64xf32, #tpu.memory_space<vmem>> -> memref<16x64xf32, #tpu.memory_space<vmem>>
      %dma_wait3A_886 = arith.constant 32 : i32
      %dma_wait3A_887 = tpu.memref_slice %arg5[%dma_wait3A_880, %dma_wait3A_886] : memref<50x128xi32, #tpu.memory_space<vmem>> -> memref<1x16xi32, #tpu.memory_space<vmem>>
      %dma_wait3A_888 = tpu.memref_squeeze %dma_wait3A_887 : memref<1x16xi32, #tpu.memory_space<vmem>> -> memref<16xi32, #tpu.memory_space<vmem>>
      %dma_wait3A_889 = arith.constant 0 : i32
      %dma_wait3A_890 = arith.constant 0 : i32
      %dma_wait3A_891 = tpu.memref_slice %arg2[%dma_wait3A_889, %dma_wait3A_890] : memref<500032x64xf32, #tpu.memory_space<hbm>> -> memref<500032x64xf32, #tpu.memory_space<hbm>>
      tpu.wait_indirect_dma semaphore(%arg11 : memref<!tpu.dma_semaphore, #tpu.memory_space<semaphore_mem>>) src(%dma_wait3A_891 : memref<500032x64xf32, #tpu.memory_space<hbm>>) dst(%dma_wait3A_885 : memref<16x64xf32, #tpu.memory_space<vmem>>)
      %dma_wait3A_892 = arith.constant 0 : i32
      %dma_wait3A_893 = arith.constant 4 : i32
      %dma_wait3A_894 = arith.constant 48 : i32
      %dma_wait3A_895 = arith.constant 0 : i32
      %dma_wait3A_896 = tpu.memref_slice %arg6[%dma_wait3A_893, %dma_wait3A_894, %dma_wait3A_895] : memref<5x128x64xf32, #tpu.memory_space<vmem>> -> memref<1x16x64xf32, #tpu.memory_space<vmem>>
      %dma_wait3A_897 = tpu.memref_squeeze %dma_wait3A_896 : memref<1x16x64xf32, #tpu.memory_space<vmem>> -> memref<16x64xf32, #tpu.memory_space<vmem>>
      %dma_wait3A_898 = arith.constant 48 : i32
      %dma_wait3A_899 = tpu.memref_slice %arg5[%dma_wait3A_892, %dma_wait3A_898] : memref<50x128xi32, #tpu.memory_space<vmem>> -> memref<1x16xi32, #tpu.memory_space<vmem>>
      %dma_wait3A_900 = tpu.memref_squeeze %dma_wait3A_899 : memref<1x16xi32, #tpu.memory_space<vmem>> -> memref<16xi32, #tpu.memory_space<vmem>>
      %dma_wait3A_901 = arith.constant 0 : i32
      %dma_wait3A_902 = arith.constant 0 : i32
      %dma_wait3A_903 = tpu.memref_slice %arg2[%dma_wait3A_901, %dma_wait3A_902] : memref<500032x64xf32, #tpu.memory_space<hbm>> -> memref<500032x64xf32, #tpu.memory_space<hbm>>
      tpu.wait_indirect_dma semaphore(%arg11 : memref<!tpu.dma_semaphore, #tpu.memory_space<semaphore_mem>>) src(%dma_wait3A_903 : memref<500032x64xf32, #tpu.memory_space<hbm>>) dst(%dma_wait3A_897 : memref<16x64xf32, #tpu.memory_space<vmem>>)
      %dma_wait3A_904 = arith.constant 0 : i32
      %dma_wait3A_905 = arith.constant 4 : i32
      %dma_wait3A_906 = arith.constant 64 : i32
      %dma_wait3A_907 = arith.constant 0 : i32
      %dma_wait3A_908 = tpu.memref_slice %arg6[%dma_wait3A_905, %dma_wait3A_906, %dma_wait3A_907] : memref<5x128x64xf32, #tpu.memory_space<vmem>> -> memref<1x16x64xf32, #tpu.memory_space<vmem>>
      %dma_wait3A_909 = tpu.memref_squeeze %dma_wait3A_908 : memref<1x16x64xf32, #tpu.memory_space<vmem>> -> memref<16x64xf32, #tpu.memory_space<vmem>>
      %dma_wait3A_910 = arith.constant 64 : i32
      %dma_wait3A_911 = tpu.memref_slice %arg5[%dma_wait3A_904, %dma_wait3A_910] : memref<50x128xi32, #tpu.memory_space<vmem>> -> memref<1x16xi32, #tpu.memory_space<vmem>>
      %dma_wait3A_912 = tpu.memref_squeeze %dma_wait3A_911 : memref<1x16xi32, #tpu.memory_space<vmem>> -> memref<16xi32, #tpu.memory_space<vmem>>
      %dma_wait3A_913 = arith.constant 0 : i32
      %dma_wait3A_914 = arith.constant 0 : i32
      %dma_wait3A_915 = tpu.memref_slice %arg2[%dma_wait3A_913, %dma_wait3A_914] : memref<500032x64xf32, #tpu.memory_space<hbm>> -> memref<500032x64xf32, #tpu.memory_space<hbm>>
      tpu.wait_indirect_dma semaphore(%arg11 : memref<!tpu.dma_semaphore, #tpu.memory_space<semaphore_mem>>) src(%dma_wait3A_915 : memref<500032x64xf32, #tpu.memory_space<hbm>>) dst(%dma_wait3A_909 : memref<16x64xf32, #tpu.memory_space<vmem>>)
      %dma_wait3A_916 = arith.constant 0 : i32
      %dma_wait3A_917 = arith.constant 4 : i32
      %dma_wait3A_918 = arith.constant 80 : i32
      %dma_wait3A_919 = arith.constant 0 : i32
      %dma_wait3A_920 = tpu.memref_slice %arg6[%dma_wait3A_917, %dma_wait3A_918, %dma_wait3A_919] : memref<5x128x64xf32, #tpu.memory_space<vmem>> -> memref<1x16x64xf32, #tpu.memory_space<vmem>>
      %dma_wait3A_921 = tpu.memref_squeeze %dma_wait3A_920 : memref<1x16x64xf32, #tpu.memory_space<vmem>> -> memref<16x64xf32, #tpu.memory_space<vmem>>
      %dma_wait3A_922 = arith.constant 80 : i32
      %dma_wait3A_923 = tpu.memref_slice %arg5[%dma_wait3A_916, %dma_wait3A_922] : memref<50x128xi32, #tpu.memory_space<vmem>> -> memref<1x16xi32, #tpu.memory_space<vmem>>
      %dma_wait3A_924 = tpu.memref_squeeze %dma_wait3A_923 : memref<1x16xi32, #tpu.memory_space<vmem>> -> memref<16xi32, #tpu.memory_space<vmem>>
      %dma_wait3A_925 = arith.constant 0 : i32
      %dma_wait3A_926 = arith.constant 0 : i32
      %dma_wait3A_927 = tpu.memref_slice %arg2[%dma_wait3A_925, %dma_wait3A_926] : memref<500032x64xf32, #tpu.memory_space<hbm>> -> memref<500032x64xf32, #tpu.memory_space<hbm>>
      tpu.wait_indirect_dma semaphore(%arg11 : memref<!tpu.dma_semaphore, #tpu.memory_space<semaphore_mem>>) src(%dma_wait3A_927 : memref<500032x64xf32, #tpu.memory_space<hbm>>) dst(%dma_wait3A_921 : memref<16x64xf32, #tpu.memory_space<vmem>>)
      %dma_wait3A_928 = arith.constant 0 : i32
      %dma_wait3A_929 = arith.constant 4 : i32
      %dma_wait3A_930 = arith.constant 96 : i32
      %dma_wait3A_931 = arith.constant 0 : i32
      %dma_wait3A_932 = tpu.memref_slice %arg6[%dma_wait3A_929, %dma_wait3A_930, %dma_wait3A_931] : memref<5x128x64xf32, #tpu.memory_space<vmem>> -> memref<1x16x64xf32, #tpu.memory_space<vmem>>
      %dma_wait3A_933 = tpu.memref_squeeze %dma_wait3A_932 : memref<1x16x64xf32, #tpu.memory_space<vmem>> -> memref<16x64xf32, #tpu.memory_space<vmem>>
      %dma_wait3A_934 = arith.constant 96 : i32
      %dma_wait3A_935 = tpu.memref_slice %arg5[%dma_wait3A_928, %dma_wait3A_934] : memref<50x128xi32, #tpu.memory_space<vmem>> -> memref<1x16xi32, #tpu.memory_space<vmem>>
      %dma_wait3A_936 = tpu.memref_squeeze %dma_wait3A_935 : memref<1x16xi32, #tpu.memory_space<vmem>> -> memref<16xi32, #tpu.memory_space<vmem>>
      %dma_wait3A_937 = arith.constant 0 : i32
      %dma_wait3A_938 = arith.constant 0 : i32
      %dma_wait3A_939 = tpu.memref_slice %arg2[%dma_wait3A_937, %dma_wait3A_938] : memref<500032x64xf32, #tpu.memory_space<hbm>> -> memref<500032x64xf32, #tpu.memory_space<hbm>>
      tpu.wait_indirect_dma semaphore(%arg11 : memref<!tpu.dma_semaphore, #tpu.memory_space<semaphore_mem>>) src(%dma_wait3A_939 : memref<500032x64xf32, #tpu.memory_space<hbm>>) dst(%dma_wait3A_933 : memref<16x64xf32, #tpu.memory_space<vmem>>)
      %dma_wait3A_940 = arith.constant 0 : i32
      %dma_wait3A_941 = arith.constant 4 : i32
      %dma_wait3A_942 = arith.constant 112 : i32
      %dma_wait3A_943 = arith.constant 0 : i32
      %dma_wait3A_944 = tpu.memref_slice %arg6[%dma_wait3A_941, %dma_wait3A_942, %dma_wait3A_943] : memref<5x128x64xf32, #tpu.memory_space<vmem>> -> memref<1x16x64xf32, #tpu.memory_space<vmem>>
      %dma_wait3A_945 = tpu.memref_squeeze %dma_wait3A_944 : memref<1x16x64xf32, #tpu.memory_space<vmem>> -> memref<16x64xf32, #tpu.memory_space<vmem>>
      %dma_wait3A_946 = arith.constant 112 : i32
      %dma_wait3A_947 = tpu.memref_slice %arg5[%dma_wait3A_940, %dma_wait3A_946] : memref<50x128xi32, #tpu.memory_space<vmem>> -> memref<1x16xi32, #tpu.memory_space<vmem>>
      %dma_wait3A_948 = tpu.memref_squeeze %dma_wait3A_947 : memref<1x16xi32, #tpu.memory_space<vmem>> -> memref<16xi32, #tpu.memory_space<vmem>>
      %dma_wait3A_949 = arith.constant 0 : i32
      %dma_wait3A_950 = arith.constant 0 : i32
      %dma_wait3A_951 = tpu.memref_slice %arg2[%dma_wait3A_949, %dma_wait3A_950] : memref<500032x64xf32, #tpu.memory_space<hbm>> -> memref<500032x64xf32, #tpu.memory_space<hbm>>
      tpu.wait_indirect_dma semaphore(%arg11 : memref<!tpu.dma_semaphore, #tpu.memory_space<semaphore_mem>>) src(%dma_wait3A_951 : memref<500032x64xf32, #tpu.memory_space<hbm>>) dst(%dma_wait3A_945 : memref<16x64xf32, #tpu.memory_space<vmem>>)
      %mul3A_952 = arith.constant 128 : i32
      %mul3A_953 = arith.muli %add3A_855, %mul3A_952 : i32
      %add3A_954 = arith.addi %mul3A_2, %mul3A_953 : i32
      %dma_start3A_955 = arith.constant 4 : i32
      %dma_start3A_956 = arith.constant 0 : i32
      %dma_start3A_957 = arith.constant 0 : i32
      %dma_start3A_958 = tpu.memref_slice %arg6[%dma_start3A_955, %dma_start3A_956, %dma_start3A_957] : memref<5x128x64xf32, #tpu.memory_space<vmem>> -> memref<1x128x64xf32, #tpu.memory_space<vmem>>
      %dma_start3A_959 = tpu.memref_squeeze %dma_start3A_958 : memref<1x128x64xf32, #tpu.memory_space<vmem>> -> memref<128x64xf32, #tpu.memory_space<vmem>>
      %dma_start3A_960 = arith.constant 0 : i32
      %dma_start3A_961 = tpu.memref_slice %arg4[%add3A_954, %dma_start3A_960] : memref<204800x64xf32, #tpu.memory_space<hbm>> -> memref<128x64xf32, #tpu.memory_space<hbm>>
      %dma_start3A_962 = arith.constant 0 : i32
      %dma_start3A_963 = tpu.memref_slice %arg4[%add3A_954, %dma_start3A_962] : memref<204800x64xf32, #tpu.memory_space<hbm>> -> memref<128x64xf32, #tpu.memory_space<hbm>>
      %dma_start3A_964 = arith.constant 0 : i32
      %dma_start3A_965 = arith.constant 0 : i32
      %dma_start3A_966 = tpu.memref_slice %arg6[%dma_start3A_955, %dma_start3A_964, %dma_start3A_965] : memref<5x128x64xf32, #tpu.memory_space<vmem>> -> memref<1x128x64xf32, #tpu.memory_space<vmem>>
      %dma_start3A_967 = tpu.memref_squeeze %dma_start3A_966 : memref<1x128x64xf32, #tpu.memory_space<vmem>> -> memref<128x64xf32, #tpu.memory_space<vmem>>
      tpu.enqueue_dma source(%dma_start3A_967 : memref<128x64xf32, #tpu.memory_space<vmem>>) target(%dma_start3A_963 : memref<128x64xf32, #tpu.memory_space<hbm>>) target_semaphore(%arg16 : memref<!tpu.dma_semaphore, #tpu.memory_space<semaphore_mem>>)
      %add3A_968 = arith.constant 3 : i32
      %add3A_969 = arith.addi %add3A_855, %add3A_968 : i32
      %lt3A_970 = arith.constant 50 : i32
      %lt3A_971 = arith.cmpi slt, %add3A_969, %lt3A_970 : i32
      %convert_element_type3A_972 = arith.extui %lt3A_971 : i1 to i32
      %cond3A_973 = arith.constant 0 : i32
      %cond3A_974 = arith.cmpi ne, %convert_element_type3A_972, %cond3A_973 : i32
      scf.if %cond3A_974 {
        %ge3A = arith.constant 2 : i32
        %ge3A_975 = arith.cmpi sge, %add3A_855, %ge3A : i32
        %convert_element_type3A_976 = arith.extui %ge3A_975 : i1 to i32
        %cond3A_977 = arith.constant 0 : i32
        %cond3A_978 = arith.cmpi ne, %convert_element_type3A_976, %cond3A_977 : i32
        scf.if %cond3A_978 {
          %dma_wait3A_1069 = arith.constant 2 : i32
          %dma_wait3A_1070 = arith.constant 0 : i32
          %dma_wait3A_1071 = arith.constant 0 : i32
          %dma_wait3A_1072 = tpu.memref_slice %arg6[%dma_wait3A_1069, %dma_wait3A_1070, %dma_wait3A_1071] : memref<5x128x64xf32, #tpu.memory_space<vmem>> -> memref<1x128x64xf32, #tpu.memory_space<vmem>>
          %dma_wait3A_1073 = tpu.memref_squeeze %dma_wait3A_1072 : memref<1x128x64xf32, #tpu.memory_space<vmem>> -> memref<128x64xf32, #tpu.memory_space<vmem>>
          %dma_wait3A_1074 = arith.constant 0 : i32
          %dma_wait3A_1075 = arith.constant 0 : i32
          %dma_wait3A_1076 = tpu.memref_slice %arg4[%dma_wait3A_1074, %dma_wait3A_1075] : memref<204800x64xf32, #tpu.memory_space<hbm>> -> memref<128x64xf32, #tpu.memory_space<hbm>>
          %dma_wait3A_1077 = arith.constant 0 : i32
          %dma_wait3A_1078 = arith.constant 0 : i32
          %dma_wait3A_1079 = tpu.memref_slice %arg4[%dma_wait3A_1077, %dma_wait3A_1078] : memref<204800x64xf32, #tpu.memory_space<hbm>> -> memref<128x64xf32, #tpu.memory_space<hbm>>
          %dma_wait3A_1080 = arith.constant 0 : i32
          %dma_wait3A_1081 = arith.constant 0 : i32
          %dma_wait3A_1082 = tpu.memref_slice %arg6[%dma_wait3A_1069, %dma_wait3A_1080, %dma_wait3A_1081] : memref<5x128x64xf32, #tpu.memory_space<vmem>> -> memref<1x128x64xf32, #tpu.memory_space<vmem>>
          %dma_wait3A_1083 = tpu.memref_squeeze %dma_wait3A_1082 : memref<1x128x64xf32, #tpu.memory_space<vmem>> -> memref<128x64xf32, #tpu.memory_space<vmem>>
          tpu.wait_dma2 semaphore(%arg14 : memref<!tpu.dma_semaphore, #tpu.memory_space<semaphore_mem>>) src(%dma_wait3A_1083 : memref<128x64xf32, #tpu.memory_space<vmem>>) dst(%dma_wait3A_1079 : memref<128x64xf32, #tpu.memory_space<hbm>>)
        } else {
        }
        %add3A_979 = arith.constant 3 : i32
        %add3A_980 = arith.addi %add3A_855, %add3A_979 : i32
        %dma_start3A_981 = arith.constant 2 : i32
        %dma_start3A_982 = arith.constant 0 : i32
        %dma_start3A_983 = arith.constant 0 : i32
        %dma_start3A_984 = tpu.memref_slice %arg6[%dma_start3A_981, %dma_start3A_982, %dma_start3A_983] : memref<5x128x64xf32, #tpu.memory_space<vmem>> -> memref<1x16x64xf32, #tpu.memory_space<vmem>>
        %dma_start3A_985 = tpu.memref_squeeze %dma_start3A_984 : memref<1x16x64xf32, #tpu.memory_space<vmem>> -> memref<16x64xf32, #tpu.memory_space<vmem>>
        %dma_start3A_986 = arith.constant 0 : i32
        %dma_start3A_987 = tpu.memref_slice %arg5[%add3A_980, %dma_start3A_986] : memref<50x128xi32, #tpu.memory_space<vmem>> -> memref<1x16xi32, #tpu.memory_space<vmem>>
        %dma_start3A_988 = tpu.memref_squeeze %dma_start3A_987 : memref<1x16xi32, #tpu.memory_space<vmem>> -> memref<16xi32, #tpu.memory_space<vmem>>
        %dma_start3A_989 = arith.constant 0 : i32
        %dma_start3A_990 = arith.constant 0 : i32
        %dma_start3A_991 = tpu.memref_slice %arg2[%dma_start3A_989, %dma_start3A_990] : memref<500032x64xf32, #tpu.memory_space<hbm>> -> memref<500032x64xf32, #tpu.memory_space<hbm>>
        tpu.enqueue_indirect_dma source(%dma_start3A_991 : memref<500032x64xf32, #tpu.memory_space<hbm>>) target(%dma_start3A_985 : memref<16x64xf32, #tpu.memory_space<vmem>>) offsets(%dma_start3A_988 : memref<16xi32, #tpu.memory_space<vmem>>) semaphore(%arg9 : memref<!tpu.dma_semaphore, #tpu.memory_space<semaphore_mem>>)
        %dma_start3A_992 = arith.constant 2 : i32
        %dma_start3A_993 = arith.constant 16 : i32
        %dma_start3A_994 = arith.constant 0 : i32
        %dma_start3A_995 = tpu.memref_slice %arg6[%dma_start3A_992, %dma_start3A_993, %dma_start3A_994] : memref<5x128x64xf32, #tpu.memory_space<vmem>> -> memref<1x16x64xf32, #tpu.memory_space<vmem>>
        %dma_start3A_996 = tpu.memref_squeeze %dma_start3A_995 : memref<1x16x64xf32, #tpu.memory_space<vmem>> -> memref<16x64xf32, #tpu.memory_space<vmem>>
        %dma_start3A_997 = arith.constant 16 : i32
        %dma_start3A_998 = tpu.memref_slice %arg5[%add3A_980, %dma_start3A_997] : memref<50x128xi32, #tpu.memory_space<vmem>> -> memref<1x16xi32, #tpu.memory_space<vmem>>
        %dma_start3A_999 = tpu.memref_squeeze %dma_start3A_998 : memref<1x16xi32, #tpu.memory_space<vmem>> -> memref<16xi32, #tpu.memory_space<vmem>>
        %dma_start3A_1000 = arith.constant 0 : i32
        %dma_start3A_1001 = arith.constant 0 : i32
        %dma_start3A_1002 = tpu.memref_slice %arg2[%dma_start3A_1000, %dma_start3A_1001] : memref<500032x64xf32, #tpu.memory_space<hbm>> -> memref<500032x64xf32, #tpu.memory_space<hbm>>
        tpu.enqueue_indirect_dma source(%dma_start3A_1002 : memref<500032x64xf32, #tpu.memory_space<hbm>>) target(%dma_start3A_996 : memref<16x64xf32, #tpu.memory_space<vmem>>) offsets(%dma_start3A_999 : memref<16xi32, #tpu.memory_space<vmem>>) semaphore(%arg9 : memref<!tpu.dma_semaphore, #tpu.memory_space<semaphore_mem>>)
        %dma_start3A_1003 = arith.constant 2 : i32
        %dma_start3A_1004 = arith.constant 32 : i32
        %dma_start3A_1005 = arith.constant 0 : i32
        %dma_start3A_1006 = tpu.memref_slice %arg6[%dma_start3A_1003, %dma_start3A_1004, %dma_start3A_1005] : memref<5x128x64xf32, #tpu.memory_space<vmem>> -> memref<1x16x64xf32, #tpu.memory_space<vmem>>
        %dma_start3A_1007 = tpu.memref_squeeze %dma_start3A_1006 : memref<1x16x64xf32, #tpu.memory_space<vmem>> -> memref<16x64xf32, #tpu.memory_space<vmem>>
        %dma_start3A_1008 = arith.constant 32 : i32
        %dma_start3A_1009 = tpu.memref_slice %arg5[%add3A_980, %dma_start3A_1008] : memref<50x128xi32, #tpu.memory_space<vmem>> -> memref<1x16xi32, #tpu.memory_space<vmem>>
        %dma_start3A_1010 = tpu.memref_squeeze %dma_start3A_1009 : memref<1x16xi32, #tpu.memory_space<vmem>> -> memref<16xi32, #tpu.memory_space<vmem>>
        %dma_start3A_1011 = arith.constant 0 : i32
        %dma_start3A_1012 = arith.constant 0 : i32
        %dma_start3A_1013 = tpu.memref_slice %arg2[%dma_start3A_1011, %dma_start3A_1012] : memref<500032x64xf32, #tpu.memory_space<hbm>> -> memref<500032x64xf32, #tpu.memory_space<hbm>>
        tpu.enqueue_indirect_dma source(%dma_start3A_1013 : memref<500032x64xf32, #tpu.memory_space<hbm>>) target(%dma_start3A_1007 : memref<16x64xf32, #tpu.memory_space<vmem>>) offsets(%dma_start3A_1010 : memref<16xi32, #tpu.memory_space<vmem>>) semaphore(%arg9 : memref<!tpu.dma_semaphore, #tpu.memory_space<semaphore_mem>>)
        %dma_start3A_1014 = arith.constant 2 : i32
        %dma_start3A_1015 = arith.constant 48 : i32
        %dma_start3A_1016 = arith.constant 0 : i32
        %dma_start3A_1017 = tpu.memref_slice %arg6[%dma_start3A_1014, %dma_start3A_1015, %dma_start3A_1016] : memref<5x128x64xf32, #tpu.memory_space<vmem>> -> memref<1x16x64xf32, #tpu.memory_space<vmem>>
        %dma_start3A_1018 = tpu.memref_squeeze %dma_start3A_1017 : memref<1x16x64xf32, #tpu.memory_space<vmem>> -> memref<16x64xf32, #tpu.memory_space<vmem>>
        %dma_start3A_1019 = arith.constant 48 : i32
        %dma_start3A_1020 = tpu.memref_slice %arg5[%add3A_980, %dma_start3A_1019] : memref<50x128xi32, #tpu.memory_space<vmem>> -> memref<1x16xi32, #tpu.memory_space<vmem>>
        %dma_start3A_1021 = tpu.memref_squeeze %dma_start3A_1020 : memref<1x16xi32, #tpu.memory_space<vmem>> -> memref<16xi32, #tpu.memory_space<vmem>>
        %dma_start3A_1022 = arith.constant 0 : i32
        %dma_start3A_1023 = arith.constant 0 : i32
        %dma_start3A_1024 = tpu.memref_slice %arg2[%dma_start3A_1022, %dma_start3A_1023] : memref<500032x64xf32, #tpu.memory_space<hbm>> -> memref<500032x64xf32, #tpu.memory_space<hbm>>
        tpu.enqueue_indirect_dma source(%dma_start3A_1024 : memref<500032x64xf32, #tpu.memory_space<hbm>>) target(%dma_start3A_1018 : memref<16x64xf32, #tpu.memory_space<vmem>>) offsets(%dma_start3A_1021 : memref<16xi32, #tpu.memory_space<vmem>>) semaphore(%arg9 : memref<!tpu.dma_semaphore, #tpu.memory_space<semaphore_mem>>)
        %dma_start3A_1025 = arith.constant 2 : i32
        %dma_start3A_1026 = arith.constant 64 : i32
        %dma_start3A_1027 = arith.constant 0 : i32
        %dma_start3A_1028 = tpu.memref_slice %arg6[%dma_start3A_1025, %dma_start3A_1026, %dma_start3A_1027] : memref<5x128x64xf32, #tpu.memory_space<vmem>> -> memref<1x16x64xf32, #tpu.memory_space<vmem>>
        %dma_start3A_1029 = tpu.memref_squeeze %dma_start3A_1028 : memref<1x16x64xf32, #tpu.memory_space<vmem>> -> memref<16x64xf32, #tpu.memory_space<vmem>>
        %dma_start3A_1030 = arith.constant 64 : i32
        %dma_start3A_1031 = tpu.memref_slice %arg5[%add3A_980, %dma_start3A_1030] : memref<50x128xi32, #tpu.memory_space<vmem>> -> memref<1x16xi32, #tpu.memory_space<vmem>>
        %dma_start3A_1032 = tpu.memref_squeeze %dma_start3A_1031 : memref<1x16xi32, #tpu.memory_space<vmem>> -> memref<16xi32, #tpu.memory_space<vmem>>
        %dma_start3A_1033 = arith.constant 0 : i32
        %dma_start3A_1034 = arith.constant 0 : i32
        %dma_start3A_1035 = tpu.memref_slice %arg2[%dma_start3A_1033, %dma_start3A_1034] : memref<500032x64xf32, #tpu.memory_space<hbm>> -> memref<500032x64xf32, #tpu.memory_space<hbm>>
        tpu.enqueue_indirect_dma source(%dma_start3A_1035 : memref<500032x64xf32, #tpu.memory_space<hbm>>) target(%dma_start3A_1029 : memref<16x64xf32, #tpu.memory_space<vmem>>) offsets(%dma_start3A_1032 : memref<16xi32, #tpu.memory_space<vmem>>) semaphore(%arg9 : memref<!tpu.dma_semaphore, #tpu.memory_space<semaphore_mem>>)
        %dma_start3A_1036 = arith.constant 2 : i32
        %dma_start3A_1037 = arith.constant 80 : i32
        %dma_start3A_1038 = arith.constant 0 : i32
        %dma_start3A_1039 = tpu.memref_slice %arg6[%dma_start3A_1036, %dma_start3A_1037, %dma_start3A_1038] : memref<5x128x64xf32, #tpu.memory_space<vmem>> -> memref<1x16x64xf32, #tpu.memory_space<vmem>>
        %dma_start3A_1040 = tpu.memref_squeeze %dma_start3A_1039 : memref<1x16x64xf32, #tpu.memory_space<vmem>> -> memref<16x64xf32, #tpu.memory_space<vmem>>
        %dma_start3A_1041 = arith.constant 80 : i32
        %dma_start3A_1042 = tpu.memref_slice %arg5[%add3A_980, %dma_start3A_1041] : memref<50x128xi32, #tpu.memory_space<vmem>> -> memref<1x16xi32, #tpu.memory_space<vmem>>
        %dma_start3A_1043 = tpu.memref_squeeze %dma_start3A_1042 : memref<1x16xi32, #tpu.memory_space<vmem>> -> memref<16xi32, #tpu.memory_space<vmem>>
        %dma_start3A_1044 = arith.constant 0 : i32
        %dma_start3A_1045 = arith.constant 0 : i32
        %dma_start3A_1046 = tpu.memref_slice %arg2[%dma_start3A_1044, %dma_start3A_1045] : memref<500032x64xf32, #tpu.memory_space<hbm>> -> memref<500032x64xf32, #tpu.memory_space<hbm>>
        tpu.enqueue_indirect_dma source(%dma_start3A_1046 : memref<500032x64xf32, #tpu.memory_space<hbm>>) target(%dma_start3A_1040 : memref<16x64xf32, #tpu.memory_space<vmem>>) offsets(%dma_start3A_1043 : memref<16xi32, #tpu.memory_space<vmem>>) semaphore(%arg9 : memref<!tpu.dma_semaphore, #tpu.memory_space<semaphore_mem>>)
        %dma_start3A_1047 = arith.constant 2 : i32
        %dma_start3A_1048 = arith.constant 96 : i32
        %dma_start3A_1049 = arith.constant 0 : i32
        %dma_start3A_1050 = tpu.memref_slice %arg6[%dma_start3A_1047, %dma_start3A_1048, %dma_start3A_1049] : memref<5x128x64xf32, #tpu.memory_space<vmem>> -> memref<1x16x64xf32, #tpu.memory_space<vmem>>
        %dma_start3A_1051 = tpu.memref_squeeze %dma_start3A_1050 : memref<1x16x64xf32, #tpu.memory_space<vmem>> -> memref<16x64xf32, #tpu.memory_space<vmem>>
        %dma_start3A_1052 = arith.constant 96 : i32
        %dma_start3A_1053 = tpu.memref_slice %arg5[%add3A_980, %dma_start3A_1052] : memref<50x128xi32, #tpu.memory_space<vmem>> -> memref<1x16xi32, #tpu.memory_space<vmem>>
        %dma_start3A_1054 = tpu.memref_squeeze %dma_start3A_1053 : memref<1x16xi32, #tpu.memory_space<vmem>> -> memref<16xi32, #tpu.memory_space<vmem>>
        %dma_start3A_1055 = arith.constant 0 : i32
        %dma_start3A_1056 = arith.constant 0 : i32
        %dma_start3A_1057 = tpu.memref_slice %arg2[%dma_start3A_1055, %dma_start3A_1056] : memref<500032x64xf32, #tpu.memory_space<hbm>> -> memref<500032x64xf32, #tpu.memory_space<hbm>>
        tpu.enqueue_indirect_dma source(%dma_start3A_1057 : memref<500032x64xf32, #tpu.memory_space<hbm>>) target(%dma_start3A_1051 : memref<16x64xf32, #tpu.memory_space<vmem>>) offsets(%dma_start3A_1054 : memref<16xi32, #tpu.memory_space<vmem>>) semaphore(%arg9 : memref<!tpu.dma_semaphore, #tpu.memory_space<semaphore_mem>>)
        %dma_start3A_1058 = arith.constant 2 : i32
        %dma_start3A_1059 = arith.constant 112 : i32
        %dma_start3A_1060 = arith.constant 0 : i32
        %dma_start3A_1061 = tpu.memref_slice %arg6[%dma_start3A_1058, %dma_start3A_1059, %dma_start3A_1060] : memref<5x128x64xf32, #tpu.memory_space<vmem>> -> memref<1x16x64xf32, #tpu.memory_space<vmem>>
        %dma_start3A_1062 = tpu.memref_squeeze %dma_start3A_1061 : memref<1x16x64xf32, #tpu.memory_space<vmem>> -> memref<16x64xf32, #tpu.memory_space<vmem>>
        %dma_start3A_1063 = arith.constant 112 : i32
        %dma_start3A_1064 = tpu.memref_slice %arg5[%add3A_980, %dma_start3A_1063] : memref<50x128xi32, #tpu.memory_space<vmem>> -> memref<1x16xi32, #tpu.memory_space<vmem>>
        %dma_start3A_1065 = tpu.memref_squeeze %dma_start3A_1064 : memref<1x16xi32, #tpu.memory_space<vmem>> -> memref<16xi32, #tpu.memory_space<vmem>>
        %dma_start3A_1066 = arith.constant 0 : i32
        %dma_start3A_1067 = arith.constant 0 : i32
        %dma_start3A_1068 = tpu.memref_slice %arg2[%dma_start3A_1066, %dma_start3A_1067] : memref<500032x64xf32, #tpu.memory_space<hbm>> -> memref<500032x64xf32, #tpu.memory_space<hbm>>
        tpu.enqueue_indirect_dma source(%dma_start3A_1068 : memref<500032x64xf32, #tpu.memory_space<hbm>>) target(%dma_start3A_1062 : memref<16x64xf32, #tpu.memory_space<vmem>>) offsets(%dma_start3A_1065 : memref<16xi32, #tpu.memory_space<vmem>>) semaphore(%arg9 : memref<!tpu.dma_semaphore, #tpu.memory_space<semaphore_mem>>)
      } else {
      }
    }
    %scan3A_293 = arith.constant 10 : i32
    %dma_wait3A = arith.constant 0 : i32
    %dma_wait3A_294 = arith.constant 0 : i32
    %dma_wait3A_295 = arith.constant 0 : i32
    %dma_wait3A_296 = tpu.memref_slice %arg6[%dma_wait3A, %dma_wait3A_294, %dma_wait3A_295] : memref<5x128x64xf32, #tpu.memory_space<vmem>> -> memref<1x128x64xf32, #tpu.memory_space<vmem>>
    %dma_wait3A_297 = tpu.memref_squeeze %dma_wait3A_296 : memref<1x128x64xf32, #tpu.memory_space<vmem>> -> memref<128x64xf32, #tpu.memory_space<vmem>>
    %dma_wait3A_298 = arith.constant 0 : i32
    %dma_wait3A_299 = arith.constant 0 : i32
    %dma_wait3A_300 = tpu.memref_slice %arg4[%dma_wait3A_298, %dma_wait3A_299] : memref<204800x64xf32, #tpu.memory_space<hbm>> -> memref<128x64xf32, #tpu.memory_space<hbm>>
    %dma_wait3A_301 = arith.constant 0 : i32
    %dma_wait3A_302 = arith.constant 0 : i32
    %dma_wait3A_303 = tpu.memref_slice %arg4[%dma_wait3A_301, %dma_wait3A_302] : memref<204800x64xf32, #tpu.memory_space<hbm>> -> memref<128x64xf32, #tpu.memory_space<hbm>>
    %dma_wait3A_304 = arith.constant 0 : i32
    %dma_wait3A_305 = arith.constant 0 : i32
    %dma_wait3A_306 = tpu.memref_slice %arg6[%dma_wait3A, %dma_wait3A_304, %dma_wait3A_305] : memref<5x128x64xf32, #tpu.memory_space<vmem>> -> memref<1x128x64xf32, #tpu.memory_space<vmem>>
    %dma_wait3A_307 = tpu.memref_squeeze %dma_wait3A_306 : memref<1x128x64xf32, #tpu.memory_space<vmem>> -> memref<128x64xf32, #tpu.memory_space<vmem>>
    tpu.wait_dma2 semaphore(%arg12 : memref<!tpu.dma_semaphore, #tpu.memory_space<semaphore_mem>>) src(%dma_wait3A_307 : memref<128x64xf32, #tpu.memory_space<vmem>>) dst(%dma_wait3A_303 : memref<128x64xf32, #tpu.memory_space<hbm>>)
    %dma_wait3A_308 = arith.constant 1 : i32
    %dma_wait3A_309 = arith.constant 0 : i32
    %dma_wait3A_310 = arith.constant 0 : i32
    %dma_wait3A_311 = tpu.memref_slice %arg6[%dma_wait3A_308, %dma_wait3A_309, %dma_wait3A_310] : memref<5x128x64xf32, #tpu.memory_space<vmem>> -> memref<1x128x64xf32, #tpu.memory_space<vmem>>
    %dma_wait3A_312 = tpu.memref_squeeze %dma_wait3A_311 : memref<1x128x64xf32, #tpu.memory_space<vmem>> -> memref<128x64xf32, #tpu.memory_space<vmem>>
    %dma_wait3A_313 = arith.constant 0 : i32
    %dma_wait3A_314 = arith.constant 0 : i32
    %dma_wait3A_315 = tpu.memref_slice %arg4[%dma_wait3A_313, %dma_wait3A_314] : memref<204800x64xf32, #tpu.memory_space<hbm>> -> memref<128x64xf32, #tpu.memory_space<hbm>>
    %dma_wait3A_316 = arith.constant 0 : i32
    %dma_wait3A_317 = arith.constant 0 : i32
    %dma_wait3A_318 = tpu.memref_slice %arg4[%dma_wait3A_316, %dma_wait3A_317] : memref<204800x64xf32, #tpu.memory_space<hbm>> -> memref<128x64xf32, #tpu.memory_space<hbm>>
    %dma_wait3A_319 = arith.constant 0 : i32
    %dma_wait3A_320 = arith.constant 0 : i32
    %dma_wait3A_321 = tpu.memref_slice %arg6[%dma_wait3A_308, %dma_wait3A_319, %dma_wait3A_320] : memref<5x128x64xf32, #tpu.memory_space<vmem>> -> memref<1x128x64xf32, #tpu.memory_space<vmem>>
    %dma_wait3A_322 = tpu.memref_squeeze %dma_wait3A_321 : memref<1x128x64xf32, #tpu.memory_space<vmem>> -> memref<128x64xf32, #tpu.memory_space<vmem>>
    tpu.wait_dma2 semaphore(%arg13 : memref<!tpu.dma_semaphore, #tpu.memory_space<semaphore_mem>>) src(%dma_wait3A_322 : memref<128x64xf32, #tpu.memory_space<vmem>>) dst(%dma_wait3A_318 : memref<128x64xf32, #tpu.memory_space<hbm>>)
    %dma_wait3A_323 = arith.constant 2 : i32
    %dma_wait3A_324 = arith.constant 0 : i32
    %dma_wait3A_325 = arith.constant 0 : i32
    %dma_wait3A_326 = tpu.memref_slice %arg6[%dma_wait3A_323, %dma_wait3A_324, %dma_wait3A_325] : memref<5x128x64xf32, #tpu.memory_space<vmem>> -> memref<1x128x64xf32, #tpu.memory_space<vmem>>
    %dma_wait3A_327 = tpu.memref_squeeze %dma_wait3A_326 : memref<1x128x64xf32, #tpu.memory_space<vmem>> -> memref<128x64xf32, #tpu.memory_space<vmem>>
    %dma_wait3A_328 = arith.constant 0 : i32
    %dma_wait3A_329 = arith.constant 0 : i32
    %dma_wait3A_330 = tpu.memref_slice %arg4[%dma_wait3A_328, %dma_wait3A_329] : memref<204800x64xf32, #tpu.memory_space<hbm>> -> memref<128x64xf32, #tpu.memory_space<hbm>>
    %dma_wait3A_331 = arith.constant 0 : i32
    %dma_wait3A_332 = arith.constant 0 : i32
    %dma_wait3A_333 = tpu.memref_slice %arg4[%dma_wait3A_331, %dma_wait3A_332] : memref<204800x64xf32, #tpu.memory_space<hbm>> -> memref<128x64xf32, #tpu.memory_space<hbm>>
    %dma_wait3A_334 = arith.constant 0 : i32
    %dma_wait3A_335 = arith.constant 0 : i32
    %dma_wait3A_336 = tpu.memref_slice %arg6[%dma_wait3A_323, %dma_wait3A_334, %dma_wait3A_335] : memref<5x128x64xf32, #tpu.memory_space<vmem>> -> memref<1x128x64xf32, #tpu.memory_space<vmem>>
    %dma_wait3A_337 = tpu.memref_squeeze %dma_wait3A_336 : memref<1x128x64xf32, #tpu.memory_space<vmem>> -> memref<128x64xf32, #tpu.memory_space<vmem>>
    tpu.wait_dma2 semaphore(%arg14 : memref<!tpu.dma_semaphore, #tpu.memory_space<semaphore_mem>>) src(%dma_wait3A_337 : memref<128x64xf32, #tpu.memory_space<vmem>>) dst(%dma_wait3A_333 : memref<128x64xf32, #tpu.memory_space<hbm>>)
    %dma_wait3A_338 = arith.constant 3 : i32
    %dma_wait3A_339 = arith.constant 0 : i32
    %dma_wait3A_340 = arith.constant 0 : i32
    %dma_wait3A_341 = tpu.memref_slice %arg6[%dma_wait3A_338, %dma_wait3A_339, %dma_wait3A_340] : memref<5x128x64xf32, #tpu.memory_space<vmem>> -> memref<1x128x64xf32, #tpu.memory_space<vmem>>
    %dma_wait3A_342 = tpu.memref_squeeze %dma_wait3A_341 : memref<1x128x64xf32, #tpu.memory_space<vmem>> -> memref<128x64xf32, #tpu.memory_space<vmem>>
    %dma_wait3A_343 = arith.constant 0 : i32
    %dma_wait3A_344 = arith.constant 0 : i32
    %dma_wait3A_345 = tpu.memref_slice %arg4[%dma_wait3A_343, %dma_wait3A_344] : memref<204800x64xf32, #tpu.memory_space<hbm>> -> memref<128x64xf32, #tpu.memory_space<hbm>>
    %dma_wait3A_346 = arith.constant 0 : i32
    %dma_wait3A_347 = arith.constant 0 : i32
    %dma_wait3A_348 = tpu.memref_slice %arg4[%dma_wait3A_346, %dma_wait3A_347] : memref<204800x64xf32, #tpu.memory_space<hbm>> -> memref<128x64xf32, #tpu.memory_space<hbm>>
    %dma_wait3A_349 = arith.constant 0 : i32
    %dma_wait3A_350 = arith.constant 0 : i32
    %dma_wait3A_351 = tpu.memref_slice %arg6[%dma_wait3A_338, %dma_wait3A_349, %dma_wait3A_350] : memref<5x128x64xf32, #tpu.memory_space<vmem>> -> memref<1x128x64xf32, #tpu.memory_space<vmem>>
    %dma_wait3A_352 = tpu.memref_squeeze %dma_wait3A_351 : memref<1x128x64xf32, #tpu.memory_space<vmem>> -> memref<128x64xf32, #tpu.memory_space<vmem>>
    tpu.wait_dma2 semaphore(%arg15 : memref<!tpu.dma_semaphore, #tpu.memory_space<semaphore_mem>>) src(%dma_wait3A_352 : memref<128x64xf32, #tpu.memory_space<vmem>>) dst(%dma_wait3A_348 : memref<128x64xf32, #tpu.memory_space<hbm>>)
    %dma_wait3A_353 = arith.constant 4 : i32
    %dma_wait3A_354 = arith.constant 0 : i32
    %dma_wait3A_355 = arith.constant 0 : i32
    %dma_wait3A_356 = tpu.memref_slice %arg6[%dma_wait3A_353, %dma_wait3A_354, %dma_wait3A_355] : memref<5x128x64xf32, #tpu.memory_space<vmem>> -> memref<1x128x64xf32, #tpu.memory_space<vmem>>
    %dma_wait3A_357 = tpu.memref_squeeze %dma_wait3A_356 : memref<1x128x64xf32, #tpu.memory_space<vmem>> -> memref<128x64xf32, #tpu.memory_space<vmem>>
    %dma_wait3A_358 = arith.constant 0 : i32
    %dma_wait3A_359 = arith.constant 0 : i32
    %dma_wait3A_360 = tpu.memref_slice %arg4[%dma_wait3A_358, %dma_wait3A_359] : memref<204800x64xf32, #tpu.memory_space<hbm>> -> memref<128x64xf32, #tpu.memory_space<hbm>>
    %dma_wait3A_361 = arith.constant 0 : i32
    %dma_wait3A_362 = arith.constant 0 : i32
    %dma_wait3A_363 = tpu.memref_slice %arg4[%dma_wait3A_361, %dma_wait3A_362] : memref<204800x64xf32, #tpu.memory_space<hbm>> -> memref<128x64xf32, #tpu.memory_space<hbm>>
    %dma_wait3A_364 = arith.constant 0 : i32
    %dma_wait3A_365 = arith.constant 0 : i32
    %dma_wait3A_366 = tpu.memref_slice %arg6[%dma_wait3A_353, %dma_wait3A_364, %dma_wait3A_365] : memref<5x128x64xf32, #tpu.memory_space<vmem>> -> memref<1x128x64xf32, #tpu.memory_space<vmem>>
    %dma_wait3A_367 = tpu.memref_squeeze %dma_wait3A_366 : memref<1x128x64xf32, #tpu.memory_space<vmem>> -> memref<128x64xf32, #tpu.memory_space<vmem>>
    tpu.wait_dma2 semaphore(%arg16 : memref<!tpu.dma_semaphore, #tpu.memory_space<semaphore_mem>>) src(%dma_wait3A_367 : memref<128x64xf32, #tpu.memory_space<vmem>>) dst(%dma_wait3A_363 : memref<128x64xf32, #tpu.memory_space<hbm>>)
    return
  }
}

module attributes {stable_mosaic.version = 14 : i64} {
  func.func @_tc_body(%arg0: i32, %arg1: memref<32x200xi32, #tpu.memory_space<vmem>>, %arg2: memref<32x1xi32, #tpu.memory_space<vmem>>, %arg3: memref<6400x64xf32, #tpu.memory_space<vmem>>, %arg4: memref<6400x64xf32, #tpu.memory_space<vmem>>, %arg5: memref<50x64xf32, #tpu.memory_space<vmem>>, %arg6: memref<50x64xf32, #tpu.memory_space<vmem>>, %arg7: memref<32x64xf32, #tpu.memory_space<vmem>>, %arg8: memref<1x64xf32, #tpu.memory_space<vmem>>, %arg9: memref<1x64xf32, #tpu.memory_space<vmem>>, %arg10: memref<32x200x64xf32, #tpu.memory_space<vmem>>) attributes {dimension_semantics = [#tpu.dimension_semantics<arbitrary>], iteration_bounds = array<i64: 32>, scalar_prefetch = 0 : i64, scratch_operands = 0 : i64, tpu.core_type = #tpu.core_type<tc>, window_params = [{transform_indices = @transform_0, window_bounds = array<i64: 32, 200>}, {transform_indices = @transform_1, window_bounds = array<i64: 32, 1>}, {transform_indices = @transform_2, window_bounds = array<i64: 6400, 64>}, {transform_indices = @transform_3, window_bounds = array<i64: 6400, 64>}, {pipeline_mode = #tpu.pipeline_mode<synchronous>, transform_indices = @transform_4, window_bounds = array<i64: 50, 64>}, {pipeline_mode = #tpu.pipeline_mode<synchronous>, transform_indices = @transform_5, window_bounds = array<i64: 50, 64>}, {pipeline_mode = #tpu.pipeline_mode<synchronous>, transform_indices = @transform_6, window_bounds = array<i64: 32, 64>}, {pipeline_mode = #tpu.pipeline_mode<synchronous>, transform_indices = @transform_7, window_bounds = array<i64: 1, 64>}, {pipeline_mode = #tpu.pipeline_mode<synchronous>, transform_indices = @transform_8, window_bounds = array<i64: 1, 64>}, {transform_indices = @transform_9, window_bounds = array<i64: 32, 200, 64>}]} {
    %get3A = arith.constant 0 : index
    %get3A_0 = arith.constant 0 : index
    %get3A_1 = vector.load %arg1[%get3A, %get3A_0] : memref<32x200xi32, #tpu.memory_space<vmem>>, vector<32x200xi32>
    %get3A_2 = arith.constant 0 : index
    %get3A_3 = arith.constant 0 : index
    %get3A_4 = vector.load %arg3[%get3A_2, %get3A_3] : memref<6400x64xf32, #tpu.memory_space<vmem>>, vector<6400x64xf32>
    %reshape3A = vector.shape_cast %get3A_4 : vector<6400x64xf32> to vector<32x200x64xf32>
    %get3A_5 = arith.constant 0 : index
    %get3A_6 = arith.constant 0 : index
    %get3A_7 = vector.load %arg4[%get3A_5, %get3A_6] : memref<6400x64xf32, #tpu.memory_space<vmem>>, vector<6400x64xf32>
    %reshape3A_8 = vector.shape_cast %get3A_7 : vector<6400x64xf32> to vector<32x200x64xf32>
    %broadcast_in_dim3A = vector.shape_cast %get3A_1 : vector<32x200xi32> to vector<32x200x1xi32>
    %lt3A = arith.constant 499968 : i32
    %lt3A_9 = vector.broadcast %lt3A : i32 to vector<32x200x1xi32>
    %lt3A_10 = arith.cmpi slt, %broadcast_in_dim3A, %lt3A_9 : vector<32x200x1xi32>
    %broadcast_in_dim3A_11 = vector.shape_cast %lt3A_10 : vector<32x200x1xi1> to vector<32x200x1xi1>
    %broadcast_in_dim3A_12 = vector.broadcast %broadcast_in_dim3A_11 : vector<32x200x1xi1> to vector<32x200x64xi1>
    %select_n3A = arith.select %broadcast_in_dim3A_12, %reshape3A, %reshape3A_8 : vector<32x200x64xi1>, vector<32x200x64xf32>
    %ne3A = arith.constant 0 : i32
    %ne3A_13 = vector.broadcast %ne3A : i32 to vector<32x200xi32>
    %ne3A_14 = arith.cmpi ne, %get3A_1, %ne3A_13 : vector<32x200xi32>
    %convert_element_type3A = arith.extui %ne3A_14 : vector<32x200xi1> to vector<32x200xi32>
    %reduce_sum3A = arith.constant dense<0> : vector<32xi32>
    %reduce_sum3A_15 = vector.multi_reduction <add>, %convert_element_type3A, %reduce_sum3A [1] : vector<32x200xi32> to vector<32xi32>
    %broadcast_in_dim3A_16 = vector.shape_cast %reduce_sum3A_15 : vector<32xi32> to vector<32x1xi32>
    %jit3A = arith.constant 5 : i32
    %div3A = vector.broadcast %jit3A : i32 to vector<32x1xi32>
    %div3A_17 = arith.divsi %broadcast_in_dim3A_16, %div3A : vector<32x1xi32>
    %sign3A = arith.constant 0 : i32
    %sign3A_18 = vector.broadcast %sign3A : i32 to vector<32x1xi32>
    %sign3A_19 = arith.cmpi sgt, %broadcast_in_dim3A_16, %sign3A_18 : vector<32x1xi32>
    %sign3A_20 = arith.extui %sign3A_19 : vector<32x1xi1> to vector<32x1xi32>
    %sign3A_21 = arith.constant 0 : i32
    %sign3A_22 = vector.broadcast %sign3A_21 : i32 to vector<32x1xi32>
    %sign3A_23 = arith.cmpi slt, %broadcast_in_dim3A_16, %sign3A_22 : vector<32x1xi32>
    %sign3A_24 = arith.extui %sign3A_23 : vector<32x1xi1> to vector<32x1xi32>
    %sign3A_25 = arith.subi %sign3A_20, %sign3A_24 : vector<32x1xi32>
    %sign3A_26 = arith.constant 0 : i32
    %sign3A_27 = arith.cmpi sgt, %jit3A, %sign3A_26 : i32
    %sign3A_28 = arith.extui %sign3A_27 : i1 to i32
    %sign3A_29 = arith.constant 0 : i32
    %sign3A_30 = arith.cmpi slt, %jit3A, %sign3A_29 : i32
    %sign3A_31 = arith.extui %sign3A_30 : i1 to i32
    %sign3A_32 = arith.subi %sign3A_28, %sign3A_31 : i32
    %ne3A_33 = vector.broadcast %sign3A_32 : i32 to vector<32x1xi32>
    %ne3A_34 = arith.cmpi ne, %sign3A_25, %ne3A_33 : vector<32x1xi32>
    %rem3A = vector.broadcast %jit3A : i32 to vector<32x1xi32>
    %rem3A_35 = arith.remsi %broadcast_in_dim3A_16, %rem3A : vector<32x1xi32>
    %ne3A_36 = arith.constant 0 : i32
    %ne3A_37 = vector.broadcast %ne3A_36 : i32 to vector<32x1xi32>
    %ne3A_38 = arith.cmpi ne, %rem3A_35, %ne3A_37 : vector<32x1xi32>
    %and3A = arith.andi %ne3A_34, %ne3A_38 : vector<32x1xi1>
    %sub3A = arith.constant 1 : i32
    %sub3A_39 = vector.broadcast %sub3A : i32 to vector<32x1xi32>
    %sub3A_40 = arith.subi %div3A_17, %sub3A_39 : vector<32x1xi32>
    %select_n3A_41 = arith.select %and3A, %sub3A_40, %div3A_17 : vector<32x1xi1>, vector<32x1xi32>
    %iota3A = tpu.iota {dimensions = array<i32: 1>} : vector<32x50xi32>
    %eq3A = vector.broadcast %select_n3A_41 : vector<32x1xi32> to vector<32x50xi32>
    %eq3A_42 = arith.cmpi eq, %eq3A, %iota3A : vector<32x50xi32>
    %convert_element_type3A_43 = arith.extui %eq3A_42 : vector<32x50xi1> to vector<32x50xi32>
    %convert_element_type3A_44 = arith.sitofp %convert_element_type3A_43 : vector<32x50xi32> to vector<32x50xf32>
    %get3A_45 = arith.constant 0 : index
    %get3A_46 = arith.constant 0 : index
    %get3A_47 = vector.load %arg2[%get3A_45, %get3A_46] : memref<32x1xi32, #tpu.memory_space<vmem>>, vector<32x1xi32>
    %iota3A_48 = tpu.iota {dimensions = array<i32: 1>} : vector<32x32xi32>
    %eq3A_49 = vector.broadcast %get3A_47 : vector<32x1xi32> to vector<32x32xi32>
    %eq3A_50 = arith.cmpi eq, %eq3A_49, %iota3A_48 : vector<32x32xi32>
    %convert_element_type3A_51 = arith.extui %eq3A_50 : vector<32x32xi1> to vector<32x32xi32>
    %convert_element_type3A_52 = arith.sitofp %convert_element_type3A_51 : vector<32x32xi32> to vector<32x32xf32>
    %get3A_53 = arith.constant 0 : index
    %get3A_54 = arith.constant 0 : index
    %get3A_55 = vector.load %arg6[%get3A_53, %get3A_54] : memref<50x64xf32, #tpu.memory_space<vmem>>, vector<50x64xf32>
    %dot_general3A = arith.constant dense<0.000000e+00> : vector<32x64xf32>
    %dot_general3A_56 = tpu.matmul %convert_element_type3A_44, %get3A_55, %dot_general3A {dimension_numbers = #tpu.dot_dimension_numbers<[1], [0], [0], [1], [0, 0, 1, 1], [], []>, transpose_lhs_hint = false} : vector<32x50xf32>, vector<50x64xf32>, vector<32x64xf32> -> vector<32x64xf32>
    %get3A_57 = arith.constant 0 : index
    %get3A_58 = arith.constant 0 : index
    %get3A_59 = vector.load %arg7[%get3A_57, %get3A_58] : memref<32x64xf32, #tpu.memory_space<vmem>>, vector<32x64xf32>
    %dot_general3A_60 = arith.constant dense<0.000000e+00> : vector<32x64xf32>
    %dot_general3A_61 = tpu.matmul %convert_element_type3A_52, %get3A_59, %dot_general3A_60 {dimension_numbers = #tpu.dot_dimension_numbers<[1], [0], [0], [1], [0, 0, 1, 1], [], []>, transpose_lhs_hint = false} : vector<32x32xf32>, vector<32x64xf32>, vector<32x64xf32> -> vector<32x64xf32>
    %add3A = arith.addf %dot_general3A_56, %dot_general3A_61 : vector<32x64xf32>
    %iota3A_62 = tpu.iota {dimensions = array<i32: 0>} : vector<200x50xi32>
    %jit3A_63 = arith.constant 5 : i32
    %div3A_64 = vector.broadcast %jit3A_63 : i32 to vector<200x50xi32>
    %div3A_65 = arith.divsi %iota3A_62, %div3A_64 : vector<200x50xi32>
    %sign3A_66 = arith.constant 0 : i32
    %sign3A_67 = vector.broadcast %sign3A_66 : i32 to vector<200x50xi32>
    %sign3A_68 = arith.cmpi sgt, %iota3A_62, %sign3A_67 : vector<200x50xi32>
    %sign3A_69 = arith.extui %sign3A_68 : vector<200x50xi1> to vector<200x50xi32>
    %sign3A_70 = arith.constant 0 : i32
    %sign3A_71 = vector.broadcast %sign3A_70 : i32 to vector<200x50xi32>
    %sign3A_72 = arith.cmpi slt, %iota3A_62, %sign3A_71 : vector<200x50xi32>
    %sign3A_73 = arith.extui %sign3A_72 : vector<200x50xi1> to vector<200x50xi32>
    %sign3A_74 = arith.subi %sign3A_69, %sign3A_73 : vector<200x50xi32>
    %sign3A_75 = arith.constant 0 : i32
    %sign3A_76 = arith.cmpi sgt, %jit3A_63, %sign3A_75 : i32
    %sign3A_77 = arith.extui %sign3A_76 : i1 to i32
    %sign3A_78 = arith.constant 0 : i32
    %sign3A_79 = arith.cmpi slt, %jit3A_63, %sign3A_78 : i32
    %sign3A_80 = arith.extui %sign3A_79 : i1 to i32
    %sign3A_81 = arith.subi %sign3A_77, %sign3A_80 : i32
    %ne3A_82 = vector.broadcast %sign3A_81 : i32 to vector<200x50xi32>
    %ne3A_83 = arith.cmpi ne, %sign3A_74, %ne3A_82 : vector<200x50xi32>
    %rem3A_84 = vector.broadcast %jit3A_63 : i32 to vector<200x50xi32>
    %rem3A_85 = arith.remsi %iota3A_62, %rem3A_84 : vector<200x50xi32>
    %ne3A_86 = arith.constant 0 : i32
    %ne3A_87 = vector.broadcast %ne3A_86 : i32 to vector<200x50xi32>
    %ne3A_88 = arith.cmpi ne, %rem3A_85, %ne3A_87 : vector<200x50xi32>
    %and3A_89 = arith.andi %ne3A_83, %ne3A_88 : vector<200x50xi1>
    %sub3A_90 = arith.constant 1 : i32
    %sub3A_91 = vector.broadcast %sub3A_90 : i32 to vector<200x50xi32>
    %sub3A_92 = arith.subi %div3A_65, %sub3A_91 : vector<200x50xi32>
    %select_n3A_93 = arith.select %and3A_89, %sub3A_92, %div3A_65 : vector<200x50xi1>, vector<200x50xi32>
    %iota3A_94 = tpu.iota {dimensions = array<i32: 1>} : vector<200x50xi32>
    %eq3A_95 = arith.cmpi eq, %select_n3A_93, %iota3A_94 : vector<200x50xi32>
    %convert_element_type3A_96 = arith.extui %eq3A_95 : vector<200x50xi1> to vector<200x50xi32>
    %convert_element_type3A_97 = arith.sitofp %convert_element_type3A_96 : vector<200x50xi32> to vector<200x50xf32>
    %get3A_98 = arith.constant 0 : index
    %get3A_99 = arith.constant 0 : index
    %get3A_100 = vector.load %arg5[%get3A_98, %get3A_99] : memref<50x64xf32, #tpu.memory_space<vmem>>, vector<50x64xf32>
    %dot_general3A_101 = arith.constant dense<0.000000e+00> : vector<200x64xf32>
    %dot_general3A_102 = tpu.matmul %convert_element_type3A_97, %get3A_100, %dot_general3A_101 {dimension_numbers = #tpu.dot_dimension_numbers<[1], [0], [0], [1], [0, 0, 1, 1], [], []>, transpose_lhs_hint = false} : vector<200x50xf32>, vector<50x64xf32>, vector<200x64xf32> -> vector<200x64xf32>
    %broadcast_in_dim3A_103 = vector.shape_cast %dot_general3A_102 : vector<200x64xf32> to vector<1x200x64xf32>
    %add3A_104 = vector.broadcast %broadcast_in_dim3A_103 : vector<1x200x64xf32> to vector<32x200x64xf32>
    %add3A_105 = arith.addf %select_n3A, %add3A_104 : vector<32x200x64xf32>
    %broadcast_in_dim3A_106 = vector.shape_cast %add3A : vector<32x64xf32> to vector<32x1x64xf32>
    %add3A_107 = vector.broadcast %broadcast_in_dim3A_106 : vector<32x1x64xf32> to vector<32x200x64xf32>
    %add3A_108 = arith.addf %add3A_105, %add3A_107 : vector<32x200x64xf32>
    %reduce_sum3A_109 = arith.constant dense<0.000000e+00> : vector<32x200xf32>
    %reduce_sum3A_110 = vector.multi_reduction <add>, %add3A_108, %reduce_sum3A_109 [2] : vector<32x200x64xf32> to vector<32x200xf32>
    %broadcast_in_dim3A_111 = vector.shape_cast %reduce_sum3A_110 : vector<32x200xf32> to vector<32x200x1xf32>
    %div3A_112 = arith.constant 6.400000e+01 : f32
    %div3A_113 = vector.broadcast %div3A_112 : f32 to vector<32x200x1xf32>
    %div3A_114 = arith.divf %broadcast_in_dim3A_111, %div3A_113 : vector<32x200x1xf32>
    %sub3A_115 = vector.broadcast %div3A_114 : vector<32x200x1xf32> to vector<32x200x64xf32>
    %sub3A_116 = arith.subf %add3A_108, %sub3A_115 : vector<32x200x64xf32>
    %mul3A = arith.mulf %sub3A_116, %sub3A_116 : vector<32x200x64xf32>
    %reduce_sum3A_117 = arith.constant dense<0.000000e+00> : vector<32x200xf32>
    %reduce_sum3A_118 = vector.multi_reduction <add>, %mul3A, %reduce_sum3A_117 [2] : vector<32x200x64xf32> to vector<32x200xf32>
    %broadcast_in_dim3A_119 = vector.shape_cast %reduce_sum3A_118 : vector<32x200xf32> to vector<32x200x1xf32>
    %div3A_120 = arith.constant 6.400000e+01 : f32
    %div3A_121 = vector.broadcast %div3A_120 : f32 to vector<32x200x1xf32>
    %div3A_122 = arith.divf %broadcast_in_dim3A_119, %div3A_121 : vector<32x200x1xf32>
    %add3A_123 = arith.constant 9.99999996E-13 : f32
    %add3A_124 = vector.broadcast %add3A_123 : f32 to vector<32x200x1xf32>
    %add3A_125 = arith.addf %div3A_122, %add3A_124 : vector<32x200x1xf32>
    %rsqrt3A = math.rsqrt %add3A_125 : vector<32x200x1xf32>
    %mul3A_126 = vector.broadcast %rsqrt3A : vector<32x200x1xf32> to vector<32x200x64xf32>
    %mul3A_127 = arith.mulf %sub3A_116, %mul3A_126 : vector<32x200x64xf32>
    %get3A_128 = arith.constant 0 : index
    %get3A_129 = arith.constant 0 : index
    %get3A_130 = vector.load %arg8[%get3A_128, %get3A_129] : memref<1x64xf32, #tpu.memory_space<vmem>>, vector<1x64xf32>
    %broadcast_in_dim3A_131 = vector.shape_cast %get3A_130 : vector<1x64xf32> to vector<1x1x64xf32>
    %mul3A_132 = vector.broadcast %broadcast_in_dim3A_131 : vector<1x1x64xf32> to vector<32x200x64xf32>
    %mul3A_133 = arith.mulf %mul3A_127, %mul3A_132 : vector<32x200x64xf32>
    %get3A_134 = arith.constant 0 : index
    %get3A_135 = arith.constant 0 : index
    %get3A_136 = vector.load %arg9[%get3A_134, %get3A_135] : memref<1x64xf32, #tpu.memory_space<vmem>>, vector<1x64xf32>
    %broadcast_in_dim3A_137 = vector.shape_cast %get3A_136 : vector<1x64xf32> to vector<1x1x64xf32>
    %add3A_138 = vector.broadcast %broadcast_in_dim3A_137 : vector<1x1x64xf32> to vector<32x200x64xf32>
    %add3A_139 = arith.addf %mul3A_133, %add3A_138 : vector<32x200x64xf32>
    %swap3A = arith.constant 0 : index
    %swap3A_140 = arith.constant 0 : index
    %swap3A_141 = arith.constant 0 : index
    %swap3A_142 = vector.load %arg10[%swap3A, %swap3A_140, %swap3A_141] : memref<32x200x64xf32, #tpu.memory_space<vmem>>, vector<32x200x64xf32>
    tpu.vector_store %arg10[%swap3A, %swap3A_140, %swap3A_141], %add3A_139 {strides = array<i32>} : memref<32x200x64xf32, #tpu.memory_space<vmem>>, vector<32x200x64xf32>,
    return
  }
  func.func @transform_0(%arg0: i32) -> (i32, i32) {
    %c0_i32 = arith.constant 0 : i32
    %c0_i32_0 = arith.constant 0 : i32
    return %arg0, %c0_i32 : i32, i32
  }
  func.func @transform_1(%arg0: i32) -> (i32, i32) {
    %c0_i32 = arith.constant 0 : i32
    %c0_i32_0 = arith.constant 0 : i32
    return %arg0, %c0_i32 : i32, i32
  }
  func.func @transform_2(%arg0: i32) -> (i32, i32) {
    %c0_i32 = arith.constant 0 : i32
    %c0_i32_0 = arith.constant 0 : i32
    return %arg0, %c0_i32 : i32, i32
  }
  func.func @transform_3(%arg0: i32) -> (i32, i32) {
    %c0_i32 = arith.constant 0 : i32
    %c0_i32_0 = arith.constant 0 : i32
    return %arg0, %c0_i32 : i32, i32
  }
  func.func @transform_4(%arg0: i32) -> (i32, i32) {
    %c0_i32 = arith.constant 0 : i32
    %c0_i32_0 = arith.constant 0 : i32
    %c0_i32_1 = arith.constant 0 : i32
    return %c0_i32, %c0_i32_0 : i32, i32
  }
  func.func @transform_5(%arg0: i32) -> (i32, i32) {
    %c0_i32 = arith.constant 0 : i32
    %c0_i32_0 = arith.constant 0 : i32
    %c0_i32_1 = arith.constant 0 : i32
    return %c0_i32, %c0_i32_0 : i32, i32
  }
  func.func @transform_6(%arg0: i32) -> (i32, i32) {
    %c0_i32 = arith.constant 0 : i32
    %c0_i32_0 = arith.constant 0 : i32
    %c0_i32_1 = arith.constant 0 : i32
    return %c0_i32, %c0_i32_0 : i32, i32
  }
  func.func @transform_7(%arg0: i32) -> (i32, i32) {
    %c0_i32 = arith.constant 0 : i32
    %c0_i32_0 = arith.constant 0 : i32
    %c0_i32_1 = arith.constant 0 : i32
    return %c0_i32, %c0_i32_0 : i32, i32
  }
  func.func @transform_8(%arg0: i32) -> (i32, i32) {
    %c0_i32 = arith.constant 0 : i32
    %c0_i32_0 = arith.constant 0 : i32
    %c0_i32_1 = arith.constant 0 : i32
    return %c0_i32, %c0_i32_0 : i32, i32
  }
  func.func @transform_9(%arg0: i32) -> (i32, i32, i32) {
    %c0_i32 = arith.constant 0 : i32
    %c0_i32_0 = arith.constant 0 : i32
    %c0_i32_1 = arith.constant 0 : i32
    return %arg0, %c0_i32, %c0_i32_0 : i32, i32, i32
  }
}

</mosaic_0001>

<sc_bundles>
// kernel: kernel.5.cloned.1.call-start
scs
__scs_entry_jumppad:
0x0: {  	(pc) =	sbr.rel $0x88, $3  }
0x1: {  	(tag) =	ssettag $0x0;
	lr =	simm.s32 $0x1  }
0x2: {  	[smem:$0x3F99] =	sst lr;
	_ =	strace $0xD0000000  }
0x3: {  	_ = 	snop  }
0x4: {  	_ = 	snop  }
0x5: {  	_ = 	snop  }
0x6: {  	_ = 	snop  }
0x7: {  	_ = 	snop  }
__scs_overlays_trampoline_lowered:
0x8: {  	[smem:$0x3FA8] =	sst s0  }
0x9: {  	[smem:$0x3FA9] =	sst s1  }
0xa: {  	[smem:$0x3FAA] =	sst s2  }
0xb: {  	[smem:$0x3FAB] =	sst s3  }
0xc: {  	[smem:$0x3FAC] =	sst s4  }
0xd: {  	[smem:$0x3FAD] =	sst s5  }
0xe: {  	[smem:$0x3FAE] =	sst s6  }
0xf: {  	[smem:$0x3FAF] =	sst s7  }
0x10: {  	[smem:$0x3FB0] =	sst s8  }
0x11: {  	[smem:$0x3FB1] =	sst s9;
	s0 =	simm.s32 @!p0 $0x0  }
0x12: {  	s1 =	sld [smem:$0x3F97];
	s0 =	simm.s32 @p0 $0x1  }
0x13: {  	[smem:$0x3FB2] =	sst s0;
	s0 =	simm.s32 @!p1 $0x0  }
0x14: {  	s2 =	sld [smem:$0x3F96];
	s0 =	simm.s32 @p1 $0x1  }
0x15: {  	[smem:$0x3FB3] =	sst s0;
	s0 =	simm.s32 @!p2 $0x0  }
0x16: {  	s3 =	sld [smem:$0x3FDB];
	s0 =	simm.s32 @p2 $0x1  }
0x17: {  	s4 =	simm.s32 $0x1BF5;
	[smem:$0x3FB5] =	sst s0  }
0x18: {  	s0 =	sld [smem:$0x3F98];
	_ =	swait.ge [sflag:s4], $0x0  }
0x19: {  	s7 =	sld [smem:$0x3F99]  }
0x1a: {  	s8 =	sadd.s32 $0xFFFFE003, lr  }
0x1b: {  	s9 =	sadd.s32 $0xFFFFFEF7, lr;
	s5 =	simm.s32 $0xFFFFFFFF;
	p2 =	slt.u32 s8, $0xFFFFF086  }
0x1c: {  	p1 =	slt.u32 s9, $0xF7A;
	s5 =	simm.s32 @!p2 $0x0  }
0x1d: {  	s5 =	simm.s32 @p1 $0x1;
	p0 =	seq.s32 s7, s2  }
0x1e: {  	s7 =	smul.u32 @!p0 $0xF7A, s2;
	p2 =	seq.s32 @!p0 s5, $0x0  }
0x1f: {  	s9 =	smul.u32 $0xF7A, s1;
	s8 =	simm.s32 @!p0 $0x1BF5;
	p2 =	por !p2, p0  }
0x20: {  	[sflag:s8] =	ssyncset.s32 @!p0 $0xFFFFF086;
	s6 =	sadd.s32 @!p0 s3, s7;
	s7 =	simm.s32 @!p0 $0x108  }
0x21: {  	s3 =	sadd.s32 s3, s9;
	s6 =	sadd.s32 @!p0 $0x88, s6;
	s7 =	simm.s32 @p2 $0x1082  }
0x22: {  	[simem:s7], [sflag:s8] =	dma.local @!p0 [hbm:s6], $0xF7A  }
0x23: {  	s9 =	sor.u32 $0xD0000000, s2;
	s6 =	simm.s32 $0x108;
	_ =	swait.ge @!p0 [sflag:s8], $0x0  }
0x24: {  	s3 =	sadd.s32 $0x88, s3;
	s6 =	simm.s32 @!p1 $0x1082;
	[sflag:s4] =	ssyncset.s32 $0xFFFFF086  }
0x25: {  	[simem:s6], [sflag:s4] =	dma.local [hbm:s3], $0xF7A  }
0x26: {  	[smem:$0x3F99] =	sst s1;
	(tag) =	ssettag s2;
	_ =	strace s9  }
0x27: {  	s1 =	sld [smem:$0x3FA9]  }
0x28: {  	s2 =	sld [smem:$0x3FAA]  }
0x29: {  	s4 =	sld [smem:$0x3FAC]  }
0x2a: {  	p0 =	seq.s32 s5, $0x0;
	s5 =	sld [smem:$0x3FAD]  }
0x2b: {  	s6 =	sld [smem:$0x3FAE]  }
0x2c: {  	s7 =	sld [smem:$0x3FAF]  }
0x2d: {  	s3 =	simm.s32 $0x108;
	s8 =	sld [smem:$0x3FB0]  }
0x2e: {  	s3 =	simm.s32 @!p0 $0x1082;
	s9 =	sld [smem:$0x3FB1]  }
0x2f: {  	lr =	sadd.s32 s0, s3;
	s0 =	sld [smem:$0x3FA8]  }
0x30: {  	s3 =	sld [smem:$0x3FAB]  }
0x31: {  	[smem:$0x3FB4] =	sst s10  }
0x32: {  	s10 =	sld [smem:$0x3FB2];
	_ =	sdelay $0x3  }
0x33: {  	p0 =	seq.s32 s10, $0x1;
	s10 =	sld [smem:$0x3FB4];
	_ =	sdelay $0x3  }
0x34: {  	[smem:$0x3FB4] =	sst s10  }
0x35: {  	s10 =	sld [smem:$0x3FB3];
	_ =	sdelay $0x3  }
0x36: {  	p1 =	seq.s32 s10, $0x1;
	s10 =	sld [smem:$0x3FB4];
	_ =	sdelay $0x3  }
0x37: {  	[smem:$0x3FB4] =	sst s10  }
0x38: {  	s10 =	sld [smem:$0x3FB5]  }
0x39: {  	_ = 	snop;
	(pc) =	sbr.ind lr, $3  }
0x3a: {  	_ = 	snop  }
0x3b: {  	_ = 	snop  }
0x3c: {  	p2 =	seq.s32 s10, $0x1;
	s10 =	sld [smem:$0x3FB4]  }
0x3d: {  	_ =	shalt  }
0x3e: {  	_ =	shalt  }
0x3f: {  	_ =	shalt  }
0x40: {  	_ =	shalt  }
0x41: {  	_ =	shalt  }
0x42: {  	_ =	shalt  }
0x43: {  	_ =	shalt  }
0x44: {  	_ =	shalt  }
0x45: {  	_ =	shalt  }
0x46: {  	_ =	shalt  }
0x47: {  	_ =	shalt  }
0x48: {  	_ =	shalt  }
0x49: {  	_ =	shalt  }
0x4a: {  	_ =	shalt  }
0x4b: {  	_ =	shalt  }
0x4c: {  	_ =	shalt  }
0x4d: {  	_ =	shalt  }
0x4e: {  	_ =	shalt  }
0x4f: {  	_ =	shalt  }
0x50: {  	_ =	shalt  }
0x51: {  	_ =	shalt  }
0x52: {  	_ =	shalt  }
0x53: {  	_ =	shalt  }
0x54: {  	_ =	shalt  }
0x55: {  	_ =	shalt  }
0x56: {  	_ =	shalt  }
0x57: {  	_ =	shalt  }
0x58: {  	_ =	shalt  }
0x59: {  	_ =	shalt  }
0x5a: {  	_ =	shalt  }
0x5b: {  	_ =	shalt  }
0x5c: {  	_ =	shalt  }
0x5d: {  	_ =	shalt  }
0x5e: {  	_ =	shalt  }
0x5f: {  	_ =	shalt  }
0x60: {  	_ =	shalt  }
0x61: {  	_ =	shalt  }
0x62: {  	_ =	shalt  }
0x63: {  	_ =	shalt  }
0x64: {  	_ =	shalt  }
0x65: {  	_ =	shalt  }
0x66: {  	_ =	shalt  }
0x67: {  	_ =	shalt  }
0x68: {  	_ =	shalt  }
0x69: {  	_ =	shalt  }
0x6a: {  	_ =	shalt  }
0x6b: {  	_ =	shalt  }
0x6c: {  	_ =	shalt  }
0x6d: {  	_ =	shalt  }
0x6e: {  	_ =	shalt  }
0x6f: {  	_ =	shalt  }
0x70: {  	_ =	shalt  }
0x71: {  	_ =	shalt  }
0x72: {  	_ =	shalt  }
0x73: {  	_ =	shalt  }
0x74: {  	_ =	shalt  }
0x75: {  	_ =	shalt  }
0x76: {  	_ =	shalt  }
0x77: {  	_ =	shalt  }
0x78: {  	_ =	shalt  }
0x79: {  	_ =	shalt  }
0x7a: {  	_ =	shalt  }
0x7b: {  	_ =	shalt  }
0x7c: {  	_ =	shalt  }
0x7d: {  	_ =	shalt  }
0x7e: {  	_ =	shalt  }
0x7f: {  	_ =	shalt  }
0x80: {  	_ =	shalt  }
0x81: {  	_ =	shalt  }
0x82: {  	_ =	shalt  }
0x83: {  	_ =	shalt  }
0x84: {  	_ =	shalt  }
0x85: {  	_ =	shalt  }
0x86: {  	_ =	shalt  }
0x87: {  	_ =	shalt  }
.Lfunc_end0:
.L_simem_size_0:
called_computation.2_lowered:
.L_overlay_start_0:
0x88: {  	s2 =	sld [smem:$0x3FD9]  }
0x89: {  	s3 =	sld [smem:$0x3FFE];
	_ =	sdelay $0x1  }
0x8a: {  	s1 =	srdreg.scid  }
0x8b: {  	s0 =	sand.u32 $0x1, s1  }
0x8c: {  	s17 =	sshll.u32 s0, $0xA;
	s2 =	sadd.s32 s3, s2  }
0x8d: {  	s2 =	sadd.s32 s2, s17  }
0x8e: {  	[smem:$0x3FC0] =	sst s2  }
0x8f: {  	_ = 	snop  }
0x90: {  	(tm) =	ssettm $0x1  }
0x91: {  	s18 =	sld [smem:$0x3FFB];
	_ =	sdelay $0x3  }
0x92: {  	_ =	strace s18  }
0x93: {  	s2 =	sld [smem:$0x3FFC];
	_ =	sdelay $0x3  }
0x94: {  	_ =	strace s2  }
0x95: {  	s2 =	sld [smem:$0x3FFD];
	_ =	sdelay $0x3  }
0x96: {  	_ =	strace s2  }
0x97: {  	_ =	strace $0x8FFFFFFF  }
0x98: {  	s19 =	sld [smem:$0x3FDB];
	_ =	sdelay $0x1  }
0x99: {  	s20 =	simm.s32 $_scs_section_size  }
0x9a: {  	s4 =	simm.s32 $_size__tile_overlayer_lowered;
	s5 =	simm.s32 $_tile_overlayer_lowered  }
0x9b: {  	s6 =	simm.s32 $0x1BFF;
	s21 =	sshll.u32 s5, $0x1;
	s3 =	sadd.s32 s20, s19  }
0x9c: {  	s22 =	simm.s32 $0x0;
	s4 =	sshll.u32 s4, $0x1;
	s5 =	sadd.s32 s21, s3  }
0x9d: {  	[timem:s22], [sflag:s6] =	dma.local [hbm:s5], s4  }
0x9e: {  	_ =	swait.ge [sflag:s6], s4  }
0x9f: {  	s4 =	ssub.s32 $0x0, s4;
	[sflag:s6] =	ssyncset.done $0x0  }
0xa0: {  	[sflag:s6] =	ssyncadd.s32 s4;
	_ =	sdelay $0x1  }
0xa1: {  	s23 =	simm.s32 $0x1B8B  }
0xa2: {  	_ =	swait.ge [sflag:s23], $0x1  }
0xa3: {  	[sflag:s23] =	ssyncset.done $0x0  }
0xa4: {  	[sflag:s23] =	ssyncadd.s32 $0xFFFFFFFF  }
0xa5: {  	s4 =	sld [smem:$0x0]  }
0xa6: {  	s5 =	sand.u32 $0xFFFFFFFE, s1  }
0xa7: {  	p0 =	sne.s32 s1, s5  }
0xa8: {  	s5 =	sshll.u32 @p0 s5, $0xE  }
0xa9: {  	s5 =	sadd.s32 @p0 $0x11B8D, s5;
	s6 =	sshll.u32 @p0 s4, $0x11  }
0xaa: {  	s5 =	sor.u32 @p0 s6, s5  }
0xab: {  	[sflag:s5] =	ssyncadd.remote.s32 @p0 $0x1;
	_ =	sdelay $0x1  }
0xac: {  	s5 =	simm.s32 @p0 $0x1B8D  }
0xad: {  	_ =	swait.eq @p0 [sflag:s5], $0x1  }
0xae: {  	[sflag:s5] =	ssyncadd.s32 @p0 $0xFFFFFFFF  }
0xaf: {  	s6 =	sshll.u32 @!p0 s1, $0xE  }
0xb0: {  	s6 =	sor.u32 @!p0 $0x4000, s6;
	s5 =	simm.s32 @!p0 $0x1B8D  }
0xb1: {  	s4 =	sshll.u32 @!p0 s4, $0x11;
	s6 =	sadd.s32 @!p0 $0x11B8D, s6;
	_ =	swait.eq @!p0 [sflag:s5], $0x1  }
0xb2: {  	s4 =	sor.u32 @!p0 s4, s6;
	[sflag:s5] =	ssyncadd.s32 @!p0 $0xFFFFFFFF  }
0xb3: {  	s25 =	simm.s32 $0x1B8E;
	s24 =	sld [smem:$0x3FFE];
	[sflag:s4] =	ssyncadd.remote.s32 @!p0 $0x1  }
0xb4: {  	s26 =	simm.s32 $execute0_lowered;
	[smem:$0x3FD2] =	sst s25  }
0xb5: {  	s5 =	sshll.u32 s26, $0x1;
	_ =	strace $0x8000004C;
	[dreg:$0x1] =	wrdreg $0xFFFFFFFF  }
0xb6: {  	s28 =	simm.s32 $_size_execute0_lowered;
	s3 =	sadd.s32 s3, s5;
	[dreg:$0x0] =	wrdreg $0x0  }
0xb7: {  	s5 =	sshll.u32 s28, $0x1;
	[dreg:$0x2] =	wrdreg s3  }
0xb8: {  	[dreg:$0x3] =	wrdreg s5  }
0xb9: {  	[dreg:$0x4] =	wrdreg $0xC0  }
0xba: {  	_ =	task [dreg:s22], $0x5FFFF  }
0xbb: {  	[dreg:$0x1] =	wrdreg $0xFFFFFFFF  }
0xbc: {  	[dreg:$0x0] =	wrdreg $0x60  }
0xbd: {  	[dreg:$0x2] =	wrdreg s24  }
0xbe: {  	[dreg:$0x3] =	wrdreg $0xA  }
0xbf: {  	_ =	task.clear_ibuf [dreg:s22], $0x4FFFF;
	_ =	strace $0x9000004C  }
0xc0: {  	s29 =	simm.s32 $0xA;
	_ =	strace $0x8000004E  }
0xc1: {  	_ =	swait.ge [sflag:s29], $0x1  }
0xc2: {  	[sflag:s29] =	ssyncadd.s32 $0xFFFFFFFF  }
0xc3: {  	_ =	strace $0x9000004E  }
0xc4: {  	_ =	sfence  }
0xc5: {  	s30 =	sld [smem:$0x0];
	_ =	sdelay $0x2  }
0xc6: {  	s31 =	sshll.u32 s1, $0xD;
	s1 =	sshrl.u32 s1, $0x2  }
0xc7: {  	s4 =	sand.u32 $0x4000, s31;
	s1 =	sadd.s32 s1, s30  }
0xc8: {  	s0 =	sor.u32 s4, s0;
	s1 =	sshll.u32 s1, $0x11  }
0xc9: {  	s0 =	sor.u32 s1, s0  }
0xca: {  	s0 =	sadd.s32 $0x8F2B, s0  }
0xcb: {  	[sflag:s0] =	ssyncadd.remote.s32 $0x1  }
0xcc: {  	_ =	sfence.sel $0xFFFF  }
0xcd: {  	[dreg:$0x0] =	wrdreg $0xFFFFFFFF;
	(pc) =	sbr.abs _section_cstart, $3  }
0xce: {  	[dreg:$0x1] =	wrdreg $0xFFFFFFFF  }
0xcf: {  	_ =	task.clear_ibuf [dreg:s22], $0x2FFFF;
	_ =	strace $0x9FFFFFFF  }
0xd0: {  	(tm) =	ssettm $0x7FFFFFFF  }
0xd1: {  	_ =	shalt  }
tec
execute0_lowered:
.L_overlay_start_1:
0x0: {  	(tag) =	ssettag $0x1  }
0x1: {  	s0 =	srdreg.scid;
	s9 =	stileid.u32  }
0x2: {  	s1 =	rddreg [dreg:$0x0];
	s2 =	simm.s32 $0x0;
	s12 =	simm.s32 $0x10  }
0x3: {  	s18 =	simm.s32 $0x9500;
	s10 =	simm.s32 $0xB100;
	s11 =	simm.s32 $0xB500  }
0x4: {  	s13 =	simm.s32 $0x3;
	s29 =	simm.s32 $0x4;
	s28 =	simm.s32 $0x5  }
0x5: {  	s31 =	simm.s32 $0x8;
	s14 =	simm.s32 $0x0;
	s5 =	smul.u32 $0xC8000, s9  }
0x6: {  	s0 =	sand.u32 $0x1, s0;
	s3 =	sshll.u32 s9, $0x1;
	s9 =	smul.u32 $0x19000, s9  }
0x7: {  	[smem:$0x7FF] =	sst s2;
	s3 =	sor.u32 s0, s3;
	s6 =	smul.u32 $0x64000, s0  }
0x8: {  	_ =	strace $0x8000004D;
	s7 =	ssub.s32 $0x2, s0;
	s0 =	smul.u32 $0xC800, s0  }
0x9: {  	s4 =	smul.u32 $0x1900, s3;
	s3 =	sadd.s32 $0x2600, s1;
	s8 =	sshrl.u32 s7, $0x1  }
0xa: {  	s5 =	sadd.s32 s6, s5;
	s20 =	ssub.s32 s7, s8;
	s8 =	simm.s32 $0xA900  }
0xb: {  	s4 =	sshrl.u32 s4, $0x3;
	s21 =	sadd.s32 $0x8000, s5;
	s6 =	smax.u32 s20, $0x1  }
0xc: {  	s24 =	sadd.s32 $0x6000, s5;
	s25 =	sadd.s32 $0x4000, s5;
	s5 =	sor.u32 $0x2000, s5  }
0xd: {  	s20 =	simm.s32 $0x2;
	s4 =	sadd.s32 s4, s1;
	s1 =	sadd.s32 $0x3D2E00, s1  }
0xe: {  	s7 =	sshrl.u32 s21, $0x3;
	[dreg:$0x3] =	wrdreg s6;
	s5 =	sshrl.u32 s5, $0x3  }
0xf: {  	s6 =	simm.s32 $0xA100;
	s4 =	sadd.s32 $0x16EDE00, s4;
	s22 =	sadd.s32 s9, s1  }
0x10: {  	s23 =	sadd.s32 s7, s1;
	s30 =	sadd.s32 s5, s1;
	s5 =	simm.s32 $0x9D00  }
0x11: {  	s7 =	simm.s32 $0xA500;
	s9 =	simm.s32 $0xAD00;
	[dreg:$0x2] =	wrdreg s4  }
.Ltmp0:
0x12: {  	s0 =	sadd.s32 s0, s22;
	[dreg:$0x5] =	wrdreg s23;
	(pc) =	sbr.rel .LBB2_1-.Ltmp0, $4  }
0x13: {  	s4 =	sshrl.u32 s25, $0x3;
	[dreg:$0x8] =	wrdreg s30;
	s25 =	simm.s32 $0x5900  }
0x14: {  	[dreg:$0x4] =	wrdreg s0;
	s0 =	sshrl.u32 s24, $0x3;
	s26 =	sadd.s32 s4, s1  }
0x15: {  	s22 =	simm.s32 $0x1;
	s0 =	sadd.s32 s0, s1;
	[dreg:$0x7] =	wrdreg s26  }
0x16: {  	s23 =	simm.s32 $0x7900;
	s4 =	simm.s32 $0x9900;
	[dreg:$0x6] =	wrdreg s0  }
.LBB2_4:
0x17: {  	s0 =	simm.s32 $0x6  }
0x18: {  	_ =	swait.ge [sflag:s0], $0x2000  }
0x19: {  	[sflag:s0] =	ssyncset.done $0x0  }
0x1a: {  	s24 =	simm.s32 $0x7;
	[sflag:s0] =	ssyncadd.s32 $0xFFFFE000  }
0x1b: {  	_ =	swait.ge [sflag:s24], $0x2000  }
0x1c: {  	[sflag:s24] =	ssyncset.done $0x0  }
0x1d: {  	[sflag:s24] =	ssyncadd.s32 $0xFFFFE000  }
0x1e: {  	_ =	swait.ge [sflag:s31], $0x2000  }
0x1f: {  	[sflag:s31] =	ssyncset.done $0x0  }
0x20: {  	s26 =	simm.s32 $0x9;
	[sflag:s31] =	ssyncadd.s32 $0xFFFFE000  }
0x21: {  	_ =	swait.ge [sflag:s26], $0x2000  }
0x22: {  	[sflag:s26] =	ssyncset.done $0x0  }
0x23: {  	s1 =	simm.s32 $0xA;
	[sflag:s26] =	ssyncadd.s32 $0xFFFFE000  }
0x24: {  	_ =	swait.ge [sflag:s1], $0x2000  }
0x25: {  	s14 =	rddreg [dreg:$0x9]  }
0x26: {  	s30 =	rddreg [dreg:$0x3];
	s14 =	sadd.s32 $0x1, s14  }
0x27: {  	p0 =	sne.s32 s14, s30  }
.Ltmp1:
0x28: {  	_ = 	snop;
	(pc) =	sbr.rel @!p0 .LBB2_5-.Ltmp1, $3  }
0x29: {  	_ =	sdelay $0x1  }
0x2a: {  	[sflag:s1] =	ssyncset.done $0x0  }
0x2b: {  	[sflag:s1] =	ssyncadd.s32 $0xFFFFE000  }
.LBB2_1:
0x2c: {  	[dreg:$0x9] =	wrdreg s14  }
0x2d: {  	s0 =	rddreg [dreg:$0x2];
	s17 =	simm.s32 $0xB  }
0x2e: {  	[tilespmem:s2], [sflag:$0xB] =	stream.linear.gather [hbm4b:s0+s2], $0x1900, $0x38;
	[tilespmem:$0xB900] =	vst v63  }
0x2f: {  	_ =	swait.ge [sflag:s17], $0x1900  }
0x30: {  	[sflag:s17] =	ssyncset.done $0x0  }
0x31: {  	s19 =	simm.s32 $0x1900;
	[sflag:s17] =	ssyncadd.s32 $0xFFFFE700  }
0x32: {  	[tilespmem:s19], [sflag:$0x1] =	stream.indirect.gather [hbm4b:s3+s12], $0x40, s2, s12, $0xb8;
	[tilespmem:$0xB900] =	vst v63  }
0x33: {  	s21 =	simm.s32 $0x1D00  }
0x34: {  	[tilespmem:s21], [sflag:$0x1] =	stream.indirect.gather [hbm4b:s3+s12], $0x40, s12, s12, $0xb8;
	[tilespmem:$0xB900] =	vst v63  }
0x35: {  	s24 =	simm.s32 $0x20;
	s1 =	simm.s32 $0x2100  }
0x36: {  	[tilespmem:s1], [sflag:$0x1] =	stream.indirect.gather [hbm4b:s3+s12], $0x40, s24, s12, $0xb8;
	[tilespmem:$0xB900] =	vst v63  }
0x37: {  	s26 =	simm.s32 $0x30;
	s30 =	simm.s32 $0x2500  }
0x38: {  	[tilespmem:s30], [sflag:$0x1] =	stream.indirect.gather [hbm4b:s3+s12], $0x40, s26, s12, $0xb8;
	[tilespmem:$0xB900] =	vst v63  }
0x39: {  	s14 =	simm.s32 $0x2900;
	s1 =	simm.s32 $0x40  }
0x3a: {  	[tilespmem:s14], [sflag:$0x1] =	stream.indirect.gather [hbm4b:s3+s12], $0x40, s1, s12, $0xb8;
	[tilespmem:$0xB900] =	vst v63  }
0x3b: {  	s15 =	simm.s32 $0x50;
	s16 =	simm.s32 $0x2D00  }
0x3c: {  	[tilespmem:s16], [sflag:$0x1] =	stream.indirect.gather [hbm4b:s3+s12], $0x40, s15, s12, $0xb8;
	[tilespmem:$0xB900] =	vst v63  }
0x3d: {  	s17 =	simm.s32 $0x60;
	s19 =	simm.s32 $0x3100  }
0x3e: {  	[tilespmem:s19], [sflag:$0x1] =	stream.indirect.gather [hbm4b:s3+s12], $0x40, s17, s12, $0xb8;
	[tilespmem:$0xB900] =	vst v63  }
0x3f: {  	s21 =	simm.s32 $0x70;
	s24 =	simm.s32 $0x3500  }
0x40: {  	[tilespmem:s24], [sflag:$0x1] =	stream.indirect.gather [hbm4b:s3+s12], $0x40, s21, s12, $0xb8;
	[tilespmem:$0xB900] =	vst v63  }
0x41: {  	s26 =	simm.s32 $0x80;
	s30 =	simm.s32 $0x3900  }
0x42: {  	[tilespmem:s30], [sflag:$0x2] =	stream.indirect.gather [hbm4b:s3+s12], $0x40, s26, s12, $0xb8;
	[tilespmem:$0xB900] =	vst v63  }
0x43: {  	s1 =	simm.s32 $0x90;
	s14 =	simm.s32 $0x3D00  }
0x44: {  	[tilespmem:s14], [sflag:$0x2] =	stream.indirect.gather [hbm4b:s3+s12], $0x40, s1, s12, $0xb8;
	[tilespmem:$0xB900] =	vst v63  }
0x45: {  	s15 =	simm.s32 $0xA0;
	s16 =	simm.s32 $0x4100  }
0x46: {  	[tilespmem:s16], [sflag:$0x2] =	stream.indirect.gather [hbm4b:s3+s12], $0x40, s15, s12, $0xb8;
	[tilespmem:$0xB900] =	vst v63  }
0x47: {  	s17 =	simm.s32 $0xB0;
	s19 =	simm.s32 $0x4500  }
0x48: {  	[tilespmem:s19], [sflag:$0x2] =	stream.indirect.gather [hbm4b:s3+s12], $0x40, s17, s12, $0xb8;
	[tilespmem:$0xB900] =	vst v63  }
0x49: {  	s21 =	simm.s32 $0xC0;
	s24 =	simm.s32 $0x4900  }
0x4a: {  	[tilespmem:s24], [sflag:$0x2] =	stream.indirect.gather [hbm4b:s3+s12], $0x40, s21, s12, $0xb8;
	[tilespmem:$0xB900] =	vst v63  }
0x4b: {  	s26 =	simm.s32 $0xD0;
	s30 =	simm.s32 $0x4D00  }
0x4c: {  	[tilespmem:s30], [sflag:$0x2] =	stream.indirect.gather [hbm4b:s3+s12], $0x40, s26, s12, $0xb8;
	[tilespmem:$0xB900] =	vst v63  }
0x4d: {  	s14 =	simm.s32 $0xE0;
	s15 =	simm.s32 $0x5100  }
0x4e: {  	[tilespmem:s15], [sflag:$0x2] =	stream.indirect.gather [hbm4b:s3+s12], $0x40, s14, s12, $0xb8;
	[tilespmem:$0xB900] =	vst v63  }
0x4f: {  	s16 =	simm.s32 $0xF0;
	s17 =	simm.s32 $0x5500  }
0x50: {  	[tilespmem:s17], [sflag:$0x2] =	stream.indirect.gather [hbm4b:s3+s12], $0x40, s16, s12, $0xb8;
	[tilespmem:$0xB900] =	vst v63  }
0x51: {  	s19 =	simm.s32 $0x100  }
0x52: {  	[tilespmem:s25], [sflag:$0x3] =	stream.indirect.gather [hbm4b:s3+s12], $0x40, s19, s12, $0xb8;
	[tilespmem:$0xB900] =	vst v63  }
0x53: {  	s21 =	simm.s32 $0x110;
	s24 =	simm.s32 $0x5D00  }
0x54: {  	[tilespmem:s24], [sflag:$0x3] =	stream.indirect.gather [hbm4b:s3+s12], $0x40, s21, s12, $0xb8;
	[tilespmem:$0xB900] =	vst v63  }
0x55: {  	s26 =	simm.s32 $0x120;
	s30 =	simm.s32 $0x6100  }
0x56: {  	[tilespmem:s30], [sflag:$0x3] =	stream.indirect.gather [hbm4b:s3+s12], $0x40, s26, s12, $0xb8;
	[tilespmem:$0xB900] =	vst v63  }
0x57: {  	s1 =	simm.s32 $0x130;
	s14 =	simm.s32 $0x6500  }
0x58: {  	[tilespmem:s14], [sflag:$0x3] =	stream.indirect.gather [hbm4b:s3+s12], $0x40, s1, s12, $0xb8;
	[tilespmem:$0xB900] =	vst v63  }
0x59: {  	s0 =	rddreg [dreg:$0x8];
	s15 =	simm.s32 $0x140;
	s16 =	simm.s32 $0x6900  }
0x5a: {  	[tilespmem:s16], [sflag:$0x3] =	stream.indirect.gather [hbm4b:s3+s12], $0x40, s15, s12, $0xb8;
	[tilespmem:$0xB900] =	vst v63  }
0x5b: {  	s17 =	simm.s32 $0x150;
	s19 =	simm.s32 $0x6D00;
	s15 =	rddreg [dreg:$0x7]  }
0x5c: {  	[tilespmem:s19], [sflag:$0x3] =	stream.indirect.gather [hbm4b:s3+s12], $0x40, s17, s12, $0xb8;
	[tilespmem:$0xB900] =	vst v63  }
0x5d: {  	s21 =	simm.s32 $0x160;
	s17 =	rddreg [dreg:$0x6]  }
0x5e: {  	s24 =	simm.s32 $0x7100;
	s26 =	simm.s32 $0x170;
	s19 =	rddreg [dreg:$0x5]  }
0x5f: {  	[tilespmem:s24], [sflag:$0x3] =	stream.indirect.gather [hbm4b:s3+s12], $0x40, s21, s12, $0xb8;
	[tilespmem:$0xB900] =	vst v63  }
0x60: {  	s30 =	simm.s32 $0x7500;
	s21 =	rddreg [dreg:$0x4];
	s24 =	simm.s32 $0x0  }
0x61: {  	[tilespmem:s30], [sflag:$0x3] =	stream.indirect.gather [hbm4b:s3+s12], $0x40, s26, s12, $0xb8;
	[tilespmem:$0xB900] =	vst v63  }
.LBB2_2:
0x62: {  	_ =	swait.ge [sflag:s22], $0x400  }
0x63: {  	[sflag:s22] =	ssyncset.done $0x0  }
0x64: {  	[sflag:s22] =	ssyncadd.s32 $0xFFFFFC00  }
0x65: {  	_ =	swait.ge [sflag:s22], $0x400  }
0x66: {  	[sflag:s22] =	ssyncset.done $0x0  }
0x67: {  	[sflag:s22] =	ssyncadd.s32 $0xFFFFFC00  }
0x68: {  	_ =	swait.ge [sflag:s22], $0x400  }
0x69: {  	[sflag:s22] =	ssyncset.done $0x0  }
0x6a: {  	[sflag:s22] =	ssyncadd.s32 $0xFFFFFC00  }
0x6b: {  	_ =	swait.ge [sflag:s22], $0x400  }
0x6c: {  	[sflag:s22] =	ssyncset.done $0x0  }
0x6d: {  	[sflag:s22] =	ssyncadd.s32 $0xFFFFFC00  }
0x6e: {  	_ =	swait.ge [sflag:s22], $0x400  }
0x6f: {  	[sflag:s22] =	ssyncset.done $0x0  }
0x70: {  	[sflag:s22] =	ssyncadd.s32 $0xFFFFFC00  }
0x71: {  	_ =	swait.ge [sflag:s22], $0x400  }
0x72: {  	[sflag:s22] =	ssyncset.done $0x0  }
0x73: {  	[sflag:s22] =	ssyncadd.s32 $0xFFFFFC00  }
0x74: {  	_ =	swait.ge [sflag:s22], $0x400  }
0x75: {  	[sflag:s22] =	ssyncset.done $0x0  }
0x76: {  	[sflag:s22] =	ssyncadd.s32 $0xFFFFFC00  }
0x77: {  	_ =	swait.ge [sflag:s22], $0x400  }
0x78: {  	[sflag:s22] =	ssyncset.done $0x0  }
0x79: {  	s1 =	simm.s32 $0x1900;
	p0 =	seq.s32 s24, $0x0;
	[sflag:s22] =	ssyncadd.s32 $0xFFFFFC00  }
0x7a: {  	[hbm4b:s21+s2] =	stream.linear.scatter [tilespmem:s1], [sflag:$0x6], $0x2000, $0x38;
	[tilespmem:$0xB900] =	vst v63  }
0x7b: {  	s1 =	simm.s32 @!p0 $0x9  }
0x7c: {  	_ =	swait.ge @!p0 [sflag:s1], $0x2000  }
0x7d: {  	s26 =	sshra.s32 s24, $0x2;
	[sflag:s1] =	ssyncset.done @!p0 $0x0  }
0x7e: {  	s16 =	sadd.s32 $0x180, s26;
	[sflag:s1] =	ssyncadd.s32 @!p0 $0xFFFFE000  }
0x7f: {  	[tilespmem:s23], [sflag:$0x4] =	stream.indirect.gather [hbm4b:s3+s12], $0x40, s16, s12, $0xb8;
	[tilespmem:$0xB900] =	vst v63  }
0x80: {  	s14 =	simm.s32 $0x7D00;
	s30 =	sadd.s32 $0x190, s26  }
0x81: {  	[tilespmem:s14], [sflag:$0x4] =	stream.indirect.gather [hbm4b:s3+s12], $0x40, s30, s12, $0xb8;
	[tilespmem:$0xB900] =	vst v63  }
0x82: {  	s16 =	sadd.s32 $0x1A0, s26;
	s30 =	simm.s32 $0x8100  }
0x83: {  	[tilespmem:s30], [sflag:$0x4] =	stream.indirect.gather [hbm4b:s3+s12], $0x40, s16, s12, $0xb8;
	[tilespmem:$0xB900] =	vst v63  }
0x84: {  	s16 =	sadd.s32 $0x1B0, s26;
	s30 =	simm.s32 $0x8500  }
0x85: {  	[tilespmem:s30], [sflag:$0x4] =	stream.indirect.gather [hbm4b:s3+s12], $0x40, s16, s12, $0xb8;
	[tilespmem:$0xB900] =	vst v63  }
0x86: {  	s16 =	sadd.s32 $0x1C0, s26;
	s30 =	simm.s32 $0x8900  }
0x87: {  	[tilespmem:s30], [sflag:$0x4] =	stream.indirect.gather [hbm4b:s3+s12], $0x40, s16, s12, $0xb8;
	[tilespmem:$0xB900] =	vst v63  }
0x88: {  	s16 =	sadd.s32 $0x1D0, s26;
	s30 =	simm.s32 $0x8D00  }
0x89: {  	[tilespmem:s30], [sflag:$0x4] =	stream.indirect.gather [hbm4b:s3+s12], $0x40, s16, s12, $0xb8;
	[tilespmem:$0xB900] =	vst v63  }
0x8a: {  	s14 =	sadd.s32 $0x1E0, s26;
	s16 =	simm.s32 $0x9100  }
0x8b: {  	[tilespmem:s16], [sflag:$0x4] =	stream.indirect.gather [hbm4b:s3+s12], $0x40, s14, s12, $0xb8;
	[tilespmem:$0xB900] =	vst v63  }
0x8c: {  	s30 =	sadd.s32 $0x1F0, s26  }
0x8d: {  	[tilespmem:s18], [sflag:$0x4] =	stream.indirect.gather [hbm4b:s3+s12], $0x40, s30, s12, $0xb8;
	[tilespmem:$0xB900] =	vst v63  }
0x8e: {  	_ =	swait.ge [sflag:s20], $0x400  }
0x8f: {  	[sflag:s20] =	ssyncset.done $0x0  }
0x90: {  	[sflag:s20] =	ssyncadd.s32 $0xFFFFFC00  }
0x91: {  	_ =	swait.ge [sflag:s20], $0x400  }
0x92: {  	[sflag:s20] =	ssyncset.done $0x0  }
0x93: {  	[sflag:s20] =	ssyncadd.s32 $0xFFFFFC00  }
0x94: {  	_ =	swait.ge [sflag:s20], $0x400  }
0x95: {  	[sflag:s20] =	ssyncset.done $0x0  }
0x96: {  	[sflag:s20] =	ssyncadd.s32 $0xFFFFFC00  }
0x97: {  	_ =	swait.ge [sflag:s20], $0x400  }
0x98: {  	[sflag:s20] =	ssyncset.done $0x0  }
0x99: {  	[sflag:s20] =	ssyncadd.s32 $0xFFFFFC00  }
0x9a: {  	_ =	swait.ge [sflag:s20], $0x400  }
0x9b: {  	[sflag:s20] =	ssyncset.done $0x0  }
0x9c: {  	[sflag:s20] =	ssyncadd.s32 $0xFFFFFC00  }
0x9d: {  	_ =	swait.ge [sflag:s20], $0x400  }
0x9e: {  	[sflag:s20] =	ssyncset.done $0x0  }
0x9f: {  	[sflag:s20] =	ssyncadd.s32 $0xFFFFFC00  }
0xa0: {  	_ =	swait.ge [sflag:s20], $0x400  }
0xa1: {  	[sflag:s20] =	ssyncset.done $0x0  }
0xa2: {  	[sflag:s20] =	ssyncadd.s32 $0xFFFFFC00  }
0xa3: {  	_ =	swait.ge [sflag:s20], $0x400  }
0xa4: {  	[sflag:s20] =	ssyncset.done $0x0  }
0xa5: {  	s1 =	simm.s32 @!p0 $0xA;
	s14 =	simm.s32 $0x3900;
	[sflag:s20] =	ssyncadd.s32 $0xFFFFFC00  }
0xa6: {  	[hbm4b:s0+s2] =	stream.linear.scatter [tilespmem:s14], [sflag:$0x7], $0x2000, $0x38;
	[tilespmem:$0xB900] =	vst v63  }
0xa7: {  	_ =	swait.ge @!p0 [sflag:s1], $0x2000  }
0xa8: {  	[sflag:s1] =	ssyncset.done @!p0 $0x0  }
0xa9: {  	s16 =	sadd.s32 $0x200, s26;
	[sflag:s1] =	ssyncadd.s32 @!p0 $0xFFFFE000  }
0xaa: {  	[tilespmem:s4], [sflag:$0x5] =	stream.indirect.gather [hbm4b:s3+s12], $0x40, s16, s12, $0xb8;
	[tilespmem:$0xB900] =	vst v63  }
0xab: {  	s30 =	sadd.s32 $0x210, s26  }
0xac: {  	[tilespmem:s5], [sflag:$0x5] =	stream.indirect.gather [hbm4b:s3+s12], $0x40, s30, s12, $0xb8;
	[tilespmem:$0xB900] =	vst v63  }
0xad: {  	s14 =	sadd.s32 $0x220, s26  }
0xae: {  	[tilespmem:s6], [sflag:$0x5] =	stream.indirect.gather [hbm4b:s3+s12], $0x40, s14, s12, $0xb8;
	[tilespmem:$0xB900] =	vst v63  }
0xaf: {  	s16 =	sadd.s32 $0x230, s26  }
0xb0: {  	[tilespmem:s7], [sflag:$0x5] =	stream.indirect.gather [hbm4b:s3+s12], $0x40, s16, s12, $0xb8;
	[tilespmem:$0xB900] =	vst v63  }
0xb1: {  	s30 =	sadd.s32 $0x240, s26  }
0xb2: {  	[tilespmem:s8], [sflag:$0x5] =	stream.indirect.gather [hbm4b:s3+s12], $0x40, s30, s12, $0xb8;
	[tilespmem:$0xB900] =	vst v63  }
0xb3: {  	s14 =	sadd.s32 $0x250, s26  }
0xb4: {  	[tilespmem:s9], [sflag:$0x5] =	stream.indirect.gather [hbm4b:s3+s12], $0x40, s14, s12, $0xb8;
	[tilespmem:$0xB900] =	vst v63  }
0xb5: {  	s16 =	sadd.s32 $0x260, s26  }
0xb6: {  	[tilespmem:s10], [sflag:$0x5] =	stream.indirect.gather [hbm4b:s3+s12], $0x40, s16, s12, $0xb8;
	[tilespmem:$0xB900] =	vst v63  }
0xb7: {  	s30 =	sadd.s32 $0x270, s26  }
0xb8: {  	[tilespmem:s11], [sflag:$0x5] =	stream.indirect.gather [hbm4b:s3+s12], $0x40, s30, s12, $0xb8;
	[tilespmem:$0xB900] =	vst v63  }
0xb9: {  	_ =	swait.ge [sflag:s13], $0x400  }
0xba: {  	[sflag:s13] =	ssyncset.done $0x0  }
0xbb: {  	[sflag:s13] =	ssyncadd.s32 $0xFFFFFC00  }
0xbc: {  	_ =	swait.ge [sflag:s13], $0x400  }
0xbd: {  	[sflag:s13] =	ssyncset.done $0x0  }
0xbe: {  	[sflag:s13] =	ssyncadd.s32 $0xFFFFFC00  }
0xbf: {  	_ =	swait.ge [sflag:s13], $0x400  }
0xc0: {  	[sflag:s13] =	ssyncset.done $0x0  }
0xc1: {  	[sflag:s13] =	ssyncadd.s32 $0xFFFFFC00  }
0xc2: {  	_ =	swait.ge [sflag:s13], $0x400  }
0xc3: {  	[sflag:s13] =	ssyncset.done $0x0  }
0xc4: {  	[sflag:s13] =	ssyncadd.s32 $0xFFFFFC00  }
0xc5: {  	_ =	swait.ge [sflag:s13], $0x400  }
0xc6: {  	[sflag:s13] =	ssyncset.done $0x0  }
0xc7: {  	[sflag:s13] =	ssyncadd.s32 $0xFFFFFC00  }
0xc8: {  	_ =	swait.ge [sflag:s13], $0x400  }
0xc9: {  	[sflag:s13] =	ssyncset.done $0x0  }
0xca: {  	[sflag:s13] =	ssyncadd.s32 $0xFFFFFC00  }
0xcb: {  	_ =	swait.ge [sflag:s13], $0x400  }
0xcc: {  	[sflag:s13] =	ssyncset.done $0x0  }
0xcd: {  	[sflag:s13] =	ssyncadd.s32 $0xFFFFFC00  }
0xce: {  	_ =	swait.ge [sflag:s13], $0x400  }
0xcf: {  	p0 =	seq.s32 s24, $0x5A00;
	[sflag:s13] =	ssyncset.done $0x0  }
0xd0: {  	s1 =	simm.s32 @!p0 $0x6;
	[sflag:s13] =	ssyncadd.s32 $0xFFFFFC00  }
0xd1: {  	[hbm4b:s15+s2] =	stream.linear.scatter [tilespmem:s25], [sflag:$0x8], $0x2000, $0x38;
	[tilespmem:$0xB900] =	vst v63  }
0xd2: {  	_ =	swait.ge @!p0 [sflag:s1], $0x2000  }
0xd3: {  	s16 =	simm.s32 @!p0 $0x1900;
	s30 =	sshra.s32 @!p0 s24, $0x2;
	[sflag:s1] =	ssyncset.done @!p0 $0x0  }
0xd4: {  	s14 =	sadd.s32 @!p0 $0x280, s30;
	[sflag:s1] =	ssyncadd.s32 @!p0 $0xFFFFE000;
	s1 =	simm.s32 @!p0 $0x10  }
0xd5: {  	[tilespmem:s16], [sflag:$0x1] =	stream.indirect.gather @!p0 [hbm4b:s3+s1], $0x40, s14, s1, $0xb8;
	[tilespmem:$0xB900] =	vst v63  }
0xd6: {  	s14 =	sadd.s32 @!p0 $0x290, s30;
	s16 =	simm.s32 @!p0 $0x1D00  }
0xd7: {  	[tilespmem:s16], [sflag:$0x1] =	stream.indirect.gather @!p0 [hbm4b:s3+s1], $0x40, s14, s1, $0xb8;
	[tilespmem:$0xB900] =	vst v63  }
0xd8: {  	s14 =	sadd.s32 @!p0 $0x2A0, s30;
	s16 =	simm.s32 @!p0 $0x2100  }
0xd9: {  	[tilespmem:s16], [sflag:$0x1] =	stream.indirect.gather @!p0 [hbm4b:s3+s1], $0x40, s14, s1, $0xb8;
	[tilespmem:$0xB900] =	vst v63  }
0xda: {  	s14 =	sadd.s32 @!p0 $0x2B0, s30;
	s16 =	simm.s32 @!p0 $0x2500  }
0xdb: {  	[tilespmem:s16], [sflag:$0x1] =	stream.indirect.gather @!p0 [hbm4b:s3+s1], $0x40, s14, s1, $0xb8;
	[tilespmem:$0xB900] =	vst v63  }
0xdc: {  	s14 =	sadd.s32 @!p0 $0x2C0, s30;
	s16 =	simm.s32 @!p0 $0x2900  }
0xdd: {  	[tilespmem:s16], [sflag:$0x1] =	stream.indirect.gather @!p0 [hbm4b:s3+s1], $0x40, s14, s1, $0xb8;
	[tilespmem:$0xB900] =	vst v63  }
0xde: {  	s14 =	sadd.s32 @!p0 $0x2D0, s30;
	s16 =	simm.s32 @!p0 $0x2D00  }
0xdf: {  	[tilespmem:s16], [sflag:$0x1] =	stream.indirect.gather @!p0 [hbm4b:s3+s1], $0x40, s14, s1, $0xb8;
	[tilespmem:$0xB900] =	vst v63  }
0xe0: {  	s14 =	sadd.s32 @!p0 $0x2E0, s30;
	s16 =	simm.s32 @!p0 $0x3100  }
0xe1: {  	[tilespmem:s16], [sflag:$0x1] =	stream.indirect.gather @!p0 [hbm4b:s3+s1], $0x40, s14, s1, $0xb8;
	[tilespmem:$0xB900] =	vst v63  }
0xe2: {  	s14 =	sadd.s32 @!p0 $0x2F0, s30;
	s16 =	simm.s32 @!p0 $0x3500  }
0xe3: {  	[tilespmem:s16], [sflag:$0x1] =	stream.indirect.gather @!p0 [hbm4b:s3+s1], $0x40, s14, s1, $0xb8;
	[tilespmem:$0xB900] =	vst v63  }
0xe4: {  	_ =	swait.ge [sflag:s29], $0x400  }
0xe5: {  	[sflag:s29] =	ssyncset.done $0x0  }
0xe6: {  	[sflag:s29] =	ssyncadd.s32 $0xFFFFFC00  }
0xe7: {  	_ =	swait.ge [sflag:s29], $0x400  }
0xe8: {  	[sflag:s29] =	ssyncset.done $0x0  }
0xe9: {  	[sflag:s29] =	ssyncadd.s32 $0xFFFFFC00  }
0xea: {  	_ =	swait.ge [sflag:s29], $0x400  }
0xeb: {  	[sflag:s29] =	ssyncset.done $0x0  }
0xec: {  	[sflag:s29] =	ssyncadd.s32 $0xFFFFFC00  }
0xed: {  	_ =	swait.ge [sflag:s29], $0x400  }
0xee: {  	[sflag:s29] =	ssyncset.done $0x0  }
0xef: {  	[sflag:s29] =	ssyncadd.s32 $0xFFFFFC00  }
0xf0: {  	_ =	swait.ge [sflag:s29], $0x400  }
0xf1: {  	[sflag:s29] =	ssyncset.done $0x0  }
0xf2: {  	[sflag:s29] =	ssyncadd.s32 $0xFFFFFC00  }
0xf3: {  	_ =	swait.ge [sflag:s29], $0x400  }
0xf4: {  	[sflag:s29] =	ssyncset.done $0x0  }
0xf5: {  	[sflag:s29] =	ssyncadd.s32 $0xFFFFFC00  }
0xf6: {  	_ =	swait.ge [sflag:s29], $0x400  }
0xf7: {  	[sflag:s29] =	ssyncset.done $0x0  }
0xf8: {  	[sflag:s29] =	ssyncadd.s32 $0xFFFFFC00  }
0xf9: {  	_ =	swait.ge [sflag:s29], $0x400  }
0xfa: {  	[sflag:s29] =	ssyncset.done $0x0  }
0xfb: {  	s14 =	simm.s32 @!p0 $0x7;
	[sflag:s29] =	ssyncadd.s32 $0xFFFFFC00  }
0xfc: {  	[hbm4b:s17+s2] =	stream.linear.scatter [tilespmem:s23], [sflag:$0x9], $0x2000, $0x38;
	[tilespmem:$0xB900] =	vst v63  }
0xfd: {  	_ =	swait.ge @!p0 [sflag:s14], $0x2000  }
0xfe: {  	[sflag:s14] =	ssyncset.done @!p0 $0x0  }
0xff: {  	s16 =	simm.s32 @!p0 $0x3900;
	[sflag:s14] =	ssyncadd.s32 @!p0 $0xFFFFE000;
	s14 =	sadd.s32 @!p0 $0x300, s30  }
0x100: {  	[tilespmem:s16], [sflag:$0x2] =	stream.indirect.gather @!p0 [hbm4b:s3+s1], $0x40, s14, s1, $0xb8;
	[tilespmem:$0xB900] =	vst v63  }
0x101: {  	s14 =	sadd.s32 @!p0 $0x310, s30;
	s16 =	simm.s32 @!p0 $0x3D00  }
0x102: {  	[tilespmem:s16], [sflag:$0x2] =	stream.indirect.gather @!p0 [hbm4b:s3+s1], $0x40, s14, s1, $0xb8;
	[tilespmem:$0xB900] =	vst v63  }
0x103: {  	s14 =	sadd.s32 @!p0 $0x320, s30;
	s16 =	simm.s32 @!p0 $0x4100  }
0x104: {  	[tilespmem:s16], [sflag:$0x2] =	stream.indirect.gather @!p0 [hbm4b:s3+s1], $0x40, s14, s1, $0xb8;
	[tilespmem:$0xB900] =	vst v63  }
0x105: {  	s14 =	sadd.s32 @!p0 $0x330, s30;
	s16 =	simm.s32 @!p0 $0x4500  }
0x106: {  	[tilespmem:s16], [sflag:$0x2] =	stream.indirect.gather @!p0 [hbm4b:s3+s1], $0x40, s14, s1, $0xb8;
	[tilespmem:$0xB900] =	vst v63  }
0x107: {  	s14 =	sadd.s32 @!p0 $0x340, s30;
	s16 =	simm.s32 @!p0 $0x4900  }
0x108: {  	[tilespmem:s16], [sflag:$0x2] =	stream.indirect.gather @!p0 [hbm4b:s3+s1], $0x40, s14, s1, $0xb8;
	[tilespmem:$0xB900] =	vst v63  }
0x109: {  	s14 =	sadd.s32 @!p0 $0x350, s30;
	s16 =	simm.s32 @!p0 $0x4D00  }
0x10a: {  	[tilespmem:s16], [sflag:$0x2] =	stream.indirect.gather @!p0 [hbm4b:s3+s1], $0x40, s14, s1, $0xb8;
	[tilespmem:$0xB900] =	vst v63  }
0x10b: {  	s14 =	sadd.s32 @!p0 $0x360, s30;
	s16 =	simm.s32 @!p0 $0x5100  }
0x10c: {  	[tilespmem:s16], [sflag:$0x2] =	stream.indirect.gather @!p0 [hbm4b:s3+s1], $0x40, s14, s1, $0xb8;
	[tilespmem:$0xB900] =	vst v63  }
0x10d: {  	s14 =	sadd.s32 @!p0 $0x370, s30;
	s16 =	simm.s32 @!p0 $0x5500  }
0x10e: {  	[tilespmem:s16], [sflag:$0x2] =	stream.indirect.gather @!p0 [hbm4b:s3+s1], $0x40, s14, s1, $0xb8;
	[tilespmem:$0xB900] =	vst v63  }
0x10f: {  	_ =	swait.ge [sflag:s28], $0x400  }
0x110: {  	[sflag:s28] =	ssyncset.done $0x0  }
0x111: {  	[sflag:s28] =	ssyncadd.s32 $0xFFFFFC00  }
0x112: {  	_ =	swait.ge [sflag:s28], $0x400  }
0x113: {  	[sflag:s28] =	ssyncset.done $0x0  }
0x114: {  	[sflag:s28] =	ssyncadd.s32 $0xFFFFFC00  }
0x115: {  	_ =	swait.ge [sflag:s28], $0x400  }
0x116: {  	[sflag:s28] =	ssyncset.done $0x0  }
0x117: {  	[sflag:s28] =	ssyncadd.s32 $0xFFFFFC00  }
0x118: {  	_ =	swait.ge [sflag:s28], $0x400  }
0x119: {  	[sflag:s28] =	ssyncset.done $0x0  }
0x11a: {  	[sflag:s28] =	ssyncadd.s32 $0xFFFFFC00  }
0x11b: {  	_ =	swait.ge [sflag:s28], $0x400  }
0x11c: {  	[sflag:s28] =	ssyncset.done $0x0  }
0x11d: {  	[sflag:s28] =	ssyncadd.s32 $0xFFFFFC00  }
0x11e: {  	_ =	swait.ge [sflag:s28], $0x400  }
0x11f: {  	[sflag:s28] =	ssyncset.done $0x0  }
0x120: {  	[sflag:s28] =	ssyncadd.s32 $0xFFFFFC00  }
0x121: {  	_ =	swait.ge [sflag:s28], $0x400  }
0x122: {  	[sflag:s28] =	ssyncset.done $0x0  }
.Ltmp2:
0x123: {  	[sflag:s28] =	ssyncadd.s32 $0xFFFFFC00;
	(pc) =	sbr.rel @p0 .LBB2_4-.Ltmp2, $4  }
0x124: {  	_ =	swait.ge [sflag:s28], $0x400  }
0x125: {  	[sflag:s28] =	ssyncset.done $0x0  }
0x126: {  	[sflag:s28] =	ssyncadd.s32 $0xFFFFFC00  }
0x127: {  	[hbm4b:s19+s2] =	stream.linear.scatter [tilespmem:s4], [sflag:$0xA], $0x2000, $0x38;
	[tilespmem:$0xB900] =	vst v63  }
0x128: {  	_ =	swait.ge [sflag:s31], $0x2000  }
0x129: {  	[sflag:s31] =	ssyncset.done $0x0  }
0x12a: {  	s1 =	sadd.s32 $0x380, s26;
	[sflag:s31] =	ssyncadd.s32 $0xFFFFE000  }
0x12b: {  	[tilespmem:s25], [sflag:$0x3] =	stream.indirect.gather [hbm4b:s3+s12], $0x40, s1, s12, $0xb8;
	[tilespmem:$0xB900] =	vst v63  }
0x12c: {  	s30 =	sadd.s32 $0x390, s26;
	s14 =	simm.s32 $0x5D00  }
0x12d: {  	[tilespmem:s14], [sflag:$0x3] =	stream.indirect.gather [hbm4b:s3+s12], $0x40, s30, s12, $0xb8;
	[tilespmem:$0xB900] =	vst v63  }
0x12e: {  	s16 =	sadd.s32 $0x3A0, s26;
	s30 =	simm.s32 $0x6100  }
0x12f: {  	[tilespmem:s30], [sflag:$0x3] =	stream.indirect.gather [hbm4b:s3+s12], $0x40, s16, s12, $0xb8;
	[tilespmem:$0xB900] =	vst v63  }
0x130: {  	s16 =	sadd.s32 $0x3B0, s26;
	s30 =	simm.s32 $0x6500  }
0x131: {  	[tilespmem:s30], [sflag:$0x3] =	stream.indirect.gather [hbm4b:s3+s12], $0x40, s16, s12, $0xb8;
	[tilespmem:$0xB900] =	vst v63  }
0x132: {  	s24 =	sadd.s32 $0xA00, s24;
	s16 =	sadd.s32 $0x3C0, s26;
	s30 =	simm.s32 $0x6900  }
0x133: {  	[tilespmem:s30], [sflag:$0x3] =	stream.indirect.gather [hbm4b:s3+s12], $0x40, s16, s12, $0xb8;
	[tilespmem:$0xB900] =	vst v63  }
0x134: {  	s21 =	sadd.s32 $0x1400, s21;
	s16 =	sadd.s32 $0x3D0, s26;
	s30 =	simm.s32 $0x6D00  }
0x135: {  	[tilespmem:s30], [sflag:$0x3] =	stream.indirect.gather [hbm4b:s3+s12], $0x40, s16, s12, $0xb8;
	[tilespmem:$0xB900] =	vst v63  }
.Ltmp3:
0x136: {  	s19 =	sadd.s32 $0x1400, s19;
	s17 =	sadd.s32 $0x1400, s17;
	(pc) =	sbr.rel .LBB2_2-.Ltmp3, $4  }
0x137: {  	s15 =	sadd.s32 $0x1400, s15;
	s14 =	sadd.s32 $0x3E0, s26;
	s16 =	simm.s32 $0x7100  }
0x138: {  	[tilespmem:s16], [sflag:$0x3] =	stream.indirect.gather [hbm4b:s3+s12], $0x40, s14, s12, $0xb8;
	[tilespmem:$0xB900] =	vst v63  }
0x139: {  	s0 =	sadd.s32 $0x1400, s0;
	s26 =	sadd.s32 $0x3F0, s26;
	s30 =	simm.s32 $0x7500  }
0x13a: {  	[tilespmem:s30], [sflag:$0x3] =	stream.indirect.gather [hbm4b:s3+s12], $0x40, s26, s12, $0xb8;
	[tilespmem:$0xB900] =	vst v63  }
.LBB2_5:
0x13b: {  	_ =	sfence.sel $0x180000  }
0x13c: {  	[bflag:$0x0] =	sbarrier.arrive $0xFFFF  }
0x13d: {  	_ =	strace $0x9000004D  }
0x13e: {  	s0 =	stileid.u32;
	[bflag:$0x2] =	sbarrier.arrive $0xFFFF  }
0x13f: {  	p0 =	sne.s32 s0, $0x0;
	s0 =	rddreg [dreg:$0x1]  }
0x140: {  	s0 =	sadd.s32 @!p0 $0x100000, s0  }
0x141: {  	[sflag:s0] =	ssyncadd.tile.s32 @!p0 $0x1;
	_ =	shalt  }
.Lfunc_end2:
_tile_overlayer_lowered:
.L_overlay_start_2:
0x142: {  	(tag) =	ssettag $0x2  }
0x143: {  	s0 =	rddreg [dreg:$0x0];
	s2 =	stileid.u32  }
0x144: {  	s1 =	rddreg [dreg:$0x1];
	p0 =	sne.s32 s2, $0x0  }
0x145: {  	s3 =	rddreg [dreg:$0x2];
	[bflag:$0x3] =	sbarrier.arrive $0xFFFF;
	s2 =	simm.s32 @!p0 $0x1C0B  }
0x146: {  	[timem:s3], [sflag:s2] =	dma.local @!p0 [hbm:s0], s1  }
0x147: {  	s0 =	simm.s32 @!p0 $0xB  }
0x148: {  	_ =	swait.ge @!p0 [sflag:s0], s1  }
0x149: {  	s1 =	ssub.s32 @!p0 $0x0, s1;
	[sflag:s0] =	ssyncset.done @!p0 $0x0  }
0x14a: {  	[sflag:s0] =	ssyncadd.s32 @!p0 s1  }
0x14b: {  	[bflag:$0x3] =	sbarrier.arrive $0xFFFF  }
0x14c: {  	_ =	shalt  }

// kernel: kernel.8.cloned.1.call-start
scs
__scs_entry_jumppad:
0x0: {  	(pc) =	sbr.rel $0x88, $3  }
0x1: {  	(tag) =	ssettag $0x0;
	lr =	simm.s32 $0x1  }
0x2: {  	[smem:$0x3F99] =	sst lr;
	_ =	strace $0xD0000000  }
0x3: {  	_ = 	snop  }
0x4: {  	_ = 	snop  }
0x5: {  	_ = 	snop  }
0x6: {  	_ = 	snop  }
0x7: {  	_ = 	snop  }
__scs_overlays_trampoline_lowered:
0x8: {  	[smem:$0x3FA8] =	sst s0  }
0x9: {  	[smem:$0x3FA9] =	sst s1  }
0xa: {  	[smem:$0x3FAA] =	sst s2  }
0xb: {  	[smem:$0x3FAB] =	sst s3  }
0xc: {  	[smem:$0x3FAC] =	sst s4  }
0xd: {  	[smem:$0x3FAD] =	sst s5  }
0xe: {  	[smem:$0x3FAE] =	sst s6  }
0xf: {  	[smem:$0x3FAF] =	sst s7  }
0x10: {  	[smem:$0x3FB0] =	sst s8  }
0x11: {  	[smem:$0x3FB1] =	sst s9;
	s0 =	simm.s32 @!p0 $0x0  }
0x12: {  	s1 =	sld [smem:$0x3F97];
	s0 =	simm.s32 @p0 $0x1  }
0x13: {  	[smem:$0x3FB2] =	sst s0;
	s0 =	simm.s32 @!p1 $0x0  }
0x14: {  	s2 =	sld [smem:$0x3F96];
	s0 =	simm.s32 @p1 $0x1  }
0x15: {  	[smem:$0x3FB3] =	sst s0;
	s0 =	simm.s32 @!p2 $0x0  }
0x16: {  	s3 =	sld [smem:$0x3FDB];
	s0 =	simm.s32 @p2 $0x1  }
0x17: {  	s4 =	simm.s32 $0x1BF5;
	[smem:$0x3FB5] =	sst s0  }
0x18: {  	s0 =	sld [smem:$0x3F98];
	_ =	swait.ge [sflag:s4], $0x0  }
0x19: {  	s7 =	sld [smem:$0x3F99]  }
0x1a: {  	s8 =	sadd.s32 $0xFFFFE003, lr  }
0x1b: {  	s9 =	sadd.s32 $0xFFFFFEF7, lr;
	s5 =	simm.s32 $0xFFFFFFFF;
	p2 =	slt.u32 s8, $0xFFFFF086  }
0x1c: {  	p1 =	slt.u32 s9, $0xF7A;
	s5 =	simm.s32 @!p2 $0x0  }
0x1d: {  	s5 =	simm.s32 @p1 $0x1;
	p0 =	seq.s32 s7, s2  }
0x1e: {  	s7 =	smul.u32 @!p0 $0xF7A, s2;
	p2 =	seq.s32 @!p0 s5, $0x0  }
0x1f: {  	s9 =	smul.u32 $0xF7A, s1;
	s8 =	simm.s32 @!p0 $0x1BF5;
	p2 =	por !p2, p0  }
0x20: {  	[sflag:s8] =	ssyncset.s32 @!p0 $0xFFFFF086;
	s6 =	sadd.s32 @!p0 s3, s7;
	s7 =	simm.s32 @!p0 $0x108  }
0x21: {  	s3 =	sadd.s32 s3, s9;
	s6 =	sadd.s32 @!p0 $0x88, s6;
	s7 =	simm.s32 @p2 $0x1082  }
0x22: {  	[simem:s7], [sflag:s8] =	dma.local @!p0 [hbm:s6], $0xF7A  }
0x23: {  	s9 =	sor.u32 $0xD0000000, s2;
	s6 =	simm.s32 $0x108;
	_ =	swait.ge @!p0 [sflag:s8], $0x0  }
0x24: {  	s3 =	sadd.s32 $0x88, s3;
	s6 =	simm.s32 @!p1 $0x1082;
	[sflag:s4] =	ssyncset.s32 $0xFFFFF086  }
0x25: {  	[simem:s6], [sflag:s4] =	dma.local [hbm:s3], $0xF7A  }
0x26: {  	[smem:$0x3F99] =	sst s1;
	(tag) =	ssettag s2;
	_ =	strace s9  }
0x27: {  	s1 =	sld [smem:$0x3FA9]  }
0x28: {  	s2 =	sld [smem:$0x3FAA]  }
0x29: {  	s4 =	sld [smem:$0x3FAC]  }
0x2a: {  	p0 =	seq.s32 s5, $0x0;
	s5 =	sld [smem:$0x3FAD]  }
0x2b: {  	s6 =	sld [smem:$0x3FAE]  }
0x2c: {  	s7 =	sld [smem:$0x3FAF]  }
0x2d: {  	s3 =	simm.s32 $0x108;
	s8 =	sld [smem:$0x3FB0]  }
0x2e: {  	s3 =	simm.s32 @!p0 $0x1082;
	s9 =	sld [smem:$0x3FB1]  }
0x2f: {  	lr =	sadd.s32 s0, s3;
	s0 =	sld [smem:$0x3FA8]  }
0x30: {  	s3 =	sld [smem:$0x3FAB]  }
0x31: {  	[smem:$0x3FB4] =	sst s10  }
0x32: {  	s10 =	sld [smem:$0x3FB2];
	_ =	sdelay $0x3  }
0x33: {  	p0 =	seq.s32 s10, $0x1;
	s10 =	sld [smem:$0x3FB4];
	_ =	sdelay $0x3  }
0x34: {  	[smem:$0x3FB4] =	sst s10  }
0x35: {  	s10 =	sld [smem:$0x3FB3];
	_ =	sdelay $0x3  }
0x36: {  	p1 =	seq.s32 s10, $0x1;
	s10 =	sld [smem:$0x3FB4];
	_ =	sdelay $0x3  }
0x37: {  	[smem:$0x3FB4] =	sst s10  }
0x38: {  	s10 =	sld [smem:$0x3FB5]  }
0x39: {  	_ = 	snop;
	(pc) =	sbr.ind lr, $3  }
0x3a: {  	_ = 	snop  }
0x3b: {  	_ = 	snop  }
0x3c: {  	p2 =	seq.s32 s10, $0x1;
	s10 =	sld [smem:$0x3FB4]  }
0x3d: {  	_ =	shalt  }
0x3e: {  	_ =	shalt  }
0x3f: {  	_ =	shalt  }
0x40: {  	_ =	shalt  }
0x41: {  	_ =	shalt  }
0x42: {  	_ =	shalt  }
0x43: {  	_ =	shalt  }
0x44: {  	_ =	shalt  }
0x45: {  	_ =	shalt  }
0x46: {  	_ =	shalt  }
0x47: {  	_ =	shalt  }
0x48: {  	_ =	shalt  }
0x49: {  	_ =	shalt  }
0x4a: {  	_ =	shalt  }
0x4b: {  	_ =	shalt  }
0x4c: {  	_ =	shalt  }
0x4d: {  	_ =	shalt  }
0x4e: {  	_ =	shalt  }
0x4f: {  	_ =	shalt  }
0x50: {  	_ =	shalt  }
0x51: {  	_ =	shalt  }
0x52: {  	_ =	shalt  }
0x53: {  	_ =	shalt  }
0x54: {  	_ =	shalt  }
0x55: {  	_ =	shalt  }
0x56: {  	_ =	shalt  }
0x57: {  	_ =	shalt  }
0x58: {  	_ =	shalt  }
0x59: {  	_ =	shalt  }
0x5a: {  	_ =	shalt  }
0x5b: {  	_ =	shalt  }
0x5c: {  	_ =	shalt  }
0x5d: {  	_ =	shalt  }
0x5e: {  	_ =	shalt  }
0x5f: {  	_ =	shalt  }
0x60: {  	_ =	shalt  }
0x61: {  	_ =	shalt  }
0x62: {  	_ =	shalt  }
0x63: {  	_ =	shalt  }
0x64: {  	_ =	shalt  }
0x65: {  	_ =	shalt  }
0x66: {  	_ =	shalt  }
0x67: {  	_ =	shalt  }
0x68: {  	_ =	shalt  }
0x69: {  	_ =	shalt  }
0x6a: {  	_ =	shalt  }
0x6b: {  	_ =	shalt  }
0x6c: {  	_ =	shalt  }
0x6d: {  	_ =	shalt  }
0x6e: {  	_ =	shalt  }
0x6f: {  	_ =	shalt  }
0x70: {  	_ =	shalt  }
0x71: {  	_ =	shalt  }
0x72: {  	_ =	shalt  }
0x73: {  	_ =	shalt  }
0x74: {  	_ =	shalt  }
0x75: {  	_ =	shalt  }
0x76: {  	_ =	shalt  }
0x77: {  	_ =	shalt  }
0x78: {  	_ =	shalt  }
0x79: {  	_ =	shalt  }
0x7a: {  	_ =	shalt  }
0x7b: {  	_ =	shalt  }
0x7c: {  	_ =	shalt  }
0x7d: {  	_ =	shalt  }
0x7e: {  	_ =	shalt  }
0x7f: {  	_ =	shalt  }
0x80: {  	_ =	shalt  }
0x81: {  	_ =	shalt  }
0x82: {  	_ =	shalt  }
0x83: {  	_ =	shalt  }
0x84: {  	_ =	shalt  }
0x85: {  	_ =	shalt  }
0x86: {  	_ =	shalt  }
0x87: {  	_ =	shalt  }
.Lfunc_end0:
.L_simem_size_0:
called_computation.3_lowered:
.L_overlay_start_0:
0x88: {  	s2 =	sld [smem:$0x3FD9]  }
0x89: {  	s3 =	sld [smem:$0x3FFE];
	_ =	sdelay $0x1  }
0x8a: {  	s1 =	srdreg.scid  }
0x8b: {  	s0 =	sand.u32 $0x1, s1  }
0x8c: {  	s17 =	sshll.u32 s0, $0xA;
	s2 =	sadd.s32 s3, s2  }
0x8d: {  	s2 =	sadd.s32 s2, s17  }
0x8e: {  	[smem:$0x3FC0] =	sst s2  }
0x8f: {  	_ = 	snop  }
0x90: {  	s18 =	sld [smem:$0x3FD0];
	(tm) =	ssettm $0x1  }
0x91: {  	s19 =	sld [smem:$0x3FFB];
	_ =	sdelay $0x3  }
0x92: {  	_ =	strace s19  }
0x93: {  	s2 =	sld [smem:$0x3FFC];
	_ =	sdelay $0x3  }
0x94: {  	_ =	strace s2  }
0x95: {  	s2 =	sld [smem:$0x3FFD];
	_ =	sdelay $0x3  }
0x96: {  	_ =	strace s2  }
0x97: {  	_ =	strace $0x8FFFFFFF  }
0x98: {  	s20 =	sld [smem:$0x3FDB];
	_ =	sdelay $0x1  }
0x99: {  	s4 =	simm.s32 $_scs_section_size  }
0x9a: {  	s5 =	simm.s32 $_size__tile_overlayer_lowered;
	s6 =	simm.s32 $_tile_overlayer_lowered  }
0x9b: {  	s7 =	simm.s32 $0x1BFF;
	s21 =	sshll.u32 s6, $0x1;
	s4 =	sadd.s32 s4, s20  }
0x9c: {  	s22 =	simm.s32 $0x0;
	s5 =	sshll.u32 s5, $0x1;
	s6 =	sadd.s32 s21, s4  }
0x9d: {  	[timem:s22], [sflag:s7] =	dma.local [hbm:s6], s5  }
0x9e: {  	_ =	swait.ge [sflag:s7], s5  }
0x9f: {  	s5 =	ssub.s32 $0x0, s5;
	[sflag:s7] =	ssyncset.done $0x0  }
0xa0: {  	[sflag:s7] =	ssyncadd.s32 s5;
	_ =	sdelay $0x1  }
0xa1: {  	s23 =	simm.s32 $0x1B8B  }
0xa2: {  	_ =	swait.ge [sflag:s23], $0x1  }
0xa3: {  	[sflag:s23] =	ssyncset.done $0x0  }
0xa4: {  	[sflag:s23] =	ssyncadd.s32 $0xFFFFFFFF  }
0xa5: {  	s5 =	sld [smem:$0x0]  }
0xa6: {  	s6 =	sand.u32 $0xFFFFFFFE, s1  }
0xa7: {  	p0 =	sne.s32 s1, s6  }
0xa8: {  	s6 =	sshll.u32 @p0 s6, $0xE  }
0xa9: {  	s6 =	sadd.s32 @p0 $0x11B8D, s6;
	s7 =	sshll.u32 @p0 s5, $0x11  }
0xaa: {  	s6 =	sor.u32 @p0 s7, s6  }
0xab: {  	[sflag:s6] =	ssyncadd.remote.s32 @p0 $0x1;
	_ =	sdelay $0x1  }
0xac: {  	s6 =	simm.s32 @p0 $0x1B8D  }
0xad: {  	_ =	swait.eq @p0 [sflag:s6], $0x1  }
0xae: {  	[sflag:s6] =	ssyncadd.s32 @p0 $0xFFFFFFFF  }
0xaf: {  	s7 =	sshll.u32 @!p0 s1, $0xE  }
0xb0: {  	s7 =	sor.u32 @!p0 $0x4000, s7;
	s6 =	simm.s32 @!p0 $0x1B8D  }
0xb1: {  	s5 =	sshll.u32 @!p0 s5, $0x11;
	s7 =	sadd.s32 @!p0 $0x11B8D, s7;
	_ =	swait.eq @!p0 [sflag:s6], $0x1  }
0xb2: {  	s5 =	sor.u32 @!p0 s5, s7;
	[sflag:s6] =	ssyncadd.s32 @!p0 $0xFFFFFFFF  }
0xb3: {  	s25 =	simm.s32 $0x1B8E;
	s24 =	sld [smem:$0x3FFE];
	[sflag:s5] =	ssyncadd.remote.s32 @!p0 $0x1  }
0xb4: {  	s26 =	simm.s32 $execute0_lowered;
	[smem:$0x3FD2] =	sst s25  }
0xb5: {  	s6 =	sshll.u32 s26, $0x1;
	_ =	strace $0x8000004F;
	[dreg:$0x1] =	wrdreg $0xFFFFFFFF  }
0xb6: {  	s28 =	simm.s32 $_size_execute0_lowered;
	s4 =	sadd.s32 s4, s6;
	[dreg:$0x0] =	wrdreg $0x0  }
0xb7: {  	s6 =	sshll.u32 s28, $0x1;
	[dreg:$0x2] =	wrdreg s4  }
0xb8: {  	[dreg:$0x3] =	wrdreg s6  }
0xb9: {  	[dreg:$0x4] =	wrdreg $0xC0  }
0xba: {  	_ =	task [dreg:s22], $0x5FFFF  }
0xbb: {  	[dreg:$0x1] =	wrdreg $0xFFFFFFFF  }
0xbc: {  	[dreg:$0x0] =	wrdreg $0x60  }
0xbd: {  	[dreg:$0x2] =	wrdreg s24  }
0xbe: {  	[dreg:$0x3] =	wrdreg s18  }
0xbf: {  	[dreg:$0x4] =	wrdreg $0x9  }
0xc0: {  	_ =	task.clear_ibuf [dreg:s22], $0x5FFFF;
	_ =	strace $0x9000004F  }
0xc1: {  	s29 =	simm.s32 $0x9;
	_ =	strace $0x80000051  }
0xc2: {  	_ =	swait.ge [sflag:s29], $0x1  }
0xc3: {  	[sflag:s29] =	ssyncadd.s32 $0xFFFFFFFF  }
0xc4: {  	_ =	strace $0x90000051  }
0xc5: {  	_ =	sfence  }
0xc6: {  	s30 =	sld [smem:$0x0];
	_ =	sdelay $0x2  }
0xc7: {  	s31 =	sshll.u32 s1, $0xD;
	s1 =	sshrl.u32 s1, $0x2  }
0xc8: {  	s4 =	sand.u32 $0x4000, s31;
	s1 =	sadd.s32 s1, s30  }
0xc9: {  	s0 =	sor.u32 s4, s0;
	s1 =	sshll.u32 s1, $0x11  }
0xca: {  	s0 =	sor.u32 s1, s0  }
0xcb: {  	s0 =	sadd.s32 $0x8F2B, s0  }
0xcc: {  	[sflag:s0] =	ssyncadd.remote.s32 $0x1  }
0xcd: {  	_ =	sfence.sel $0xFFFF  }
0xce: {  	[dreg:$0x0] =	wrdreg $0xFFFFFFFF;
	(pc) =	sbr.abs _section_cstart, $3  }
0xcf: {  	[dreg:$0x1] =	wrdreg $0xFFFFFFFF  }
0xd0: {  	_ =	task.clear_ibuf [dreg:s22], $0x2FFFF;
	_ =	strace $0x9FFFFFFF  }
0xd1: {  	(tm) =	ssettm $0x7FFFFFFF  }
tec
execute0_lowered:
.L_overlay_start_1:
0x0: {  	(tag) =	ssettag $0x1  }
0x1: {  	s0 =	srdreg.scid;
	s1 =	rddreg [dreg:$0x0]  }
0x2: {  	s9 =	stileid.u32;
	s4 =	rddreg [dreg:$0x1];
	s12 =	simm.s32 $0x10  }
0x3: {  	s18 =	simm.s32 $0x9500;
	s20 =	simm.s32 $0x2;
	s10 =	simm.s32 $0xB100  }
0x4: {  	s11 =	simm.s32 $0xB500;
	s13 =	simm.s32 $0x3;
	s29 =	simm.s32 $0x4  }
0x5: {  	s28 =	simm.s32 $0x5;
	s31 =	simm.s32 $0x8;
	s5 =	smul.u32 $0xC8000, s9  }
0x6: {  	s0 =	sand.u32 $0x1, s0;
	s2 =	sshll.u32 s9, $0x1;
	s9 =	smul.u32 $0x19000, s9  }
0x7: {  	s14 =	simm.s32 $0x0;
	s3 =	sor.u32 s0, s2;
	s7 =	smul.u32 $0x64000, s0  }
0x8: {  	s2 =	simm.s32 $0x0;
	s21 =	ssub.s32 $0x2, s0;
	s0 =	smul.u32 $0xC800, s0  }
0x9: {  	s3 =	smul.u32 $0x1900, s3;
	[smem:$0x7FF] =	sst s2;
	s8 =	sshrl.u32 s21, $0x1  }
0xa: {  	s22 =	sadd.s32 s9, s4;
	s9 =	simm.s32 $0xAD00;
	_ =	strace $0x80000050  }
0xb: {  	s5 =	sadd.s32 s7, s5;
	s0 =	sadd.s32 s0, s22;
	s22 =	simm.s32 $0x1  }
0xc: {  	s6 =	sshrl.u32 s3, $0x3;
	s3 =	sadd.s32 $0x569200, s1;
	s7 =	sadd.s32 $0x8000, s5  }
0xd: {  	[dreg:$0x5] =	wrdreg s0;
	s24 =	sadd.s32 $0x6000, s5;
	s25 =	sadd.s32 $0x4000, s5  }
0xe: {  	s5 =	sor.u32 $0x2000, s5;
	s1 =	sadd.s32 s6, s1;
	s6 =	ssub.s32 s21, s8  }
0xf: {  	s7 =	sshrl.u32 s7, $0x3;
	s0 =	sshrl.u32 s24, $0x3;
	s1 =	sadd.s32 $0x562E00, s1  }
0x10: {  	s5 =	sshrl.u32 s5, $0x3;
	s6 =	smax.u32 s6, $0x1;
	[dreg:$0x3] =	wrdreg s1  }
0x11: {  	s8 =	simm.s32 $0xA900;
	s23 =	sadd.s32 s7, s4;
	[dreg:$0x4] =	wrdreg s6  }
.Ltmp0:
0x12: {  	s0 =	sadd.s32 s0, s4;
	[dreg:$0x6] =	wrdreg s23;
	(pc) =	sbr.rel .LBB2_1-.Ltmp0, $4  }
0x13: {  	s30 =	sadd.s32 s5, s4;
	s5 =	simm.s32 $0x9D00;
	[dreg:$0x7] =	wrdreg s0  }
0x14: {  	s7 =	simm.s32 $0xA500;
	s1 =	sshrl.u32 s25, $0x3;
	[dreg:$0x9] =	wrdreg s30  }
0x15: {  	s25 =	simm.s32 $0x5900;
	s23 =	simm.s32 $0x7900;
	s26 =	sadd.s32 s1, s4  }
0x16: {  	s6 =	simm.s32 $0xA100;
	s4 =	simm.s32 $0x9900;
	[dreg:$0x8] =	wrdreg s26  }
.LBB2_4:
0x17: {  	s0 =	simm.s32 $0x6  }
0x18: {  	_ =	swait.ge [sflag:s0], $0x2000  }
0x19: {  	[sflag:s0] =	ssyncset.done $0x0  }
0x1a: {  	s24 =	simm.s32 $0x7;
	[sflag:s0] =	ssyncadd.s32 $0xFFFFE000  }
0x1b: {  	_ =	swait.ge [sflag:s24], $0x2000  }
0x1c: {  	[sflag:s24] =	ssyncset.done $0x0  }
0x1d: {  	[sflag:s24] =	ssyncadd.s32 $0xFFFFE000  }
0x1e: {  	_ =	swait.ge [sflag:s31], $0x2000  }
0x1f: {  	[sflag:s31] =	ssyncset.done $0x0  }
0x20: {  	s26 =	simm.s32 $0x9;
	[sflag:s31] =	ssyncadd.s32 $0xFFFFE000  }
0x21: {  	_ =	swait.ge [sflag:s26], $0x2000  }
0x22: {  	[sflag:s26] =	ssyncset.done $0x0  }
0x23: {  	s1 =	simm.s32 $0xA;
	[sflag:s26] =	ssyncadd.s32 $0xFFFFE000  }
0x24: {  	_ =	swait.ge [sflag:s1], $0x2000  }
0x25: {  	s14 =	rddreg [dreg:$0xa]  }
0x26: {  	s30 =	rddreg [dreg:$0x4];
	s14 =	sadd.s32 $0x1, s14  }
0x27: {  	p0 =	sne.s32 s14, s30  }
.Ltmp1:
0x28: {  	_ = 	snop;
	(pc) =	sbr.rel @!p0 .LBB2_5-.Ltmp1, $3  }
0x29: {  	_ =	sdelay $0x1  }
0x2a: {  	[sflag:s1] =	ssyncset.done $0x0  }
0x2b: {  	[sflag:s1] =	ssyncadd.s32 $0xFFFFE000  }
.LBB2_1:
0x2c: {  	[dreg:$0xa] =	wrdreg s14  }
0x2d: {  	s0 =	rddreg [dreg:$0x3];
	s17 =	simm.s32 $0xB  }
0x2e: {  	[tilespmem:s2], [sflag:$0xB] =	stream.linear.gather [hbm4b:s0+s2], $0x1900, $0x38;
	[tilespmem:$0xB900] =	vst v63  }
0x2f: {  	_ =	swait.ge [sflag:s17], $0x1900  }
0x30: {  	[sflag:s17] =	ssyncset.done $0x0  }
0x31: {  	s19 =	simm.s32 $0x1900;
	[sflag:s17] =	ssyncadd.s32 $0xFFFFE700  }
0x32: {  	[tilespmem:s19], [sflag:$0x1] =	stream.indirect.gather [hbm4b:s3+s12], $0x40, s2, s12, $0xb8;
	[tilespmem:$0xB900] =	vst v63  }
0x33: {  	s21 =	simm.s32 $0x1D00  }
0x34: {  	[tilespmem:s21], [sflag:$0x1] =	stream.indirect.gather [hbm4b:s3+s12], $0x40, s12, s12, $0xb8;
	[tilespmem:$0xB900] =	vst v63  }
0x35: {  	s24 =	simm.s32 $0x20;
	s1 =	simm.s32 $0x2100  }
0x36: {  	[tilespmem:s1], [sflag:$0x1] =	stream.indirect.gather [hbm4b:s3+s12], $0x40, s24, s12, $0xb8;
	[tilespmem:$0xB900] =	vst v63  }
0x37: {  	s26 =	simm.s32 $0x30;
	s30 =	simm.s32 $0x2500  }
0x38: {  	[tilespmem:s30], [sflag:$0x1] =	stream.indirect.gather [hbm4b:s3+s12], $0x40, s26, s12, $0xb8;
	[tilespmem:$0xB900] =	vst v63  }
0x39: {  	s14 =	simm.s32 $0x2900;
	s1 =	simm.s32 $0x40  }
0x3a: {  	[tilespmem:s14], [sflag:$0x1] =	stream.indirect.gather [hbm4b:s3+s12], $0x40, s1, s12, $0xb8;
	[tilespmem:$0xB900] =	vst v63  }
0x3b: {  	s15 =	simm.s32 $0x50;
	s16 =	simm.s32 $0x2D00  }
0x3c: {  	[tilespmem:s16], [sflag:$0x1] =	stream.indirect.gather [hbm4b:s3+s12], $0x40, s15, s12, $0xb8;
	[tilespmem:$0xB900] =	vst v63  }
0x3d: {  	s17 =	simm.s32 $0x60;
	s19 =	simm.s32 $0x3100  }
0x3e: {  	[tilespmem:s19], [sflag:$0x1] =	stream.indirect.gather [hbm4b:s3+s12], $0x40, s17, s12, $0xb8;
	[tilespmem:$0xB900] =	vst v63  }
0x3f: {  	s21 =	simm.s32 $0x70;
	s24 =	simm.s32 $0x3500  }
0x40: {  	[tilespmem:s24], [sflag:$0x1] =	stream.indirect.gather [hbm4b:s3+s12], $0x40, s21, s12, $0xb8;
	[tilespmem:$0xB900] =	vst v63  }
0x41: {  	s26 =	simm.s32 $0x80;
	s30 =	simm.s32 $0x3900  }
0x42: {  	[tilespmem:s30], [sflag:$0x2] =	stream.indirect.gather [hbm4b:s3+s12], $0x40, s26, s12, $0xb8;
	[tilespmem:$0xB900] =	vst v63  }
0x43: {  	s1 =	simm.s32 $0x90;
	s14 =	simm.s32 $0x3D00  }
0x44: {  	[tilespmem:s14], [sflag:$0x2] =	stream.indirect.gather [hbm4b:s3+s12], $0x40, s1, s12, $0xb8;
	[tilespmem:$0xB900] =	vst v63  }
0x45: {  	s15 =	simm.s32 $0xA0;
	s16 =	simm.s32 $0x4100  }
0x46: {  	[tilespmem:s16], [sflag:$0x2] =	stream.indirect.gather [hbm4b:s3+s12], $0x40, s15, s12, $0xb8;
	[tilespmem:$0xB900] =	vst v63  }
0x47: {  	s17 =	simm.s32 $0xB0;
	s19 =	simm.s32 $0x4500  }
0x48: {  	[tilespmem:s19], [sflag:$0x2] =	stream.indirect.gather [hbm4b:s3+s12], $0x40, s17, s12, $0xb8;
	[tilespmem:$0xB900] =	vst v63  }
0x49: {  	s21 =	simm.s32 $0xC0;
	s24 =	simm.s32 $0x4900  }
0x4a: {  	[tilespmem:s24], [sflag:$0x2] =	stream.indirect.gather [hbm4b:s3+s12], $0x40, s21, s12, $0xb8;
	[tilespmem:$0xB900] =	vst v63  }
0x4b: {  	s26 =	simm.s32 $0xD0;
	s30 =	simm.s32 $0x4D00  }
0x4c: {  	[tilespmem:s30], [sflag:$0x2] =	stream.indirect.gather [hbm4b:s3+s12], $0x40, s26, s12, $0xb8;
	[tilespmem:$0xB900] =	vst v63  }
0x4d: {  	s14 =	simm.s32 $0xE0;
	s15 =	simm.s32 $0x5100  }
0x4e: {  	[tilespmem:s15], [sflag:$0x2] =	stream.indirect.gather [hbm4b:s3+s12], $0x40, s14, s12, $0xb8;
	[tilespmem:$0xB900] =	vst v63  }
0x4f: {  	s16 =	simm.s32 $0xF0;
	s17 =	simm.s32 $0x5500  }
0x50: {  	[tilespmem:s17], [sflag:$0x2] =	stream.indirect.gather [hbm4b:s3+s12], $0x40, s16, s12, $0xb8;
	[tilespmem:$0xB900] =	vst v63  }
0x51: {  	s19 =	simm.s32 $0x100  }
0x52: {  	[tilespmem:s25], [sflag:$0x3] =	stream.indirect.gather [hbm4b:s3+s12], $0x40, s19, s12, $0xb8;
	[tilespmem:$0xB900] =	vst v63  }
0x53: {  	s21 =	simm.s32 $0x110;
	s24 =	simm.s32 $0x5D00  }
0x54: {  	[tilespmem:s24], [sflag:$0x3] =	stream.indirect.gather [hbm4b:s3+s12], $0x40, s21, s12, $0xb8;
	[tilespmem:$0xB900] =	vst v63  }
0x55: {  	s26 =	simm.s32 $0x120;
	s30 =	simm.s32 $0x6100  }
0x56: {  	[tilespmem:s30], [sflag:$0x3] =	stream.indirect.gather [hbm4b:s3+s12], $0x40, s26, s12, $0xb8;
	[tilespmem:$0xB900] =	vst v63  }
0x57: {  	s1 =	simm.s32 $0x130;
	s14 =	simm.s32 $0x6500  }
0x58: {  	[tilespmem:s14], [sflag:$0x3] =	stream.indirect.gather [hbm4b:s3+s12], $0x40, s1, s12, $0xb8;
	[tilespmem:$0xB900] =	vst v63  }
0x59: {  	s0 =	rddreg [dreg:$0x9];
	s15 =	simm.s32 $0x140;
	s16 =	simm.s32 $0x6900  }
0x5a: {  	[tilespmem:s16], [sflag:$0x3] =	stream.indirect.gather [hbm4b:s3+s12], $0x40, s15, s12, $0xb8;
	[tilespmem:$0xB900] =	vst v63  }
0x5b: {  	s17 =	simm.s32 $0x150;
	s19 =	simm.s32 $0x6D00;
	s15 =	rddreg [dreg:$0x8]  }
0x5c: {  	[tilespmem:s19], [sflag:$0x3] =	stream.indirect.gather [hbm4b:s3+s12], $0x40, s17, s12, $0xb8;
	[tilespmem:$0xB900] =	vst v63  }
0x5d: {  	s21 =	simm.s32 $0x160;
	s17 =	rddreg [dreg:$0x7]  }
0x5e: {  	s24 =	simm.s32 $0x7100;
	s26 =	simm.s32 $0x170;
	s19 =	rddreg [dreg:$0x6]  }
0x5f: {  	[tilespmem:s24], [sflag:$0x3] =	stream.indirect.gather [hbm4b:s3+s12], $0x40, s21, s12, $0xb8;
	[tilespmem:$0xB900] =	vst v63  }
0x60: {  	s30 =	simm.s32 $0x7500;
	s21 =	rddreg [dreg:$0x5];
	s24 =	simm.s32 $0x0  }
0x61: {  	[tilespmem:s30], [sflag:$0x3] =	stream.indirect.gather [hbm4b:s3+s12], $0x40, s26, s12, $0xb8;
	[tilespmem:$0xB900] =	vst v63  }
.LBB2_2:
0x62: {  	_ =	swait.ge [sflag:s22], $0x400  }
0x63: {  	[sflag:s22] =	ssyncset.done $0x0  }
0x64: {  	[sflag:s22] =	ssyncadd.s32 $0xFFFFFC00  }
0x65: {  	_ =	swait.ge [sflag:s22], $0x400  }
0x66: {  	[sflag:s22] =	ssyncset.done $0x0  }
0x67: {  	[sflag:s22] =	ssyncadd.s32 $0xFFFFFC00  }
0x68: {  	_ =	swait.ge [sflag:s22], $0x400  }
0x69: {  	[sflag:s22] =	ssyncset.done $0x0  }
0x6a: {  	[sflag:s22] =	ssyncadd.s32 $0xFFFFFC00  }
0x6b: {  	_ =	swait.ge [sflag:s22], $0x400  }
0x6c: {  	[sflag:s22] =	ssyncset.done $0x0  }
0x6d: {  	[sflag:s22] =	ssyncadd.s32 $0xFFFFFC00  }
0x6e: {  	_ =	swait.ge [sflag:s22], $0x400  }
0x6f: {  	[sflag:s22] =	ssyncset.done $0x0  }
0x70: {  	[sflag:s22] =	ssyncadd.s32 $0xFFFFFC00  }
0x71: {  	_ =	swait.ge [sflag:s22], $0x400  }
0x72: {  	[sflag:s22] =	ssyncset.done $0x0  }
0x73: {  	[sflag:s22] =	ssyncadd.s32 $0xFFFFFC00  }
0x74: {  	_ =	swait.ge [sflag:s22], $0x400  }
0x75: {  	[sflag:s22] =	ssyncset.done $0x0  }
0x76: {  	[sflag:s22] =	ssyncadd.s32 $0xFFFFFC00  }
0x77: {  	_ =	swait.ge [sflag:s22], $0x400  }
0x78: {  	[sflag:s22] =	ssyncset.done $0x0  }
0x79: {  	s1 =	simm.s32 $0x1900;
	p0 =	seq.s32 s24, $0x0;
	[sflag:s22] =	ssyncadd.s32 $0xFFFFFC00  }
0x7a: {  	[hbm4b:s21+s2] =	stream.linear.scatter [tilespmem:s1], [sflag:$0x6], $0x2000, $0x38;
	[tilespmem:$0xB900] =	vst v63  }
0x7b: {  	s1 =	simm.s32 @!p0 $0x9  }
0x7c: {  	_ =	swait.ge @!p0 [sflag:s1], $0x2000  }
0x7d: {  	s26 =	sshra.s32 s24, $0x2;
	[sflag:s1] =	ssyncset.done @!p0 $0x0  }
0x7e: {  	s16 =	sadd.s32 $0x180, s26;
	[sflag:s1] =	ssyncadd.s32 @!p0 $0xFFFFE000  }
0x7f: {  	[tilespmem:s23], [sflag:$0x4] =	stream.indirect.gather [hbm4b:s3+s12], $0x40, s16, s12, $0xb8;
	[tilespmem:$0xB900] =	vst v63  }
0x80: {  	s14 =	simm.s32 $0x7D00;
	s30 =	sadd.s32 $0x190, s26  }
0x81: {  	[tilespmem:s14], [sflag:$0x4] =	stream.indirect.gather [hbm4b:s3+s12], $0x40, s30, s12, $0xb8;
	[tilespmem:$0xB900] =	vst v63  }
0x82: {  	s16 =	sadd.s32 $0x1A0, s26;
	s30 =	simm.s32 $0x8100  }
0x83: {  	[tilespmem:s30], [sflag:$0x4] =	stream.indirect.gather [hbm4b:s3+s12], $0x40, s16, s12, $0xb8;
	[tilespmem:$0xB900] =	vst v63  }
0x84: {  	s16 =	sadd.s32 $0x1B0, s26;
	s30 =	simm.s32 $0x8500  }
0x85: {  	[tilespmem:s30], [sflag:$0x4] =	stream.indirect.gather [hbm4b:s3+s12], $0x40, s16, s12, $0xb8;
	[tilespmem:$0xB900] =	vst v63  }
0x86: {  	s16 =	sadd.s32 $0x1C0, s26;
	s30 =	simm.s32 $0x8900  }
0x87: {  	[tilespmem:s30], [sflag:$0x4] =	stream.indirect.gather [hbm4b:s3+s12], $0x40, s16, s12, $0xb8;
	[tilespmem:$0xB900] =	vst v63  }
0x88: {  	s16 =	sadd.s32 $0x1D0, s26;
	s30 =	simm.s32 $0x8D00  }
0x89: {  	[tilespmem:s30], [sflag:$0x4] =	stream.indirect.gather [hbm4b:s3+s12], $0x40, s16, s12, $0xb8;
	[tilespmem:$0xB900] =	vst v63  }
0x8a: {  	s14 =	sadd.s32 $0x1E0, s26;
	s16 =	simm.s32 $0x9100  }
0x8b: {  	[tilespmem:s16], [sflag:$0x4] =	stream.indirect.gather [hbm4b:s3+s12], $0x40, s14, s12, $0xb8;
	[tilespmem:$0xB900] =	vst v63  }
0x8c: {  	s30 =	sadd.s32 $0x1F0, s26  }
0x8d: {  	[tilespmem:s18], [sflag:$0x4] =	stream.indirect.gather [hbm4b:s3+s12], $0x40, s30, s12, $0xb8;
	[tilespmem:$0xB900] =	vst v63  }
0x8e: {  	_ =	swait.ge [sflag:s20], $0x400  }
0x8f: {  	[sflag:s20] =	ssyncset.done $0x0  }
0x90: {  	[sflag:s20] =	ssyncadd.s32 $0xFFFFFC00  }
0x91: {  	_ =	swait.ge [sflag:s20], $0x400  }
0x92: {  	[sflag:s20] =	ssyncset.done $0x0  }
0x93: {  	[sflag:s20] =	ssyncadd.s32 $0xFFFFFC00  }
0x94: {  	_ =	swait.ge [sflag:s20], $0x400  }
0x95: {  	[sflag:s20] =	ssyncset.done $0x0  }
0x96: {  	[sflag:s20] =	ssyncadd.s32 $0xFFFFFC00  }
0x97: {  	_ =	swait.ge [sflag:s20], $0x400  }
0x98: {  	[sflag:s20] =	ssyncset.done $0x0  }
0x99: {  	[sflag:s20] =	ssyncadd.s32 $0xFFFFFC00  }
0x9a: {  	_ =	swait.ge [sflag:s20], $0x400  }
0x9b: {  	[sflag:s20] =	ssyncset.done $0x0  }
0x9c: {  	[sflag:s20] =	ssyncadd.s32 $0xFFFFFC00  }
0x9d: {  	_ =	swait.ge [sflag:s20], $0x400  }
0x9e: {  	[sflag:s20] =	ssyncset.done $0x0  }
0x9f: {  	[sflag:s20] =	ssyncadd.s32 $0xFFFFFC00  }
0xa0: {  	_ =	swait.ge [sflag:s20], $0x400  }
0xa1: {  	[sflag:s20] =	ssyncset.done $0x0  }
0xa2: {  	[sflag:s20] =	ssyncadd.s32 $0xFFFFFC00  }
0xa3: {  	_ =	swait.ge [sflag:s20], $0x400  }
0xa4: {  	[sflag:s20] =	ssyncset.done $0x0  }
0xa5: {  	s1 =	simm.s32 @!p0 $0xA;
	s14 =	simm.s32 $0x3900;
	[sflag:s20] =	ssyncadd.s32 $0xFFFFFC00  }
0xa6: {  	[hbm4b:s0+s2] =	stream.linear.scatter [tilespmem:s14], [sflag:$0x7], $0x2000, $0x38;
	[tilespmem:$0xB900] =	vst v63  }
0xa7: {  	_ =	swait.ge @!p0 [sflag:s1], $0x2000  }
0xa8: {  	[sflag:s1] =	ssyncset.done @!p0 $0x0  }
0xa9: {  	s16 =	sadd.s32 $0x200, s26;
	[sflag:s1] =	ssyncadd.s32 @!p0 $0xFFFFE000  }
0xaa: {  	[tilespmem:s4], [sflag:$0x5] =	stream.indirect.gather [hbm4b:s3+s12], $0x40, s16, s12, $0xb8;
	[tilespmem:$0xB900] =	vst v63  }
0xab: {  	s30 =	sadd.s32 $0x210, s26  }
0xac: {  	[tilespmem:s5], [sflag:$0x5] =	stream.indirect.gather [hbm4b:s3+s12], $0x40, s30, s12, $0xb8;
	[tilespmem:$0xB900] =	vst v63  }
0xad: {  	s14 =	sadd.s32 $0x220, s26  }
0xae: {  	[tilespmem:s6], [sflag:$0x5] =	stream.indirect.gather [hbm4b:s3+s12], $0x40, s14, s12, $0xb8;
	[tilespmem:$0xB900] =	vst v63  }
0xaf: {  	s16 =	sadd.s32 $0x230, s26  }
0xb0: {  	[tilespmem:s7], [sflag:$0x5] =	stream.indirect.gather [hbm4b:s3+s12], $0x40, s16, s12, $0xb8;
	[tilespmem:$0xB900] =	vst v63  }
0xb1: {  	s30 =	sadd.s32 $0x240, s26  }
0xb2: {  	[tilespmem:s8], [sflag:$0x5] =	stream.indirect.gather [hbm4b:s3+s12], $0x40, s30, s12, $0xb8;
	[tilespmem:$0xB900] =	vst v63  }
0xb3: {  	s14 =	sadd.s32 $0x250, s26  }
0xb4: {  	[tilespmem:s9], [sflag:$0x5] =	stream.indirect.gather [hbm4b:s3+s12], $0x40, s14, s12, $0xb8;
	[tilespmem:$0xB900] =	vst v63  }
0xb5: {  	s16 =	sadd.s32 $0x260, s26  }
0xb6: {  	[tilespmem:s10], [sflag:$0x5] =	stream.indirect.gather [hbm4b:s3+s12], $0x40, s16, s12, $0xb8;
	[tilespmem:$0xB900] =	vst v63  }
0xb7: {  	s30 =	sadd.s32 $0x270, s26  }
0xb8: {  	[tilespmem:s11], [sflag:$0x5] =	stream.indirect.gather [hbm4b:s3+s12], $0x40, s30, s12, $0xb8;
	[tilespmem:$0xB900] =	vst v63  }
0xb9: {  	_ =	swait.ge [sflag:s13], $0x400  }
0xba: {  	[sflag:s13] =	ssyncset.done $0x0  }
0xbb: {  	[sflag:s13] =	ssyncadd.s32 $0xFFFFFC00  }
0xbc: {  	_ =	swait.ge [sflag:s13], $0x400  }
0xbd: {  	[sflag:s13] =	ssyncset.done $0x0  }
0xbe: {  	[sflag:s13] =	ssyncadd.s32 $0xFFFFFC00  }
0xbf: {  	_ =	swait.ge [sflag:s13], $0x400  }
0xc0: {  	[sflag:s13] =	ssyncset.done $0x0  }
0xc1: {  	[sflag:s13] =	ssyncadd.s32 $0xFFFFFC00  }
0xc2: {  	_ =	swait.ge [sflag:s13], $0x400  }
0xc3: {  	[sflag:s13] =	ssyncset.done $0x0  }
0xc4: {  	[sflag:s13] =	ssyncadd.s32 $0xFFFFFC00  }
0xc5: {  	_ =	swait.ge [sflag:s13], $0x400  }
0xc6: {  	[sflag:s13] =	ssyncset.done $0x0  }
0xc7: {  	[sflag:s13] =	ssyncadd.s32 $0xFFFFFC00  }
0xc8: {  	_ =	swait.ge [sflag:s13], $0x400  }
0xc9: {  	[sflag:s13] =	ssyncset.done $0x0  }
0xca: {  	[sflag:s13] =	ssyncadd.s32 $0xFFFFFC00  }
0xcb: {  	_ =	swait.ge [sflag:s13], $0x400  }
0xcc: {  	[sflag:s13] =	ssyncset.done $0x0  }
0xcd: {  	[sflag:s13] =	ssyncadd.s32 $0xFFFFFC00  }
0xce: {  	_ =	swait.ge [sflag:s13], $0x400  }
0xcf: {  	p0 =	seq.s32 s24, $0x5A00;
	[sflag:s13] =	ssyncset.done $0x0  }
0xd0: {  	s1 =	simm.s32 @!p0 $0x6;
	[sflag:s13] =	ssyncadd.s32 $0xFFFFFC00  }
0xd1: {  	[hbm4b:s15+s2] =	stream.linear.scatter [tilespmem:s25], [sflag:$0x8], $0x2000, $0x38;
	[tilespmem:$0xB900] =	vst v63  }
0xd2: {  	_ =	swait.ge @!p0 [sflag:s1], $0x2000  }
0xd3: {  	s16 =	simm.s32 @!p0 $0x1900;
	s30 =	sshra.s32 @!p0 s24, $0x2;
	[sflag:s1] =	ssyncset.done @!p0 $0x0  }
0xd4: {  	s14 =	sadd.s32 @!p0 $0x280, s30;
	[sflag:s1] =	ssyncadd.s32 @!p0 $0xFFFFE000;
	s1 =	simm.s32 @!p0 $0x10  }
0xd5: {  	[tilespmem:s16], [sflag:$0x1] =	stream.indirect.gather @!p0 [hbm4b:s3+s1], $0x40, s14, s1, $0xb8;
	[tilespmem:$0xB900] =	vst v63  }
0xd6: {  	s14 =	sadd.s32 @!p0 $0x290, s30;
	s16 =	simm.s32 @!p0 $0x1D00  }
0xd7: {  	[tilespmem:s16], [sflag:$0x1] =	stream.indirect.gather @!p0 [hbm4b:s3+s1], $0x40, s14, s1, $0xb8;
	[tilespmem:$0xB900] =	vst v63  }
0xd8: {  	s14 =	sadd.s32 @!p0 $0x2A0, s30;
	s16 =	simm.s32 @!p0 $0x2100  }
0xd9: {  	[tilespmem:s16], [sflag:$0x1] =	stream.indirect.gather @!p0 [hbm4b:s3+s1], $0x40, s14, s1, $0xb8;
	[tilespmem:$0xB900] =	vst v63  }
0xda: {  	s14 =	sadd.s32 @!p0 $0x2B0, s30;
	s16 =	simm.s32 @!p0 $0x2500  }
0xdb: {  	[tilespmem:s16], [sflag:$0x1] =	stream.indirect.gather @!p0 [hbm4b:s3+s1], $0x40, s14, s1, $0xb8;
	[tilespmem:$0xB900] =	vst v63  }
0xdc: {  	s14 =	sadd.s32 @!p0 $0x2C0, s30;
	s16 =	simm.s32 @!p0 $0x2900  }
0xdd: {  	[tilespmem:s16], [sflag:$0x1] =	stream.indirect.gather @!p0 [hbm4b:s3+s1], $0x40, s14, s1, $0xb8;
	[tilespmem:$0xB900] =	vst v63  }
0xde: {  	s14 =	sadd.s32 @!p0 $0x2D0, s30;
	s16 =	simm.s32 @!p0 $0x2D00  }
0xdf: {  	[tilespmem:s16], [sflag:$0x1] =	stream.indirect.gather @!p0 [hbm4b:s3+s1], $0x40, s14, s1, $0xb8;
	[tilespmem:$0xB900] =	vst v63  }
0xe0: {  	s14 =	sadd.s32 @!p0 $0x2E0, s30;
	s16 =	simm.s32 @!p0 $0x3100  }
0xe1: {  	[tilespmem:s16], [sflag:$0x1] =	stream.indirect.gather @!p0 [hbm4b:s3+s1], $0x40, s14, s1, $0xb8;
	[tilespmem:$0xB900] =	vst v63  }
0xe2: {  	s14 =	sadd.s32 @!p0 $0x2F0, s30;
	s16 =	simm.s32 @!p0 $0x3500  }
0xe3: {  	[tilespmem:s16], [sflag:$0x1] =	stream.indirect.gather @!p0 [hbm4b:s3+s1], $0x40, s14, s1, $0xb8;
	[tilespmem:$0xB900] =	vst v63  }
0xe4: {  	_ =	swait.ge [sflag:s29], $0x400  }
0xe5: {  	[sflag:s29] =	ssyncset.done $0x0  }
0xe6: {  	[sflag:s29] =	ssyncadd.s32 $0xFFFFFC00  }
0xe7: {  	_ =	swait.ge [sflag:s29], $0x400  }
0xe8: {  	[sflag:s29] =	ssyncset.done $0x0  }
0xe9: {  	[sflag:s29] =	ssyncadd.s32 $0xFFFFFC00  }
0xea: {  	_ =	swait.ge [sflag:s29], $0x400  }
0xeb: {  	[sflag:s29] =	ssyncset.done $0x0  }
0xec: {  	[sflag:s29] =	ssyncadd.s32 $0xFFFFFC00  }
0xed: {  	_ =	swait.ge [sflag:s29], $0x400  }
0xee: {  	[sflag:s29] =	ssyncset.done $0x0  }
0xef: {  	[sflag:s29] =	ssyncadd.s32 $0xFFFFFC00  }
0xf0: {  	_ =	swait.ge [sflag:s29], $0x400  }
0xf1: {  	[sflag:s29] =	ssyncset.done $0x0  }
0xf2: {  	[sflag:s29] =	ssyncadd.s32 $0xFFFFFC00  }
0xf3: {  	_ =	swait.ge [sflag:s29], $0x400  }
0xf4: {  	[sflag:s29] =	ssyncset.done $0x0  }
0xf5: {  	[sflag:s29] =	ssyncadd.s32 $0xFFFFFC00  }
0xf6: {  	_ =	swait.ge [sflag:s29], $0x400  }
0xf7: {  	[sflag:s29] =	ssyncset.done $0x0  }
0xf8: {  	[sflag:s29] =	ssyncadd.s32 $0xFFFFFC00  }
0xf9: {  	_ =	swait.ge [sflag:s29], $0x400  }
0xfa: {  	[sflag:s29] =	ssyncset.done $0x0  }
0xfb: {  	s14 =	simm.s32 @!p0 $0x7;
	[sflag:s29] =	ssyncadd.s32 $0xFFFFFC00  }
0xfc: {  	[hbm4b:s17+s2] =	stream.linear.scatter [tilespmem:s23], [sflag:$0x9], $0x2000, $0x38;
	[tilespmem:$0xB900] =	vst v63  }
0xfd: {  	_ =	swait.ge @!p0 [sflag:s14], $0x2000  }
0xfe: {  	[sflag:s14] =	ssyncset.done @!p0 $0x0  }
0xff: {  	s16 =	simm.s32 @!p0 $0x3900;
	[sflag:s14] =	ssyncadd.s32 @!p0 $0xFFFFE000;
	s14 =	sadd.s32 @!p0 $0x300, s30  }
0x100: {  	[tilespmem:s16], [sflag:$0x2] =	stream.indirect.gather @!p0 [hbm4b:s3+s1], $0x40, s14, s1, $0xb8;
	[tilespmem:$0xB900] =	vst v63  }
0x101: {  	s14 =	sadd.s32 @!p0 $0x310, s30;
	s16 =	simm.s32 @!p0 $0x3D00  }
0x102: {  	[tilespmem:s16], [sflag:$0x2] =	stream.indirect.gather @!p0 [hbm4b:s3+s1], $0x40, s14, s1, $0xb8;
	[tilespmem:$0xB900] =	vst v63  }
0x103: {  	s14 =	sadd.s32 @!p0 $0x320, s30;
	s16 =	simm.s32 @!p0 $0x4100  }
0x104: {  	[tilespmem:s16], [sflag:$0x2] =	stream.indirect.gather @!p0 [hbm4b:s3+s1], $0x40, s14, s1, $0xb8;
	[tilespmem:$0xB900] =	vst v63  }
0x105: {  	s14 =	sadd.s32 @!p0 $0x330, s30;
	s16 =	simm.s32 @!p0 $0x4500  }
0x106: {  	[tilespmem:s16], [sflag:$0x2] =	stream.indirect.gather @!p0 [hbm4b:s3+s1], $0x40, s14, s1, $0xb8;
	[tilespmem:$0xB900] =	vst v63  }
0x107: {  	s14 =	sadd.s32 @!p0 $0x340, s30;
	s16 =	simm.s32 @!p0 $0x4900  }
0x108: {  	[tilespmem:s16], [sflag:$0x2] =	stream.indirect.gather @!p0 [hbm4b:s3+s1], $0x40, s14, s1, $0xb8;
	[tilespmem:$0xB900] =	vst v63  }
0x109: {  	s14 =	sadd.s32 @!p0 $0x350, s30;
	s16 =	simm.s32 @!p0 $0x4D00  }
0x10a: {  	[tilespmem:s16], [sflag:$0x2] =	stream.indirect.gather @!p0 [hbm4b:s3+s1], $0x40, s14, s1, $0xb8;
	[tilespmem:$0xB900] =	vst v63  }
0x10b: {  	s14 =	sadd.s32 @!p0 $0x360, s30;
	s16 =	simm.s32 @!p0 $0x5100  }
0x10c: {  	[tilespmem:s16], [sflag:$0x2] =	stream.indirect.gather @!p0 [hbm4b:s3+s1], $0x40, s14, s1, $0xb8;
	[tilespmem:$0xB900] =	vst v63  }
0x10d: {  	s14 =	sadd.s32 @!p0 $0x370, s30;
	s16 =	simm.s32 @!p0 $0x5500  }
0x10e: {  	[tilespmem:s16], [sflag:$0x2] =	stream.indirect.gather @!p0 [hbm4b:s3+s1], $0x40, s14, s1, $0xb8;
	[tilespmem:$0xB900] =	vst v63  }
0x10f: {  	_ =	swait.ge [sflag:s28], $0x400  }
0x110: {  	[sflag:s28] =	ssyncset.done $0x0  }
0x111: {  	[sflag:s28] =	ssyncadd.s32 $0xFFFFFC00  }
0x112: {  	_ =	swait.ge [sflag:s28], $0x400  }
0x113: {  	[sflag:s28] =	ssyncset.done $0x0  }
0x114: {  	[sflag:s28] =	ssyncadd.s32 $0xFFFFFC00  }
0x115: {  	_ =	swait.ge [sflag:s28], $0x400  }
0x116: {  	[sflag:s28] =	ssyncset.done $0x0  }
0x117: {  	[sflag:s28] =	ssyncadd.s32 $0xFFFFFC00  }
0x118: {  	_ =	swait.ge [sflag:s28], $0x400  }
0x119: {  	[sflag:s28] =	ssyncset.done $0x0  }
0x11a: {  	[sflag:s28] =	ssyncadd.s32 $0xFFFFFC00  }
0x11b: {  	_ =	swait.ge [sflag:s28], $0x400  }
0x11c: {  	[sflag:s28] =	ssyncset.done $0x0  }
0x11d: {  	[sflag:s28] =	ssyncadd.s32 $0xFFFFFC00  }
0x11e: {  	_ =	swait.ge [sflag:s28], $0x400  }
0x11f: {  	[sflag:s28] =	ssyncset.done $0x0  }
0x120: {  	[sflag:s28] =	ssyncadd.s32 $0xFFFFFC00  }
0x121: {  	_ =	swait.ge [sflag:s28], $0x400  }
0x122: {  	[sflag:s28] =	ssyncset.done $0x0  }
.Ltmp2:
0x123: {  	[sflag:s28] =	ssyncadd.s32 $0xFFFFFC00;
	(pc) =	sbr.rel @p0 .LBB2_4-.Ltmp2, $4  }
0x124: {  	_ =	swait.ge [sflag:s28], $0x400  }
0x125: {  	[sflag:s28] =	ssyncset.done $0x0  }
0x126: {  	[sflag:s28] =	ssyncadd.s32 $0xFFFFFC00  }
0x127: {  	[hbm4b:s19+s2] =	stream.linear.scatter [tilespmem:s4], [sflag:$0xA], $0x2000, $0x38;
	[tilespmem:$0xB900] =	vst v63  }
0x128: {  	_ =	swait.ge [sflag:s31], $0x2000  }
0x129: {  	[sflag:s31] =	ssyncset.done $0x0  }
0x12a: {  	s1 =	sadd.s32 $0x380, s26;
	[sflag:s31] =	ssyncadd.s32 $0xFFFFE000  }
0x12b: {  	[tilespmem:s25], [sflag:$0x3] =	stream.indirect.gather [hbm4b:s3+s12], $0x40, s1, s12, $0xb8;
	[tilespmem:$0xB900] =	vst v63  }
0x12c: {  	s30 =	sadd.s32 $0x390, s26;
	s14 =	simm.s32 $0x5D00  }
0x12d: {  	[tilespmem:s14], [sflag:$0x3] =	stream.indirect.gather [hbm4b:s3+s12], $0x40, s30, s12, $0xb8;
	[tilespmem:$0xB900] =	vst v63  }
0x12e: {  	s16 =	sadd.s32 $0x3A0, s26;
	s30 =	simm.s32 $0x6100  }
0x12f: {  	[tilespmem:s30], [sflag:$0x3] =	stream.indirect.gather [hbm4b:s3+s12], $0x40, s16, s12, $0xb8;
	[tilespmem:$0xB900] =	vst v63  }
0x130: {  	s16 =	sadd.s32 $0x3B0, s26;
	s30 =	simm.s32 $0x6500  }
0x131: {  	[tilespmem:s30], [sflag:$0x3] =	stream.indirect.gather [hbm4b:s3+s12], $0x40, s16, s12, $0xb8;
	[tilespmem:$0xB900] =	vst v63  }
0x132: {  	s24 =	sadd.s32 $0xA00, s24;
	s16 =	sadd.s32 $0x3C0, s26;
	s30 =	simm.s32 $0x6900  }
0x133: {  	[tilespmem:s30], [sflag:$0x3] =	stream.indirect.gather [hbm4b:s3+s12], $0x40, s16, s12, $0xb8;
	[tilespmem:$0xB900] =	vst v63  }
0x134: {  	s21 =	sadd.s32 $0x1400, s21;
	s16 =	sadd.s32 $0x3D0, s26;
	s30 =	simm.s32 $0x6D00  }
0x135: {  	[tilespmem:s30], [sflag:$0x3] =	stream.indirect.gather [hbm4b:s3+s12], $0x40, s16, s12, $0xb8;
	[tilespmem:$0xB900] =	vst v63  }
.Ltmp3:
0x136: {  	s19 =	sadd.s32 $0x1400, s19;
	s17 =	sadd.s32 $0x1400, s17;
	(pc) =	sbr.rel .LBB2_2-.Ltmp3, $4  }
0x137: {  	s15 =	sadd.s32 $0x1400, s15;
	s14 =	sadd.s32 $0x3E0, s26;
	s16 =	simm.s32 $0x7100  }
0x138: {  	[tilespmem:s16], [sflag:$0x3] =	stream.indirect.gather [hbm4b:s3+s12], $0x40, s14, s12, $0xb8;
	[tilespmem:$0xB900] =	vst v63  }
0x139: {  	s0 =	sadd.s32 $0x1400, s0;
	s26 =	sadd.s32 $0x3F0, s26;
	s30 =	simm.s32 $0x7500  }
0x13a: {  	[tilespmem:s30], [sflag:$0x3] =	stream.indirect.gather [hbm4b:s3+s12], $0x40, s26, s12, $0xb8;
	[tilespmem:$0xB900] =	vst v63  }
.LBB2_5:
0x13b: {  	_ =	sfence.sel $0x180000  }
0x13c: {  	[bflag:$0x0] =	sbarrier.arrive $0xFFFF  }
0x13d: {  	_ =	strace $0x90000050  }
0x13e: {  	s0 =	stileid.u32;
	[bflag:$0x2] =	sbarrier.arrive $0xFFFF  }
0x13f: {  	p0 =	sne.s32 s0, $0x0;
	s0 =	rddreg [dreg:$0x2]  }
0x140: {  	s0 =	sadd.s32 @!p0 $0x100000, s0  }
0x141: {  	[sflag:s0] =	ssyncadd.tile.s32 @!p0 $0x1;
	_ =	shalt  }
.Lfunc_end2:
_tile_overlayer_lowered:
.L_overlay_start_2:
0x142: {  	(tag) =	ssettag $0x2  }
0x143: {  	s0 =	rddreg [dreg:$0x0];
	s2 =	stileid.u32  }
0x144: {  	s1 =	rddreg [dreg:$0x1];
	p0 =	sne.s32 s2, $0x0  }
0x145: {  	s3 =	rddreg [dreg:$0x2];
	[bflag:$0x3] =	sbarrier.arrive $0xFFFF;
	s2 =	simm.s32 @!p0 $0x1C0B  }
0x146: {  	[timem:s3], [sflag:s2] =	dma.local @!p0 [hbm:s0], s1  }
0x147: {  	s0 =	simm.s32 @!p0 $0xB  }
0x148: {  	_ =	swait.ge @!p0 [sflag:s0], s1  }
0x149: {  	s1 =	ssub.s32 @!p0 $0x0, s1;
	[sflag:s0] =	ssyncset.done @!p0 $0x0  }
0x14a: {  	[sflag:s0] =	ssyncadd.s32 @!p0 s1  }
0x14b: {  	[bflag:$0x3] =	sbarrier.arrive $0xFFFF  }
0x14c: {  	_ =	shalt  }

// kernel: sparse-core-data-format-call.1.cloned.1.call-start
scs
called_computation.1_lowered:
.L_overlay_start_0:
0x0: {  	s1 =	sld [smem:$0x3FD9]  }
0x1: {  	s2 =	sld [smem:$0x3FFE];
	_ =	sdelay $0x1  }
0x2: {  	s3 =	srdreg.scid  }
0x3: {  	s0 =	sand.u32 $0x1, s3  }
0x4: {  	s17 =	sshll.u32 s0, $0xA;
	s1 =	sadd.s32 s2, s1  }
0x5: {  	s1 =	sadd.s32 s1, s17  }
0x6: {  	[smem:$0x3FC0] =	sst s1  }
0x7: {  	_ = 	snop  }
0x8: {  	(tm) =	ssettm $0x1  }
0x9: {  	s18 =	sld [smem:$0x3FFB];
	_ =	sdelay $0x3  }
0xa: {  	_ =	strace s18  }
0xb: {  	s1 =	sld [smem:$0x3FFC];
	_ =	sdelay $0x3  }
0xc: {  	_ =	strace s1  }
0xd: {  	s1 =	sld [smem:$0x3FFD];
	_ =	sdelay $0x3  }
0xe: {  	_ =	strace s1  }
0xf: {  	_ =	strace $0x8FFFFFFF  }
0x10: {  	s19 =	sld [smem:$0x3FDB];
	_ =	sdelay $0x1  }
0x11: {  	s20 =	simm.s32 $_scs_section_size  }
0x12: {  	s4 =	simm.s32 $_size__tile_overlayer_lowered;
	s5 =	simm.s32 $_tile_overlayer_lowered  }
0x13: {  	s23 =	simm.s32 $0x1BFF;
	s22 =	sshll.u32 s5, $0x1;
	s1 =	sadd.s32 s20, s19  }
0x14: {  	s6 =	simm.s32 $0x0;
	s21 =	sshll.u32 s4, $0x1;
	s4 =	sadd.s32 s22, s1  }
0x15: {  	[timem:s6], [sflag:s23] =	dma.local [hbm:s4], s21  }
0x16: {  	_ =	swait.ge [sflag:s23], s21  }
0x17: {  	s2 =	ssub.s32 $0x0, s21;
	[sflag:s23] =	ssyncset.done $0x0  }
0x18: {  	[sflag:s23] =	ssyncadd.s32 s2;
	_ =	sdelay $0x1  }
0x19: {  	s24 =	simm.s32 $0x1B8B  }
0x1a: {  	_ =	swait.ge [sflag:s24], $0x1  }
0x1b: {  	[sflag:s24] =	ssyncset.done $0x0  }
0x1c: {  	s26 =	simm.s32 $0x1B8E;
	s25 =	sld [smem:$0x3FFE];
	[sflag:s24] =	ssyncadd.s32 $0xFFFFFFFF  }
0x1d: {  	s27 =	simm.s32 $execute0_lowered;
	[smem:$0x3FD2] =	sst s26  }
0x1e: {  	s4 =	sshll.u32 s27, $0x1;
	_ =	strace $0x80000046;
	[dreg:$0x1] =	wrdreg $0xFFFFFFFF  }
0x1f: {  	s28 =	simm.s32 $_size_execute0_lowered;
	s1 =	sadd.s32 s1, s4;
	[dreg:$0x0] =	wrdreg $0x0  }
0x20: {  	s4 =	sshll.u32 s28, $0x1;
	[dreg:$0x2] =	wrdreg s1  }
0x21: {  	[dreg:$0x3] =	wrdreg s4  }
0x22: {  	[dreg:$0x4] =	wrdreg $0xC0  }
0x23: {  	_ =	task [dreg:s6], $0x5FFFF  }
0x24: {  	[dreg:$0x1] =	wrdreg $0xFFFFFFFF  }
0x25: {  	[dreg:$0x0] =	wrdreg $0x60  }
0x26: {  	[dreg:$0x2] =	wrdreg s25  }
0x27: {  	[dreg:$0x3] =	wrdreg $0xA  }
0x28: {  	_ =	task.clear_ibuf [dreg:s6], $0x4FFFF;
	_ =	strace $0x90000046  }
0x29: {  	s29 =	simm.s32 $0xA;
	_ =	strace $0x80000048  }
0x2a: {  	_ =	swait.ge [sflag:s29], $0x1  }
0x2b: {  	[sflag:s29] =	ssyncadd.s32 $0xFFFFFFFF  }
0x2c: {  	_ =	strace $0x90000048  }
0x2d: {  	_ =	sfence  }
0x2e: {  	s30 =	sld [smem:$0x0];
	_ =	sdelay $0x2  }
0x2f: {  	s31 =	sshll.u32 s3, $0xD;
	s3 =	sshrl.u32 s3, $0x2  }
0x30: {  	s2 =	sand.u32 $0x4000, s31;
	s1 =	sadd.s32 s3, s30  }
0x31: {  	s0 =	sor.u32 s2, s0;
	s1 =	sshll.u32 s1, $0x11  }
0x32: {  	s0 =	sor.u32 s1, s0  }
0x33: {  	s0 =	sadd.s32 $0x8F2B, s0  }
0x34: {  	[sflag:s0] =	ssyncadd.remote.s32 $0x1  }
0x35: {  	_ =	sfence.sel $0xFFFF  }
0x36: {  	[dreg:$0x0] =	wrdreg $0xFFFFFFFF;
	(pc) =	sbr.abs _section_cstart, $3  }
0x37: {  	[dreg:$0x1] =	wrdreg $0xFFFFFFFF  }
0x38: {  	_ =	task.clear_ibuf [dreg:s6], $0x2FFFF;
	_ =	strace $0x9FFFFFFF  }
0x39: {  	(tm) =	ssettm $0x7FFFFFFF  }
tec
execute0_lowered:
.L_overlay_start_1:
0x0: {  	(tag) =	ssettag $0x1  }
0x1: {  	s0 =	srdreg.scid  }
0x2: {  	s6 =	rddreg [dreg:$0x0];
	s7 =	simm.s32 $0x1;
	s1 =	sshll.u32 s0, $0x4  }
0x3: {  	s8 =	simm.s32 $0x2;
	s0 =	stileid.u32;
	s1 =	sand.u32 $0x10, s1  }
0x4: {  	s13 =	simm.s32 $0x0;
	s12 =	simm.s32 $0x0;
	s1 =	sor.u32 s0, s1  }
0x5: {  	s10 =	simm.s32 $0x0;
	s11 =	simm.s32 $0x0;
	s2 =	sshll.u32 s1, $0x8  }
0x6: {  	s3 =	sadd.s32 $0x2600, s6;
	s6 =	sadd.s32 $0x3D2E00, s6;
	s5 =	ssub.s32 $0x7A100, s2  }
.Ltmp0:
0x7: {  	s1 =	rddreg [dreg:$0x1];
	s4 =	sand.u32 $0x1F00, s5;
	(pc) =	sbr.rel .LBB1_1-.Ltmp0, $4  }
0x8: {  	_ =	strace $0x80000047;
	s9 =	smov.u32 s2;
	p0 =	sne.s32 s4, $0x0  }
0x9: {  	s5 =	sshrl.u32 s5, $0xD;
	s4 =	simm.s32 $0x1;
	s7 =	simm.s32 @!p0 $0x0  }
0xa: {  	[sflag:s4] =	ssyncpa.u1 $0x0;
	p0 =	por $0x0, $0x0;
	s5 =	sadd.s32 s7, s5  }
0xb: {  	[sflag:s8] =	ssyncpa.u1 $0x0;
	s8 =	simm.s32 $0x80;
	s7 =	sadd.s32 $0x1, s5  }
.LBB1_4:
0xc: {  	_ =	sdelay $0x3  }
0xd: {  	s21 =	sor.u32 s24, s23;
	v47 =	vld.idx.msk [tilespmem:v0+s16+$0x470 ss:$0x1], $0xffff  }
0xe: {  	v57 =	vld.idx.msk [tilespmem:v0+s21+$0x410 ss:$0x1], $0xffff  }
0xf: {  	v58 =	vld.idx.msk [tilespmem:v0+s21+$0x420 ss:$0x1], $0xffff  }
0x10: {  	[tilespmem:s18+$0x1860 ss:$0x41] =	vst.msk $0xffff, v8;
	v59 =	vld.idx.msk [tilespmem:v0+s21+$0x430 ss:$0x1], $0xffff  }
0x11: {  	[tilespmem:s18+$0x1C70 ss:$0x41] =	vst.msk $0xffff, v7;
	v60 =	vld.idx.msk [tilespmem:v0+s21+$0x440 ss:$0x1], $0xffff  }
0x12: {  	[tilespmem:s18+$0x2490 ss:$0x41] =	vst.msk $0xffff, v1;
	s22 =	sand.u32 $0x3B00, s21;
	v61 =	vld.idx.msk [tilespmem:v0+s21+$0x450 ss:$0x1], $0xffff  }
0x13: {  	s20 =	sand.u32 $0x80, s20;
	[tilespmem:s18+$0x28A0 ss:$0x41] =	vst.msk $0xffff, v2;
	v62 =	vld.idx.msk [tilespmem:v0+s21+$0x460 ss:$0x1], $0xffff;
	s15 =	sadd.s32 s22, s15  }
0x14: {  	[tilespmem:s18+$0x2CB0 ss:$0x41] =	vst.msk $0xffff, v3;
	v63 =	vld.idx.msk [tilespmem:v0+s21+$0x470 ss:$0x1], $0xffff;
	s15 =	sadd.s32 s20, s15  }
0x15: {  	[tilespmem:s18+$0x30C0 ss:$0x41] =	vst.msk $0xffff, v4;
	v48 =	vld [tilespmem:s15+$0x400]  }
0x16: {  	[tilespmem:s18+$0x34D0 ss:$0x41] =	vst.msk $0xffff, v5;
	v49 =	vld [tilespmem:s15+$0x0]  }
0x17: {  	s25 =	sshra.s32 s19, $0x2;
	[tilespmem:s18+$0x38E0 ss:$0x41] =	vst.msk $0xffff, v6;
	v50 =	vld [tilespmem:s15+$0x10]  }
0x18: {  	s16 =	sadd.s32 s25, s17;
	v51 =	vld [tilespmem:s15+$0x20];
	[tilespmem:s18+$0x3CF0 ss:$0x41] =	vst.msk $0xffff, v47  }
0x19: {  	v52 =	vld [tilespmem:s15+$0x30];
	[tilespmem:s16+$0x2490 ss:$0x41] =	vst.msk $0xffff, v57  }
0x1a: {  	v53 =	vld [tilespmem:s15+$0x40];
	[tilespmem:s16+$0x28A0 ss:$0x41] =	vst.msk $0xffff, v58  }
0x1b: {  	v54 =	vld [tilespmem:s15+$0x50];
	[tilespmem:s16+$0x2CB0 ss:$0x41] =	vst.msk $0xffff, v59  }
0x1c: {  	s13 =	sshll.u32 s13, $0x7;
	s26 =	sshll.u32 s12, $0x3;
	v55 =	vld [tilespmem:s15+$0x60];
	[tilespmem:s16+$0x30C0 ss:$0x41] =	vst.msk $0xffff, v60  }
0x1d: {  	s27 =	sand.u32 $0xFFFFFC00, s13;
	v56 =	vld [tilespmem:s15+$0x70];
	s15 =	sand.u32 $0xFFFFFC00, s26;
	[tilespmem:s16+$0x34D0 ss:$0x41] =	vst.msk $0xffff, v61  }
0x1e: {  	s13 =	sand.u32 $0x380, s13;
	s15 =	sadd.s32 s15, s27;
	[tilespmem:s16+$0x38E0 ss:$0x41] =	vst.msk $0xffff, v62  }
0x1f: {  	s13 =	sor.u32 s13, s15;
	[tilespmem:s16+$0x3CF0 ss:$0x41] =	vst.msk $0xffff, v63  }
0x20: {  	s13 =	sshrl.u32 s13, $0x7;
	[tilespmem:s16+$0x2080 ss:$0x41] =	vst.msk $0xffff, v48  }
0x21: {  	s28 =	smulhi.u32 $0x218E7C1, s13;
	[tilespmem:s16+$0x0 ss:$0x41] =	vst.msk $0xffff, v49  }
0x22: {  	[tilespmem:s16+$0x410 ss:$0x41] =	vst.msk $0xffff, v50  }
0x23: {  	[tilespmem:s16+$0x820 ss:$0x41] =	vst.msk $0xffff, v51;
	s15 =	sshrl.u32 s28, $0xC  }
0x24: {  	[tilespmem:s16+$0xC30 ss:$0x41] =	vst.msk $0xffff, v52;
	s15 =	smul.u32 $0x7A100, s15  }
0x25: {  	s29 =	sshrl.u32 s12, $0x3;
	[tilespmem:s16+$0x1040 ss:$0x41] =	vst.msk $0xffff, v53  }
0x26: {  	s31 =	sand.u32 $0x7, s12;
	s30 =	sand.u32 $0xF, s29;
	[tilespmem:s16+$0x1450 ss:$0x41] =	vst.msk $0xffff, v54;
	s13 =	ssub.s32 s13, s15  }
0x27: {  	s12 =	sshll.u32 s31, $0x12;
	[tilespmem:s16+$0x1860 ss:$0x41] =	vst.msk $0xffff, v55;
	s15 =	sadd.s32 s6, s30;
	s13 =	sshll.u32 s13, $0x4  }
0x28: {  	s12 =	sor.u32 $0x40, s12;
	[tilespmem:s16+$0x1C70 ss:$0x41] =	vst.msk $0xffff, v56;
	s13 =	sadd.s32 s13, s15  }
0x29: {  	[hbm4b:s13+s12] =	stream.strided.scatter [tilespmem:s14], [sflag:$0x2], $0x4000, s8, s12, $0x18;
	[tilespmem:$0x10200] =	vst v63  }
.LBB1_5:
0x2a: {  	s14 =	sadd.s32 $0x2000, s9  }
0x2b: {  	s12 =	sadd.s32 $0x40, s10;
	s16 =	smov.u32 s10;
	p2 =	sgt.s32 s14, $0x7A0FF  }
0x2c: {  	s16 =	smov.u32 @p2 s12  }
0x2d: {  	s14 =	smov.u32 @p2 s2;
	p2 =	sgt.s32 s16, $0x3F  }
0x2e: {  	s16 =	simm.s32 @p2 $0x0;
	p2 =	sne.s32 s11, s7  }
.Ltmp1:
0x2f: {  	p1 =	slt.u32 s11, $0x2;
	(pc) =	sbr.rel @!p2 .LBB1_6-.Ltmp1, $4  }
0x30: {  	s15 =	simm.s32 @!p1 $0x2  }
0x31: {  	s13 =	smov.u32 s9;
	p0 =	por !p0, !p0;
	_ =	swait.ge @!p1 [sflag:s15], $0x4000  }
0x32: {  	s12 =	smov.u32 s10;
	[sflag:s15] =	ssyncset.done @!p1 $0x0;
	s9 =	smov.u32 s14  }
0x33: {  	s11 =	sadd.s32 $0x1, s11;
	[sflag:s15] =	ssyncadd.s32 @!p1 $0xFFFFC000;
	s10 =	smov.u32 s16  }
.LBB1_1:
0x34: {  	p1 =	sge.u32 s11, s5  }
0x35: {  	s14 =	sshrl.u32 @!p1 s10, $0x3  }
0x36: {  	s15 =	sshll.u32 @!p1 s9, $0x3;
	s14 =	smul.u32 @!p1 $0x3D0800, s14  }
0x37: {  	s16 =	sshll.u32 @!p1 s10, $0x7;
	s15 =	sand.u32 @!p1 $0xFFFFFC00, s15  }
0x38: {  	s14 =	sadd.s32 @!p1 s14, s15;
	s15 =	sand.u32 @!p1 $0x380, s16  }
0x39: {  	s14 =	sor.u32 @!p1 s15, s14  }
0x3a: {  	s15 =	sshrl.u32 @!p1 s14, $0x8  }
0x3b: {  	s15 =	smulhi.u32 @!p1 $0x10C73E1, s15;
	_ =	sdelay $0x1  }
0x3c: {  	s15 =	sshrl.u32 @!p1 s15, $0x3  }
0x3d: {  	s16 =	sand.u32 @!p1 $0x7F, s9;
	s17 =	smul.u32 @!p1 $0x7A100, s15  }
0x3e: {  	s31 =	sadd.s32 $0xFFFFFFFF, s11;
	s14 =	sor.u32 @!p1 s16, s14;
	s16 =	sxor.u32 @!p1 $0xFFFFFFFF, s11  }
0x3f: {  	s16 =	sshll.u32 @!p1 s16, $0xE;
	s15 =	sand.u32 @!p1 $0x3F, s15;
	s14 =	ssub.s32 @!p1 s14, s17  }
0x40: {  	s15 =	smul.u32 @!p1 $0xF420, s15;
	s17 =	sshrl.u32 @!p1 s14, $0x3;
	s14 =	sand.u32 @!p1 $0x7, s14  }
0x41: {  	s16 =	sand.u32 @!p1 $0x4000, s16;
	s17 =	sadd.s32 @!p1 s3, s17;
	s14 =	sshll.u32 @!p1 s14, $0x12  }
0x42: {  	s15 =	sadd.s32 @!p1 s15, s17;
	s14 =	sor.u32 @!p1 $0x800, s14;
	s17 =	simm.s32 @!p1 $0x3D0800  }
0x43: {  	[tilespmem:s16], [sflag:$0x1] =	stream.strided.gather @!p1 [hbm4b:s15+s14], $0x4000, s17, s14, $0x38;
	[tilespmem:$0x10200] =	vst v63  }
0x44: {  	p1 =	sge.u32 s31, s5  }
.Ltmp2:
0x45: {  	_ = 	snop;
	(pc) =	sbr.rel @p1 .LBB1_5-.Ltmp2, $1  }
0x46: {  	_ =	sdelay $0x3  }
0x47: {  	s17 =	simm.s32 $0x0  }
0x48: {  	s16 =	sand.u32 $0x3800, s17;
	s18 =	sand.u32 $0x380, s17  }
0x49: {  	s14 =	sand.u32 $0x1, s11;
	s16 =	sor.u32 s18, s16  }
0x4a: {  	_ =	swait.ge [sflag:s4], $0x4000;
	s15 =	sshll.u32 s14, $0xE;
	s18 =	sand.u32 $0x3B00, s16  }
0x4b: {  	[sflag:s4] =	ssyncset.done $0x0;
	s17 =	sand.u32 $0x80, s17;
	s18 =	sadd.s32 s18, s15  }
0x4c: {  	[sflag:s4] =	ssyncadd.s32 $0xFFFFC000;
	s20 =	sadd.s32 s17, s18  }
0x4d: {  	v4 =	vld [tilespmem:s20+$0x400]  }
0x4e: {  	s19 =	simm.s32 $0x1;
	v5 =	vld [tilespmem:s20+$0x0]  }
0x4f: {  	s19 =	simm.s32 @!p0 $0x0;
	v6 =	vld [tilespmem:s20+$0x10]  }
0x50: {  	v0 =	vmov s15;
	s31 =	smul.u32 $0x10400, s19;
	v7 =	vld [tilespmem:s20+$0x20]  }
0x51: {  	v9 =	vld [tilespmem:s20+$0x30]  }
0x52: {  	s17 =	sshrl.u32 s31, $0x2;
	v10 =	vld [tilespmem:s20+$0x40]  }
0x53: {  	s17 =	sor.u32 $0x8000, s17;
	v11 =	vld [tilespmem:s20+$0x50]  }
0x54: {  	v8 =	vld [tilespmem:s20+$0x60];
	s18 =	sadd.s32 $0x0, s17  }
0x55: {  	v1 =	vld.idx.msk [tilespmem:v0+s16+$0x410 ss:$0x1], $0xffff;
	[tilespmem:s18+$0x2080 ss:$0x41] =	vst.msk $0xffff, v4  }
0x56: {  	v2 =	vld.idx.msk [tilespmem:v0+s16+$0x420 ss:$0x1], $0xffff;
	[tilespmem:s18+$0x0 ss:$0x41] =	vst.msk $0xffff, v5  }
0x57: {  	v3 =	vld.idx.msk [tilespmem:v0+s16+$0x430 ss:$0x1], $0xffff;
	[tilespmem:s18+$0x410 ss:$0x41] =	vst.msk $0xffff, v6  }
0x58: {  	s14 =	smul.u32 $0x10400, s14;
	[tilespmem:s18+$0x820 ss:$0x41] =	vst.msk $0xffff, v7;
	v7 =	vld [tilespmem:s20+$0x70]  }
0x59: {  	s21 =	simm.s32 $0x100;
	s22 =	simm.s32 $0x8;
	[tilespmem:s18+$0xC30 ss:$0x41] =	vst.msk $0xffff, v9;
	v4 =	vld.idx.msk [tilespmem:v0+s16+$0x440 ss:$0x1], $0xffff  }
0x5a: {  	s23 =	sand.u32 $0x3800, s21;
	s14 =	sshrl.u32 s14, $0x2;
	[tilespmem:s18+$0x1040 ss:$0x41] =	vst.msk $0xffff, v10;
	v5 =	vld.idx.msk [tilespmem:v0+s16+$0x450 ss:$0x1], $0xffff;
	s20 =	simm.s32 $0x80  }
0x5b: {  	s19 =	simm.s32 $0x4;
	s14 =	sor.u32 $0x8000, s14;
	[tilespmem:s18+$0x1450 ss:$0x41] =	vst.msk $0xffff, v11;
	v6 =	vld.idx.msk [tilespmem:v0+s16+$0x460 ss:$0x1], $0xffff;
	s24 =	sand.u32 $0x380, s20  }
.LBB1_3:
0x5c: {  	p1 =	sne.s32 s22, $0xFC;
	[tilespmem:s18+$0x1860 ss:$0x41] =	vst.msk $0xffff, v8;
	v8 =	vld.idx.msk [tilespmem:v0+s16+$0x470 ss:$0x1], $0xffff;
	s16 =	sor.u32 s24, s23  }
0x5d: {  	s23 =	sand.u32 $0x3B00, s16;
	v9 =	vld.idx.msk [tilespmem:v0+s16+$0x410 ss:$0x1], $0xffff;
	[tilespmem:s18+$0x1C70 ss:$0x41] =	vst.msk $0xffff, v7  }
0x5e: {  	s24 =	sand.u32 $0x80, s20;
	s23 =	sadd.s32 s23, s15;
	v7 =	vld.idx.msk [tilespmem:v0+s16+$0x420 ss:$0x1], $0xffff;
	[tilespmem:s18+$0x2490 ss:$0x41] =	vst.msk $0xffff, v1  }
0x5f: {  	s23 =	sadd.s32 s24, s23;
	v10 =	vld.idx.msk [tilespmem:v0+s16+$0x430 ss:$0x1], $0xffff;
	[tilespmem:s18+$0x28A0 ss:$0x41] =	vst.msk $0xffff, v2  }
0x60: {  	v11 =	vld [tilespmem:s23+$0x400];
	[tilespmem:s18+$0x2CB0 ss:$0x41] =	vst.msk $0xffff, v3  }
0x61: {  	v12 =	vld [tilespmem:s23+$0x0];
	[tilespmem:s18+$0x30C0 ss:$0x41] =	vst.msk $0xffff, v4  }
0x62: {  	v4 =	vld [tilespmem:s23+$0x10];
	[tilespmem:s18+$0x34D0 ss:$0x41] =	vst.msk $0xffff, v5  }
0x63: {  	s24 =	sshra.s32 s19, $0x2;
	s19 =	smov.u32 s22;
	v1 =	vmov v9;
	v5 =	vld [tilespmem:s23+$0x20];
	[tilespmem:s18+$0x38E0 ss:$0x41] =	vst.msk $0xffff, v6  }
0x64: {  	v2 =	vmov v7;
	v6 =	vld [tilespmem:s23+$0x30];
	[tilespmem:s18+$0x3CF0 ss:$0x41] =	vst.msk $0xffff, v8;
	s18 =	sadd.s32 s24, s17  }
0x65: {  	v3 =	vmov v10;
	v9 =	vld [tilespmem:s23+$0x40];
	[tilespmem:s18+$0x2080 ss:$0x41] =	vst.msk $0xffff, v11  }
0x66: {  	[tilespmem:s18+$0x0 ss:$0x41] =	vst.msk $0xffff, v12;
	v10 =	vld [tilespmem:s23+$0x50]  }
.Ltmp3:
0x67: {  	[tilespmem:s18+$0x410 ss:$0x41] =	vst.msk $0xffff, v4;
	v8 =	vld [tilespmem:s23+$0x60];
	(pc) =	sbr.rel @p1 .LBB1_3-.Ltmp3, $4  }
0x68: {  	[tilespmem:s18+$0x820 ss:$0x41] =	vst.msk $0xffff, v5;
	v7 =	vld [tilespmem:s23+$0x70]  }
0x69: {  	[tilespmem:s18+$0xC30 ss:$0x41] =	vst.msk $0xffff, v6;
	v4 =	vld.idx.msk [tilespmem:v0+s16+$0x440 ss:$0x1], $0xffff  }
0x6a: {  	s20 =	sadd.s32 $0x80, s20;
	s21 =	sadd.s32 $0x100, s21;
	[tilespmem:s18+$0x1040 ss:$0x41] =	vst.msk $0xffff, v9;
	v5 =	vld.idx.msk [tilespmem:v0+s16+$0x450 ss:$0x1], $0xffff  }
0x6b: {  	s22 =	sadd.s32 $0x4, s22;
	s24 =	sand.u32 $0x380, s20;
	s23 =	sand.u32 $0x3800, s21;
	[tilespmem:s18+$0x1450 ss:$0x41] =	vst.msk $0xffff, v10;
	v6 =	vld.idx.msk [tilespmem:v0+s16+$0x460 ss:$0x1], $0xffff  }
.Ltmp4:
0x6c: {  	_ = 	snop;
	(pc) =	sbr.rel .LBB1_4-.Ltmp4, $1  }
0x6d: {  	_ =	sdelay $0x3  }
.LBB1_6:
0x6e: {  	_ =	sfence.sel $0x180000  }
0x6f: {  	s2 =	simm.s32 $0x1;
	[bflag:$0x0] =	sbarrier.arrive $0xFFFF  }
0x70: {  	s31 =	simm.s32 $0x2;
	[sflag:s2] =	ssyncpa.u1 $0x1  }
0x71: {  	[sflag:s31] =	ssyncpa.u1 $0x1  }
0x72: {  	p0 =	sne.s32 s0, $0x0;
	_ =	strace $0x90000047  }
0x73: {  	s0 =	sadd.s32 @!p0 $0x100000, s1;
	[bflag:$0x2] =	sbarrier.arrive $0xFFFF  }
0x74: {  	[sflag:s0] =	ssyncadd.tile.s32 @!p0 $0x1;
	_ =	shalt  }
.Lfunc_end1:
_tile_overlayer_lowered:
.L_overlay_start_2:
0x75: {  	(tag) =	ssettag $0x2  }
0x76: {  	s0 =	rddreg [dreg:$0x0];
	s2 =	stileid.u32  }
0x77: {  	s1 =	rddreg [dreg:$0x1];
	p0 =	sne.s32 s2, $0x0  }
0x78: {  	s3 =	rddreg [dreg:$0x2];
	[bflag:$0x3] =	sbarrier.arrive $0xFFFF;
	s2 =	simm.s32 @!p0 $0x1C01  }
0x79: {  	[timem:s3], [sflag:s2] =	dma.local @!p0 [hbm:s0], s1  }
0x7a: {  	s0 =	simm.s32 @!p0 $0x1  }
0x7b: {  	_ =	swait.ge @!p0 [sflag:s0], s1  }
0x7c: {  	s1 =	ssub.s32 @!p0 $0x0, s1;
	[sflag:s0] =	ssyncset.done @!p0 $0x0  }
0x7d: {  	[sflag:s0] =	ssyncadd.s32 @!p0 s1  }
0x7e: {  	[bflag:$0x3] =	sbarrier.arrive $0xFFFF  }
0x7f: {  	_ =	shalt  }

// kernel: sparse-core-data-format-call.cloned.1.call-start
scs
called_computation_lowered:
.L_overlay_start_0:
0x0: {  	s2 =	sld [smem:$0x3FD9]  }
0x1: {  	s3 =	sld [smem:$0x3FFE];
	_ =	sdelay $0x1  }
0x2: {  	s1 =	srdreg.scid  }
0x3: {  	s0 =	sand.u32 $0x1, s1  }
0x4: {  	s18 =	sshll.u32 s0, $0xA;
	s2 =	sadd.s32 s3, s2  }
0x5: {  	s2 =	sadd.s32 s2, s18  }
0x6: {  	[smem:$0x3FC0] =	sst s2  }
0x7: {  	_ = 	snop  }
0x8: {  	(tm) =	ssettm $0x1  }
0x9: {  	s19 =	sld [smem:$0x3FFB];
	_ =	sdelay $0x3  }
0xa: {  	_ =	strace s19  }
0xb: {  	s2 =	sld [smem:$0x3FFC];
	_ =	sdelay $0x3  }
0xc: {  	_ =	strace s2  }
0xd: {  	s2 =	sld [smem:$0x3FFD];
	_ =	sdelay $0x3  }
0xe: {  	_ =	strace s2  }
0xf: {  	_ =	strace $0x8FFFFFFF  }
0x10: {  	s20 =	sld [smem:$0x3FDB];
	_ =	sdelay $0x1  }
0x11: {  	s21 =	simm.s32 $_scs_section_size  }
0x12: {  	s4 =	simm.s32 $_size__tile_overlayer_lowered;
	s5 =	simm.s32 $_tile_overlayer_lowered  }
0x13: {  	s6 =	simm.s32 $0x1BFF;
	s22 =	sshll.u32 s5, $0x1;
	s3 =	sadd.s32 s21, s20  }
0x14: {  	s23 =	simm.s32 $0x0;
	s4 =	sshll.u32 s4, $0x1;
	s5 =	sadd.s32 s22, s3  }
0x15: {  	[timem:s23], [sflag:s6] =	dma.local [hbm:s5], s4  }
0x16: {  	_ =	swait.ge [sflag:s6], s4  }
0x17: {  	s4 =	ssub.s32 $0x0, s4;
	[sflag:s6] =	ssyncset.done $0x0  }
0x18: {  	[sflag:s6] =	ssyncadd.s32 s4;
	_ =	sdelay $0x1  }
0x19: {  	s24 =	simm.s32 $0x1B8B  }
0x1a: {  	_ =	swait.ge [sflag:s24], $0x1  }
0x1b: {  	[sflag:s24] =	ssyncset.done $0x0  }
0x1c: {  	[sflag:s24] =	ssyncadd.s32 $0xFFFFFFFF  }
0x1d: {  	s4 =	sld [smem:$0x0]  }
0x1e: {  	s5 =	sand.u32 $0xFFFFFFFE, s1  }
0x1f: {  	p0 =	sne.s32 s1, s5  }
0x20: {  	s5 =	sshll.u32 @p0 s5, $0xE  }
0x21: {  	s5 =	sadd.s32 @p0 $0x11B8D, s5;
	s6 =	sshll.u32 @p0 s4, $0x11  }
0x22: {  	s5 =	sor.u32 @p0 s6, s5  }
0x23: {  	[sflag:s5] =	ssyncadd.remote.s32 @p0 $0x1;
	_ =	sdelay $0x1  }
0x24: {  	s5 =	simm.s32 @p0 $0x1B8D  }
0x25: {  	_ =	swait.eq @p0 [sflag:s5], $0x1  }
0x26: {  	[sflag:s5] =	ssyncadd.s32 @p0 $0xFFFFFFFF  }
0x27: {  	s6 =	sshll.u32 @!p0 s1, $0xE  }
0x28: {  	s6 =	sor.u32 @!p0 $0x4000, s6;
	s5 =	simm.s32 @!p0 $0x1B8D  }
0x29: {  	s4 =	sshll.u32 @!p0 s4, $0x11;
	s6 =	sadd.s32 @!p0 $0x11B8D, s6;
	_ =	swait.eq @!p0 [sflag:s5], $0x1  }
0x2a: {  	s4 =	sor.u32 @!p0 s4, s6;
	[sflag:s5] =	ssyncadd.s32 @!p0 $0xFFFFFFFF  }
0x2b: {  	s26 =	simm.s32 $0x1B8E;
	s25 =	sld [smem:$0x3FFE];
	[sflag:s4] =	ssyncadd.remote.s32 @!p0 $0x1  }
0x2c: {  	s27 =	simm.s32 $execute0_lowered;
	[smem:$0x3FD2] =	sst s26  }
0x2d: {  	s5 =	sshll.u32 s27, $0x1;
	_ =	strace $0x80000049;
	[dreg:$0x1] =	wrdreg $0xFFFFFFFF  }
0x2e: {  	s28 =	simm.s32 $_size_execute0_lowered;
	s3 =	sadd.s32 s3, s5;
	[dreg:$0x0] =	wrdreg $0x0  }
0x2f: {  	s5 =	sshll.u32 s28, $0x1;
	[dreg:$0x2] =	wrdreg s3  }
0x30: {  	[dreg:$0x3] =	wrdreg s5  }
0x31: {  	[dreg:$0x4] =	wrdreg $0xC0  }
0x32: {  	_ =	task [dreg:s23], $0x5FFFF  }
0x33: {  	[dreg:$0x1] =	wrdreg $0xFFFFFFFF  }
0x34: {  	[dreg:$0x0] =	wrdreg $0x60  }
0x35: {  	[dreg:$0x2] =	wrdreg s25  }
0x36: {  	[dreg:$0x3] =	wrdreg $0x9  }
0x37: {  	_ =	task.clear_ibuf [dreg:s23], $0x4FFFF;
	_ =	strace $0x90000049  }
0x38: {  	s29 =	simm.s32 $0x9;
	_ =	strace $0x8000004B  }
0x39: {  	_ =	swait.ge [sflag:s29], $0x1  }
0x3a: {  	[sflag:s29] =	ssyncadd.s32 $0xFFFFFFFF  }
0x3b: {  	_ =	strace $0x9000004B  }
0x3c: {  	_ =	sfence  }
0x3d: {  	s30 =	sld [smem:$0x0];
	_ =	sdelay $0x2  }
0x3e: {  	s31 =	sshll.u32 s1, $0xD;
	s1 =	sshrl.u32 s1, $0x2  }
0x3f: {  	s4 =	sand.u32 $0x4000, s31;
	s1 =	sadd.s32 s1, s30  }
0x40: {  	s0 =	sor.u32 s4, s0;
	s1 =	sshll.u32 s1, $0x11  }
0x41: {  	s0 =	sor.u32 s1, s0  }
0x42: {  	s0 =	sadd.s32 $0x8F2B, s0  }
0x43: {  	[sflag:s0] =	ssyncadd.remote.s32 $0x1  }
0x44: {  	_ =	sfence.sel $0xFFFF  }
0x45: {  	[dreg:$0x0] =	wrdreg $0xFFFFFFFF;
	(pc) =	sbr.abs _section_cstart, $3  }
0x46: {  	[dreg:$0x1] =	wrdreg $0xFFFFFFFF  }
0x47: {  	_ =	task.clear_ibuf [dreg:s23], $0x2FFFF;
	_ =	strace $0x9FFFFFFF  }
0x48: {  	(tm) =	ssettm $0x7FFFFFFF  }
0x49: {  	_ =	shalt  }
tec
execute0_lowered:
.L_overlay_start_1:
0x0: {  	(tag) =	ssettag $0x1  }
0x1: {  	s0 =	srdreg.scid  }
0x2: {  	s5 =	rddreg [dreg:$0x0];
	s1 =	stileid.u32;
	s4 =	simm.s32 $0x1  }
0x3: {  	s6 =	simm.s32 $0x2;
	s15 =	simm.s32 $0x0;
	p0 =	por $0x0, $0x0  }
0x4: {  	s8 =	simm.s32 $0x80;
	s14 =	simm.s32 $0x0;
	s2 =	sshll.u32 s0, $0x4  }
0x5: {  	s9 =	simm.s32 $0x0;
	s10 =	simm.s32 $0x0;
	s2 =	sand.u32 $0x10, s2  }
.Ltmp0:
0x6: {  	s12 =	simm.s32 $0x0;
	s3 =	sor.u32 s1, s2;
	(pc) =	sbr.rel .LBB1_1-.Ltmp0, $4  }
0x7: {  	s0 =	rddreg [dreg:$0x1];
	_ =	strace $0x8000004A;
	s3 =	sshll.u32 s3, $0x7  }
0x8: {  	s13 =	simm.s32 $0x0;
	[sflag:s4] =	ssyncpa.u1 $0x0;
	s7 =	ssub.s32 $0x7A100, s3  }
0x9: {  	s2 =	sadd.s32 $0xB73E00, s5;
	[sflag:s6] =	ssyncpa.u1 $0x0;
	s6 =	sshrl.u32 s7, $0xC  }
0xa: {  	s5 =	sadd.s32 $0xF44A00, s5;
	s11 =	smov.u32 s3;
	s7 =	sadd.s32 $0x2, s6  }
.LBB1_5:
0xb: {  	p1 =	slt.u32 s13, $0x2  }
0xc: {  	s17 =	smov.u32 s15;
	p2 =	sgt.s32 @!p1 s15, $0x7A0C0;
	s16 =	sshra.s32 @!p1 s15, $0x1F  }
0xd: {  	p3 =	sgt.s32 @!p1 s14, $0x40;
	s18 =	sshra.s32 @!p1 s14, $0x1F;
	p2 =	por !p2, p1  }
0xe: {  	s15 =	sand.u32 @!p1 s16, s15;
	p3 =	por !p3, p1;
	s16 =	smov.u32 s14  }
0xf: {  	s14 =	sand.u32 @!p1 s18, s14;
	s17 =	simm.s32 @p2 $0x7A0C0;
	s16 =	simm.s32 @p3 $0x40  }
0x10: {  	s15 =	ssub.s32 @!p1 s17, s15;
	s14 =	ssub.s32 @!p1 s16, s14  }
0x11: {  	s18 =	smov.u32 s12;
	s16 =	sadd.s32 @!p1 $0xFFF85F40, s15;
	s17 =	sadd.s32 @!p1 $0xFFFFFFC0, s14  }
0x12: {  	s15 =	ssub.s32 @!p1 $0x7A140, s15;
	p2 =	sgt.s32 @!p1 s16, $0x7F;
	p3 =	sgt.s32 @!p1 s17, $0x3F  }
0x13: {  	s14 =	ssub.s32 @!p1 $0x80, s14;
	p2 =	por !p2, p1;
	p3 =	por !p3, p1  }
0x14: {  	s16 =	sadd.s32 $0x1000, s11;
	s15 =	simm.s32 @!p2 $0x0;
	s14 =	simm.s32 @!p3 $0x0  }
0x15: {  	p2 =	sgt.s32 s16, $0x7A13F;
	s14 =	smul.u32 @!p1 s14, s15;
	s15 =	sadd.s32 $0x40, s12  }
0x16: {  	s18 =	smov.u32 @p2 s15  }
0x17: {  	s16 =	smov.u32 @p2 s3;
	p2 =	sgt.s32 s18, $0x3F  }
0x18: {  	s18 =	simm.s32 @p2 $0x0;
	p2 =	sne.s32 s13, s7  }
.Ltmp1:
0x19: {  	p0 =	por !p0, !p0;
	s17 =	simm.s32 @!p1 $0x2;
	(pc) =	sbr.rel @!p2 .LBB1_6-.Ltmp1, $4  }
0x1a: {  	s15 =	smov.u32 s9;
	s9 =	smov.u32 s11;
	s14 =	sand.u32 @!p1 $0x3FFFFFFF, s14  }
0x1b: {  	s11 =	smov.u32 s16;
	_ =	swait.ge @!p1 [sflag:s17], s14;
	s19 =	ssub.s32 @!p1 $0x0, s14  }
0x1c: {  	s14 =	smov.u32 s10;
	s13 =	sadd.s32 $0x1, s13;
	[sflag:s17] =	ssyncset.done @!p1 $0x0  }
0x1d: {  	s10 =	smov.u32 s12;
	s12 =	smov.u32 s18;
	[sflag:s17] =	ssyncadd.s32 @!p1 s19  }
.LBB1_1:
0x1e: {  	p1 =	sgt.u32 s13, s6  }
0x1f: {  	s16 =	sshrl.u32 @!p1 s12, $0x3  }
0x20: {  	s17 =	sshll.u32 @!p1 s11, $0x3;
	s16 =	smul.u32 @!p1 $0x3D0C00, s16  }
0x21: {  	s18 =	sshll.u32 @!p1 s12, $0x7;
	s17 =	sand.u32 @!p1 $0xFFFFFC00, s17  }
0x22: {  	s16 =	sadd.s32 @!p1 s16, s17;
	s17 =	sand.u32 @!p1 $0x380, s18  }
0x23: {  	s16 =	sor.u32 @!p1 s17, s16  }
0x24: {  	s17 =	sshrl.u32 @!p1 s16, $0x7  }
0x25: {  	s17 =	smulhi.u32 @!p1 $0x10C6249, s17;
	_ =	sdelay $0x1  }
0x26: {  	s17 =	sshrl.u32 @!p1 s17, $0x4  }
0x27: {  	s18 =	sand.u32 @!p1 $0x7F, s11;
	s19 =	smul.u32 @!p1 $0x7A180, s17  }
0x28: {  	s16 =	sor.u32 @!p1 s18, s16;
	s18 =	sxor.u32 @!p1 $0xFFFFFFFF, s13  }
0x29: {  	s18 =	sshll.u32 @!p1 s18, $0xD;
	s17 =	sand.u32 @!p1 $0x3F, s17;
	s16 =	ssub.s32 @!p1 s16, s19  }
0x2a: {  	s17 =	smul.u32 @!p1 $0xF430, s17;
	s19 =	sshrl.u32 @!p1 s16, $0x3;
	s16 =	sand.u32 @!p1 $0x7, s16  }
0x2b: {  	s18 =	sand.u32 @!p1 $0x2000, s18;
	s19 =	sadd.s32 @!p1 s2, s19;
	s16 =	sshll.u32 @!p1 s16, $0x12  }
0x2c: {  	s17 =	sadd.s32 @!p1 s17, s19;
	s16 =	sor.u32 @!p1 $0x400, s16;
	s19 =	simm.s32 @!p1 $0x3D0C00  }
0x2d: {  	[tilespmem:s18], [sflag:$0x1] =	stream.strided.gather @!p1 [hbm4b:s17+s16], $0x2000, s19, s16, $0x38;
	[tilespmem:$0x8100] =	vst v63  }
0x2e: {  	p1 =	seq.s32 s13, $0x0  }
0x2f: {  	p2 =	sge.u32 @!p1 s13, s7  }
0x30: {  	p1 =	por p1, p2  }
.Ltmp2:
0x31: {  	_ = 	snop;
	(pc) =	sbr.rel @p1 .LBB1_5-.Ltmp2, $1  }
0x32: {  	_ =	sdelay $0x3  }
0x33: {  	s16 =	simm.s32 $0x1  }
0x34: {  	_ =	swait.ge [sflag:s4], $0x2000;
	s16 =	simm.s32 @!p0 $0x0  }
0x35: {  	[sflag:s4] =	ssyncset.done $0x0;
	s17 =	sshll.u32 s16, $0xD  }
0x36: {  	[sflag:s4] =	ssyncadd.s32 $0xFFFFE000;
	s17 =	sor.u32 $0x40, s17  }
0x37: {  	s16 =	smul.u32 $0x8200, s16;
	v0 =	vld [tilespmem:s17+$0x30]  }
0x38: {  	v1 =	vld [tilespmem:s17+$0xFFFFFFD0]  }
0x39: {  	s16 =	sshrl.u32 s16, $0x2;
	v5 =	vld [tilespmem:s17+$0xFFFFFFE0]  }
0x3a: {  	v6 =	vld [tilespmem:s17+$0xFFFFFFF0];
	s19 =	sor.u32 $0x4000, s16  }
0x3b: {  	s31 =	sand.u32 $0x1, s13;
	v4 =	vld [tilespmem:s17+$0x0];
	s18 =	sadd.s32 $0x0, s19  }
0x3c: {  	v3 =	vld [tilespmem:s17+$0x10];
	s16 =	smul.u32 $0x8200, s31;
	[tilespmem:s18+$0x1C70 ss:$0x41] =	vst.msk $0xffff, v0  }
0x3d: {  	v2 =	vld [tilespmem:s17+$0x20];
	[tilespmem:s18+$0x410 ss:$0x41] =	vst.msk $0xffff, v1  }
0x3e: {  	s16 =	sshrl.u32 s16, $0x2;
	v1 =	vld [tilespmem:s17+$0xFFFFFFC0];
	[tilespmem:s18+$0x820 ss:$0x41] =	vst.msk $0xffff, v5;
	s17 =	sadd.s32 $0x80, s17  }
0x3f: {  	s20 =	simm.s32 $0x4;
	s21 =	simm.s32 $0x8;
	s16 =	sor.u32 $0x4000, s16;
	[tilespmem:s18+$0xC30 ss:$0x41] =	vst.msk $0xffff, v6;
	v0 =	vld [tilespmem:s17+$0x30]  }
.LBB1_3:
0x40: {  	p1 =	sne.s32 s21, $0xFC;
	v5 =	vld [tilespmem:s17+$0xFFFFFFD0];
	[tilespmem:s18+$0x1040 ss:$0x41] =	vst.msk $0xffff, v4  }
0x41: {  	v6 =	vld [tilespmem:s17+$0xFFFFFFE0];
	[tilespmem:s18+$0x1450 ss:$0x41] =	vst.msk $0xffff, v3  }
0x42: {  	s22 =	sshra.s32 s20, $0x2;
	s20 =	smov.u32 s21;
	v7 =	vld [tilespmem:s17+$0xFFFFFFF0];
	[tilespmem:s18+$0x1860 ss:$0x41] =	vst.msk $0xffff, v2  }
.Ltmp3:
0x43: {  	v4 =	vld [tilespmem:s17+$0x0];
	[tilespmem:s18+$0x0 ss:$0x41] =	vst.msk $0xffff, v1;
	s18 =	sadd.s32 s22, s19;
	(pc) =	sbr.rel @p1 .LBB1_3-.Ltmp3, $4  }
0x44: {  	v3 =	vld [tilespmem:s17+$0x10];
	[tilespmem:s18+$0x1C70 ss:$0x41] =	vst.msk $0xffff, v0  }
0x45: {  	[tilespmem:s18+$0x410 ss:$0x41] =	vst.msk $0xffff, v5;
	v2 =	vld [tilespmem:s17+$0x20]  }
0x46: {  	v1 =	vld [tilespmem:s17+$0xFFFFFFC0];
	[tilespmem:s18+$0x820 ss:$0x41] =	vst.msk $0xffff, v6;
	s17 =	sadd.s32 $0x80, s17  }
0x47: {  	s21 =	sadd.s32 $0x4, s21;
	v0 =	vld [tilespmem:s17+$0x30];
	[tilespmem:s18+$0xC30 ss:$0x41] =	vst.msk $0xffff, v7  }
0x48: {  	s21 =	sshll.u32 s9, $0x7;
	s22 =	sshll.u32 s10, $0x3;
	s20 =	sshra.s32 s20, $0x2  }
0x49: {  	p1 =	sgt.s32 s9, $0x7A0C0;
	s30 =	sshra.s32 s9, $0x1F;
	s25 =	sshra.s32 s10, $0x1F  }
0x4a: {  	v5 =	vld [tilespmem:s17+$0xFFFFFFD0];
	s28 =	sshrl.u32 s10, $0x3;
	s23 =	sand.u32 $0xFFFFFC00, s21;
	s22 =	sand.u32 $0xFFFFFC00, s22  }
0x4b: {  	[tilespmem:s18+$0x1040 ss:$0x41] =	vst.msk $0xffff, v4;
	v58 =	vld [tilespmem:s17+$0xFFFFFFE0];
	s21 =	sand.u32 $0x380, s21;
	s19 =	sadd.s32 s20, s19;
	s22 =	sadd.s32 s22, s23  }
0x4c: {  	v59 =	vld [tilespmem:s17+$0xFFFFFFF0];
	[tilespmem:s18+$0x1450 ss:$0x41] =	vst.msk $0xffff, v3;
	s29 =	sor.u32 s21, s22;
	s21 =	smov.u32 s9;
	s22 =	sand.u32 s30, s9  }
0x4d: {  	v60 =	vld [tilespmem:s17+$0x0];
	[tilespmem:s18+$0x1860 ss:$0x41] =	vst.msk $0xffff, v2;
	s30 =	sand.u32 $0x7, s10;
	s20 =	sshrl.u32 s29, $0x7;
	s21 =	simm.s32 @!p1 $0x7A0C0  }
0x4e: {  	v61 =	vld [tilespmem:s17+$0x10];
	[tilespmem:s18+$0x0 ss:$0x41] =	vst.msk $0xffff, v1;
	p1 =	sgt.s32 s10, $0x40;
	s24 =	ssub.s32 s21, s22;
	s21 =	smov.u32 s10  }
0x4f: {  	v62 =	vld [tilespmem:s17+$0x20];
	[tilespmem:s19+$0x1C70 ss:$0x41] =	vst.msk $0xffff, v0;
	s31 =	smulhi.u32 $0x218D629, s20;
	s22 =	sand.u32 s25, s10;
	s21 =	simm.s32 @!p1 $0x40  }
0x50: {  	v63 =	vld [tilespmem:s17+$0xFFFFFFC0];
	[tilespmem:s19+$0x410 ss:$0x41] =	vst.msk $0xffff, v5;
	s26 =	sadd.s32 $0xFFF85F40, s24;
	s17 =	ssub.s32 $0x7A140, s24;
	s21 =	ssub.s32 s21, s22  }
0x51: {  	[tilespmem:s19+$0x820 ss:$0x41] =	vst.msk $0xffff, v58;
	s23 =	sshrl.u32 s31, $0xC;
	p1 =	sgt.s32 s26, $0x7F;
	s27 =	sadd.s32 $0xFFFFFFC0, s21  }
0x52: {  	[tilespmem:s19+$0xC30 ss:$0x41] =	vst.msk $0xffff, v59;
	s23 =	smul.u32 $0x7A140, s23;
	s18 =	ssub.s32 $0x80, s21;
	p2 =	sgt.s32 s27, $0x3F  }
.Ltmp4:
0x53: {  	[tilespmem:s19+$0x1040 ss:$0x41] =	vst.msk $0xffff, v60;
	s17 =	simm.s32 @p1 $0x0;
	s18 =	simm.s32 @p2 $0x0;
	(pc) =	sbr.rel .LBB1_5-.Ltmp4, $4  }
0x54: {  	s29 =	sand.u32 $0xF, s28;
	[tilespmem:s19+$0x1450 ss:$0x41] =	vst.msk $0xffff, v61;
	s20 =	ssub.s32 s20, s23;
	s17 =	smul.u32 s18, s17  }
0x55: {  	[tilespmem:s19+$0x1860 ss:$0x41] =	vst.msk $0xffff, v62;
	s21 =	sshll.u32 s30, $0x12;
	s20 =	sshll.u32 s20, $0x4;
	s18 =	sadd.s32 s5, s29  }
0x56: {  	[tilespmem:s19+$0x0 ss:$0x41] =	vst.msk $0xffff, v63;
	s31 =	sor.u32 $0x40, s21;
	s18 =	sadd.s32 s20, s18;
	s17 =	sand.u32 $0x3FFFFFFF, s17  }
0x57: {  	[hbm4b:s18+s31] =	stream.strided.scatter [tilespmem:s16], [sflag:$0x2], s17, s8, s31, $0x18;
	[tilespmem:$0x8100] =	vst v63  }
.LBB1_6:
0x58: {  	_ =	sfence.sel $0x180000  }
0x59: {  	s2 =	simm.s32 $0x1;
	[bflag:$0x0] =	sbarrier.arrive $0xFFFF  }
0x5a: {  	s31 =	simm.s32 $0x2;
	[sflag:s2] =	ssyncpa.u1 $0x1  }
0x5b: {  	[sflag:s31] =	ssyncpa.u1 $0x1  }
0x5c: {  	p0 =	sne.s32 s1, $0x0;
	_ =	strace $0x9000004A  }
0x5d: {  	s0 =	sadd.s32 @!p0 $0x100000, s0;
	[bflag:$0x2] =	sbarrier.arrive $0xFFFF  }
0x5e: {  	[sflag:s0] =	ssyncadd.tile.s32 @!p0 $0x1;
	_ =	shalt  }
.Lfunc_end1:
_tile_overlayer_lowered:
.L_overlay_start_2:
0x5f: {  	(tag) =	ssettag $0x2  }
0x60: {  	s0 =	rddreg [dreg:$0x0];
	s2 =	stileid.u32  }
0x61: {  	s1 =	rddreg [dreg:$0x1];
	p0 =	sne.s32 s2, $0x0  }
0x62: {  	s3 =	rddreg [dreg:$0x2];
	[bflag:$0x3] =	sbarrier.arrive $0xFFFF;
	s2 =	simm.s32 @!p0 $0x1C01  }
0x63: {  	[timem:s3], [sflag:s2] =	dma.local @!p0 [hbm:s0], s1  }
0x64: {  	s0 =	simm.s32 @!p0 $0x1  }
0x65: {  	_ =	swait.ge @!p0 [sflag:s0], s1  }
0x66: {  	s1 =	ssub.s32 @!p0 $0x0, s1;
	[sflag:s0] =	ssyncset.done @!p0 $0x0  }
0x67: {  	[sflag:s0] =	ssyncadd.s32 @!p0 s1  }
0x68: {  	[bflag:$0x3] =	sbarrier.arrive $0xFFFF  }
0x69: {  	_ =	shalt  }

</sc_bundles>
